<compile_context>
chip_gen: v7x
topology: tpu7x:2x2x1
jax: 0.10.2.dev20260603
libtpu: 0.0.44.dev20260713+nightly
codegen_flags: <defaults>
</compile_context>

<pallas_src>
import functools

import jax
import jax.numpy as jnp
from jax import lax
from jax.experimental import pallas as pl
from jax.experimental.pallas import tpu as pltpu
from jax.experimental.pallas import tpu_sc as plsc

BATCH = 16384
HIST = 50
DIM = 16
TOTAL = BATCH * HIST
NROWS = 100000

NC = 2
NS = 16
NW = NC * NS
B_PER_W = TOTAL // NW
CHUNK = 512
NCHUNK = B_PER_W // CHUNK
NBUF = 3
ROWS_PER_TILE = NROWS // NS


@functools.partial(
    pl.kernel,
    out_type=jax.ShapeDtypeStruct((TOTAL, DIM), jnp.float32),
    mesh=plsc.VectorSubcoreMesh(core_axis_name="c", subcore_axis_name="s"),
    scratch_types=(
        [pltpu.VMEM_SHARED((NROWS, DIM), jnp.float32)]
        + [pltpu.VMEM((CHUNK,), jnp.int32) for _ in range(NBUF)]
        + [pltpu.VMEM((CHUNK, DIM), jnp.float32) for _ in range(NBUF)]
        + [pltpu.SemaphoreType.DMA for _ in range(3 * NBUF)]
    ),
    compiler_params=pltpu.CompilerParams(use_tc_tiling_on_sc=False),
)
def _gather(idx_hbm, table_hbm, out_hbm, tbl_sh, *bufs):
    idx_v = bufs[0:NBUF]
    rows_v = bufs[NBUF:2 * NBUF]
    si = bufs[2 * NBUF:3 * NBUF]
    sg = bufs[3 * NBUF:4 * NBUF]
    so = bufs[4 * NBUF:5 * NBUF]

    sid = lax.axis_index("s")
    wid = sid * NC + lax.axis_index("c")
    base = wid * B_PER_W

    def off(i):
        return base + i * CHUNK

    def load_idx(i, b):
        return pltpu.async_copy(
            idx_hbm.at[pl.ds(off(i), CHUNK)], idx_v[b], si[b])

    trow = sid * ROWS_PER_TILE
    stage = pltpu.async_copy(
        table_hbm.at[pl.ds(trow, ROWS_PER_TILE)],
        tbl_sh.at[pl.ds(trow, ROWS_PER_TILE)], sg[0])
    idx_cp = [load_idx(b, b) for b in range(NBUF)]
    stage.wait()
    plsc.subcore_barrier()

    gat_cp = [None] * NBUF
    out_cp = [None] * NBUF

    idx_cp[0].wait()
    gat_cp[0] = pltpu.async_copy(tbl_sh.at[idx_v[0]], rows_v[0], sg[0])

    for i in range(NCHUNK):
        b = i % NBUF
        nb = (i + 1) % NBUF
        if i + 1 < NCHUNK:
            idx_cp[nb].wait()
            if out_cp[nb] is not None:
                out_cp[nb].wait()
            gat_cp[nb] = pltpu.async_copy(
                tbl_sh.at[idx_v[nb]], rows_v[nb], sg[nb])
        gat_cp[b].wait()
        out_cp[b] = pltpu.async_copy(
            rows_v[b], out_hbm.at[pl.ds(off(i), CHUNK)], so[b])
        if i + NBUF < NCHUNK:
            idx_cp[b] = load_idx(i + NBUF, b)

    for b in range(NBUF):
        if out_cp[b] is not None:
            out_cp[b].wait()


def kernel(action_history, embedding_weight):
    idx = action_history.reshape(-1).astype(jnp.int32)
    out = _gather(idx, embedding_weight)
    return out.reshape(action_history.shape[0], -1)

# --- scband reference (transcript-rebuilt; emitter-appended) ---
"""Pipeline reference for scband-action-history-encoder-17179869184003 (READ-ONLY COPY).

The authoritative reference and input builder live on the scoring server;
editing this copy changes nothing except your own understanding.
"""

import jax, jax.numpy as jnp
import numpy as np

NUM_ACTIONS = 100000
EMBEDDING_DIM = 16
BATCH = 16384
HIST_LEN = 50


def setup_inputs(seed: int = 0) -> dict:
    key = jax.random.key(seed)
    k_idx, k_emb = jax.random.split(key)
    action_history = jax.random.randint(k_idx, (BATCH, HIST_LEN), 0, NUM_ACTIONS, dtype=jnp.int64 if jax.config.jax_enable_x64 else jnp.int32)
    embedding_weight = jax.random.normal(k_emb, (NUM_ACTIONS, EMBEDDING_DIM), dtype=jnp.float32)
    return {"action_history": action_history, "embedding_weight": embedding_weight}


def reference(action_history, embedding_weight):
    # nn.Embedding lookup: gather rows of the table
    embedded_actions = jnp.take(embedding_weight, action_history, axis=0)  # [B, L, D]
    # .view(B, -1)
    return embedded_actions.reshape(action_history.shape[0], -1)

if __name__ == "__main__":
    import jax
    _d = setup_inputs()
    print(jax.jit(kernel)(*tuple(_d.values())))

</pallas_src>

<mosaic_0001>
#map = affine_map<(d0, d1) -> (0)>
#map1 = affine_map<(d0, d1) -> (0, 0)>
module attributes {stable_mosaic.version = 14 : i64} {
  func.func @_gather(%arg0: i32, %arg1: i32, %arg2: memref<819200xi32, #tpu.memory_space<hbm>>, %arg3: memref<100000x16xf32, #tpu.memory_space<hbm>>, %arg4: memref<819200x16xf32, #tpu.memory_space<hbm>>, %arg5: memref<100000x16xf32, #tpu.memory_space<vmem_shared>>, %arg6: memref<512xi32, #tpu.memory_space<vmem>>, %arg7: memref<512xi32, #tpu.memory_space<vmem>>, %arg8: memref<512xi32, #tpu.memory_space<vmem>>, %arg9: memref<512x16xf32, #tpu.memory_space<vmem>>, %arg10: memref<512x16xf32, #tpu.memory_space<vmem>>, %arg11: memref<512x16xf32, #tpu.memory_space<vmem>>, %arg12: memref<!tpu.dma_semaphore, #tpu.memory_space<semaphore_mem>>, %arg13: memref<!tpu.dma_semaphore, #tpu.memory_space<semaphore_mem>>, %arg14: memref<!tpu.dma_semaphore, #tpu.memory_space<semaphore_mem>>, %arg15: memref<!tpu.dma_semaphore, #tpu.memory_space<semaphore_mem>>, %arg16: memref<!tpu.dma_semaphore, #tpu.memory_space<semaphore_mem>>, %arg17: memref<!tpu.dma_semaphore, #tpu.memory_space<semaphore_mem>>, %arg18: memref<!tpu.dma_semaphore, #tpu.memory_space<semaphore_mem>>, %arg19: memref<!tpu.dma_semaphore, #tpu.memory_space<semaphore_mem>>, %arg20: memref<!tpu.dma_semaphore, #tpu.memory_space<semaphore_mem>>) attributes {dimension_semantics = [#tpu.dimension_semantics<core_parallel>, #tpu.dimension_semantics<subcore_parallel>], iteration_bounds = array<i64: 2, 16>, scalar_prefetch = 0 : i64, scratch_operands = 16 : i64, tpu.core_type = #tpu.core_type<sc_vector_subcore>, window_params = [{transform_indices = #map}, {transform_indices = #map1}, {transform_indices = #map1}]} {
    %mul3A = arith.constant 2 : i32
    %mul3A_0 = arith.muli %arg1, %mul3A : i32
    %add3A = arith.addi %mul3A_0, %arg0 : i32
    %mul3A_1 = arith.constant 25600 : i32
    %mul3A_2 = arith.muli %add3A, %mul3A_1 : i32
    %mul3A_3 = arith.constant 6250 : i32
    %mul3A_4 = arith.muli %arg1, %mul3A_3 : i32
    %dma_start3A = arith.constant 0 : i32
    %dma_start3A_5 = tpu.memref_slice %arg5[%mul3A_4, %dma_start3A] : memref<100000x16xf32, #tpu.memory_space<vmem_shared>> -> memref<6250x16xf32, #tpu.memory_space<vmem_shared>>
    %dma_start3A_6 = arith.constant 0 : i32
    %dma_start3A_7 = tpu.memref_slice %arg3[%mul3A_4, %dma_start3A_6] : memref<100000x16xf32, #tpu.memory_space<hbm>> -> memref<6250x16xf32, #tpu.memory_space<hbm>>
    tpu.enqueue_dma source(%dma_start3A_7 : memref<6250x16xf32, #tpu.memory_space<hbm>>) target(%dma_start3A_5 : memref<6250x16xf32, #tpu.memory_space<vmem_shared>>) target_semaphore(%arg15 : memref<!tpu.dma_semaphore, #tpu.memory_space<semaphore_mem>>)
    %add3A_8 = arith.constant 0 : i32
    %add3A_9 = arith.addi %mul3A_2, %add3A_8 : i32
    %dma_start3A_10 = tpu.memref_slice %arg2[%add3A_9] : memref<819200xi32, #tpu.memory_space<hbm>> -> memref<512xi32, #tpu.memory_space<hbm>>
    %dma_start3A_11 = tpu.memref_slice %arg2[%add3A_9] : memref<819200xi32, #tpu.memory_space<hbm>> -> memref<512xi32, #tpu.memory_space<hbm>>
    tpu.enqueue_dma source(%dma_start3A_11 : memref<512xi32, #tpu.memory_space<hbm>>) target(%arg6 : memref<512xi32, #tpu.memory_space<vmem>>) target_semaphore(%arg12 : memref<!tpu.dma_semaphore, #tpu.memory_space<semaphore_mem>>)
    %add3A_12 = arith.constant 512 : i32
    %add3A_13 = arith.addi %mul3A_2, %add3A_12 : i32
    %dma_start3A_14 = tpu.memref_slice %arg2[%add3A_13] : memref<819200xi32, #tpu.memory_space<hbm>> -> memref<512xi32, #tpu.memory_space<hbm>>
    %dma_start3A_15 = tpu.memref_slice %arg2[%add3A_13] : memref<819200xi32, #tpu.memory_space<hbm>> -> memref<512xi32, #tpu.memory_space<hbm>>
    tpu.enqueue_dma source(%dma_start3A_15 : memref<512xi32, #tpu.memory_space<hbm>>) target(%arg7 : memref<512xi32, #tpu.memory_space<vmem>>) target_semaphore(%arg13 : memref<!tpu.dma_semaphore, #tpu.memory_space<semaphore_mem>>)
    %add3A_16 = arith.constant 1024 : i32
    %add3A_17 = arith.addi %mul3A_2, %add3A_16 : i32
    %dma_start3A_18 = tpu.memref_slice %arg2[%add3A_17] : memref<819200xi32, #tpu.memory_space<hbm>> -> memref<512xi32, #tpu.memory_space<hbm>>
    %dma_start3A_19 = tpu.memref_slice %arg2[%add3A_17] : memref<819200xi32, #tpu.memory_space<hbm>> -> memref<512xi32, #tpu.memory_space<hbm>>
    tpu.enqueue_dma source(%dma_start3A_19 : memref<512xi32, #tpu.memory_space<hbm>>) target(%arg8 : memref<512xi32, #tpu.memory_space<vmem>>) target_semaphore(%arg14 : memref<!tpu.dma_semaphore, #tpu.memory_space<semaphore_mem>>)
    %dma_wait3A = arith.constant 0 : i32
    %dma_wait3A_20 = tpu.memref_slice %arg5[%mul3A_4, %dma_wait3A] : memref<100000x16xf32, #tpu.memory_space<vmem_shared>> -> memref<6250x16xf32, #tpu.memory_space<vmem_shared>>
    %dma_wait3A_21 = arith.constant 0 : i32
    %dma_wait3A_22 = tpu.memref_slice %arg3[%mul3A_4, %dma_wait3A_21] : memref<100000x16xf32, #tpu.memory_space<hbm>> -> memref<6250x16xf32, #tpu.memory_space<hbm>>
    tpu.wait_dma2 semaphore(%arg15 : memref<!tpu.dma_semaphore, #tpu.memory_space<semaphore_mem>>) src(%dma_wait3A_22 : memref<6250x16xf32, #tpu.memory_space<hbm>>) dst(%dma_wait3A_20 : memref<6250x16xf32, #tpu.memory_space<vmem_shared>>)
    %barrier3A = arith.constant 0 : index
    tpu.barrier barrier_id(%barrier3A)
    %dma_wait3A_23 = tpu.memref_slice %arg2[%add3A_9] : memref<819200xi32, #tpu.memory_space<hbm>> -> memref<512xi32, #tpu.memory_space<hbm>>
    %dma_wait3A_24 = tpu.memref_slice %arg2[%add3A_9] : memref<819200xi32, #tpu.memory_space<hbm>> -> memref<512xi32, #tpu.memory_space<hbm>>
    tpu.wait_dma2 semaphore(%arg12 : memref<!tpu.dma_semaphore, #tpu.memory_space<semaphore_mem>>) src(%dma_wait3A_24 : memref<512xi32, #tpu.memory_space<hbm>>) dst(%arg6 : memref<512xi32, #tpu.memory_space<vmem>>)
    %dma_start3A_25 = arith.constant 0 : i32
    %dma_start3A_26 = arith.constant 0 : i32
    %dma_start3A_27 = tpu.memref_slice %arg5[%dma_start3A_25, %dma_start3A_26] : memref<100000x16xf32, #tpu.memory_space<vmem_shared>> -> memref<100000x16xf32, #tpu.memory_space<vmem_shared>>
    tpu.enqueue_indirect_dma source(%dma_start3A_27 : memref<100000x16xf32, #tpu.memory_space<vmem_shared>>) target(%arg9 : memref<512x16xf32, #tpu.memory_space<vmem>>) offsets(%arg6 : memref<512xi32, #tpu.memory_space<vmem>>) semaphore(%arg15 : memref<!tpu.dma_semaphore, #tpu.memory_space<semaphore_mem>>)
    %dma_wait3A_28 = tpu.memref_slice %arg2[%add3A_13] : memref<819200xi32, #tpu.memory_space<hbm>> -> memref<512xi32, #tpu.memory_space<hbm>>
    %dma_wait3A_29 = tpu.memref_slice %arg2[%add3A_13] : memref<819200xi32, #tpu.memory_space<hbm>> -> memref<512xi32, #tpu.memory_space<hbm>>
    tpu.wait_dma2 semaphore(%arg13 : memref<!tpu.dma_semaphore, #tpu.memory_space<semaphore_mem>>) src(%dma_wait3A_29 : memref<512xi32, #tpu.memory_space<hbm>>) dst(%arg7 : memref<512xi32, #tpu.memory_space<vmem>>)
    %dma_start3A_30 = arith.constant 0 : i32
    %dma_start3A_31 = arith.constant 0 : i32
    %dma_start3A_32 = tpu.memref_slice %arg5[%dma_start3A_30, %dma_start3A_31] : memref<100000x16xf32, #tpu.memory_space<vmem_shared>> -> memref<100000x16xf32, #tpu.memory_space<vmem_shared>>
    tpu.enqueue_indirect_dma source(%dma_start3A_32 : memref<100000x16xf32, #tpu.memory_space<vmem_shared>>) target(%arg10 : memref<512x16xf32, #tpu.memory_space<vmem>>) offsets(%arg7 : memref<512xi32, #tpu.memory_space<vmem>>) semaphore(%arg16 : memref<!tpu.dma_semaphore, #tpu.memory_space<semaphore_mem>>)
    %dma_wait3A_33 = arith.constant 0 : i32
    %dma_wait3A_34 = arith.constant 0 : i32
    %dma_wait3A_35 = tpu.memref_slice %arg5[%dma_wait3A_33, %dma_wait3A_34] : memref<100000x16xf32, #tpu.memory_space<vmem_shared>> -> memref<100000x16xf32, #tpu.memory_space<vmem_shared>>
    tpu.wait_indirect_dma semaphore(%arg15 : memref<!tpu.dma_semaphore, #tpu.memory_space<semaphore_mem>>) src(%dma_wait3A_35 : memref<100000x16xf32, #tpu.memory_space<vmem_shared>>) dst(%arg9 : memref<512x16xf32, #tpu.memory_space<vmem>>)
    %add3A_36 = arith.constant 0 : i32
    %add3A_37 = arith.addi %mul3A_2, %add3A_36 : i32
    %dma_start3A_38 = arith.constant 0 : i32
    %dma_start3A_39 = tpu.memref_slice %arg4[%add3A_37, %dma_start3A_38] : memref<819200x16xf32, #tpu.memory_space<hbm>> -> memref<512x16xf32, #tpu.memory_space<hbm>>
    %dma_start3A_40 = arith.constant 0 : i32
    %dma_start3A_41 = tpu.memref_slice %arg4[%add3A_37, %dma_start3A_40] : memref<819200x16xf32, #tpu.memory_space<hbm>> -> memref<512x16xf32, #tpu.memory_space<hbm>>
    tpu.enqueue_dma source(%arg9 : memref<512x16xf32, #tpu.memory_space<vmem>>) target(%dma_start3A_41 : memref<512x16xf32, #tpu.memory_space<hbm>>) target_semaphore(%arg18 : memref<!tpu.dma_semaphore, #tpu.memory_space<semaphore_mem>>)
    %add3A_42 = arith.constant 1536 : i32
    %add3A_43 = arith.addi %mul3A_2, %add3A_42 : i32
    %dma_start3A_44 = tpu.memref_slice %arg2[%add3A_43] : memref<819200xi32, #tpu.memory_space<hbm>> -> memref<512xi32, #tpu.memory_space<hbm>>
    %dma_start3A_45 = tpu.memref_slice %arg2[%add3A_43] : memref<819200xi32, #tpu.memory_space<hbm>> -> memref<512xi32, #tpu.memory_space<hbm>>
    tpu.enqueue_dma source(%dma_start3A_45 : memref<512xi32, #tpu.memory_space<hbm>>) target(%arg6 : memref<512xi32, #tpu.memory_space<vmem>>) target_semaphore(%arg12 : memref<!tpu.dma_semaphore, #tpu.memory_space<semaphore_mem>>)
    %dma_wait3A_46 = tpu.memref_slice %arg2[%add3A_17] : memref<819200xi32, #tpu.memory_space<hbm>> -> memref<512xi32, #tpu.memory_space<hbm>>
    %dma_wait3A_47 = tpu.memref_slice %arg2[%add3A_17] : memref<819200xi32, #tpu.memory_space<hbm>> -> memref<512xi32, #tpu.memory_space<hbm>>
    tpu.wait_dma2 semaphore(%arg14 : memref<!tpu.dma_semaphore, #tpu.memory_space<semaphore_mem>>) src(%dma_wait3A_47 : memref<512xi32, #tpu.memory_space<hbm>>) dst(%arg8 : memref<512xi32, #tpu.memory_space<vmem>>)
    %dma_start3A_48 = arith.constant 0 : i32
    %dma_start3A_49 = arith.constant 0 : i32
    %dma_start3A_50 = tpu.memref_slice %arg5[%dma_start3A_48, %dma_start3A_49] : memref<100000x16xf32, #tpu.memory_space<vmem_shared>> -> memref<100000x16xf32, #tpu.memory_space<vmem_shared>>
    tpu.enqueue_indirect_dma source(%dma_start3A_50 : memref<100000x16xf32, #tpu.memory_space<vmem_shared>>) target(%arg11 : memref<512x16xf32, #tpu.memory_space<vmem>>) offsets(%arg8 : memref<512xi32, #tpu.memory_space<vmem>>) semaphore(%arg17 : memref<!tpu.dma_semaphore, #tpu.memory_space<semaphore_mem>>)
    %dma_wait3A_51 = arith.constant 0 : i32
    %dma_wait3A_52 = arith.constant 0 : i32
    %dma_wait3A_53 = tpu.memref_slice %arg5[%dma_wait3A_51, %dma_wait3A_52] : memref<100000x16xf32, #tpu.memory_space<vmem_shared>> -> memref<100000x16xf32, #tpu.memory_space<vmem_shared>>
    tpu.wait_indirect_dma semaphore(%arg16 : memref<!tpu.dma_semaphore, #tpu.memory_space<semaphore_mem>>) src(%dma_wait3A_53 : memref<100000x16xf32, #tpu.memory_space<vmem_shared>>) dst(%arg10 : memref<512x16xf32, #tpu.memory_space<vmem>>)
    %add3A_54 = arith.constant 512 : i32
    %add3A_55 = arith.addi %mul3A_2, %add3A_54 : i32
    %dma_start3A_56 = arith.constant 0 : i32
    %dma_start3A_57 = tpu.memref_slice %arg4[%add3A_55, %dma_start3A_56] : memref<819200x16xf32, #tpu.memory_space<hbm>> -> memref<512x16xf32, #tpu.memory_space<hbm>>
    %dma_start3A_58 = arith.constant 0 : i32
    %dma_start3A_59 = tpu.memref_slice %arg4[%add3A_55, %dma_start3A_58] : memref<819200x16xf32, #tpu.memory_space<hbm>> -> memref<512x16xf32, #tpu.memory_space<hbm>>
    tpu.enqueue_dma source(%arg10 : memref<512x16xf32, #tpu.memory_space<vmem>>) target(%dma_start3A_59 : memref<512x16xf32, #tpu.memory_space<hbm>>) target_semaphore(%arg19 : memref<!tpu.dma_semaphore, #tpu.memory_space<semaphore_mem>>)
    %add3A_60 = arith.constant 2048 : i32
    %add3A_61 = arith.addi %mul3A_2, %add3A_60 : i32
    %dma_start3A_62 = tpu.memref_slice %arg2[%add3A_61] : memref<819200xi32, #tpu.memory_space<hbm>> -> memref<512xi32, #tpu.memory_space<hbm>>
    %dma_start3A_63 = tpu.memref_slice %arg2[%add3A_61] : memref<819200xi32, #tpu.memory_space<hbm>> -> memref<512xi32, #tpu.memory_space<hbm>>
    tpu.enqueue_dma source(%dma_start3A_63 : memref<512xi32, #tpu.memory_space<hbm>>) target(%arg7 : memref<512xi32, #tpu.memory_space<vmem>>) target_semaphore(%arg13 : memref<!tpu.dma_semaphore, #tpu.memory_space<semaphore_mem>>)
    %dma_wait3A_64 = tpu.memref_slice %arg2[%add3A_43] : memref<819200xi32, #tpu.memory_space<hbm>> -> memref<512xi32, #tpu.memory_space<hbm>>
    %dma_wait3A_65 = tpu.memref_slice %arg2[%add3A_43] : memref<819200xi32, #tpu.memory_space<hbm>> -> memref<512xi32, #tpu.memory_space<hbm>>
    tpu.wait_dma2 semaphore(%arg12 : memref<!tpu.dma_semaphore, #tpu.memory_space<semaphore_mem>>) src(%dma_wait3A_65 : memref<512xi32, #tpu.memory_space<hbm>>) dst(%arg6 : memref<512xi32, #tpu.memory_space<vmem>>)
    %dma_wait3A_66 = arith.constant 0 : i32
    %dma_wait3A_67 = tpu.memref_slice %arg4[%add3A_37, %dma_wait3A_66] : memref<819200x16xf32, #tpu.memory_space<hbm>> -> memref<512x16xf32, #tpu.memory_space<hbm>>
    %dma_wait3A_68 = arith.constant 0 : i32
    %dma_wait3A_69 = tpu.memref_slice %arg4[%add3A_37, %dma_wait3A_68] : memref<819200x16xf32, #tpu.memory_space<hbm>> -> memref<512x16xf32, #tpu.memory_space<hbm>>
    tpu.wait_dma2 semaphore(%arg18 : memref<!tpu.dma_semaphore, #tpu.memory_space<semaphore_mem>>) src(%arg9 : memref<512x16xf32, #tpu.memory_space<vmem>>) dst(%dma_wait3A_69 : memref<512x16xf32, #tpu.memory_space<hbm>>)
    %dma_start3A_70 = arith.constant 0 : i32
    %dma_start3A_71 = arith.constant 0 : i32
    %dma_start3A_72 = tpu.memref_slice %arg5[%dma_start3A_70, %dma_start3A_71] : memref<100000x16xf32, #tpu.memory_space<vmem_shared>> -> memref<100000x16xf32, #tpu.memory_space<vmem_shared>>
    tpu.enqueue_indirect_dma source(%dma_start3A_72 : memref<100000x16xf32, #tpu.memory_space<vmem_shared>>) target(%arg9 : memref<512x16xf32, #tpu.memory_space<vmem>>) offsets(%arg6 : memref<512xi32, #tpu.memory_space<vmem>>) semaphore(%arg15 : memref<!tpu.dma_semaphore, #tpu.memory_space<semaphore_mem>>)
    %dma_wait3A_73 = arith.constant 0 : i32
    %dma_wait3A_74 = arith.constant 0 : i32
    %dma_wait3A_75 = tpu.memref_slice %arg5[%dma_wait3A_73, %dma_wait3A_74] : memref<100000x16xf32, #tpu.memory_space<vmem_shared>> -> memref<100000x16xf32, #tpu.memory_space<vmem_shared>>
    tpu.wait_indirect_dma semaphore(%arg17 : memref<!tpu.dma_semaphore, #tpu.memory_space<semaphore_mem>>) src(%dma_wait3A_75 : memref<100000x16xf32, #tpu.memory_space<vmem_shared>>) dst(%arg11 : memref<512x16xf32, #tpu.memory_space<vmem>>)
    %add3A_76 = arith.constant 1024 : i32
    %add3A_77 = arith.addi %mul3A_2, %add3A_76 : i32
    %dma_start3A_78 = arith.constant 0 : i32
    %dma_start3A_79 = tpu.memref_slice %arg4[%add3A_77, %dma_start3A_78] : memref<819200x16xf32, #tpu.memory_space<hbm>> -> memref<512x16xf32, #tpu.memory_space<hbm>>
    %dma_start3A_80 = arith.constant 0 : i32
    %dma_start3A_81 = tpu.memref_slice %arg4[%add3A_77, %dma_start3A_80] : memref<819200x16xf32, #tpu.memory_space<hbm>> -> memref<512x16xf32, #tpu.memory_space<hbm>>
    tpu.enqueue_dma source(%arg11 : memref<512x16xf32, #tpu.memory_space<vmem>>) target(%dma_start3A_81 : memref<512x16xf32, #tpu.memory_space<hbm>>) target_semaphore(%arg20 : memref<!tpu.dma_semaphore, #tpu.memory_space<semaphore_mem>>)
    %add3A_82 = arith.constant 2560 : i32
    %add3A_83 = arith.addi %mul3A_2, %add3A_82 : i32
    %dma_start3A_84 = tpu.memref_slice %arg2[%add3A_83] : memref<819200xi32, #tpu.memory_space<hbm>> -> memref<512xi32, #tpu.memory_space<hbm>>
    %dma_start3A_85 = tpu.memref_slice %arg2[%add3A_83] : memref<819200xi32, #tpu.memory_space<hbm>> -> memref<512xi32, #tpu.memory_space<hbm>>
    tpu.enqueue_dma source(%dma_start3A_85 : memref<512xi32, #tpu.memory_space<hbm>>) target(%arg8 : memref<512xi32, #tpu.memory_space<vmem>>) target_semaphore(%arg14 : memref<!tpu.dma_semaphore, #tpu.memory_space<semaphore_mem>>)
    %dma_wait3A_86 = tpu.memref_slice %arg2[%add3A_61] : memref<819200xi32, #tpu.memory_space<hbm>> -> memref<512xi32, #tpu.memory_space<hbm>>
    %dma_wait3A_87 = tpu.memref_slice %arg2[%add3A_61] : memref<819200xi32, #tpu.memory_space<hbm>> -> memref<512xi32, #tpu.memory_space<hbm>>
    tpu.wait_dma2 semaphore(%arg13 : memref<!tpu.dma_semaphore, #tpu.memory_space<semaphore_mem>>) src(%dma_wait3A_87 : memref<512xi32, #tpu.memory_space<hbm>>) dst(%arg7 : memref<512xi32, #tpu.memory_space<vmem>>)
    %dma_wait3A_88 = arith.constant 0 : i32
    %dma_wait3A_89 = tpu.memref_slice %arg4[%add3A_55, %dma_wait3A_88] : memref<819200x16xf32, #tpu.memory_space<hbm>> -> memref<512x16xf32, #tpu.memory_space<hbm>>
    %dma_wait3A_90 = arith.constant 0 : i32
    %dma_wait3A_91 = tpu.memref_slice %arg4[%add3A_55, %dma_wait3A_90] : memref<819200x16xf32, #tpu.memory_space<hbm>> -> memref<512x16xf32, #tpu.memory_space<hbm>>
    tpu.wait_dma2 semaphore(%arg19 : memref<!tpu.dma_semaphore, #tpu.memory_space<semaphore_mem>>) src(%arg10 : memref<512x16xf32, #tpu.memory_space<vmem>>) dst(%dma_wait3A_91 : memref<512x16xf32, #tpu.memory_space<hbm>>)
    %dma_start3A_92 = arith.constant 0 : i32
    %dma_start3A_93 = arith.constant 0 : i32
    %dma_start3A_94 = tpu.memref_slice %arg5[%dma_start3A_92, %dma_start3A_93] : memref<100000x16xf32, #tpu.memory_space<vmem_shared>> -> memref<100000x16xf32, #tpu.memory_space<vmem_shared>>
    tpu.enqueue_indirect_dma source(%dma_start3A_94 : memref<100000x16xf32, #tpu.memory_space<vmem_shared>>) target(%arg10 : memref<512x16xf32, #tpu.memory_space<vmem>>) offsets(%arg7 : memref<512xi32, #tpu.memory_space<vmem>>) semaphore(%arg16 : memref<!tpu.dma_semaphore, #tpu.memory_space<semaphore_mem>>)
    %dma_wait3A_95 = arith.constant 0 : i32
    %dma_wait3A_96 = arith.constant 0 : i32
    %dma_wait3A_97 = tpu.memref_slice %arg5[%dma_wait3A_95, %dma_wait3A_96] : memref<100000x16xf32, #tpu.memory_space<vmem_shared>> -> memref<100000x16xf32, #tpu.memory_space<vmem_shared>>
    tpu.wait_indirect_dma semaphore(%arg15 : memref<!tpu.dma_semaphore, #tpu.memory_space<semaphore_mem>>) src(%dma_wait3A_97 : memref<100000x16xf32, #tpu.memory_space<vmem_shared>>) dst(%arg9 : memref<512x16xf32, #tpu.memory_space<vmem>>)
    %add3A_98 = arith.constant 1536 : i32
    %add3A_99 = arith.addi %mul3A_2, %add3A_98 : i32
    %dma_start3A_100 = arith.constant 0 : i32
    %dma_start3A_101 = tpu.memref_slice %arg4[%add3A_99, %dma_start3A_100] : memref<819200x16xf32, #tpu.memory_space<hbm>> -> memref<512x16xf32, #tpu.memory_space<hbm>>
    %dma_start3A_102 = arith.constant 0 : i32
    %dma_start3A_103 = tpu.memref_slice %arg4[%add3A_99, %dma_start3A_102] : memref<819200x16xf32, #tpu.memory_space<hbm>> -> memref<512x16xf32, #tpu.memory_space<hbm>>
    tpu.enqueue_dma source(%arg9 : memref<512x16xf32, #tpu.memory_space<vmem>>) target(%dma_start3A_103 : memref<512x16xf32, #tpu.memory_space<hbm>>) target_semaphore(%arg18 : memref<!tpu.dma_semaphore, #tpu.memory_space<semaphore_mem>>)
    %add3A_104 = arith.constant 3072 : i32
    %add3A_105 = arith.addi %mul3A_2, %add3A_104 : i32
    %dma_start3A_106 = tpu.memref_slice %arg2[%add3A_105] : memref<819200xi32, #tpu.memory_space<hbm>> -> memref<512xi32, #tpu.memory_space<hbm>>
    %dma_start3A_107 = tpu.memref_slice %arg2[%add3A_105] : memref<819200xi32, #tpu.memory_space<hbm>> -> memref<512xi32, #tpu.memory_space<hbm>>
    tpu.enqueue_dma source(%dma_start3A_107 : memref<512xi32, #tpu.memory_space<hbm>>) target(%arg6 : memref<512xi32, #tpu.memory_space<vmem>>) target_semaphore(%arg12 : memref<!tpu.dma_semaphore, #tpu.memory_space<semaphore_mem>>)
    %dma_wait3A_108 = tpu.memref_slice %arg2[%add3A_83] : memref<819200xi32, #tpu.memory_space<hbm>> -> memref<512xi32, #tpu.memory_space<hbm>>
    %dma_wait3A_109 = tpu.memref_slice %arg2[%add3A_83] : memref<819200xi32, #tpu.memory_space<hbm>> -> memref<512xi32, #tpu.memory_space<hbm>>
    tpu.wait_dma2 semaphore(%arg14 : memref<!tpu.dma_semaphore, #tpu.memory_space<semaphore_mem>>) src(%dma_wait3A_109 : memref<512xi32, #tpu.memory_space<hbm>>) dst(%arg8 : memref<512xi32, #tpu.memory_space<vmem>>)
    %dma_wait3A_110 = arith.constant 0 : i32
    %dma_wait3A_111 = tpu.memref_slice %arg4[%add3A_77, %dma_wait3A_110] : memref<819200x16xf32, #tpu.memory_space<hbm>> -> memref<512x16xf32, #tpu.memory_space<hbm>>
    %dma_wait3A_112 = arith.constant 0 : i32
    %dma_wait3A_113 = tpu.memref_slice %arg4[%add3A_77, %dma_wait3A_112] : memref<819200x16xf32, #tpu.memory_space<hbm>> -> memref<512x16xf32, #tpu.memory_space<hbm>>
    tpu.wait_dma2 semaphore(%arg20 : memref<!tpu.dma_semaphore, #tpu.memory_space<semaphore_mem>>) src(%arg11 : memref<512x16xf32, #tpu.memory_space<vmem>>) dst(%dma_wait3A_113 : memref<512x16xf32, #tpu.memory_space<hbm>>)
    %dma_start3A_114 = arith.constant 0 : i32
    %dma_start3A_115 = arith.constant 0 : i32
    %dma_start3A_116 = tpu.memref_slice %arg5[%dma_start3A_114, %dma_start3A_115] : memref<100000x16xf32, #tpu.memory_space<vmem_shared>> -> memref<100000x16xf32, #tpu.memory_space<vmem_shared>>
    tpu.enqueue_indirect_dma source(%dma_start3A_116 : memref<100000x16xf32, #tpu.memory_space<vmem_shared>>) target(%arg11 : memref<512x16xf32, #tpu.memory_space<vmem>>) offsets(%arg8 : memref<512xi32, #tpu.memory_space<vmem>>) semaphore(%arg17 : memref<!tpu.dma_semaphore, #tpu.memory_space<semaphore_mem>>)
    %dma_wait3A_117 = arith.constant 0 : i32
    %dma_wait3A_118 = arith.constant 0 : i32
    %dma_wait3A_119 = tpu.memref_slice %arg5[%dma_wait3A_117, %dma_wait3A_118] : memref<100000x16xf32, #tpu.memory_space<vmem_shared>> -> memref<100000x16xf32, #tpu.memory_space<vmem_shared>>
    tpu.wait_indirect_dma semaphore(%arg16 : memref<!tpu.dma_semaphore, #tpu.memory_space<semaphore_mem>>) src(%dma_wait3A_119 : memref<100000x16xf32, #tpu.memory_space<vmem_shared>>) dst(%arg10 : memref<512x16xf32, #tpu.memory_space<vmem>>)
    %add3A_120 = arith.constant 2048 : i32
    %add3A_121 = arith.addi %mul3A_2, %add3A_120 : i32
    %dma_start3A_122 = arith.constant 0 : i32
    %dma_start3A_123 = tpu.memref_slice %arg4[%add3A_121, %dma_start3A_122] : memref<819200x16xf32, #tpu.memory_space<hbm>> -> memref<512x16xf32, #tpu.memory_space<hbm>>
    %dma_start3A_124 = arith.constant 0 : i32
    %dma_start3A_125 = tpu.memref_slice %arg4[%add3A_121, %dma_start3A_124] : memref<819200x16xf32, #tpu.memory_space<hbm>> -> memref<512x16xf32, #tpu.memory_space<hbm>>
    tpu.enqueue_dma source(%arg10 : memref<512x16xf32, #tpu.memory_space<vmem>>) target(%dma_start3A_125 : memref<512x16xf32, #tpu.memory_space<hbm>>) target_semaphore(%arg19 : memref<!tpu.dma_semaphore, #tpu.memory_space<semaphore_mem>>)
    %add3A_126 = arith.constant 3584 : i32
    %add3A_127 = arith.addi %mul3A_2, %add3A_126 : i32
    %dma_start3A_128 = tpu.memref_slice %arg2[%add3A_127] : memref<819200xi32, #tpu.memory_space<hbm>> -> memref<512xi32, #tpu.memory_space<hbm>>
    %dma_start3A_129 = tpu.memref_slice %arg2[%add3A_127] : memref<819200xi32, #tpu.memory_space<hbm>> -> memref<512xi32, #tpu.memory_space<hbm>>
    tpu.enqueue_dma source(%dma_start3A_129 : memref<512xi32, #tpu.memory_space<hbm>>) target(%arg7 : memref<512xi32, #tpu.memory_space<vmem>>) target_semaphore(%arg13 : memref<!tpu.dma_semaphore, #tpu.memory_space<semaphore_mem>>)
    %dma_wait3A_130 = tpu.memref_slice %arg2[%add3A_105] : memref<819200xi32, #tpu.memory_space<hbm>> -> memref<512xi32, #tpu.memory_space<hbm>>
    %dma_wait3A_131 = tpu.memref_slice %arg2[%add3A_105] : memref<819200xi32, #tpu.memory_space<hbm>> -> memref<512xi32, #tpu.memory_space<hbm>>
    tpu.wait_dma2 semaphore(%arg12 : memref<!tpu.dma_semaphore, #tpu.memory_space<semaphore_mem>>) src(%dma_wait3A_131 : memref<512xi32, #tpu.memory_space<hbm>>) dst(%arg6 : memref<512xi32, #tpu.memory_space<vmem>>)
    %dma_wait3A_132 = arith.constant 0 : i32
    %dma_wait3A_133 = tpu.memref_slice %arg4[%add3A_99, %dma_wait3A_132] : memref<819200x16xf32, #tpu.memory_space<hbm>> -> memref<512x16xf32, #tpu.memory_space<hbm>>
    %dma_wait3A_134 = arith.constant 0 : i32
    %dma_wait3A_135 = tpu.memref_slice %arg4[%add3A_99, %dma_wait3A_134] : memref<819200x16xf32, #tpu.memory_space<hbm>> -> memref<512x16xf32, #tpu.memory_space<hbm>>
    tpu.wait_dma2 semaphore(%arg18 : memref<!tpu.dma_semaphore, #tpu.memory_space<semaphore_mem>>) src(%arg9 : memref<512x16xf32, #tpu.memory_space<vmem>>) dst(%dma_wait3A_135 : memref<512x16xf32, #tpu.memory_space<hbm>>)
    %dma_start3A_136 = arith.constant 0 : i32
    %dma_start3A_137 = arith.constant 0 : i32
    %dma_start3A_138 = tpu.memref_slice %arg5[%dma_start3A_136, %dma_start3A_137] : memref<100000x16xf32, #tpu.memory_space<vmem_shared>> -> memref<100000x16xf32, #tpu.memory_space<vmem_shared>>
    tpu.enqueue_indirect_dma source(%dma_start3A_138 : memref<100000x16xf32, #tpu.memory_space<vmem_shared>>) target(%arg9 : memref<512x16xf32, #tpu.memory_space<vmem>>) offsets(%arg6 : memref<512xi32, #tpu.memory_space<vmem>>) semaphore(%arg15 : memref<!tpu.dma_semaphore, #tpu.memory_space<semaphore_mem>>)
    %dma_wait3A_139 = arith.constant 0 : i32
    %dma_wait3A_140 = arith.constant 0 : i32
    %dma_wait3A_141 = tpu.memref_slice %arg5[%dma_wait3A_139, %dma_wait3A_140] : memref<100000x16xf32, #tpu.memory_space<vmem_shared>> -> memref<100000x16xf32, #tpu.memory_space<vmem_shared>>
    tpu.wait_indirect_dma semaphore(%arg17 : memref<!tpu.dma_semaphore, #tpu.memory_space<semaphore_mem>>) src(%dma_wait3A_141 : memref<100000x16xf32, #tpu.memory_space<vmem_shared>>) dst(%arg11 : memref<512x16xf32, #tpu.memory_space<vmem>>)
    %add3A_142 = arith.constant 2560 : i32
    %add3A_143 = arith.addi %mul3A_2, %add3A_142 : i32
    %dma_start3A_144 = arith.constant 0 : i32
    %dma_start3A_145 = tpu.memref_slice %arg4[%add3A_143, %dma_start3A_144] : memref<819200x16xf32, #tpu.memory_space<hbm>> -> memref<512x16xf32, #tpu.memory_space<hbm>>
    %dma_start3A_146 = arith.constant 0 : i32
    %dma_start3A_147 = tpu.memref_slice %arg4[%add3A_143, %dma_start3A_146] : memref<819200x16xf32, #tpu.memory_space<hbm>> -> memref<512x16xf32, #tpu.memory_space<hbm>>
    tpu.enqueue_dma source(%arg11 : memref<512x16xf32, #tpu.memory_space<vmem>>) target(%dma_start3A_147 : memref<512x16xf32, #tpu.memory_space<hbm>>) target_semaphore(%arg20 : memref<!tpu.dma_semaphore, #tpu.memory_space<semaphore_mem>>)
    %add3A_148 = arith.constant 4096 : i32
    %add3A_149 = arith.addi %mul3A_2, %add3A_148 : i32
    %dma_start3A_150 = tpu.memref_slice %arg2[%add3A_149] : memref<819200xi32, #tpu.memory_space<hbm>> -> memref<512xi32, #tpu.memory_space<hbm>>
    %dma_start3A_151 = tpu.memref_slice %arg2[%add3A_149] : memref<819200xi32, #tpu.memory_space<hbm>> -> memref<512xi32, #tpu.memory_space<hbm>>
    tpu.enqueue_dma source(%dma_start3A_151 : memref<512xi32, #tpu.memory_space<hbm>>) target(%arg8 : memref<512xi32, #tpu.memory_space<vmem>>) target_semaphore(%arg14 : memref<!tpu.dma_semaphore, #tpu.memory_space<semaphore_mem>>)
    %dma_wait3A_152 = tpu.memref_slice %arg2[%add3A_127] : memref<819200xi32, #tpu.memory_space<hbm>> -> memref<512xi32, #tpu.memory_space<hbm>>
    %dma_wait3A_153 = tpu.memref_slice %arg2[%add3A_127] : memref<819200xi32, #tpu.memory_space<hbm>> -> memref<512xi32, #tpu.memory_space<hbm>>
    tpu.wait_dma2 semaphore(%arg13 : memref<!tpu.dma_semaphore, #tpu.memory_space<semaphore_mem>>) src(%dma_wait3A_153 : memref<512xi32, #tpu.memory_space<hbm>>) dst(%arg7 : memref<512xi32, #tpu.memory_space<vmem>>)
    %dma_wait3A_154 = arith.constant 0 : i32
    %dma_wait3A_155 = tpu.memref_slice %arg4[%add3A_121, %dma_wait3A_154] : memref<819200x16xf32, #tpu.memory_space<hbm>> -> memref<512x16xf32, #tpu.memory_space<hbm>>
    %dma_wait3A_156 = arith.constant 0 : i32
    %dma_wait3A_157 = tpu.memref_slice %arg4[%add3A_121, %dma_wait3A_156] : memref<819200x16xf32, #tpu.memory_space<hbm>> -> memref<512x16xf32, #tpu.memory_space<hbm>>
    tpu.wait_dma2 semaphore(%arg19 : memref<!tpu.dma_semaphore, #tpu.memory_space<semaphore_mem>>) src(%arg10 : memref<512x16xf32, #tpu.memory_space<vmem>>) dst(%dma_wait3A_157 : memref<512x16xf32, #tpu.memory_space<hbm>>)
    %dma_start3A_158 = arith.constant 0 : i32
    %dma_start3A_159 = arith.constant 0 : i32
    %dma_start3A_160 = tpu.memref_slice %arg5[%dma_start3A_158, %dma_start3A_159] : memref<100000x16xf32, #tpu.memory_space<vmem_shared>> -> memref<100000x16xf32, #tpu.memory_space<vmem_shared>>
    tpu.enqueue_indirect_dma source(%dma_start3A_160 : memref<100000x16xf32, #tpu.memory_space<vmem_shared>>) target(%arg10 : memref<512x16xf32, #tpu.memory_space<vmem>>) offsets(%arg7 : memref<512xi32, #tpu.memory_space<vmem>>) semaphore(%arg16 : memref<!tpu.dma_semaphore, #tpu.memory_space<semaphore_mem>>)
    %dma_wait3A_161 = arith.constant 0 : i32
    %dma_wait3A_162 = arith.constant 0 : i32
    %dma_wait3A_163 = tpu.memref_slice %arg5[%dma_wait3A_161, %dma_wait3A_162] : memref<100000x16xf32, #tpu.memory_space<vmem_shared>> -> memref<100000x16xf32, #tpu.memory_space<vmem_shared>>
    tpu.wait_indirect_dma semaphore(%arg15 : memref<!tpu.dma_semaphore, #tpu.memory_space<semaphore_mem>>) src(%dma_wait3A_163 : memref<100000x16xf32, #tpu.memory_space<vmem_shared>>) dst(%arg9 : memref<512x16xf32, #tpu.memory_space<vmem>>)
    %add3A_164 = arith.constant 3072 : i32
    %add3A_165 = arith.addi %mul3A_2, %add3A_164 : i32
    %dma_start3A_166 = arith.constant 0 : i32
    %dma_start3A_167 = tpu.memref_slice %arg4[%add3A_165, %dma_start3A_166] : memref<819200x16xf32, #tpu.memory_space<hbm>> -> memref<512x16xf32, #tpu.memory_space<hbm>>
    %dma_start3A_168 = arith.constant 0 : i32
    %dma_start3A_169 = tpu.memref_slice %arg4[%add3A_165, %dma_start3A_168] : memref<819200x16xf32, #tpu.memory_space<hbm>> -> memref<512x16xf32, #tpu.memory_space<hbm>>
    tpu.enqueue_dma source(%arg9 : memref<512x16xf32, #tpu.memory_space<vmem>>) target(%dma_start3A_169 : memref<512x16xf32, #tpu.memory_space<hbm>>) target_semaphore(%arg18 : memref<!tpu.dma_semaphore, #tpu.memory_space<semaphore_mem>>)
    %add3A_170 = arith.constant 4608 : i32
    %add3A_171 = arith.addi %mul3A_2, %add3A_170 : i32
    %dma_start3A_172 = tpu.memref_slice %arg2[%add3A_171] : memref<819200xi32, #tpu.memory_space<hbm>> -> memref<512xi32, #tpu.memory_space<hbm>>
    %dma_start3A_173 = tpu.memref_slice %arg2[%add3A_171] : memref<819200xi32, #tpu.memory_space<hbm>> -> memref<512xi32, #tpu.memory_space<hbm>>
    tpu.enqueue_dma source(%dma_start3A_173 : memref<512xi32, #tpu.memory_space<hbm>>) target(%arg6 : memref<512xi32, #tpu.memory_space<vmem>>) target_semaphore(%arg12 : memref<!tpu.dma_semaphore, #tpu.memory_space<semaphore_mem>>)
    %dma_wait3A_174 = tpu.memref_slice %arg2[%add3A_149] : memref<819200xi32, #tpu.memory_space<hbm>> -> memref<512xi32, #tpu.memory_space<hbm>>
    %dma_wait3A_175 = tpu.memref_slice %arg2[%add3A_149] : memref<819200xi32, #tpu.memory_space<hbm>> -> memref<512xi32, #tpu.memory_space<hbm>>
    tpu.wait_dma2 semaphore(%arg14 : memref<!tpu.dma_semaphore, #tpu.memory_space<semaphore_mem>>) src(%dma_wait3A_175 : memref<512xi32, #tpu.memory_space<hbm>>) dst(%arg8 : memref<512xi32, #tpu.memory_space<vmem>>)
    %dma_wait3A_176 = arith.constant 0 : i32
    %dma_wait3A_177 = tpu.memref_slice %arg4[%add3A_143, %dma_wait3A_176] : memref<819200x16xf32, #tpu.memory_space<hbm>> -> memref<512x16xf32, #tpu.memory_space<hbm>>
    %dma_wait3A_178 = arith.constant 0 : i32
    %dma_wait3A_179 = tpu.memref_slice %arg4[%add3A_143, %dma_wait3A_178] : memref<819200x16xf32, #tpu.memory_space<hbm>> -> memref<512x16xf32, #tpu.memory_space<hbm>>
    tpu.wait_dma2 semaphore(%arg20 : memref<!tpu.dma_semaphore, #tpu.memory_space<semaphore_mem>>) src(%arg11 : memref<512x16xf32, #tpu.memory_space<vmem>>) dst(%dma_wait3A_179 : memref<512x16xf32, #tpu.memory_space<hbm>>)
    %dma_start3A_180 = arith.constant 0 : i32
    %dma_start3A_181 = arith.constant 0 : i32
    %dma_start3A_182 = tpu.memref_slice %arg5[%dma_start3A_180, %dma_start3A_181] : memref<100000x16xf32, #tpu.memory_space<vmem_shared>> -> memref<100000x16xf32, #tpu.memory_space<vmem_shared>>
    tpu.enqueue_indirect_dma source(%dma_start3A_182 : memref<100000x16xf32, #tpu.memory_space<vmem_shared>>) target(%arg11 : memref<512x16xf32, #tpu.memory_space<vmem>>) offsets(%arg8 : memref<512xi32, #tpu.memory_space<vmem>>) semaphore(%arg17 : memref<!tpu.dma_semaphore, #tpu.memory_space<semaphore_mem>>)
    %dma_wait3A_183 = arith.constant 0 : i32
    %dma_wait3A_184 = arith.constant 0 : i32
    %dma_wait3A_185 = tpu.memref_slice %arg5[%dma_wait3A_183, %dma_wait3A_184] : memref<100000x16xf32, #tpu.memory_space<vmem_shared>> -> memref<100000x16xf32, #tpu.memory_space<vmem_shared>>
    tpu.wait_indirect_dma semaphore(%arg16 : memref<!tpu.dma_semaphore, #tpu.memory_space<semaphore_mem>>) src(%dma_wait3A_185 : memref<100000x16xf32, #tpu.memory_space<vmem_shared>>) dst(%arg10 : memref<512x16xf32, #tpu.memory_space<vmem>>)
    %add3A_186 = arith.constant 3584 : i32
    %add3A_187 = arith.addi %mul3A_2, %add3A_186 : i32
    %dma_start3A_188 = arith.constant 0 : i32
    %dma_start3A_189 = tpu.memref_slice %arg4[%add3A_187, %dma_start3A_188] : memref<819200x16xf32, #tpu.memory_space<hbm>> -> memref<512x16xf32, #tpu.memory_space<hbm>>
    %dma_start3A_190 = arith.constant 0 : i32
    %dma_start3A_191 = tpu.memref_slice %arg4[%add3A_187, %dma_start3A_190] : memref<819200x16xf32, #tpu.memory_space<hbm>> -> memref<512x16xf32, #tpu.memory_space<hbm>>
    tpu.enqueue_dma source(%arg10 : memref<512x16xf32, #tpu.memory_space<vmem>>) target(%dma_start3A_191 : memref<512x16xf32, #tpu.memory_space<hbm>>) target_semaphore(%arg19 : memref<!tpu.dma_semaphore, #tpu.memory_space<semaphore_mem>>)
    %add3A_192 = arith.constant 5120 : i32
    %add3A_193 = arith.addi %mul3A_2, %add3A_192 : i32
    %dma_start3A_194 = tpu.memref_slice %arg2[%add3A_193] : memref<819200xi32, #tpu.memory_space<hbm>> -> memref<512xi32, #tpu.memory_space<hbm>>
    %dma_start3A_195 = tpu.memref_slice %arg2[%add3A_193] : memref<819200xi32, #tpu.memory_space<hbm>> -> memref<512xi32, #tpu.memory_space<hbm>>
    tpu.enqueue_dma source(%dma_start3A_195 : memref<512xi32, #tpu.memory_space<hbm>>) target(%arg7 : memref<512xi32, #tpu.memory_space<vmem>>) target_semaphore(%arg13 : memref<!tpu.dma_semaphore, #tpu.memory_space<semaphore_mem>>)
    %dma_wait3A_196 = tpu.memref_slice %arg2[%add3A_171] : memref<819200xi32, #tpu.memory_space<hbm>> -> memref<512xi32, #tpu.memory_space<hbm>>
    %dma_wait3A_197 = tpu.memref_slice %arg2[%add3A_171] : memref<819200xi32, #tpu.memory_space<hbm>> -> memref<512xi32, #tpu.memory_space<hbm>>
    tpu.wait_dma2 semaphore(%arg12 : memref<!tpu.dma_semaphore, #tpu.memory_space<semaphore_mem>>) src(%dma_wait3A_197 : memref<512xi32, #tpu.memory_space<hbm>>) dst(%arg6 : memref<512xi32, #tpu.memory_space<vmem>>)
    %dma_wait3A_198 = arith.constant 0 : i32
    %dma_wait3A_199 = tpu.memref_slice %arg4[%add3A_165, %dma_wait3A_198] : memref<819200x16xf32, #tpu.memory_space<hbm>> -> memref<512x16xf32, #tpu.memory_space<hbm>>
    %dma_wait3A_200 = arith.constant 0 : i32
    %dma_wait3A_201 = tpu.memref_slice %arg4[%add3A_165, %dma_wait3A_200] : memref<819200x16xf32, #tpu.memory_space<hbm>> -> memref<512x16xf32, #tpu.memory_space<hbm>>
    tpu.wait_dma2 semaphore(%arg18 : memref<!tpu.dma_semaphore, #tpu.memory_space<semaphore_mem>>) src(%arg9 : memref<512x16xf32, #tpu.memory_space<vmem>>) dst(%dma_wait3A_201 : memref<512x16xf32, #tpu.memory_space<hbm>>)
    %dma_start3A_202 = arith.constant 0 : i32
    %dma_start3A_203 = arith.constant 0 : i32
    %dma_start3A_204 = tpu.memref_slice %arg5[%dma_start3A_202, %dma_start3A_203] : memref<100000x16xf32, #tpu.memory_space<vmem_shared>> -> memref<100000x16xf32, #tpu.memory_space<vmem_shared>>
    tpu.enqueue_indirect_dma source(%dma_start3A_204 : memref<100000x16xf32, #tpu.memory_space<vmem_shared>>) target(%arg9 : memref<512x16xf32, #tpu.memory_space<vmem>>) offsets(%arg6 : memref<512xi32, #tpu.memory_space<vmem>>) semaphore(%arg15 : memref<!tpu.dma_semaphore, #tpu.memory_space<semaphore_mem>>)
    %dma_wait3A_205 = arith.constant 0 : i32
    %dma_wait3A_206 = arith.constant 0 : i32
    %dma_wait3A_207 = tpu.memref_slice %arg5[%dma_wait3A_205, %dma_wait3A_206] : memref<100000x16xf32, #tpu.memory_space<vmem_shared>> -> memref<100000x16xf32, #tpu.memory_space<vmem_shared>>
    tpu.wait_indirect_dma semaphore(%arg17 : memref<!tpu.dma_semaphore, #tpu.memory_space<semaphore_mem>>) src(%dma_wait3A_207 : memref<100000x16xf32, #tpu.memory_space<vmem_shared>>) dst(%arg11 : memref<512x16xf32, #tpu.memory_space<vmem>>)
    %add3A_208 = arith.constant 4096 : i32
    %add3A_209 = arith.addi %mul3A_2, %add3A_208 : i32
    %dma_start3A_210 = arith.constant 0 : i32
    %dma_start3A_211 = tpu.memref_slice %arg4[%add3A_209, %dma_start3A_210] : memref<819200x16xf32, #tpu.memory_space<hbm>> -> memref<512x16xf32, #tpu.memory_space<hbm>>
    %dma_start3A_212 = arith.constant 0 : i32
    %dma_start3A_213 = tpu.memref_slice %arg4[%add3A_209, %dma_start3A_212] : memref<819200x16xf32, #tpu.memory_space<hbm>> -> memref<512x16xf32, #tpu.memory_space<hbm>>
    tpu.enqueue_dma source(%arg11 : memref<512x16xf32, #tpu.memory_space<vmem>>) target(%dma_start3A_213 : memref<512x16xf32, #tpu.memory_space<hbm>>) target_semaphore(%arg20 : memref<!tpu.dma_semaphore, #tpu.memory_space<semaphore_mem>>)
    %add3A_214 = arith.constant 5632 : i32
    %add3A_215 = arith.addi %mul3A_2, %add3A_214 : i32
    %dma_start3A_216 = tpu.memref_slice %arg2[%add3A_215] : memref<819200xi32, #tpu.memory_space<hbm>> -> memref<512xi32, #tpu.memory_space<hbm>>
    %dma_start3A_217 = tpu.memref_slice %arg2[%add3A_215] : memref<819200xi32, #tpu.memory_space<hbm>> -> memref<512xi32, #tpu.memory_space<hbm>>
    tpu.enqueue_dma source(%dma_start3A_217 : memref<512xi32, #tpu.memory_space<hbm>>) target(%arg8 : memref<512xi32, #tpu.memory_space<vmem>>) target_semaphore(%arg14 : memref<!tpu.dma_semaphore, #tpu.memory_space<semaphore_mem>>)
    %dma_wait3A_218 = tpu.memref_slice %arg2[%add3A_193] : memref<819200xi32, #tpu.memory_space<hbm>> -> memref<512xi32, #tpu.memory_space<hbm>>
    %dma_wait3A_219 = tpu.memref_slice %arg2[%add3A_193] : memref<819200xi32, #tpu.memory_space<hbm>> -> memref<512xi32, #tpu.memory_space<hbm>>
    tpu.wait_dma2 semaphore(%arg13 : memref<!tpu.dma_semaphore, #tpu.memory_space<semaphore_mem>>) src(%dma_wait3A_219 : memref<512xi32, #tpu.memory_space<hbm>>) dst(%arg7 : memref<512xi32, #tpu.memory_space<vmem>>)
    %dma_wait3A_220 = arith.constant 0 : i32
    %dma_wait3A_221 = tpu.memref_slice %arg4[%add3A_187, %dma_wait3A_220] : memref<819200x16xf32, #tpu.memory_space<hbm>> -> memref<512x16xf32, #tpu.memory_space<hbm>>
    %dma_wait3A_222 = arith.constant 0 : i32
    %dma_wait3A_223 = tpu.memref_slice %arg4[%add3A_187, %dma_wait3A_222] : memref<819200x16xf32, #tpu.memory_space<hbm>> -> memref<512x16xf32, #tpu.memory_space<hbm>>
    tpu.wait_dma2 semaphore(%arg19 : memref<!tpu.dma_semaphore, #tpu.memory_space<semaphore_mem>>) src(%arg10 : memref<512x16xf32, #tpu.memory_space<vmem>>) dst(%dma_wait3A_223 : memref<512x16xf32, #tpu.memory_space<hbm>>)
    %dma_start3A_224 = arith.constant 0 : i32
    %dma_start3A_225 = arith.constant 0 : i32
    %dma_start3A_226 = tpu.memref_slice %arg5[%dma_start3A_224, %dma_start3A_225] : memref<100000x16xf32, #tpu.memory_space<vmem_shared>> -> memref<100000x16xf32, #tpu.memory_space<vmem_shared>>
    tpu.enqueue_indirect_dma source(%dma_start3A_226 : memref<100000x16xf32, #tpu.memory_space<vmem_shared>>) target(%arg10 : memref<512x16xf32, #tpu.memory_space<vmem>>) offsets(%arg7 : memref<512xi32, #tpu.memory_space<vmem>>) semaphore(%arg16 : memref<!tpu.dma_semaphore, #tpu.memory_space<semaphore_mem>>)
    %dma_wait3A_227 = arith.constant 0 : i32
    %dma_wait3A_228 = arith.constant 0 : i32
    %dma_wait3A_229 = tpu.memref_slice %arg5[%dma_wait3A_227, %dma_wait3A_228] : memref<100000x16xf32, #tpu.memory_space<vmem_shared>> -> memref<100000x16xf32, #tpu.memory_space<vmem_shared>>
    tpu.wait_indirect_dma semaphore(%arg15 : memref<!tpu.dma_semaphore, #tpu.memory_space<semaphore_mem>>) src(%dma_wait3A_229 : memref<100000x16xf32, #tpu.memory_space<vmem_shared>>) dst(%arg9 : memref<512x16xf32, #tpu.memory_space<vmem>>)
    %add3A_230 = arith.constant 4608 : i32
    %add3A_231 = arith.addi %mul3A_2, %add3A_230 : i32
    %dma_start3A_232 = arith.constant 0 : i32
    %dma_start3A_233 = tpu.memref_slice %arg4[%add3A_231, %dma_start3A_232] : memref<819200x16xf32, #tpu.memory_space<hbm>> -> memref<512x16xf32, #tpu.memory_space<hbm>>
    %dma_start3A_234 = arith.constant 0 : i32
    %dma_start3A_235 = tpu.memref_slice %arg4[%add3A_231, %dma_start3A_234] : memref<819200x16xf32, #tpu.memory_space<hbm>> -> memref<512x16xf32, #tpu.memory_space<hbm>>
    tpu.enqueue_dma source(%arg9 : memref<512x16xf32, #tpu.memory_space<vmem>>) target(%dma_start3A_235 : memref<512x16xf32, #tpu.memory_space<hbm>>) target_semaphore(%arg18 : memref<!tpu.dma_semaphore, #tpu.memory_space<semaphore_mem>>)
    %add3A_236 = arith.constant 6144 : i32
    %add3A_237 = arith.addi %mul3A_2, %add3A_236 : i32
    %dma_start3A_238 = tpu.memref_slice %arg2[%add3A_237] : memref<819200xi32, #tpu.memory_space<hbm>> -> memref<512xi32, #tpu.memory_space<hbm>>
    %dma_start3A_239 = tpu.memref_slice %arg2[%add3A_237] : memref<819200xi32, #tpu.memory_space<hbm>> -> memref<512xi32, #tpu.memory_space<hbm>>
    tpu.enqueue_dma source(%dma_start3A_239 : memref<512xi32, #tpu.memory_space<hbm>>) target(%arg6 : memref<512xi32, #tpu.memory_space<vmem>>) target_semaphore(%arg12 : memref<!tpu.dma_semaphore, #tpu.memory_space<semaphore_mem>>)
    %dma_wait3A_240 = tpu.memref_slice %arg2[%add3A_215] : memref<819200xi32, #tpu.memory_space<hbm>> -> memref<512xi32, #tpu.memory_space<hbm>>
    %dma_wait3A_241 = tpu.memref_slice %arg2[%add3A_215] : memref<819200xi32, #tpu.memory_space<hbm>> -> memref<512xi32, #tpu.memory_space<hbm>>
    tpu.wait_dma2 semaphore(%arg14 : memref<!tpu.dma_semaphore, #tpu.memory_space<semaphore_mem>>) src(%dma_wait3A_241 : memref<512xi32, #tpu.memory_space<hbm>>) dst(%arg8 : memref<512xi32, #tpu.memory_space<vmem>>)
    %dma_wait3A_242 = arith.constant 0 : i32
    %dma_wait3A_243 = tpu.memref_slice %arg4[%add3A_209, %dma_wait3A_242] : memref<819200x16xf32, #tpu.memory_space<hbm>> -> memref<512x16xf32, #tpu.memory_space<hbm>>
    %dma_wait3A_244 = arith.constant 0 : i32
    %dma_wait3A_245 = tpu.memref_slice %arg4[%add3A_209, %dma_wait3A_244] : memref<819200x16xf32, #tpu.memory_space<hbm>> -> memref<512x16xf32, #tpu.memory_space<hbm>>
    tpu.wait_dma2 semaphore(%arg20 : memref<!tpu.dma_semaphore, #tpu.memory_space<semaphore_mem>>) src(%arg11 : memref<512x16xf32, #tpu.memory_space<vmem>>) dst(%dma_wait3A_245 : memref<512x16xf32, #tpu.memory_space<hbm>>)
    %dma_start3A_246 = arith.constant 0 : i32
    %dma_start3A_247 = arith.constant 0 : i32
    %dma_start3A_248 = tpu.memref_slice %arg5[%dma_start3A_246, %dma_start3A_247] : memref<100000x16xf32, #tpu.memory_space<vmem_shared>> -> memref<100000x16xf32, #tpu.memory_space<vmem_shared>>
    tpu.enqueue_indirect_dma source(%dma_start3A_248 : memref<100000x16xf32, #tpu.memory_space<vmem_shared>>) target(%arg11 : memref<512x16xf32, #tpu.memory_space<vmem>>) offsets(%arg8 : memref<512xi32, #tpu.memory_space<vmem>>) semaphore(%arg17 : memref<!tpu.dma_semaphore, #tpu.memory_space<semaphore_mem>>)
    %dma_wait3A_249 = arith.constant 0 : i32
    %dma_wait3A_250 = arith.constant 0 : i32
    %dma_wait3A_251 = tpu.memref_slice %arg5[%dma_wait3A_249, %dma_wait3A_250] : memref<100000x16xf32, #tpu.memory_space<vmem_shared>> -> memref<100000x16xf32, #tpu.memory_space<vmem_shared>>
    tpu.wait_indirect_dma semaphore(%arg16 : memref<!tpu.dma_semaphore, #tpu.memory_space<semaphore_mem>>) src(%dma_wait3A_251 : memref<100000x16xf32, #tpu.memory_space<vmem_shared>>) dst(%arg10 : memref<512x16xf32, #tpu.memory_space<vmem>>)
    %add3A_252 = arith.constant 5120 : i32
    %add3A_253 = arith.addi %mul3A_2, %add3A_252 : i32
    %dma_start3A_254 = arith.constant 0 : i32
    %dma_start3A_255 = tpu.memref_slice %arg4[%add3A_253, %dma_start3A_254] : memref<819200x16xf32, #tpu.memory_space<hbm>> -> memref<512x16xf32, #tpu.memory_space<hbm>>
    %dma_start3A_256 = arith.constant 0 : i32
    %dma_start3A_257 = tpu.memref_slice %arg4[%add3A_253, %dma_start3A_256] : memref<819200x16xf32, #tpu.memory_space<hbm>> -> memref<512x16xf32, #tpu.memory_space<hbm>>
    tpu.enqueue_dma source(%arg10 : memref<512x16xf32, #tpu.memory_space<vmem>>) target(%dma_start3A_257 : memref<512x16xf32, #tpu.memory_space<hbm>>) target_semaphore(%arg19 : memref<!tpu.dma_semaphore, #tpu.memory_space<semaphore_mem>>)
    %add3A_258 = arith.constant 6656 : i32
    %add3A_259 = arith.addi %mul3A_2, %add3A_258 : i32
    %dma_start3A_260 = tpu.memref_slice %arg2[%add3A_259] : memref<819200xi32, #tpu.memory_space<hbm>> -> memref<512xi32, #tpu.memory_space<hbm>>
    %dma_start3A_261 = tpu.memref_slice %arg2[%add3A_259] : memref<819200xi32, #tpu.memory_space<hbm>> -> memref<512xi32, #tpu.memory_space<hbm>>
    tpu.enqueue_dma source(%dma_start3A_261 : memref<512xi32, #tpu.memory_space<hbm>>) target(%arg7 : memref<512xi32, #tpu.memory_space<vmem>>) target_semaphore(%arg13 : memref<!tpu.dma_semaphore, #tpu.memory_space<semaphore_mem>>)
    %dma_wait3A_262 = tpu.memref_slice %arg2[%add3A_237] : memref<819200xi32, #tpu.memory_space<hbm>> -> memref<512xi32, #tpu.memory_space<hbm>>
    %dma_wait3A_263 = tpu.memref_slice %arg2[%add3A_237] : memref<819200xi32, #tpu.memory_space<hbm>> -> memref<512xi32, #tpu.memory_space<hbm>>
    tpu.wait_dma2 semaphore(%arg12 : memref<!tpu.dma_semaphore, #tpu.memory_space<semaphore_mem>>) src(%dma_wait3A_263 : memref<512xi32, #tpu.memory_space<hbm>>) dst(%arg6 : memref<512xi32, #tpu.memory_space<vmem>>)
    %dma_wait3A_264 = arith.constant 0 : i32
    %dma_wait3A_265 = tpu.memref_slice %arg4[%add3A_231, %dma_wait3A_264] : memref<819200x16xf32, #tpu.memory_space<hbm>> -> memref<512x16xf32, #tpu.memory_space<hbm>>
    %dma_wait3A_266 = arith.constant 0 : i32
    %dma_wait3A_267 = tpu.memref_slice %arg4[%add3A_231, %dma_wait3A_266] : memref<819200x16xf32, #tpu.memory_space<hbm>> -> memref<512x16xf32, #tpu.memory_space<hbm>>
    tpu.wait_dma2 semaphore(%arg18 : memref<!tpu.dma_semaphore, #tpu.memory_space<semaphore_mem>>) src(%arg9 : memref<512x16xf32, #tpu.memory_space<vmem>>) dst(%dma_wait3A_267 : memref<512x16xf32, #tpu.memory_space<hbm>>)
    %dma_start3A_268 = arith.constant 0 : i32
    %dma_start3A_269 = arith.constant 0 : i32
    %dma_start3A_270 = tpu.memref_slice %arg5[%dma_start3A_268, %dma_start3A_269] : memref<100000x16xf32, #tpu.memory_space<vmem_shared>> -> memref<100000x16xf32, #tpu.memory_space<vmem_shared>>
    tpu.enqueue_indirect_dma source(%dma_start3A_270 : memref<100000x16xf32, #tpu.memory_space<vmem_shared>>) target(%arg9 : memref<512x16xf32, #tpu.memory_space<vmem>>) offsets(%arg6 : memref<512xi32, #tpu.memory_space<vmem>>) semaphore(%arg15 : memref<!tpu.dma_semaphore, #tpu.memory_space<semaphore_mem>>)
    %dma_wait3A_271 = arith.constant 0 : i32
    %dma_wait3A_272 = arith.constant 0 : i32
    %dma_wait3A_273 = tpu.memref_slice %arg5[%dma_wait3A_271, %dma_wait3A_272] : memref<100000x16xf32, #tpu.memory_space<vmem_shared>> -> memref<100000x16xf32, #tpu.memory_space<vmem_shared>>
    tpu.wait_indirect_dma semaphore(%arg17 : memref<!tpu.dma_semaphore, #tpu.memory_space<semaphore_mem>>) src(%dma_wait3A_273 : memref<100000x16xf32, #tpu.memory_space<vmem_shared>>) dst(%arg11 : memref<512x16xf32, #tpu.memory_space<vmem>>)
    %add3A_274 = arith.constant 5632 : i32
    %add3A_275 = arith.addi %mul3A_2, %add3A_274 : i32
    %dma_start3A_276 = arith.constant 0 : i32
    %dma_start3A_277 = tpu.memref_slice %arg4[%add3A_275, %dma_start3A_276] : memref<819200x16xf32, #tpu.memory_space<hbm>> -> memref<512x16xf32, #tpu.memory_space<hbm>>
    %dma_start3A_278 = arith.constant 0 : i32
    %dma_start3A_279 = tpu.memref_slice %arg4[%add3A_275, %dma_start3A_278] : memref<819200x16xf32, #tpu.memory_space<hbm>> -> memref<512x16xf32, #tpu.memory_space<hbm>>
    tpu.enqueue_dma source(%arg11 : memref<512x16xf32, #tpu.memory_space<vmem>>) target(%dma_start3A_279 : memref<512x16xf32, #tpu.memory_space<hbm>>) target_semaphore(%arg20 : memref<!tpu.dma_semaphore, #tpu.memory_space<semaphore_mem>>)
    %add3A_280 = arith.constant 7168 : i32
    %add3A_281 = arith.addi %mul3A_2, %add3A_280 : i32
    %dma_start3A_282 = tpu.memref_slice %arg2[%add3A_281] : memref<819200xi32, #tpu.memory_space<hbm>> -> memref<512xi32, #tpu.memory_space<hbm>>
    %dma_start3A_283 = tpu.memref_slice %arg2[%add3A_281] : memref<819200xi32, #tpu.memory_space<hbm>> -> memref<512xi32, #tpu.memory_space<hbm>>
    tpu.enqueue_dma source(%dma_start3A_283 : memref<512xi32, #tpu.memory_space<hbm>>) target(%arg8 : memref<512xi32, #tpu.memory_space<vmem>>) target_semaphore(%arg14 : memref<!tpu.dma_semaphore, #tpu.memory_space<semaphore_mem>>)
    %dma_wait3A_284 = tpu.memref_slice %arg2[%add3A_259] : memref<819200xi32, #tpu.memory_space<hbm>> -> memref<512xi32, #tpu.memory_space<hbm>>
    %dma_wait3A_285 = tpu.memref_slice %arg2[%add3A_259] : memref<819200xi32, #tpu.memory_space<hbm>> -> memref<512xi32, #tpu.memory_space<hbm>>
    tpu.wait_dma2 semaphore(%arg13 : memref<!tpu.dma_semaphore, #tpu.memory_space<semaphore_mem>>) src(%dma_wait3A_285 : memref<512xi32, #tpu.memory_space<hbm>>) dst(%arg7 : memref<512xi32, #tpu.memory_space<vmem>>)
    %dma_wait3A_286 = arith.constant 0 : i32
    %dma_wait3A_287 = tpu.memref_slice %arg4[%add3A_253, %dma_wait3A_286] : memref<819200x16xf32, #tpu.memory_space<hbm>> -> memref<512x16xf32, #tpu.memory_space<hbm>>
    %dma_wait3A_288 = arith.constant 0 : i32
    %dma_wait3A_289 = tpu.memref_slice %arg4[%add3A_253, %dma_wait3A_288] : memref<819200x16xf32, #tpu.memory_space<hbm>> -> memref<512x16xf32, #tpu.memory_space<hbm>>
    tpu.wait_dma2 semaphore(%arg19 : memref<!tpu.dma_semaphore, #tpu.memory_space<semaphore_mem>>) src(%arg10 : memref<512x16xf32, #tpu.memory_space<vmem>>) dst(%dma_wait3A_289 : memref<512x16xf32, #tpu.memory_space<hbm>>)
    %dma_start3A_290 = arith.constant 0 : i32
    %dma_start3A_291 = arith.constant 0 : i32
    %dma_start3A_292 = tpu.memref_slice %arg5[%dma_start3A_290, %dma_start3A_291] : memref<100000x16xf32, #tpu.memory_space<vmem_shared>> -> memref<100000x16xf32, #tpu.memory_space<vmem_shared>>
    tpu.enqueue_indirect_dma source(%dma_start3A_292 : memref<100000x16xf32, #tpu.memory_space<vmem_shared>>) target(%arg10 : memref<512x16xf32, #tpu.memory_space<vmem>>) offsets(%arg7 : memref<512xi32, #tpu.memory_space<vmem>>) semaphore(%arg16 : memref<!tpu.dma_semaphore, #tpu.memory_space<semaphore_mem>>)
    %dma_wait3A_293 = arith.constant 0 : i32
    %dma_wait3A_294 = arith.constant 0 : i32
    %dma_wait3A_295 = tpu.memref_slice %arg5[%dma_wait3A_293, %dma_wait3A_294] : memref<100000x16xf32, #tpu.memory_space<vmem_shared>> -> memref<100000x16xf32, #tpu.memory_space<vmem_shared>>
    tpu.wait_indirect_dma semaphore(%arg15 : memref<!tpu.dma_semaphore, #tpu.memory_space<semaphore_mem>>) src(%dma_wait3A_295 : memref<100000x16xf32, #tpu.memory_space<vmem_shared>>) dst(%arg9 : memref<512x16xf32, #tpu.memory_space<vmem>>)
    %add3A_296 = arith.constant 6144 : i32
    %add3A_297 = arith.addi %mul3A_2, %add3A_296 : i32
    %dma_start3A_298 = arith.constant 0 : i32
    %dma_start3A_299 = tpu.memref_slice %arg4[%add3A_297, %dma_start3A_298] : memref<819200x16xf32, #tpu.memory_space<hbm>> -> memref<512x16xf32, #tpu.memory_space<hbm>>
    %dma_start3A_300 = arith.constant 0 : i32
    %dma_start3A_301 = tpu.memref_slice %arg4[%add3A_297, %dma_start3A_300] : memref<819200x16xf32, #tpu.memory_space<hbm>> -> memref<512x16xf32, #tpu.memory_space<hbm>>
    tpu.enqueue_dma source(%arg9 : memref<512x16xf32, #tpu.memory_space<vmem>>) target(%dma_start3A_301 : memref<512x16xf32, #tpu.memory_space<hbm>>) target_semaphore(%arg18 : memref<!tpu.dma_semaphore, #tpu.memory_space<semaphore_mem>>)
    %add3A_302 = arith.constant 7680 : i32
    %add3A_303 = arith.addi %mul3A_2, %add3A_302 : i32
    %dma_start3A_304 = tpu.memref_slice %arg2[%add3A_303] : memref<819200xi32, #tpu.memory_space<hbm>> -> memref<512xi32, #tpu.memory_space<hbm>>
    %dma_start3A_305 = tpu.memref_slice %arg2[%add3A_303] : memref<819200xi32, #tpu.memory_space<hbm>> -> memref<512xi32, #tpu.memory_space<hbm>>
    tpu.enqueue_dma source(%dma_start3A_305 : memref<512xi32, #tpu.memory_space<hbm>>) target(%arg6 : memref<512xi32, #tpu.memory_space<vmem>>) target_semaphore(%arg12 : memref<!tpu.dma_semaphore, #tpu.memory_space<semaphore_mem>>)
    %dma_wait3A_306 = tpu.memref_slice %arg2[%add3A_281] : memref<819200xi32, #tpu.memory_space<hbm>> -> memref<512xi32, #tpu.memory_space<hbm>>
    %dma_wait3A_307 = tpu.memref_slice %arg2[%add3A_281] : memref<819200xi32, #tpu.memory_space<hbm>> -> memref<512xi32, #tpu.memory_space<hbm>>
    tpu.wait_dma2 semaphore(%arg14 : memref<!tpu.dma_semaphore, #tpu.memory_space<semaphore_mem>>) src(%dma_wait3A_307 : memref<512xi32, #tpu.memory_space<hbm>>) dst(%arg8 : memref<512xi32, #tpu.memory_space<vmem>>)
    %dma_wait3A_308 = arith.constant 0 : i32
    %dma_wait3A_309 = tpu.memref_slice %arg4[%add3A_275, %dma_wait3A_308] : memref<819200x16xf32, #tpu.memory_space<hbm>> -> memref<512x16xf32, #tpu.memory_space<hbm>>
    %dma_wait3A_310 = arith.constant 0 : i32
    %dma_wait3A_311 = tpu.memref_slice %arg4[%add3A_275, %dma_wait3A_310] : memref<819200x16xf32, #tpu.memory_space<hbm>> -> memref<512x16xf32, #tpu.memory_space<hbm>>
    tpu.wait_dma2 semaphore(%arg20 : memref<!tpu.dma_semaphore, #tpu.memory_space<semaphore_mem>>) src(%arg11 : memref<512x16xf32, #tpu.memory_space<vmem>>) dst(%dma_wait3A_311 : memref<512x16xf32, #tpu.memory_space<hbm>>)
    %dma_start3A_312 = arith.constant 0 : i32
    %dma_start3A_313 = arith.constant 0 : i32
    %dma_start3A_314 = tpu.memref_slice %arg5[%dma_start3A_312, %dma_start3A_313] : memref<100000x16xf32, #tpu.memory_space<vmem_shared>> -> memref<100000x16xf32, #tpu.memory_space<vmem_shared>>
    tpu.enqueue_indirect_dma source(%dma_start3A_314 : memref<100000x16xf32, #tpu.memory_space<vmem_shared>>) target(%arg11 : memref<512x16xf32, #tpu.memory_space<vmem>>) offsets(%arg8 : memref<512xi32, #tpu.memory_space<vmem>>) semaphore(%arg17 : memref<!tpu.dma_semaphore, #tpu.memory_space<semaphore_mem>>)
    %dma_wait3A_315 = arith.constant 0 : i32
    %dma_wait3A_316 = arith.constant 0 : i32
    %dma_wait3A_317 = tpu.memref_slice %arg5[%dma_wait3A_315, %dma_wait3A_316] : memref<100000x16xf32, #tpu.memory_space<vmem_shared>> -> memref<100000x16xf32, #tpu.memory_space<vmem_shared>>
    tpu.wait_indirect_dma semaphore(%arg16 : memref<!tpu.dma_semaphore, #tpu.memory_space<semaphore_mem>>) src(%dma_wait3A_317 : memref<100000x16xf32, #tpu.memory_space<vmem_shared>>) dst(%arg10 : memref<512x16xf32, #tpu.memory_space<vmem>>)
    %add3A_318 = arith.constant 6656 : i32
    %add3A_319 = arith.addi %mul3A_2, %add3A_318 : i32
    %dma_start3A_320 = arith.constant 0 : i32
    %dma_start3A_321 = tpu.memref_slice %arg4[%add3A_319, %dma_start3A_320] : memref<819200x16xf32, #tpu.memory_space<hbm>> -> memref<512x16xf32, #tpu.memory_space<hbm>>
    %dma_start3A_322 = arith.constant 0 : i32
    %dma_start3A_323 = tpu.memref_slice %arg4[%add3A_319, %dma_start3A_322] : memref<819200x16xf32, #tpu.memory_space<hbm>> -> memref<512x16xf32, #tpu.memory_space<hbm>>
    tpu.enqueue_dma source(%arg10 : memref<512x16xf32, #tpu.memory_space<vmem>>) target(%dma_start3A_323 : memref<512x16xf32, #tpu.memory_space<hbm>>) target_semaphore(%arg19 : memref<!tpu.dma_semaphore, #tpu.memory_space<semaphore_mem>>)
    %add3A_324 = arith.constant 8192 : i32
    %add3A_325 = arith.addi %mul3A_2, %add3A_324 : i32
    %dma_start3A_326 = tpu.memref_slice %arg2[%add3A_325] : memref<819200xi32, #tpu.memory_space<hbm>> -> memref<512xi32, #tpu.memory_space<hbm>>
    %dma_start3A_327 = tpu.memref_slice %arg2[%add3A_325] : memref<819200xi32, #tpu.memory_space<hbm>> -> memref<512xi32, #tpu.memory_space<hbm>>
    tpu.enqueue_dma source(%dma_start3A_327 : memref<512xi32, #tpu.memory_space<hbm>>) target(%arg7 : memref<512xi32, #tpu.memory_space<vmem>>) target_semaphore(%arg13 : memref<!tpu.dma_semaphore, #tpu.memory_space<semaphore_mem>>)
    %dma_wait3A_328 = tpu.memref_slice %arg2[%add3A_303] : memref<819200xi32, #tpu.memory_space<hbm>> -> memref<512xi32, #tpu.memory_space<hbm>>
    %dma_wait3A_329 = tpu.memref_slice %arg2[%add3A_303] : memref<819200xi32, #tpu.memory_space<hbm>> -> memref<512xi32, #tpu.memory_space<hbm>>
    tpu.wait_dma2 semaphore(%arg12 : memref<!tpu.dma_semaphore, #tpu.memory_space<semaphore_mem>>) src(%dma_wait3A_329 : memref<512xi32, #tpu.memory_space<hbm>>) dst(%arg6 : memref<512xi32, #tpu.memory_space<vmem>>)
    %dma_wait3A_330 = arith.constant 0 : i32
    %dma_wait3A_331 = tpu.memref_slice %arg4[%add3A_297, %dma_wait3A_330] : memref<819200x16xf32, #tpu.memory_space<hbm>> -> memref<512x16xf32, #tpu.memory_space<hbm>>
    %dma_wait3A_332 = arith.constant 0 : i32
    %dma_wait3A_333 = tpu.memref_slice %arg4[%add3A_297, %dma_wait3A_332] : memref<819200x16xf32, #tpu.memory_space<hbm>> -> memref<512x16xf32, #tpu.memory_space<hbm>>
    tpu.wait_dma2 semaphore(%arg18 : memref<!tpu.dma_semaphore, #tpu.memory_space<semaphore_mem>>) src(%arg9 : memref<512x16xf32, #tpu.memory_space<vmem>>) dst(%dma_wait3A_333 : memref<512x16xf32, #tpu.memory_space<hbm>>)
    %dma_start3A_334 = arith.constant 0 : i32
    %dma_start3A_335 = arith.constant 0 : i32
    %dma_start3A_336 = tpu.memref_slice %arg5[%dma_start3A_334, %dma_start3A_335] : memref<100000x16xf32, #tpu.memory_space<vmem_shared>> -> memref<100000x16xf32, #tpu.memory_space<vmem_shared>>
    tpu.enqueue_indirect_dma source(%dma_start3A_336 : memref<100000x16xf32, #tpu.memory_space<vmem_shared>>) target(%arg9 : memref<512x16xf32, #tpu.memory_space<vmem>>) offsets(%arg6 : memref<512xi32, #tpu.memory_space<vmem>>) semaphore(%arg15 : memref<!tpu.dma_semaphore, #tpu.memory_space<semaphore_mem>>)
    %dma_wait3A_337 = arith.constant 0 : i32
    %dma_wait3A_338 = arith.constant 0 : i32
    %dma_wait3A_339 = tpu.memref_slice %arg5[%dma_wait3A_337, %dma_wait3A_338] : memref<100000x16xf32, #tpu.memory_space<vmem_shared>> -> memref<100000x16xf32, #tpu.memory_space<vmem_shared>>
    tpu.wait_indirect_dma semaphore(%arg17 : memref<!tpu.dma_semaphore, #tpu.memory_space<semaphore_mem>>) src(%dma_wait3A_339 : memref<100000x16xf32, #tpu.memory_space<vmem_shared>>) dst(%arg11 : memref<512x16xf32, #tpu.memory_space<vmem>>)
    %add3A_340 = arith.constant 7168 : i32
    %add3A_341 = arith.addi %mul3A_2, %add3A_340 : i32
    %dma_start3A_342 = arith.constant 0 : i32
    %dma_start3A_343 = tpu.memref_slice %arg4[%add3A_341, %dma_start3A_342] : memref<819200x16xf32, #tpu.memory_space<hbm>> -> memref<512x16xf32, #tpu.memory_space<hbm>>
    %dma_start3A_344 = arith.constant 0 : i32
    %dma_start3A_345 = tpu.memref_slice %arg4[%add3A_341, %dma_start3A_344] : memref<819200x16xf32, #tpu.memory_space<hbm>> -> memref<512x16xf32, #tpu.memory_space<hbm>>
    tpu.enqueue_dma source(%arg11 : memref<512x16xf32, #tpu.memory_space<vmem>>) target(%dma_start3A_345 : memref<512x16xf32, #tpu.memory_space<hbm>>) target_semaphore(%arg20 : memref<!tpu.dma_semaphore, #tpu.memory_space<semaphore_mem>>)
    %add3A_346 = arith.constant 8704 : i32
    %add3A_347 = arith.addi %mul3A_2, %add3A_346 : i32
    %dma_start3A_348 = tpu.memref_slice %arg2[%add3A_347] : memref<819200xi32, #tpu.memory_space<hbm>> -> memref<512xi32, #tpu.memory_space<hbm>>
    %dma_start3A_349 = tpu.memref_slice %arg2[%add3A_347] : memref<819200xi32, #tpu.memory_space<hbm>> -> memref<512xi32, #tpu.memory_space<hbm>>
    tpu.enqueue_dma source(%dma_start3A_349 : memref<512xi32, #tpu.memory_space<hbm>>) target(%arg8 : memref<512xi32, #tpu.memory_space<vmem>>) target_semaphore(%arg14 : memref<!tpu.dma_semaphore, #tpu.memory_space<semaphore_mem>>)
    %dma_wait3A_350 = tpu.memref_slice %arg2[%add3A_325] : memref<819200xi32, #tpu.memory_space<hbm>> -> memref<512xi32, #tpu.memory_space<hbm>>
    %dma_wait3A_351 = tpu.memref_slice %arg2[%add3A_325] : memref<819200xi32, #tpu.memory_space<hbm>> -> memref<512xi32, #tpu.memory_space<hbm>>
    tpu.wait_dma2 semaphore(%arg13 : memref<!tpu.dma_semaphore, #tpu.memory_space<semaphore_mem>>) src(%dma_wait3A_351 : memref<512xi32, #tpu.memory_space<hbm>>) dst(%arg7 : memref<512xi32, #tpu.memory_space<vmem>>)
    %dma_wait3A_352 = arith.constant 0 : i32
    %dma_wait3A_353 = tpu.memref_slice %arg4[%add3A_319, %dma_wait3A_352] : memref<819200x16xf32, #tpu.memory_space<hbm>> -> memref<512x16xf32, #tpu.memory_space<hbm>>
    %dma_wait3A_354 = arith.constant 0 : i32
    %dma_wait3A_355 = tpu.memref_slice %arg4[%add3A_319, %dma_wait3A_354] : memref<819200x16xf32, #tpu.memory_space<hbm>> -> memref<512x16xf32, #tpu.memory_space<hbm>>
    tpu.wait_dma2 semaphore(%arg19 : memref<!tpu.dma_semaphore, #tpu.memory_space<semaphore_mem>>) src(%arg10 : memref<512x16xf32, #tpu.memory_space<vmem>>) dst(%dma_wait3A_355 : memref<512x16xf32, #tpu.memory_space<hbm>>)
    %dma_start3A_356 = arith.constant 0 : i32
    %dma_start3A_357 = arith.constant 0 : i32
    %dma_start3A_358 = tpu.memref_slice %arg5[%dma_start3A_356, %dma_start3A_357] : memref<100000x16xf32, #tpu.memory_space<vmem_shared>> -> memref<100000x16xf32, #tpu.memory_space<vmem_shared>>
    tpu.enqueue_indirect_dma source(%dma_start3A_358 : memref<100000x16xf32, #tpu.memory_space<vmem_shared>>) target(%arg10 : memref<512x16xf32, #tpu.memory_space<vmem>>) offsets(%arg7 : memref<512xi32, #tpu.memory_space<vmem>>) semaphore(%arg16 : memref<!tpu.dma_semaphore, #tpu.memory_space<semaphore_mem>>)
    %dma_wait3A_359 = arith.constant 0 : i32
    %dma_wait3A_360 = arith.constant 0 : i32
    %dma_wait3A_361 = tpu.memref_slice %arg5[%dma_wait3A_359, %dma_wait3A_360] : memref<100000x16xf32, #tpu.memory_space<vmem_shared>> -> memref<100000x16xf32, #tpu.memory_space<vmem_shared>>
    tpu.wait_indirect_dma semaphore(%arg15 : memref<!tpu.dma_semaphore, #tpu.memory_space<semaphore_mem>>) src(%dma_wait3A_361 : memref<100000x16xf32, #tpu.memory_space<vmem_shared>>) dst(%arg9 : memref<512x16xf32, #tpu.memory_space<vmem>>)
    %add3A_362 = arith.constant 7680 : i32
    %add3A_363 = arith.addi %mul3A_2, %add3A_362 : i32
    %dma_start3A_364 = arith.constant 0 : i32
    %dma_start3A_365 = tpu.memref_slice %arg4[%add3A_363, %dma_start3A_364] : memref<819200x16xf32, #tpu.memory_space<hbm>> -> memref<512x16xf32, #tpu.memory_space<hbm>>
    %dma_start3A_366 = arith.constant 0 : i32
    %dma_start3A_367 = tpu.memref_slice %arg4[%add3A_363, %dma_start3A_366] : memref<819200x16xf32, #tpu.memory_space<hbm>> -> memref<512x16xf32, #tpu.memory_space<hbm>>
    tpu.enqueue_dma source(%arg9 : memref<512x16xf32, #tpu.memory_space<vmem>>) target(%dma_start3A_367 : memref<512x16xf32, #tpu.memory_space<hbm>>) target_semaphore(%arg18 : memref<!tpu.dma_semaphore, #tpu.memory_space<semaphore_mem>>)
    %add3A_368 = arith.constant 9216 : i32
    %add3A_369 = arith.addi %mul3A_2, %add3A_368 : i32
    %dma_start3A_370 = tpu.memref_slice %arg2[%add3A_369] : memref<819200xi32, #tpu.memory_space<hbm>> -> memref<512xi32, #tpu.memory_space<hbm>>
    %dma_start3A_371 = tpu.memref_slice %arg2[%add3A_369] : memref<819200xi32, #tpu.memory_space<hbm>> -> memref<512xi32, #tpu.memory_space<hbm>>
    tpu.enqueue_dma source(%dma_start3A_371 : memref<512xi32, #tpu.memory_space<hbm>>) target(%arg6 : memref<512xi32, #tpu.memory_space<vmem>>) target_semaphore(%arg12 : memref<!tpu.dma_semaphore, #tpu.memory_space<semaphore_mem>>)
    %dma_wait3A_372 = tpu.memref_slice %arg2[%add3A_347] : memref<819200xi32, #tpu.memory_space<hbm>> -> memref<512xi32, #tpu.memory_space<hbm>>
    %dma_wait3A_373 = tpu.memref_slice %arg2[%add3A_347] : memref<819200xi32, #tpu.memory_space<hbm>> -> memref<512xi32, #tpu.memory_space<hbm>>
    tpu.wait_dma2 semaphore(%arg14 : memref<!tpu.dma_semaphore, #tpu.memory_space<semaphore_mem>>) src(%dma_wait3A_373 : memref<512xi32, #tpu.memory_space<hbm>>) dst(%arg8 : memref<512xi32, #tpu.memory_space<vmem>>)
    %dma_wait3A_374 = arith.constant 0 : i32
    %dma_wait3A_375 = tpu.memref_slice %arg4[%add3A_341, %dma_wait3A_374] : memref<819200x16xf32, #tpu.memory_space<hbm>> -> memref<512x16xf32, #tpu.memory_space<hbm>>
    %dma_wait3A_376 = arith.constant 0 : i32
    %dma_wait3A_377 = tpu.memref_slice %arg4[%add3A_341, %dma_wait3A_376] : memref<819200x16xf32, #tpu.memory_space<hbm>> -> memref<512x16xf32, #tpu.memory_space<hbm>>
    tpu.wait_dma2 semaphore(%arg20 : memref<!tpu.dma_semaphore, #tpu.memory_space<semaphore_mem>>) src(%arg11 : memref<512x16xf32, #tpu.memory_space<vmem>>) dst(%dma_wait3A_377 : memref<512x16xf32, #tpu.memory_space<hbm>>)
    %dma_start3A_378 = arith.constant 0 : i32
    %dma_start3A_379 = arith.constant 0 : i32
    %dma_start3A_380 = tpu.memref_slice %arg5[%dma_start3A_378, %dma_start3A_379] : memref<100000x16xf32, #tpu.memory_space<vmem_shared>> -> memref<100000x16xf32, #tpu.memory_space<vmem_shared>>
    tpu.enqueue_indirect_dma source(%dma_start3A_380 : memref<100000x16xf32, #tpu.memory_space<vmem_shared>>) target(%arg11 : memref<512x16xf32, #tpu.memory_space<vmem>>) offsets(%arg8 : memref<512xi32, #tpu.memory_space<vmem>>) semaphore(%arg17 : memref<!tpu.dma_semaphore, #tpu.memory_space<semaphore_mem>>)
    %dma_wait3A_381 = arith.constant 0 : i32
    %dma_wait3A_382 = arith.constant 0 : i32
    %dma_wait3A_383 = tpu.memref_slice %arg5[%dma_wait3A_381, %dma_wait3A_382] : memref<100000x16xf32, #tpu.memory_space<vmem_shared>> -> memref<100000x16xf32, #tpu.memory_space<vmem_shared>>
    tpu.wait_indirect_dma semaphore(%arg16 : memref<!tpu.dma_semaphore, #tpu.memory_space<semaphore_mem>>) src(%dma_wait3A_383 : memref<100000x16xf32, #tpu.memory_space<vmem_shared>>) dst(%arg10 : memref<512x16xf32, #tpu.memory_space<vmem>>)
    %add3A_384 = arith.constant 8192 : i32
    %add3A_385 = arith.addi %mul3A_2, %add3A_384 : i32
    %dma_start3A_386 = arith.constant 0 : i32
    %dma_start3A_387 = tpu.memref_slice %arg4[%add3A_385, %dma_start3A_386] : memref<819200x16xf32, #tpu.memory_space<hbm>> -> memref<512x16xf32, #tpu.memory_space<hbm>>
    %dma_start3A_388 = arith.constant 0 : i32
    %dma_start3A_389 = tpu.memref_slice %arg4[%add3A_385, %dma_start3A_388] : memref<819200x16xf32, #tpu.memory_space<hbm>> -> memref<512x16xf32, #tpu.memory_space<hbm>>
    tpu.enqueue_dma source(%arg10 : memref<512x16xf32, #tpu.memory_space<vmem>>) target(%dma_start3A_389 : memref<512x16xf32, #tpu.memory_space<hbm>>) target_semaphore(%arg19 : memref<!tpu.dma_semaphore, #tpu.memory_space<semaphore_mem>>)
    %add3A_390 = arith.constant 9728 : i32
    %add3A_391 = arith.addi %mul3A_2, %add3A_390 : i32
    %dma_start3A_392 = tpu.memref_slice %arg2[%add3A_391] : memref<819200xi32, #tpu.memory_space<hbm>> -> memref<512xi32, #tpu.memory_space<hbm>>
    %dma_start3A_393 = tpu.memref_slice %arg2[%add3A_391] : memref<819200xi32, #tpu.memory_space<hbm>> -> memref<512xi32, #tpu.memory_space<hbm>>
    tpu.enqueue_dma source(%dma_start3A_393 : memref<512xi32, #tpu.memory_space<hbm>>) target(%arg7 : memref<512xi32, #tpu.memory_space<vmem>>) target_semaphore(%arg13 : memref<!tpu.dma_semaphore, #tpu.memory_space<semaphore_mem>>)
    %dma_wait3A_394 = tpu.memref_slice %arg2[%add3A_369] : memref<819200xi32, #tpu.memory_space<hbm>> -> memref<512xi32, #tpu.memory_space<hbm>>
    %dma_wait3A_395 = tpu.memref_slice %arg2[%add3A_369] : memref<819200xi32, #tpu.memory_space<hbm>> -> memref<512xi32, #tpu.memory_space<hbm>>
    tpu.wait_dma2 semaphore(%arg12 : memref<!tpu.dma_semaphore, #tpu.memory_space<semaphore_mem>>) src(%dma_wait3A_395 : memref<512xi32, #tpu.memory_space<hbm>>) dst(%arg6 : memref<512xi32, #tpu.memory_space<vmem>>)
    %dma_wait3A_396 = arith.constant 0 : i32
    %dma_wait3A_397 = tpu.memref_slice %arg4[%add3A_363, %dma_wait3A_396] : memref<819200x16xf32, #tpu.memory_space<hbm>> -> memref<512x16xf32, #tpu.memory_space<hbm>>
    %dma_wait3A_398 = arith.constant 0 : i32
    %dma_wait3A_399 = tpu.memref_slice %arg4[%add3A_363, %dma_wait3A_398] : memref<819200x16xf32, #tpu.memory_space<hbm>> -> memref<512x16xf32, #tpu.memory_space<hbm>>
    tpu.wait_dma2 semaphore(%arg18 : memref<!tpu.dma_semaphore, #tpu.memory_space<semaphore_mem>>) src(%arg9 : memref<512x16xf32, #tpu.memory_space<vmem>>) dst(%dma_wait3A_399 : memref<512x16xf32, #tpu.memory_space<hbm>>)
    %dma_start3A_400 = arith.constant 0 : i32
    %dma_start3A_401 = arith.constant 0 : i32
    %dma_start3A_402 = tpu.memref_slice %arg5[%dma_start3A_400, %dma_start3A_401] : memref<100000x16xf32, #tpu.memory_space<vmem_shared>> -> memref<100000x16xf32, #tpu.memory_space<vmem_shared>>
    tpu.enqueue_indirect_dma source(%dma_start3A_402 : memref<100000x16xf32, #tpu.memory_space<vmem_shared>>) target(%arg9 : memref<512x16xf32, #tpu.memory_space<vmem>>) offsets(%arg6 : memref<512xi32, #tpu.memory_space<vmem>>) semaphore(%arg15 : memref<!tpu.dma_semaphore, #tpu.memory_space<semaphore_mem>>)
    %dma_wait3A_403 = arith.constant 0 : i32
    %dma_wait3A_404 = arith.constant 0 : i32
    %dma_wait3A_405 = tpu.memref_slice %arg5[%dma_wait3A_403, %dma_wait3A_404] : memref<100000x16xf32, #tpu.memory_space<vmem_shared>> -> memref<100000x16xf32, #tpu.memory_space<vmem_shared>>
    tpu.wait_indirect_dma semaphore(%arg17 : memref<!tpu.dma_semaphore, #tpu.memory_space<semaphore_mem>>) src(%dma_wait3A_405 : memref<100000x16xf32, #tpu.memory_space<vmem_shared>>) dst(%arg11 : memref<512x16xf32, #tpu.memory_space<vmem>>)
    %add3A_406 = arith.constant 8704 : i32
    %add3A_407 = arith.addi %mul3A_2, %add3A_406 : i32
    %dma_start3A_408 = arith.constant 0 : i32
    %dma_start3A_409 = tpu.memref_slice %arg4[%add3A_407, %dma_start3A_408] : memref<819200x16xf32, #tpu.memory_space<hbm>> -> memref<512x16xf32, #tpu.memory_space<hbm>>
    %dma_start3A_410 = arith.constant 0 : i32
    %dma_start3A_411 = tpu.memref_slice %arg4[%add3A_407, %dma_start3A_410] : memref<819200x16xf32, #tpu.memory_space<hbm>> -> memref<512x16xf32, #tpu.memory_space<hbm>>
    tpu.enqueue_dma source(%arg11 : memref<512x16xf32, #tpu.memory_space<vmem>>) target(%dma_start3A_411 : memref<512x16xf32, #tpu.memory_space<hbm>>) target_semaphore(%arg20 : memref<!tpu.dma_semaphore, #tpu.memory_space<semaphore_mem>>)
    %add3A_412 = arith.constant 10240 : i32
    %add3A_413 = arith.addi %mul3A_2, %add3A_412 : i32
    %dma_start3A_414 = tpu.memref_slice %arg2[%add3A_413] : memref<819200xi32, #tpu.memory_space<hbm>> -> memref<512xi32, #tpu.memory_space<hbm>>
    %dma_start3A_415 = tpu.memref_slice %arg2[%add3A_413] : memref<819200xi32, #tpu.memory_space<hbm>> -> memref<512xi32, #tpu.memory_space<hbm>>
    tpu.enqueue_dma source(%dma_start3A_415 : memref<512xi32, #tpu.memory_space<hbm>>) target(%arg8 : memref<512xi32, #tpu.memory_space<vmem>>) target_semaphore(%arg14 : memref<!tpu.dma_semaphore, #tpu.memory_space<semaphore_mem>>)
    %dma_wait3A_416 = tpu.memref_slice %arg2[%add3A_391] : memref<819200xi32, #tpu.memory_space<hbm>> -> memref<512xi32, #tpu.memory_space<hbm>>
    %dma_wait3A_417 = tpu.memref_slice %arg2[%add3A_391] : memref<819200xi32, #tpu.memory_space<hbm>> -> memref<512xi32, #tpu.memory_space<hbm>>
    tpu.wait_dma2 semaphore(%arg13 : memref<!tpu.dma_semaphore, #tpu.memory_space<semaphore_mem>>) src(%dma_wait3A_417 : memref<512xi32, #tpu.memory_space<hbm>>) dst(%arg7 : memref<512xi32, #tpu.memory_space<vmem>>)
    %dma_wait3A_418 = arith.constant 0 : i32
    %dma_wait3A_419 = tpu.memref_slice %arg4[%add3A_385, %dma_wait3A_418] : memref<819200x16xf32, #tpu.memory_space<hbm>> -> memref<512x16xf32, #tpu.memory_space<hbm>>
    %dma_wait3A_420 = arith.constant 0 : i32
    %dma_wait3A_421 = tpu.memref_slice %arg4[%add3A_385, %dma_wait3A_420] : memref<819200x16xf32, #tpu.memory_space<hbm>> -> memref<512x16xf32, #tpu.memory_space<hbm>>
    tpu.wait_dma2 semaphore(%arg19 : memref<!tpu.dma_semaphore, #tpu.memory_space<semaphore_mem>>) src(%arg10 : memref<512x16xf32, #tpu.memory_space<vmem>>) dst(%dma_wait3A_421 : memref<512x16xf32, #tpu.memory_space<hbm>>)
    %dma_start3A_422 = arith.constant 0 : i32
    %dma_start3A_423 = arith.constant 0 : i32
    %dma_start3A_424 = tpu.memref_slice %arg5[%dma_start3A_422, %dma_start3A_423] : memref<100000x16xf32, #tpu.memory_space<vmem_shared>> -> memref<100000x16xf32, #tpu.memory_space<vmem_shared>>
    tpu.enqueue_indirect_dma source(%dma_start3A_424 : memref<100000x16xf32, #tpu.memory_space<vmem_shared>>) target(%arg10 : memref<512x16xf32, #tpu.memory_space<vmem>>) offsets(%arg7 : memref<512xi32, #tpu.memory_space<vmem>>) semaphore(%arg16 : memref<!tpu.dma_semaphore, #tpu.memory_space<semaphore_mem>>)
    %dma_wait3A_425 = arith.constant 0 : i32
    %dma_wait3A_426 = arith.constant 0 : i32
    %dma_wait3A_427 = tpu.memref_slice %arg5[%dma_wait3A_425, %dma_wait3A_426] : memref<100000x16xf32, #tpu.memory_space<vmem_shared>> -> memref<100000x16xf32, #tpu.memory_space<vmem_shared>>
    tpu.wait_indirect_dma semaphore(%arg15 : memref<!tpu.dma_semaphore, #tpu.memory_space<semaphore_mem>>) src(%dma_wait3A_427 : memref<100000x16xf32, #tpu.memory_space<vmem_shared>>) dst(%arg9 : memref<512x16xf32, #tpu.memory_space<vmem>>)
    %add3A_428 = arith.constant 9216 : i32
    %add3A_429 = arith.addi %mul3A_2, %add3A_428 : i32
    %dma_start3A_430 = arith.constant 0 : i32
    %dma_start3A_431 = tpu.memref_slice %arg4[%add3A_429, %dma_start3A_430] : memref<819200x16xf32, #tpu.memory_space<hbm>> -> memref<512x16xf32, #tpu.memory_space<hbm>>
    %dma_start3A_432 = arith.constant 0 : i32
    %dma_start3A_433 = tpu.memref_slice %arg4[%add3A_429, %dma_start3A_432] : memref<819200x16xf32, #tpu.memory_space<hbm>> -> memref<512x16xf32, #tpu.memory_space<hbm>>
    tpu.enqueue_dma source(%arg9 : memref<512x16xf32, #tpu.memory_space<vmem>>) target(%dma_start3A_433 : memref<512x16xf32, #tpu.memory_space<hbm>>) target_semaphore(%arg18 : memref<!tpu.dma_semaphore, #tpu.memory_space<semaphore_mem>>)
    %add3A_434 = arith.constant 10752 : i32
    %add3A_435 = arith.addi %mul3A_2, %add3A_434 : i32
    %dma_start3A_436 = tpu.memref_slice %arg2[%add3A_435] : memref<819200xi32, #tpu.memory_space<hbm>> -> memref<512xi32, #tpu.memory_space<hbm>>
    %dma_start3A_437 = tpu.memref_slice %arg2[%add3A_435] : memref<819200xi32, #tpu.memory_space<hbm>> -> memref<512xi32, #tpu.memory_space<hbm>>
    tpu.enqueue_dma source(%dma_start3A_437 : memref<512xi32, #tpu.memory_space<hbm>>) target(%arg6 : memref<512xi32, #tpu.memory_space<vmem>>) target_semaphore(%arg12 : memref<!tpu.dma_semaphore, #tpu.memory_space<semaphore_mem>>)
    %dma_wait3A_438 = tpu.memref_slice %arg2[%add3A_413] : memref<819200xi32, #tpu.memory_space<hbm>> -> memref<512xi32, #tpu.memory_space<hbm>>
    %dma_wait3A_439 = tpu.memref_slice %arg2[%add3A_413] : memref<819200xi32, #tpu.memory_space<hbm>> -> memref<512xi32, #tpu.memory_space<hbm>>
    tpu.wait_dma2 semaphore(%arg14 : memref<!tpu.dma_semaphore, #tpu.memory_space<semaphore_mem>>) src(%dma_wait3A_439 : memref<512xi32, #tpu.memory_space<hbm>>) dst(%arg8 : memref<512xi32, #tpu.memory_space<vmem>>)
    %dma_wait3A_440 = arith.constant 0 : i32
    %dma_wait3A_441 = tpu.memref_slice %arg4[%add3A_407, %dma_wait3A_440] : memref<819200x16xf32, #tpu.memory_space<hbm>> -> memref<512x16xf32, #tpu.memory_space<hbm>>
    %dma_wait3A_442 = arith.constant 0 : i32
    %dma_wait3A_443 = tpu.memref_slice %arg4[%add3A_407, %dma_wait3A_442] : memref<819200x16xf32, #tpu.memory_space<hbm>> -> memref<512x16xf32, #tpu.memory_space<hbm>>
    tpu.wait_dma2 semaphore(%arg20 : memref<!tpu.dma_semaphore, #tpu.memory_space<semaphore_mem>>) src(%arg11 : memref<512x16xf32, #tpu.memory_space<vmem>>) dst(%dma_wait3A_443 : memref<512x16xf32, #tpu.memory_space<hbm>>)
    %dma_start3A_444 = arith.constant 0 : i32
    %dma_start3A_445 = arith.constant 0 : i32
    %dma_start3A_446 = tpu.memref_slice %arg5[%dma_start3A_444, %dma_start3A_445] : memref<100000x16xf32, #tpu.memory_space<vmem_shared>> -> memref<100000x16xf32, #tpu.memory_space<vmem_shared>>
    tpu.enqueue_indirect_dma source(%dma_start3A_446 : memref<100000x16xf32, #tpu.memory_space<vmem_shared>>) target(%arg11 : memref<512x16xf32, #tpu.memory_space<vmem>>) offsets(%arg8 : memref<512xi32, #tpu.memory_space<vmem>>) semaphore(%arg17 : memref<!tpu.dma_semaphore, #tpu.memory_space<semaphore_mem>>)
    %dma_wait3A_447 = arith.constant 0 : i32
    %dma_wait3A_448 = arith.constant 0 : i32
    %dma_wait3A_449 = tpu.memref_slice %arg5[%dma_wait3A_447, %dma_wait3A_448] : memref<100000x16xf32, #tpu.memory_space<vmem_shared>> -> memref<100000x16xf32, #tpu.memory_space<vmem_shared>>
    tpu.wait_indirect_dma semaphore(%arg16 : memref<!tpu.dma_semaphore, #tpu.memory_space<semaphore_mem>>) src(%dma_wait3A_449 : memref<100000x16xf32, #tpu.memory_space<vmem_shared>>) dst(%arg10 : memref<512x16xf32, #tpu.memory_space<vmem>>)
    %add3A_450 = arith.constant 9728 : i32
    %add3A_451 = arith.addi %mul3A_2, %add3A_450 : i32
    %dma_start3A_452 = arith.constant 0 : i32
    %dma_start3A_453 = tpu.memref_slice %arg4[%add3A_451, %dma_start3A_452] : memref<819200x16xf32, #tpu.memory_space<hbm>> -> memref<512x16xf32, #tpu.memory_space<hbm>>
    %dma_start3A_454 = arith.constant 0 : i32
    %dma_start3A_455 = tpu.memref_slice %arg4[%add3A_451, %dma_start3A_454] : memref<819200x16xf32, #tpu.memory_space<hbm>> -> memref<512x16xf32, #tpu.memory_space<hbm>>
    tpu.enqueue_dma source(%arg10 : memref<512x16xf32, #tpu.memory_space<vmem>>) target(%dma_start3A_455 : memref<512x16xf32, #tpu.memory_space<hbm>>) target_semaphore(%arg19 : memref<!tpu.dma_semaphore, #tpu.memory_space<semaphore_mem>>)
    %add3A_456 = arith.constant 11264 : i32
    %add3A_457 = arith.addi %mul3A_2, %add3A_456 : i32
    %dma_start3A_458 = tpu.memref_slice %arg2[%add3A_457] : memref<819200xi32, #tpu.memory_space<hbm>> -> memref<512xi32, #tpu.memory_space<hbm>>
    %dma_start3A_459 = tpu.memref_slice %arg2[%add3A_457] : memref<819200xi32, #tpu.memory_space<hbm>> -> memref<512xi32, #tpu.memory_space<hbm>>
    tpu.enqueue_dma source(%dma_start3A_459 : memref<512xi32, #tpu.memory_space<hbm>>) target(%arg7 : memref<512xi32, #tpu.memory_space<vmem>>) target_semaphore(%arg13 : memref<!tpu.dma_semaphore, #tpu.memory_space<semaphore_mem>>)
    %dma_wait3A_460 = tpu.memref_slice %arg2[%add3A_435] : memref<819200xi32, #tpu.memory_space<hbm>> -> memref<512xi32, #tpu.memory_space<hbm>>
    %dma_wait3A_461 = tpu.memref_slice %arg2[%add3A_435] : memref<819200xi32, #tpu.memory_space<hbm>> -> memref<512xi32, #tpu.memory_space<hbm>>
    tpu.wait_dma2 semaphore(%arg12 : memref<!tpu.dma_semaphore, #tpu.memory_space<semaphore_mem>>) src(%dma_wait3A_461 : memref<512xi32, #tpu.memory_space<hbm>>) dst(%arg6 : memref<512xi32, #tpu.memory_space<vmem>>)
    %dma_wait3A_462 = arith.constant 0 : i32
    %dma_wait3A_463 = tpu.memref_slice %arg4[%add3A_429, %dma_wait3A_462] : memref<819200x16xf32, #tpu.memory_space<hbm>> -> memref<512x16xf32, #tpu.memory_space<hbm>>
    %dma_wait3A_464 = arith.constant 0 : i32
    %dma_wait3A_465 = tpu.memref_slice %arg4[%add3A_429, %dma_wait3A_464] : memref<819200x16xf32, #tpu.memory_space<hbm>> -> memref<512x16xf32, #tpu.memory_space<hbm>>
    tpu.wait_dma2 semaphore(%arg18 : memref<!tpu.dma_semaphore, #tpu.memory_space<semaphore_mem>>) src(%arg9 : memref<512x16xf32, #tpu.memory_space<vmem>>) dst(%dma_wait3A_465 : memref<512x16xf32, #tpu.memory_space<hbm>>)
    %dma_start3A_466 = arith.constant 0 : i32
    %dma_start3A_467 = arith.constant 0 : i32
    %dma_start3A_468 = tpu.memref_slice %arg5[%dma_start3A_466, %dma_start3A_467] : memref<100000x16xf32, #tpu.memory_space<vmem_shared>> -> memref<100000x16xf32, #tpu.memory_space<vmem_shared>>
    tpu.enqueue_indirect_dma source(%dma_start3A_468 : memref<100000x16xf32, #tpu.memory_space<vmem_shared>>) target(%arg9 : memref<512x16xf32, #tpu.memory_space<vmem>>) offsets(%arg6 : memref<512xi32, #tpu.memory_space<vmem>>) semaphore(%arg15 : memref<!tpu.dma_semaphore, #tpu.memory_space<semaphore_mem>>)
    %dma_wait3A_469 = arith.constant 0 : i32
    %dma_wait3A_470 = arith.constant 0 : i32
    %dma_wait3A_471 = tpu.memref_slice %arg5[%dma_wait3A_469, %dma_wait3A_470] : memref<100000x16xf32, #tpu.memory_space<vmem_shared>> -> memref<100000x16xf32, #tpu.memory_space<vmem_shared>>
    tpu.wait_indirect_dma semaphore(%arg17 : memref<!tpu.dma_semaphore, #tpu.memory_space<semaphore_mem>>) src(%dma_wait3A_471 : memref<100000x16xf32, #tpu.memory_space<vmem_shared>>) dst(%arg11 : memref<512x16xf32, #tpu.memory_space<vmem>>)
    %add3A_472 = arith.constant 10240 : i32
    %add3A_473 = arith.addi %mul3A_2, %add3A_472 : i32
    %dma_start3A_474 = arith.constant 0 : i32
    %dma_start3A_475 = tpu.memref_slice %arg4[%add3A_473, %dma_start3A_474] : memref<819200x16xf32, #tpu.memory_space<hbm>> -> memref<512x16xf32, #tpu.memory_space<hbm>>
    %dma_start3A_476 = arith.constant 0 : i32
    %dma_start3A_477 = tpu.memref_slice %arg4[%add3A_473, %dma_start3A_476] : memref<819200x16xf32, #tpu.memory_space<hbm>> -> memref<512x16xf32, #tpu.memory_space<hbm>>
    tpu.enqueue_dma source(%arg11 : memref<512x16xf32, #tpu.memory_space<vmem>>) target(%dma_start3A_477 : memref<512x16xf32, #tpu.memory_space<hbm>>) target_semaphore(%arg20 : memref<!tpu.dma_semaphore, #tpu.memory_space<semaphore_mem>>)
    %add3A_478 = arith.constant 11776 : i32
    %add3A_479 = arith.addi %mul3A_2, %add3A_478 : i32
    %dma_start3A_480 = tpu.memref_slice %arg2[%add3A_479] : memref<819200xi32, #tpu.memory_space<hbm>> -> memref<512xi32, #tpu.memory_space<hbm>>
    %dma_start3A_481 = tpu.memref_slice %arg2[%add3A_479] : memref<819200xi32, #tpu.memory_space<hbm>> -> memref<512xi32, #tpu.memory_space<hbm>>
    tpu.enqueue_dma source(%dma_start3A_481 : memref<512xi32, #tpu.memory_space<hbm>>) target(%arg8 : memref<512xi32, #tpu.memory_space<vmem>>) target_semaphore(%arg14 : memref<!tpu.dma_semaphore, #tpu.memory_space<semaphore_mem>>)
    %dma_wait3A_482 = tpu.memref_slice %arg2[%add3A_457] : memref<819200xi32, #tpu.memory_space<hbm>> -> memref<512xi32, #tpu.memory_space<hbm>>
    %dma_wait3A_483 = tpu.memref_slice %arg2[%add3A_457] : memref<819200xi32, #tpu.memory_space<hbm>> -> memref<512xi32, #tpu.memory_space<hbm>>
    tpu.wait_dma2 semaphore(%arg13 : memref<!tpu.dma_semaphore, #tpu.memory_space<semaphore_mem>>) src(%dma_wait3A_483 : memref<512xi32, #tpu.memory_space<hbm>>) dst(%arg7 : memref<512xi32, #tpu.memory_space<vmem>>)
    %dma_wait3A_484 = arith.constant 0 : i32
    %dma_wait3A_485 = tpu.memref_slice %arg4[%add3A_451, %dma_wait3A_484] : memref<819200x16xf32, #tpu.memory_space<hbm>> -> memref<512x16xf32, #tpu.memory_space<hbm>>
    %dma_wait3A_486 = arith.constant 0 : i32
    %dma_wait3A_487 = tpu.memref_slice %arg4[%add3A_451, %dma_wait3A_486] : memref<819200x16xf32, #tpu.memory_space<hbm>> -> memref<512x16xf32, #tpu.memory_space<hbm>>
    tpu.wait_dma2 semaphore(%arg19 : memref<!tpu.dma_semaphore, #tpu.memory_space<semaphore_mem>>) src(%arg10 : memref<512x16xf32, #tpu.memory_space<vmem>>) dst(%dma_wait3A_487 : memref<512x16xf32, #tpu.memory_space<hbm>>)
    %dma_start3A_488 = arith.constant 0 : i32
    %dma_start3A_489 = arith.constant 0 : i32
    %dma_start3A_490 = tpu.memref_slice %arg5[%dma_start3A_488, %dma_start3A_489] : memref<100000x16xf32, #tpu.memory_space<vmem_shared>> -> memref<100000x16xf32, #tpu.memory_space<vmem_shared>>
    tpu.enqueue_indirect_dma source(%dma_start3A_490 : memref<100000x16xf32, #tpu.memory_space<vmem_shared>>) target(%arg10 : memref<512x16xf32, #tpu.memory_space<vmem>>) offsets(%arg7 : memref<512xi32, #tpu.memory_space<vmem>>) semaphore(%arg16 : memref<!tpu.dma_semaphore, #tpu.memory_space<semaphore_mem>>)
    %dma_wait3A_491 = arith.constant 0 : i32
    %dma_wait3A_492 = arith.constant 0 : i32
    %dma_wait3A_493 = tpu.memref_slice %arg5[%dma_wait3A_491, %dma_wait3A_492] : memref<100000x16xf32, #tpu.memory_space<vmem_shared>> -> memref<100000x16xf32, #tpu.memory_space<vmem_shared>>
    tpu.wait_indirect_dma semaphore(%arg15 : memref<!tpu.dma_semaphore, #tpu.memory_space<semaphore_mem>>) src(%dma_wait3A_493 : memref<100000x16xf32, #tpu.memory_space<vmem_shared>>) dst(%arg9 : memref<512x16xf32, #tpu.memory_space<vmem>>)
    %add3A_494 = arith.constant 10752 : i32
    %add3A_495 = arith.addi %mul3A_2, %add3A_494 : i32
    %dma_start3A_496 = arith.constant 0 : i32
    %dma_start3A_497 = tpu.memref_slice %arg4[%add3A_495, %dma_start3A_496] : memref<819200x16xf32, #tpu.memory_space<hbm>> -> memref<512x16xf32, #tpu.memory_space<hbm>>
    %dma_start3A_498 = arith.constant 0 : i32
    %dma_start3A_499 = tpu.memref_slice %arg4[%add3A_495, %dma_start3A_498] : memref<819200x16xf32, #tpu.memory_space<hbm>> -> memref<512x16xf32, #tpu.memory_space<hbm>>
    tpu.enqueue_dma source(%arg9 : memref<512x16xf32, #tpu.memory_space<vmem>>) target(%dma_start3A_499 : memref<512x16xf32, #tpu.memory_space<hbm>>) target_semaphore(%arg18 : memref<!tpu.dma_semaphore, #tpu.memory_space<semaphore_mem>>)
    %add3A_500 = arith.constant 12288 : i32
    %add3A_501 = arith.addi %mul3A_2, %add3A_500 : i32
    %dma_start3A_502 = tpu.memref_slice %arg2[%add3A_501] : memref<819200xi32, #tpu.memory_space<hbm>> -> memref<512xi32, #tpu.memory_space<hbm>>
    %dma_start3A_503 = tpu.memref_slice %arg2[%add3A_501] : memref<819200xi32, #tpu.memory_space<hbm>> -> memref<512xi32, #tpu.memory_space<hbm>>
    tpu.enqueue_dma source(%dma_start3A_503 : memref<512xi32, #tpu.memory_space<hbm>>) target(%arg6 : memref<512xi32, #tpu.memory_space<vmem>>) target_semaphore(%arg12 : memref<!tpu.dma_semaphore, #tpu.memory_space<semaphore_mem>>)
    %dma_wait3A_504 = tpu.memref_slice %arg2[%add3A_479] : memref<819200xi32, #tpu.memory_space<hbm>> -> memref<512xi32, #tpu.memory_space<hbm>>
    %dma_wait3A_505 = tpu.memref_slice %arg2[%add3A_479] : memref<819200xi32, #tpu.memory_space<hbm>> -> memref<512xi32, #tpu.memory_space<hbm>>
    tpu.wait_dma2 semaphore(%arg14 : memref<!tpu.dma_semaphore, #tpu.memory_space<semaphore_mem>>) src(%dma_wait3A_505 : memref<512xi32, #tpu.memory_space<hbm>>) dst(%arg8 : memref<512xi32, #tpu.memory_space<vmem>>)
    %dma_wait3A_506 = arith.constant 0 : i32
    %dma_wait3A_507 = tpu.memref_slice %arg4[%add3A_473, %dma_wait3A_506] : memref<819200x16xf32, #tpu.memory_space<hbm>> -> memref<512x16xf32, #tpu.memory_space<hbm>>
    %dma_wait3A_508 = arith.constant 0 : i32
    %dma_wait3A_509 = tpu.memref_slice %arg4[%add3A_473, %dma_wait3A_508] : memref<819200x16xf32, #tpu.memory_space<hbm>> -> memref<512x16xf32, #tpu.memory_space<hbm>>
    tpu.wait_dma2 semaphore(%arg20 : memref<!tpu.dma_semaphore, #tpu.memory_space<semaphore_mem>>) src(%arg11 : memref<512x16xf32, #tpu.memory_space<vmem>>) dst(%dma_wait3A_509 : memref<512x16xf32, #tpu.memory_space<hbm>>)
    %dma_start3A_510 = arith.constant 0 : i32
    %dma_start3A_511 = arith.constant 0 : i32
    %dma_start3A_512 = tpu.memref_slice %arg5[%dma_start3A_510, %dma_start3A_511] : memref<100000x16xf32, #tpu.memory_space<vmem_shared>> -> memref<100000x16xf32, #tpu.memory_space<vmem_shared>>
    tpu.enqueue_indirect_dma source(%dma_start3A_512 : memref<100000x16xf32, #tpu.memory_space<vmem_shared>>) target(%arg11 : memref<512x16xf32, #tpu.memory_space<vmem>>) offsets(%arg8 : memref<512xi32, #tpu.memory_space<vmem>>) semaphore(%arg17 : memref<!tpu.dma_semaphore, #tpu.memory_space<semaphore_mem>>)
    %dma_wait3A_513 = arith.constant 0 : i32
    %dma_wait3A_514 = arith.constant 0 : i32
    %dma_wait3A_515 = tpu.memref_slice %arg5[%dma_wait3A_513, %dma_wait3A_514] : memref<100000x16xf32, #tpu.memory_space<vmem_shared>> -> memref<100000x16xf32, #tpu.memory_space<vmem_shared>>
    tpu.wait_indirect_dma semaphore(%arg16 : memref<!tpu.dma_semaphore, #tpu.memory_space<semaphore_mem>>) src(%dma_wait3A_515 : memref<100000x16xf32, #tpu.memory_space<vmem_shared>>) dst(%arg10 : memref<512x16xf32, #tpu.memory_space<vmem>>)
    %add3A_516 = arith.constant 11264 : i32
    %add3A_517 = arith.addi %mul3A_2, %add3A_516 : i32
    %dma_start3A_518 = arith.constant 0 : i32
    %dma_start3A_519 = tpu.memref_slice %arg4[%add3A_517, %dma_start3A_518] : memref<819200x16xf32, #tpu.memory_space<hbm>> -> memref<512x16xf32, #tpu.memory_space<hbm>>
    %dma_start3A_520 = arith.constant 0 : i32
    %dma_start3A_521 = tpu.memref_slice %arg4[%add3A_517, %dma_start3A_520] : memref<819200x16xf32, #tpu.memory_space<hbm>> -> memref<512x16xf32, #tpu.memory_space<hbm>>
    tpu.enqueue_dma source(%arg10 : memref<512x16xf32, #tpu.memory_space<vmem>>) target(%dma_start3A_521 : memref<512x16xf32, #tpu.memory_space<hbm>>) target_semaphore(%arg19 : memref<!tpu.dma_semaphore, #tpu.memory_space<semaphore_mem>>)
    %add3A_522 = arith.constant 12800 : i32
    %add3A_523 = arith.addi %mul3A_2, %add3A_522 : i32
    %dma_start3A_524 = tpu.memref_slice %arg2[%add3A_523] : memref<819200xi32, #tpu.memory_space<hbm>> -> memref<512xi32, #tpu.memory_space<hbm>>
    %dma_start3A_525 = tpu.memref_slice %arg2[%add3A_523] : memref<819200xi32, #tpu.memory_space<hbm>> -> memref<512xi32, #tpu.memory_space<hbm>>
    tpu.enqueue_dma source(%dma_start3A_525 : memref<512xi32, #tpu.memory_space<hbm>>) target(%arg7 : memref<512xi32, #tpu.memory_space<vmem>>) target_semaphore(%arg13 : memref<!tpu.dma_semaphore, #tpu.memory_space<semaphore_mem>>)
    %dma_wait3A_526 = tpu.memref_slice %arg2[%add3A_501] : memref<819200xi32, #tpu.memory_space<hbm>> -> memref<512xi32, #tpu.memory_space<hbm>>
    %dma_wait3A_527 = tpu.memref_slice %arg2[%add3A_501] : memref<819200xi32, #tpu.memory_space<hbm>> -> memref<512xi32, #tpu.memory_space<hbm>>
    tpu.wait_dma2 semaphore(%arg12 : memref<!tpu.dma_semaphore, #tpu.memory_space<semaphore_mem>>) src(%dma_wait3A_527 : memref<512xi32, #tpu.memory_space<hbm>>) dst(%arg6 : memref<512xi32, #tpu.memory_space<vmem>>)
    %dma_wait3A_528 = arith.constant 0 : i32
    %dma_wait3A_529 = tpu.memref_slice %arg4[%add3A_495, %dma_wait3A_528] : memref<819200x16xf32, #tpu.memory_space<hbm>> -> memref<512x16xf32, #tpu.memory_space<hbm>>
    %dma_wait3A_530 = arith.constant 0 : i32
    %dma_wait3A_531 = tpu.memref_slice %arg4[%add3A_495, %dma_wait3A_530] : memref<819200x16xf32, #tpu.memory_space<hbm>> -> memref<512x16xf32, #tpu.memory_space<hbm>>
    tpu.wait_dma2 semaphore(%arg18 : memref<!tpu.dma_semaphore, #tpu.memory_space<semaphore_mem>>) src(%arg9 : memref<512x16xf32, #tpu.memory_space<vmem>>) dst(%dma_wait3A_531 : memref<512x16xf32, #tpu.memory_space<hbm>>)
    %dma_start3A_532 = arith.constant 0 : i32
    %dma_start3A_533 = arith.constant 0 : i32
    %dma_start3A_534 = tpu.memref_slice %arg5[%dma_start3A_532, %dma_start3A_533] : memref<100000x16xf32, #tpu.memory_space<vmem_shared>> -> memref<100000x16xf32, #tpu.memory_space<vmem_shared>>
    tpu.enqueue_indirect_dma source(%dma_start3A_534 : memref<100000x16xf32, #tpu.memory_space<vmem_shared>>) target(%arg9 : memref<512x16xf32, #tpu.memory_space<vmem>>) offsets(%arg6 : memref<512xi32, #tpu.memory_space<vmem>>) semaphore(%arg15 : memref<!tpu.dma_semaphore, #tpu.memory_space<semaphore_mem>>)
    %dma_wait3A_535 = arith.constant 0 : i32
    %dma_wait3A_536 = arith.constant 0 : i32
    %dma_wait3A_537 = tpu.memref_slice %arg5[%dma_wait3A_535, %dma_wait3A_536] : memref<100000x16xf32, #tpu.memory_space<vmem_shared>> -> memref<100000x16xf32, #tpu.memory_space<vmem_shared>>
    tpu.wait_indirect_dma semaphore(%arg17 : memref<!tpu.dma_semaphore, #tpu.memory_space<semaphore_mem>>) src(%dma_wait3A_537 : memref<100000x16xf32, #tpu.memory_space<vmem_shared>>) dst(%arg11 : memref<512x16xf32, #tpu.memory_space<vmem>>)
    %add3A_538 = arith.constant 11776 : i32
    %add3A_539 = arith.addi %mul3A_2, %add3A_538 : i32
    %dma_start3A_540 = arith.constant 0 : i32
    %dma_start3A_541 = tpu.memref_slice %arg4[%add3A_539, %dma_start3A_540] : memref<819200x16xf32, #tpu.memory_space<hbm>> -> memref<512x16xf32, #tpu.memory_space<hbm>>
    %dma_start3A_542 = arith.constant 0 : i32
    %dma_start3A_543 = tpu.memref_slice %arg4[%add3A_539, %dma_start3A_542] : memref<819200x16xf32, #tpu.memory_space<hbm>> -> memref<512x16xf32, #tpu.memory_space<hbm>>
    tpu.enqueue_dma source(%arg11 : memref<512x16xf32, #tpu.memory_space<vmem>>) target(%dma_start3A_543 : memref<512x16xf32, #tpu.memory_space<hbm>>) target_semaphore(%arg20 : memref<!tpu.dma_semaphore, #tpu.memory_space<semaphore_mem>>)
    %add3A_544 = arith.constant 13312 : i32
    %add3A_545 = arith.addi %mul3A_2, %add3A_544 : i32
    %dma_start3A_546 = tpu.memref_slice %arg2[%add3A_545] : memref<819200xi32, #tpu.memory_space<hbm>> -> memref<512xi32, #tpu.memory_space<hbm>>
    %dma_start3A_547 = tpu.memref_slice %arg2[%add3A_545] : memref<819200xi32, #tpu.memory_space<hbm>> -> memref<512xi32, #tpu.memory_space<hbm>>
    tpu.enqueue_dma source(%dma_start3A_547 : memref<512xi32, #tpu.memory_space<hbm>>) target(%arg8 : memref<512xi32, #tpu.memory_space<vmem>>) target_semaphore(%arg14 : memref<!tpu.dma_semaphore, #tpu.memory_space<semaphore_mem>>)
    %dma_wait3A_548 = tpu.memref_slice %arg2[%add3A_523] : memref<819200xi32, #tpu.memory_space<hbm>> -> memref<512xi32, #tpu.memory_space<hbm>>
    %dma_wait3A_549 = tpu.memref_slice %arg2[%add3A_523] : memref<819200xi32, #tpu.memory_space<hbm>> -> memref<512xi32, #tpu.memory_space<hbm>>
    tpu.wait_dma2 semaphore(%arg13 : memref<!tpu.dma_semaphore, #tpu.memory_space<semaphore_mem>>) src(%dma_wait3A_549 : memref<512xi32, #tpu.memory_space<hbm>>) dst(%arg7 : memref<512xi32, #tpu.memory_space<vmem>>)
    %dma_wait3A_550 = arith.constant 0 : i32
    %dma_wait3A_551 = tpu.memref_slice %arg4[%add3A_517, %dma_wait3A_550] : memref<819200x16xf32, #tpu.memory_space<hbm>> -> memref<512x16xf32, #tpu.memory_space<hbm>>
    %dma_wait3A_552 = arith.constant 0 : i32
    %dma_wait3A_553 = tpu.memref_slice %arg4[%add3A_517, %dma_wait3A_552] : memref<819200x16xf32, #tpu.memory_space<hbm>> -> memref<512x16xf32, #tpu.memory_space<hbm>>
    tpu.wait_dma2 semaphore(%arg19 : memref<!tpu.dma_semaphore, #tpu.memory_space<semaphore_mem>>) src(%arg10 : memref<512x16xf32, #tpu.memory_space<vmem>>) dst(%dma_wait3A_553 : memref<512x16xf32, #tpu.memory_space<hbm>>)
    %dma_start3A_554 = arith.constant 0 : i32
    %dma_start3A_555 = arith.constant 0 : i32
    %dma_start3A_556 = tpu.memref_slice %arg5[%dma_start3A_554, %dma_start3A_555] : memref<100000x16xf32, #tpu.memory_space<vmem_shared>> -> memref<100000x16xf32, #tpu.memory_space<vmem_shared>>
    tpu.enqueue_indirect_dma source(%dma_start3A_556 : memref<100000x16xf32, #tpu.memory_space<vmem_shared>>) target(%arg10 : memref<512x16xf32, #tpu.memory_space<vmem>>) offsets(%arg7 : memref<512xi32, #tpu.memory_space<vmem>>) semaphore(%arg16 : memref<!tpu.dma_semaphore, #tpu.memory_space<semaphore_mem>>)
    %dma_wait3A_557 = arith.constant 0 : i32
    %dma_wait3A_558 = arith.constant 0 : i32
    %dma_wait3A_559 = tpu.memref_slice %arg5[%dma_wait3A_557, %dma_wait3A_558] : memref<100000x16xf32, #tpu.memory_space<vmem_shared>> -> memref<100000x16xf32, #tpu.memory_space<vmem_shared>>
    tpu.wait_indirect_dma semaphore(%arg15 : memref<!tpu.dma_semaphore, #tpu.memory_space<semaphore_mem>>) src(%dma_wait3A_559 : memref<100000x16xf32, #tpu.memory_space<vmem_shared>>) dst(%arg9 : memref<512x16xf32, #tpu.memory_space<vmem>>)
    %add3A_560 = arith.constant 12288 : i32
    %add3A_561 = arith.addi %mul3A_2, %add3A_560 : i32
    %dma_start3A_562 = arith.constant 0 : i32
    %dma_start3A_563 = tpu.memref_slice %arg4[%add3A_561, %dma_start3A_562] : memref<819200x16xf32, #tpu.memory_space<hbm>> -> memref<512x16xf32, #tpu.memory_space<hbm>>
    %dma_start3A_564 = arith.constant 0 : i32
    %dma_start3A_565 = tpu.memref_slice %arg4[%add3A_561, %dma_start3A_564] : memref<819200x16xf32, #tpu.memory_space<hbm>> -> memref<512x16xf32, #tpu.memory_space<hbm>>
    tpu.enqueue_dma source(%arg9 : memref<512x16xf32, #tpu.memory_space<vmem>>) target(%dma_start3A_565 : memref<512x16xf32, #tpu.memory_space<hbm>>) target_semaphore(%arg18 : memref<!tpu.dma_semaphore, #tpu.memory_space<semaphore_mem>>)
    %add3A_566 = arith.constant 13824 : i32
    %add3A_567 = arith.addi %mul3A_2, %add3A_566 : i32
    %dma_start3A_568 = tpu.memref_slice %arg2[%add3A_567] : memref<819200xi32, #tpu.memory_space<hbm>> -> memref<512xi32, #tpu.memory_space<hbm>>
    %dma_start3A_569 = tpu.memref_slice %arg2[%add3A_567] : memref<819200xi32, #tpu.memory_space<hbm>> -> memref<512xi32, #tpu.memory_space<hbm>>
    tpu.enqueue_dma source(%dma_start3A_569 : memref<512xi32, #tpu.memory_space<hbm>>) target(%arg6 : memref<512xi32, #tpu.memory_space<vmem>>) target_semaphore(%arg12 : memref<!tpu.dma_semaphore, #tpu.memory_space<semaphore_mem>>)
    %dma_wait3A_570 = tpu.memref_slice %arg2[%add3A_545] : memref<819200xi32, #tpu.memory_space<hbm>> -> memref<512xi32, #tpu.memory_space<hbm>>
    %dma_wait3A_571 = tpu.memref_slice %arg2[%add3A_545] : memref<819200xi32, #tpu.memory_space<hbm>> -> memref<512xi32, #tpu.memory_space<hbm>>
    tpu.wait_dma2 semaphore(%arg14 : memref<!tpu.dma_semaphore, #tpu.memory_space<semaphore_mem>>) src(%dma_wait3A_571 : memref<512xi32, #tpu.memory_space<hbm>>) dst(%arg8 : memref<512xi32, #tpu.memory_space<vmem>>)
    %dma_wait3A_572 = arith.constant 0 : i32
    %dma_wait3A_573 = tpu.memref_slice %arg4[%add3A_539, %dma_wait3A_572] : memref<819200x16xf32, #tpu.memory_space<hbm>> -> memref<512x16xf32, #tpu.memory_space<hbm>>
    %dma_wait3A_574 = arith.constant 0 : i32
    %dma_wait3A_575 = tpu.memref_slice %arg4[%add3A_539, %dma_wait3A_574] : memref<819200x16xf32, #tpu.memory_space<hbm>> -> memref<512x16xf32, #tpu.memory_space<hbm>>
    tpu.wait_dma2 semaphore(%arg20 : memref<!tpu.dma_semaphore, #tpu.memory_space<semaphore_mem>>) src(%arg11 : memref<512x16xf32, #tpu.memory_space<vmem>>) dst(%dma_wait3A_575 : memref<512x16xf32, #tpu.memory_space<hbm>>)
    %dma_start3A_576 = arith.constant 0 : i32
    %dma_start3A_577 = arith.constant 0 : i32
    %dma_start3A_578 = tpu.memref_slice %arg5[%dma_start3A_576, %dma_start3A_577] : memref<100000x16xf32, #tpu.memory_space<vmem_shared>> -> memref<100000x16xf32, #tpu.memory_space<vmem_shared>>
    tpu.enqueue_indirect_dma source(%dma_start3A_578 : memref<100000x16xf32, #tpu.memory_space<vmem_shared>>) target(%arg11 : memref<512x16xf32, #tpu.memory_space<vmem>>) offsets(%arg8 : memref<512xi32, #tpu.memory_space<vmem>>) semaphore(%arg17 : memref<!tpu.dma_semaphore, #tpu.memory_space<semaphore_mem>>)
    %dma_wait3A_579 = arith.constant 0 : i32
    %dma_wait3A_580 = arith.constant 0 : i32
    %dma_wait3A_581 = tpu.memref_slice %arg5[%dma_wait3A_579, %dma_wait3A_580] : memref<100000x16xf32, #tpu.memory_space<vmem_shared>> -> memref<100000x16xf32, #tpu.memory_space<vmem_shared>>
    tpu.wait_indirect_dma semaphore(%arg16 : memref<!tpu.dma_semaphore, #tpu.memory_space<semaphore_mem>>) src(%dma_wait3A_581 : memref<100000x16xf32, #tpu.memory_space<vmem_shared>>) dst(%arg10 : memref<512x16xf32, #tpu.memory_space<vmem>>)
    %add3A_582 = arith.constant 12800 : i32
    %add3A_583 = arith.addi %mul3A_2, %add3A_582 : i32
    %dma_start3A_584 = arith.constant 0 : i32
    %dma_start3A_585 = tpu.memref_slice %arg4[%add3A_583, %dma_start3A_584] : memref<819200x16xf32, #tpu.memory_space<hbm>> -> memref<512x16xf32, #tpu.memory_space<hbm>>
    %dma_start3A_586 = arith.constant 0 : i32
    %dma_start3A_587 = tpu.memref_slice %arg4[%add3A_583, %dma_start3A_586] : memref<819200x16xf32, #tpu.memory_space<hbm>> -> memref<512x16xf32, #tpu.memory_space<hbm>>
    tpu.enqueue_dma source(%arg10 : memref<512x16xf32, #tpu.memory_space<vmem>>) target(%dma_start3A_587 : memref<512x16xf32, #tpu.memory_space<hbm>>) target_semaphore(%arg19 : memref<!tpu.dma_semaphore, #tpu.memory_space<semaphore_mem>>)
    %add3A_588 = arith.constant 14336 : i32
    %add3A_589 = arith.addi %mul3A_2, %add3A_588 : i32
    %dma_start3A_590 = tpu.memref_slice %arg2[%add3A_589] : memref<819200xi32, #tpu.memory_space<hbm>> -> memref<512xi32, #tpu.memory_space<hbm>>
    %dma_start3A_591 = tpu.memref_slice %arg2[%add3A_589] : memref<819200xi32, #tpu.memory_space<hbm>> -> memref<512xi32, #tpu.memory_space<hbm>>
    tpu.enqueue_dma source(%dma_start3A_591 : memref<512xi32, #tpu.memory_space<hbm>>) target(%arg7 : memref<512xi32, #tpu.memory_space<vmem>>) target_semaphore(%arg13 : memref<!tpu.dma_semaphore, #tpu.memory_space<semaphore_mem>>)
    %dma_wait3A_592 = tpu.memref_slice %arg2[%add3A_567] : memref<819200xi32, #tpu.memory_space<hbm>> -> memref<512xi32, #tpu.memory_space<hbm>>
    %dma_wait3A_593 = tpu.memref_slice %arg2[%add3A_567] : memref<819200xi32, #tpu.memory_space<hbm>> -> memref<512xi32, #tpu.memory_space<hbm>>
    tpu.wait_dma2 semaphore(%arg12 : memref<!tpu.dma_semaphore, #tpu.memory_space<semaphore_mem>>) src(%dma_wait3A_593 : memref<512xi32, #tpu.memory_space<hbm>>) dst(%arg6 : memref<512xi32, #tpu.memory_space<vmem>>)
    %dma_wait3A_594 = arith.constant 0 : i32
    %dma_wait3A_595 = tpu.memref_slice %arg4[%add3A_561, %dma_wait3A_594] : memref<819200x16xf32, #tpu.memory_space<hbm>> -> memref<512x16xf32, #tpu.memory_space<hbm>>
    %dma_wait3A_596 = arith.constant 0 : i32
    %dma_wait3A_597 = tpu.memref_slice %arg4[%add3A_561, %dma_wait3A_596] : memref<819200x16xf32, #tpu.memory_space<hbm>> -> memref<512x16xf32, #tpu.memory_space<hbm>>
    tpu.wait_dma2 semaphore(%arg18 : memref<!tpu.dma_semaphore, #tpu.memory_space<semaphore_mem>>) src(%arg9 : memref<512x16xf32, #tpu.memory_space<vmem>>) dst(%dma_wait3A_597 : memref<512x16xf32, #tpu.memory_space<hbm>>)
    %dma_start3A_598 = arith.constant 0 : i32
    %dma_start3A_599 = arith.constant 0 : i32
    %dma_start3A_600 = tpu.memref_slice %arg5[%dma_start3A_598, %dma_start3A_599] : memref<100000x16xf32, #tpu.memory_space<vmem_shared>> -> memref<100000x16xf32, #tpu.memory_space<vmem_shared>>
    tpu.enqueue_indirect_dma source(%dma_start3A_600 : memref<100000x16xf32, #tpu.memory_space<vmem_shared>>) target(%arg9 : memref<512x16xf32, #tpu.memory_space<vmem>>) offsets(%arg6 : memref<512xi32, #tpu.memory_space<vmem>>) semaphore(%arg15 : memref<!tpu.dma_semaphore, #tpu.memory_space<semaphore_mem>>)
    %dma_wait3A_601 = arith.constant 0 : i32
    %dma_wait3A_602 = arith.constant 0 : i32
    %dma_wait3A_603 = tpu.memref_slice %arg5[%dma_wait3A_601, %dma_wait3A_602] : memref<100000x16xf32, #tpu.memory_space<vmem_shared>> -> memref<100000x16xf32, #tpu.memory_space<vmem_shared>>
    tpu.wait_indirect_dma semaphore(%arg17 : memref<!tpu.dma_semaphore, #tpu.memory_space<semaphore_mem>>) src(%dma_wait3A_603 : memref<100000x16xf32, #tpu.memory_space<vmem_shared>>) dst(%arg11 : memref<512x16xf32, #tpu.memory_space<vmem>>)
    %add3A_604 = arith.constant 13312 : i32
    %add3A_605 = arith.addi %mul3A_2, %add3A_604 : i32
    %dma_start3A_606 = arith.constant 0 : i32
    %dma_start3A_607 = tpu.memref_slice %arg4[%add3A_605, %dma_start3A_606] : memref<819200x16xf32, #tpu.memory_space<hbm>> -> memref<512x16xf32, #tpu.memory_space<hbm>>
    %dma_start3A_608 = arith.constant 0 : i32
    %dma_start3A_609 = tpu.memref_slice %arg4[%add3A_605, %dma_start3A_608] : memref<819200x16xf32, #tpu.memory_space<hbm>> -> memref<512x16xf32, #tpu.memory_space<hbm>>
    tpu.enqueue_dma source(%arg11 : memref<512x16xf32, #tpu.memory_space<vmem>>) target(%dma_start3A_609 : memref<512x16xf32, #tpu.memory_space<hbm>>) target_semaphore(%arg20 : memref<!tpu.dma_semaphore, #tpu.memory_space<semaphore_mem>>)
    %add3A_610 = arith.constant 14848 : i32
    %add3A_611 = arith.addi %mul3A_2, %add3A_610 : i32
    %dma_start3A_612 = tpu.memref_slice %arg2[%add3A_611] : memref<819200xi32, #tpu.memory_space<hbm>> -> memref<512xi32, #tpu.memory_space<hbm>>
    %dma_start3A_613 = tpu.memref_slice %arg2[%add3A_611] : memref<819200xi32, #tpu.memory_space<hbm>> -> memref<512xi32, #tpu.memory_space<hbm>>
    tpu.enqueue_dma source(%dma_start3A_613 : memref<512xi32, #tpu.memory_space<hbm>>) target(%arg8 : memref<512xi32, #tpu.memory_space<vmem>>) target_semaphore(%arg14 : memref<!tpu.dma_semaphore, #tpu.memory_space<semaphore_mem>>)
    %dma_wait3A_614 = tpu.memref_slice %arg2[%add3A_589] : memref<819200xi32, #tpu.memory_space<hbm>> -> memref<512xi32, #tpu.memory_space<hbm>>
    %dma_wait3A_615 = tpu.memref_slice %arg2[%add3A_589] : memref<819200xi32, #tpu.memory_space<hbm>> -> memref<512xi32, #tpu.memory_space<hbm>>
    tpu.wait_dma2 semaphore(%arg13 : memref<!tpu.dma_semaphore, #tpu.memory_space<semaphore_mem>>) src(%dma_wait3A_615 : memref<512xi32, #tpu.memory_space<hbm>>) dst(%arg7 : memref<512xi32, #tpu.memory_space<vmem>>)
    %dma_wait3A_616 = arith.constant 0 : i32
    %dma_wait3A_617 = tpu.memref_slice %arg4[%add3A_583, %dma_wait3A_616] : memref<819200x16xf32, #tpu.memory_space<hbm>> -> memref<512x16xf32, #tpu.memory_space<hbm>>
    %dma_wait3A_618 = arith.constant 0 : i32
    %dma_wait3A_619 = tpu.memref_slice %arg4[%add3A_583, %dma_wait3A_618] : memref<819200x16xf32, #tpu.memory_space<hbm>> -> memref<512x16xf32, #tpu.memory_space<hbm>>
    tpu.wait_dma2 semaphore(%arg19 : memref<!tpu.dma_semaphore, #tpu.memory_space<semaphore_mem>>) src(%arg10 : memref<512x16xf32, #tpu.memory_space<vmem>>) dst(%dma_wait3A_619 : memref<512x16xf32, #tpu.memory_space<hbm>>)
    %dma_start3A_620 = arith.constant 0 : i32
    %dma_start3A_621 = arith.constant 0 : i32
    %dma_start3A_622 = tpu.memref_slice %arg5[%dma_start3A_620, %dma_start3A_621] : memref<100000x16xf32, #tpu.memory_space<vmem_shared>> -> memref<100000x16xf32, #tpu.memory_space<vmem_shared>>
    tpu.enqueue_indirect_dma source(%dma_start3A_622 : memref<100000x16xf32, #tpu.memory_space<vmem_shared>>) target(%arg10 : memref<512x16xf32, #tpu.memory_space<vmem>>) offsets(%arg7 : memref<512xi32, #tpu.memory_space<vmem>>) semaphore(%arg16 : memref<!tpu.dma_semaphore, #tpu.memory_space<semaphore_mem>>)
    %dma_wait3A_623 = arith.constant 0 : i32
    %dma_wait3A_624 = arith.constant 0 : i32
    %dma_wait3A_625 = tpu.memref_slice %arg5[%dma_wait3A_623, %dma_wait3A_624] : memref<100000x16xf32, #tpu.memory_space<vmem_shared>> -> memref<100000x16xf32, #tpu.memory_space<vmem_shared>>
    tpu.wait_indirect_dma semaphore(%arg15 : memref<!tpu.dma_semaphore, #tpu.memory_space<semaphore_mem>>) src(%dma_wait3A_625 : memref<100000x16xf32, #tpu.memory_space<vmem_shared>>) dst(%arg9 : memref<512x16xf32, #tpu.memory_space<vmem>>)
    %add3A_626 = arith.constant 13824 : i32
    %add3A_627 = arith.addi %mul3A_2, %add3A_626 : i32
    %dma_start3A_628 = arith.constant 0 : i32
    %dma_start3A_629 = tpu.memref_slice %arg4[%add3A_627, %dma_start3A_628] : memref<819200x16xf32, #tpu.memory_space<hbm>> -> memref<512x16xf32, #tpu.memory_space<hbm>>
    %dma_start3A_630 = arith.constant 0 : i32
    %dma_start3A_631 = tpu.memref_slice %arg4[%add3A_627, %dma_start3A_630] : memref<819200x16xf32, #tpu.memory_space<hbm>> -> memref<512x16xf32, #tpu.memory_space<hbm>>
    tpu.enqueue_dma source(%arg9 : memref<512x16xf32, #tpu.memory_space<vmem>>) target(%dma_start3A_631 : memref<512x16xf32, #tpu.memory_space<hbm>>) target_semaphore(%arg18 : memref<!tpu.dma_semaphore, #tpu.memory_space<semaphore_mem>>)
    %add3A_632 = arith.constant 15360 : i32
    %add3A_633 = arith.addi %mul3A_2, %add3A_632 : i32
    %dma_start3A_634 = tpu.memref_slice %arg2[%add3A_633] : memref<819200xi32, #tpu.memory_space<hbm>> -> memref<512xi32, #tpu.memory_space<hbm>>
    %dma_start3A_635 = tpu.memref_slice %arg2[%add3A_633] : memref<819200xi32, #tpu.memory_space<hbm>> -> memref<512xi32, #tpu.memory_space<hbm>>
    tpu.enqueue_dma source(%dma_start3A_635 : memref<512xi32, #tpu.memory_space<hbm>>) target(%arg6 : memref<512xi32, #tpu.memory_space<vmem>>) target_semaphore(%arg12 : memref<!tpu.dma_semaphore, #tpu.memory_space<semaphore_mem>>)
    %dma_wait3A_636 = tpu.memref_slice %arg2[%add3A_611] : memref<819200xi32, #tpu.memory_space<hbm>> -> memref<512xi32, #tpu.memory_space<hbm>>
    %dma_wait3A_637 = tpu.memref_slice %arg2[%add3A_611] : memref<819200xi32, #tpu.memory_space<hbm>> -> memref<512xi32, #tpu.memory_space<hbm>>
    tpu.wait_dma2 semaphore(%arg14 : memref<!tpu.dma_semaphore, #tpu.memory_space<semaphore_mem>>) src(%dma_wait3A_637 : memref<512xi32, #tpu.memory_space<hbm>>) dst(%arg8 : memref<512xi32, #tpu.memory_space<vmem>>)
    %dma_wait3A_638 = arith.constant 0 : i32
    %dma_wait3A_639 = tpu.memref_slice %arg4[%add3A_605, %dma_wait3A_638] : memref<819200x16xf32, #tpu.memory_space<hbm>> -> memref<512x16xf32, #tpu.memory_space<hbm>>
    %dma_wait3A_640 = arith.constant 0 : i32
    %dma_wait3A_641 = tpu.memref_slice %arg4[%add3A_605, %dma_wait3A_640] : memref<819200x16xf32, #tpu.memory_space<hbm>> -> memref<512x16xf32, #tpu.memory_space<hbm>>
    tpu.wait_dma2 semaphore(%arg20 : memref<!tpu.dma_semaphore, #tpu.memory_space<semaphore_mem>>) src(%arg11 : memref<512x16xf32, #tpu.memory_space<vmem>>) dst(%dma_wait3A_641 : memref<512x16xf32, #tpu.memory_space<hbm>>)
    %dma_start3A_642 = arith.constant 0 : i32
    %dma_start3A_643 = arith.constant 0 : i32
    %dma_start3A_644 = tpu.memref_slice %arg5[%dma_start3A_642, %dma_start3A_643] : memref<100000x16xf32, #tpu.memory_space<vmem_shared>> -> memref<100000x16xf32, #tpu.memory_space<vmem_shared>>
    tpu.enqueue_indirect_dma source(%dma_start3A_644 : memref<100000x16xf32, #tpu.memory_space<vmem_shared>>) target(%arg11 : memref<512x16xf32, #tpu.memory_space<vmem>>) offsets(%arg8 : memref<512xi32, #tpu.memory_space<vmem>>) semaphore(%arg17 : memref<!tpu.dma_semaphore, #tpu.memory_space<semaphore_mem>>)
    %dma_wait3A_645 = arith.constant 0 : i32
    %dma_wait3A_646 = arith.constant 0 : i32
    %dma_wait3A_647 = tpu.memref_slice %arg5[%dma_wait3A_645, %dma_wait3A_646] : memref<100000x16xf32, #tpu.memory_space<vmem_shared>> -> memref<100000x16xf32, #tpu.memory_space<vmem_shared>>
    tpu.wait_indirect_dma semaphore(%arg16 : memref<!tpu.dma_semaphore, #tpu.memory_space<semaphore_mem>>) src(%dma_wait3A_647 : memref<100000x16xf32, #tpu.memory_space<vmem_shared>>) dst(%arg10 : memref<512x16xf32, #tpu.memory_space<vmem>>)
    %add3A_648 = arith.constant 14336 : i32
    %add3A_649 = arith.addi %mul3A_2, %add3A_648 : i32
    %dma_start3A_650 = arith.constant 0 : i32
    %dma_start3A_651 = tpu.memref_slice %arg4[%add3A_649, %dma_start3A_650] : memref<819200x16xf32, #tpu.memory_space<hbm>> -> memref<512x16xf32, #tpu.memory_space<hbm>>
    %dma_start3A_652 = arith.constant 0 : i32
    %dma_start3A_653 = tpu.memref_slice %arg4[%add3A_649, %dma_start3A_652] : memref<819200x16xf32, #tpu.memory_space<hbm>> -> memref<512x16xf32, #tpu.memory_space<hbm>>
    tpu.enqueue_dma source(%arg10 : memref<512x16xf32, #tpu.memory_space<vmem>>) target(%dma_start3A_653 : memref<512x16xf32, #tpu.memory_space<hbm>>) target_semaphore(%arg19 : memref<!tpu.dma_semaphore, #tpu.memory_space<semaphore_mem>>)
    %add3A_654 = arith.constant 15872 : i32
    %add3A_655 = arith.addi %mul3A_2, %add3A_654 : i32
    %dma_start3A_656 = tpu.memref_slice %arg2[%add3A_655] : memref<819200xi32, #tpu.memory_space<hbm>> -> memref<512xi32, #tpu.memory_space<hbm>>
    %dma_start3A_657 = tpu.memref_slice %arg2[%add3A_655] : memref<819200xi32, #tpu.memory_space<hbm>> -> memref<512xi32, #tpu.memory_space<hbm>>
    tpu.enqueue_dma source(%dma_start3A_657 : memref<512xi32, #tpu.memory_space<hbm>>) target(%arg7 : memref<512xi32, #tpu.memory_space<vmem>>) target_semaphore(%arg13 : memref<!tpu.dma_semaphore, #tpu.memory_space<semaphore_mem>>)
    %dma_wait3A_658 = tpu.memref_slice %arg2[%add3A_633] : memref<819200xi32, #tpu.memory_space<hbm>> -> memref<512xi32, #tpu.memory_space<hbm>>
    %dma_wait3A_659 = tpu.memref_slice %arg2[%add3A_633] : memref<819200xi32, #tpu.memory_space<hbm>> -> memref<512xi32, #tpu.memory_space<hbm>>
    tpu.wait_dma2 semaphore(%arg12 : memref<!tpu.dma_semaphore, #tpu.memory_space<semaphore_mem>>) src(%dma_wait3A_659 : memref<512xi32, #tpu.memory_space<hbm>>) dst(%arg6 : memref<512xi32, #tpu.memory_space<vmem>>)
    %dma_wait3A_660 = arith.constant 0 : i32
    %dma_wait3A_661 = tpu.memref_slice %arg4[%add3A_627, %dma_wait3A_660] : memref<819200x16xf32, #tpu.memory_space<hbm>> -> memref<512x16xf32, #tpu.memory_space<hbm>>
    %dma_wait3A_662 = arith.constant 0 : i32
    %dma_wait3A_663 = tpu.memref_slice %arg4[%add3A_627, %dma_wait3A_662] : memref<819200x16xf32, #tpu.memory_space<hbm>> -> memref<512x16xf32, #tpu.memory_space<hbm>>
    tpu.wait_dma2 semaphore(%arg18 : memref<!tpu.dma_semaphore, #tpu.memory_space<semaphore_mem>>) src(%arg9 : memref<512x16xf32, #tpu.memory_space<vmem>>) dst(%dma_wait3A_663 : memref<512x16xf32, #tpu.memory_space<hbm>>)
    %dma_start3A_664 = arith.constant 0 : i32
    %dma_start3A_665 = arith.constant 0 : i32
    %dma_start3A_666 = tpu.memref_slice %arg5[%dma_start3A_664, %dma_start3A_665] : memref<100000x16xf32, #tpu.memory_space<vmem_shared>> -> memref<100000x16xf32, #tpu.memory_space<vmem_shared>>
    tpu.enqueue_indirect_dma source(%dma_start3A_666 : memref<100000x16xf32, #tpu.memory_space<vmem_shared>>) target(%arg9 : memref<512x16xf32, #tpu.memory_space<vmem>>) offsets(%arg6 : memref<512xi32, #tpu.memory_space<vmem>>) semaphore(%arg15 : memref<!tpu.dma_semaphore, #tpu.memory_space<semaphore_mem>>)
    %dma_wait3A_667 = arith.constant 0 : i32
    %dma_wait3A_668 = arith.constant 0 : i32
    %dma_wait3A_669 = tpu.memref_slice %arg5[%dma_wait3A_667, %dma_wait3A_668] : memref<100000x16xf32, #tpu.memory_space<vmem_shared>> -> memref<100000x16xf32, #tpu.memory_space<vmem_shared>>
    tpu.wait_indirect_dma semaphore(%arg17 : memref<!tpu.dma_semaphore, #tpu.memory_space<semaphore_mem>>) src(%dma_wait3A_669 : memref<100000x16xf32, #tpu.memory_space<vmem_shared>>) dst(%arg11 : memref<512x16xf32, #tpu.memory_space<vmem>>)
    %add3A_670 = arith.constant 14848 : i32
    %add3A_671 = arith.addi %mul3A_2, %add3A_670 : i32
    %dma_start3A_672 = arith.constant 0 : i32
    %dma_start3A_673 = tpu.memref_slice %arg4[%add3A_671, %dma_start3A_672] : memref<819200x16xf32, #tpu.memory_space<hbm>> -> memref<512x16xf32, #tpu.memory_space<hbm>>
    %dma_start3A_674 = arith.constant 0 : i32
    %dma_start3A_675 = tpu.memref_slice %arg4[%add3A_671, %dma_start3A_674] : memref<819200x16xf32, #tpu.memory_space<hbm>> -> memref<512x16xf32, #tpu.memory_space<hbm>>
    tpu.enqueue_dma source(%arg11 : memref<512x16xf32, #tpu.memory_space<vmem>>) target(%dma_start3A_675 : memref<512x16xf32, #tpu.memory_space<hbm>>) target_semaphore(%arg20 : memref<!tpu.dma_semaphore, #tpu.memory_space<semaphore_mem>>)
    %add3A_676 = arith.constant 16384 : i32
    %add3A_677 = arith.addi %mul3A_2, %add3A_676 : i32
    %dma_start3A_678 = tpu.memref_slice %arg2[%add3A_677] : memref<819200xi32, #tpu.memory_space<hbm>> -> memref<512xi32, #tpu.memory_space<hbm>>
    %dma_start3A_679 = tpu.memref_slice %arg2[%add3A_677] : memref<819200xi32, #tpu.memory_space<hbm>> -> memref<512xi32, #tpu.memory_space<hbm>>
    tpu.enqueue_dma source(%dma_start3A_679 : memref<512xi32, #tpu.memory_space<hbm>>) target(%arg8 : memref<512xi32, #tpu.memory_space<vmem>>) target_semaphore(%arg14 : memref<!tpu.dma_semaphore, #tpu.memory_space<semaphore_mem>>)
    %dma_wait3A_680 = tpu.memref_slice %arg2[%add3A_655] : memref<819200xi32, #tpu.memory_space<hbm>> -> memref<512xi32, #tpu.memory_space<hbm>>
    %dma_wait3A_681 = tpu.memref_slice %arg2[%add3A_655] : memref<819200xi32, #tpu.memory_space<hbm>> -> memref<512xi32, #tpu.memory_space<hbm>>
    tpu.wait_dma2 semaphore(%arg13 : memref<!tpu.dma_semaphore, #tpu.memory_space<semaphore_mem>>) src(%dma_wait3A_681 : memref<512xi32, #tpu.memory_space<hbm>>) dst(%arg7 : memref<512xi32, #tpu.memory_space<vmem>>)
    %dma_wait3A_682 = arith.constant 0 : i32
    %dma_wait3A_683 = tpu.memref_slice %arg4[%add3A_649, %dma_wait3A_682] : memref<819200x16xf32, #tpu.memory_space<hbm>> -> memref<512x16xf32, #tpu.memory_space<hbm>>
    %dma_wait3A_684 = arith.constant 0 : i32
    %dma_wait3A_685 = tpu.memref_slice %arg4[%add3A_649, %dma_wait3A_684] : memref<819200x16xf32, #tpu.memory_space<hbm>> -> memref<512x16xf32, #tpu.memory_space<hbm>>
    tpu.wait_dma2 semaphore(%arg19 : memref<!tpu.dma_semaphore, #tpu.memory_space<semaphore_mem>>) src(%arg10 : memref<512x16xf32, #tpu.memory_space<vmem>>) dst(%dma_wait3A_685 : memref<512x16xf32, #tpu.memory_space<hbm>>)
    %dma_start3A_686 = arith.constant 0 : i32
    %dma_start3A_687 = arith.constant 0 : i32
    %dma_start3A_688 = tpu.memref_slice %arg5[%dma_start3A_686, %dma_start3A_687] : memref<100000x16xf32, #tpu.memory_space<vmem_shared>> -> memref<100000x16xf32, #tpu.memory_space<vmem_shared>>
    tpu.enqueue_indirect_dma source(%dma_start3A_688 : memref<100000x16xf32, #tpu.memory_space<vmem_shared>>) target(%arg10 : memref<512x16xf32, #tpu.memory_space<vmem>>) offsets(%arg7 : memref<512xi32, #tpu.memory_space<vmem>>) semaphore(%arg16 : memref<!tpu.dma_semaphore, #tpu.memory_space<semaphore_mem>>)
    %dma_wait3A_689 = arith.constant 0 : i32
    %dma_wait3A_690 = arith.constant 0 : i32
    %dma_wait3A_691 = tpu.memref_slice %arg5[%dma_wait3A_689, %dma_wait3A_690] : memref<100000x16xf32, #tpu.memory_space<vmem_shared>> -> memref<100000x16xf32, #tpu.memory_space<vmem_shared>>
    tpu.wait_indirect_dma semaphore(%arg15 : memref<!tpu.dma_semaphore, #tpu.memory_space<semaphore_mem>>) src(%dma_wait3A_691 : memref<100000x16xf32, #tpu.memory_space<vmem_shared>>) dst(%arg9 : memref<512x16xf32, #tpu.memory_space<vmem>>)
    %add3A_692 = arith.constant 15360 : i32
    %add3A_693 = arith.addi %mul3A_2, %add3A_692 : i32
    %dma_start3A_694 = arith.constant 0 : i32
    %dma_start3A_695 = tpu.memref_slice %arg4[%add3A_693, %dma_start3A_694] : memref<819200x16xf32, #tpu.memory_space<hbm>> -> memref<512x16xf32, #tpu.memory_space<hbm>>
    %dma_start3A_696 = arith.constant 0 : i32
    %dma_start3A_697 = tpu.memref_slice %arg4[%add3A_693, %dma_start3A_696] : memref<819200x16xf32, #tpu.memory_space<hbm>> -> memref<512x16xf32, #tpu.memory_space<hbm>>
    tpu.enqueue_dma source(%arg9 : memref<512x16xf32, #tpu.memory_space<vmem>>) target(%dma_start3A_697 : memref<512x16xf32, #tpu.memory_space<hbm>>) target_semaphore(%arg18 : memref<!tpu.dma_semaphore, #tpu.memory_space<semaphore_mem>>)
    %add3A_698 = arith.constant 16896 : i32
    %add3A_699 = arith.addi %mul3A_2, %add3A_698 : i32
    %dma_start3A_700 = tpu.memref_slice %arg2[%add3A_699] : memref<819200xi32, #tpu.memory_space<hbm>> -> memref<512xi32, #tpu.memory_space<hbm>>
    %dma_start3A_701 = tpu.memref_slice %arg2[%add3A_699] : memref<819200xi32, #tpu.memory_space<hbm>> -> memref<512xi32, #tpu.memory_space<hbm>>
    tpu.enqueue_dma source(%dma_start3A_701 : memref<512xi32, #tpu.memory_space<hbm>>) target(%arg6 : memref<512xi32, #tpu.memory_space<vmem>>) target_semaphore(%arg12 : memref<!tpu.dma_semaphore, #tpu.memory_space<semaphore_mem>>)
    %dma_wait3A_702 = tpu.memref_slice %arg2[%add3A_677] : memref<819200xi32, #tpu.memory_space<hbm>> -> memref<512xi32, #tpu.memory_space<hbm>>
    %dma_wait3A_703 = tpu.memref_slice %arg2[%add3A_677] : memref<819200xi32, #tpu.memory_space<hbm>> -> memref<512xi32, #tpu.memory_space<hbm>>
    tpu.wait_dma2 semaphore(%arg14 : memref<!tpu.dma_semaphore, #tpu.memory_space<semaphore_mem>>) src(%dma_wait3A_703 : memref<512xi32, #tpu.memory_space<hbm>>) dst(%arg8 : memref<512xi32, #tpu.memory_space<vmem>>)
    %dma_wait3A_704 = arith.constant 0 : i32
    %dma_wait3A_705 = tpu.memref_slice %arg4[%add3A_671, %dma_wait3A_704] : memref<819200x16xf32, #tpu.memory_space<hbm>> -> memref<512x16xf32, #tpu.memory_space<hbm>>
    %dma_wait3A_706 = arith.constant 0 : i32
    %dma_wait3A_707 = tpu.memref_slice %arg4[%add3A_671, %dma_wait3A_706] : memref<819200x16xf32, #tpu.memory_space<hbm>> -> memref<512x16xf32, #tpu.memory_space<hbm>>
    tpu.wait_dma2 semaphore(%arg20 : memref<!tpu.dma_semaphore, #tpu.memory_space<semaphore_mem>>) src(%arg11 : memref<512x16xf32, #tpu.memory_space<vmem>>) dst(%dma_wait3A_707 : memref<512x16xf32, #tpu.memory_space<hbm>>)
    %dma_start3A_708 = arith.constant 0 : i32
    %dma_start3A_709 = arith.constant 0 : i32
    %dma_start3A_710 = tpu.memref_slice %arg5[%dma_start3A_708, %dma_start3A_709] : memref<100000x16xf32, #tpu.memory_space<vmem_shared>> -> memref<100000x16xf32, #tpu.memory_space<vmem_shared>>
    tpu.enqueue_indirect_dma source(%dma_start3A_710 : memref<100000x16xf32, #tpu.memory_space<vmem_shared>>) target(%arg11 : memref<512x16xf32, #tpu.memory_space<vmem>>) offsets(%arg8 : memref<512xi32, #tpu.memory_space<vmem>>) semaphore(%arg17 : memref<!tpu.dma_semaphore, #tpu.memory_space<semaphore_mem>>)
    %dma_wait3A_711 = arith.constant 0 : i32
    %dma_wait3A_712 = arith.constant 0 : i32
    %dma_wait3A_713 = tpu.memref_slice %arg5[%dma_wait3A_711, %dma_wait3A_712] : memref<100000x16xf32, #tpu.memory_space<vmem_shared>> -> memref<100000x16xf32, #tpu.memory_space<vmem_shared>>
    tpu.wait_indirect_dma semaphore(%arg16 : memref<!tpu.dma_semaphore, #tpu.memory_space<semaphore_mem>>) src(%dma_wait3A_713 : memref<100000x16xf32, #tpu.memory_space<vmem_shared>>) dst(%arg10 : memref<512x16xf32, #tpu.memory_space<vmem>>)
    %add3A_714 = arith.constant 15872 : i32
    %add3A_715 = arith.addi %mul3A_2, %add3A_714 : i32
    %dma_start3A_716 = arith.constant 0 : i32
    %dma_start3A_717 = tpu.memref_slice %arg4[%add3A_715, %dma_start3A_716] : memref<819200x16xf32, #tpu.memory_space<hbm>> -> memref<512x16xf32, #tpu.memory_space<hbm>>
    %dma_start3A_718 = arith.constant 0 : i32
    %dma_start3A_719 = tpu.memref_slice %arg4[%add3A_715, %dma_start3A_718] : memref<819200x16xf32, #tpu.memory_space<hbm>> -> memref<512x16xf32, #tpu.memory_space<hbm>>
    tpu.enqueue_dma source(%arg10 : memref<512x16xf32, #tpu.memory_space<vmem>>) target(%dma_start3A_719 : memref<512x16xf32, #tpu.memory_space<hbm>>) target_semaphore(%arg19 : memref<!tpu.dma_semaphore, #tpu.memory_space<semaphore_mem>>)
    %add3A_720 = arith.constant 17408 : i32
    %add3A_721 = arith.addi %mul3A_2, %add3A_720 : i32
    %dma_start3A_722 = tpu.memref_slice %arg2[%add3A_721] : memref<819200xi32, #tpu.memory_space<hbm>> -> memref<512xi32, #tpu.memory_space<hbm>>
    %dma_start3A_723 = tpu.memref_slice %arg2[%add3A_721] : memref<819200xi32, #tpu.memory_space<hbm>> -> memref<512xi32, #tpu.memory_space<hbm>>
    tpu.enqueue_dma source(%dma_start3A_723 : memref<512xi32, #tpu.memory_space<hbm>>) target(%arg7 : memref<512xi32, #tpu.memory_space<vmem>>) target_semaphore(%arg13 : memref<!tpu.dma_semaphore, #tpu.memory_space<semaphore_mem>>)
    %dma_wait3A_724 = tpu.memref_slice %arg2[%add3A_699] : memref<819200xi32, #tpu.memory_space<hbm>> -> memref<512xi32, #tpu.memory_space<hbm>>
    %dma_wait3A_725 = tpu.memref_slice %arg2[%add3A_699] : memref<819200xi32, #tpu.memory_space<hbm>> -> memref<512xi32, #tpu.memory_space<hbm>>
    tpu.wait_dma2 semaphore(%arg12 : memref<!tpu.dma_semaphore, #tpu.memory_space<semaphore_mem>>) src(%dma_wait3A_725 : memref<512xi32, #tpu.memory_space<hbm>>) dst(%arg6 : memref<512xi32, #tpu.memory_space<vmem>>)
    %dma_wait3A_726 = arith.constant 0 : i32
    %dma_wait3A_727 = tpu.memref_slice %arg4[%add3A_693, %dma_wait3A_726] : memref<819200x16xf32, #tpu.memory_space<hbm>> -> memref<512x16xf32, #tpu.memory_space<hbm>>
    %dma_wait3A_728 = arith.constant 0 : i32
    %dma_wait3A_729 = tpu.memref_slice %arg4[%add3A_693, %dma_wait3A_728] : memref<819200x16xf32, #tpu.memory_space<hbm>> -> memref<512x16xf32, #tpu.memory_space<hbm>>
    tpu.wait_dma2 semaphore(%arg18 : memref<!tpu.dma_semaphore, #tpu.memory_space<semaphore_mem>>) src(%arg9 : memref<512x16xf32, #tpu.memory_space<vmem>>) dst(%dma_wait3A_729 : memref<512x16xf32, #tpu.memory_space<hbm>>)
    %dma_start3A_730 = arith.constant 0 : i32
    %dma_start3A_731 = arith.constant 0 : i32
    %dma_start3A_732 = tpu.memref_slice %arg5[%dma_start3A_730, %dma_start3A_731] : memref<100000x16xf32, #tpu.memory_space<vmem_shared>> -> memref<100000x16xf32, #tpu.memory_space<vmem_shared>>
    tpu.enqueue_indirect_dma source(%dma_start3A_732 : memref<100000x16xf32, #tpu.memory_space<vmem_shared>>) target(%arg9 : memref<512x16xf32, #tpu.memory_space<vmem>>) offsets(%arg6 : memref<512xi32, #tpu.memory_space<vmem>>) semaphore(%arg15 : memref<!tpu.dma_semaphore, #tpu.memory_space<semaphore_mem>>)
    %dma_wait3A_733 = arith.constant 0 : i32
    %dma_wait3A_734 = arith.constant 0 : i32
    %dma_wait3A_735 = tpu.memref_slice %arg5[%dma_wait3A_733, %dma_wait3A_734] : memref<100000x16xf32, #tpu.memory_space<vmem_shared>> -> memref<100000x16xf32, #tpu.memory_space<vmem_shared>>
    tpu.wait_indirect_dma semaphore(%arg17 : memref<!tpu.dma_semaphore, #tpu.memory_space<semaphore_mem>>) src(%dma_wait3A_735 : memref<100000x16xf32, #tpu.memory_space<vmem_shared>>) dst(%arg11 : memref<512x16xf32, #tpu.memory_space<vmem>>)
    %add3A_736 = arith.constant 16384 : i32
    %add3A_737 = arith.addi %mul3A_2, %add3A_736 : i32
    %dma_start3A_738 = arith.constant 0 : i32
    %dma_start3A_739 = tpu.memref_slice %arg4[%add3A_737, %dma_start3A_738] : memref<819200x16xf32, #tpu.memory_space<hbm>> -> memref<512x16xf32, #tpu.memory_space<hbm>>
    %dma_start3A_740 = arith.constant 0 : i32
    %dma_start3A_741 = tpu.memref_slice %arg4[%add3A_737, %dma_start3A_740] : memref<819200x16xf32, #tpu.memory_space<hbm>> -> memref<512x16xf32, #tpu.memory_space<hbm>>
    tpu.enqueue_dma source(%arg11 : memref<512x16xf32, #tpu.memory_space<vmem>>) target(%dma_start3A_741 : memref<512x16xf32, #tpu.memory_space<hbm>>) target_semaphore(%arg20 : memref<!tpu.dma_semaphore, #tpu.memory_space<semaphore_mem>>)
    %add3A_742 = arith.constant 17920 : i32
    %add3A_743 = arith.addi %mul3A_2, %add3A_742 : i32
    %dma_start3A_744 = tpu.memref_slice %arg2[%add3A_743] : memref<819200xi32, #tpu.memory_space<hbm>> -> memref<512xi32, #tpu.memory_space<hbm>>
    %dma_start3A_745 = tpu.memref_slice %arg2[%add3A_743] : memref<819200xi32, #tpu.memory_space<hbm>> -> memref<512xi32, #tpu.memory_space<hbm>>
    tpu.enqueue_dma source(%dma_start3A_745 : memref<512xi32, #tpu.memory_space<hbm>>) target(%arg8 : memref<512xi32, #tpu.memory_space<vmem>>) target_semaphore(%arg14 : memref<!tpu.dma_semaphore, #tpu.memory_space<semaphore_mem>>)
    %dma_wait3A_746 = tpu.memref_slice %arg2[%add3A_721] : memref<819200xi32, #tpu.memory_space<hbm>> -> memref<512xi32, #tpu.memory_space<hbm>>
    %dma_wait3A_747 = tpu.memref_slice %arg2[%add3A_721] : memref<819200xi32, #tpu.memory_space<hbm>> -> memref<512xi32, #tpu.memory_space<hbm>>
    tpu.wait_dma2 semaphore(%arg13 : memref<!tpu.dma_semaphore, #tpu.memory_space<semaphore_mem>>) src(%dma_wait3A_747 : memref<512xi32, #tpu.memory_space<hbm>>) dst(%arg7 : memref<512xi32, #tpu.memory_space<vmem>>)
    %dma_wait3A_748 = arith.constant 0 : i32
    %dma_wait3A_749 = tpu.memref_slice %arg4[%add3A_715, %dma_wait3A_748] : memref<819200x16xf32, #tpu.memory_space<hbm>> -> memref<512x16xf32, #tpu.memory_space<hbm>>
    %dma_wait3A_750 = arith.constant 0 : i32
    %dma_wait3A_751 = tpu.memref_slice %arg4[%add3A_715, %dma_wait3A_750] : memref<819200x16xf32, #tpu.memory_space<hbm>> -> memref<512x16xf32, #tpu.memory_space<hbm>>
    tpu.wait_dma2 semaphore(%arg19 : memref<!tpu.dma_semaphore, #tpu.memory_space<semaphore_mem>>) src(%arg10 : memref<512x16xf32, #tpu.memory_space<vmem>>) dst(%dma_wait3A_751 : memref<512x16xf32, #tpu.memory_space<hbm>>)
    %dma_start3A_752 = arith.constant 0 : i32
    %dma_start3A_753 = arith.constant 0 : i32
    %dma_start3A_754 = tpu.memref_slice %arg5[%dma_start3A_752, %dma_start3A_753] : memref<100000x16xf32, #tpu.memory_space<vmem_shared>> -> memref<100000x16xf32, #tpu.memory_space<vmem_shared>>
    tpu.enqueue_indirect_dma source(%dma_start3A_754 : memref<100000x16xf32, #tpu.memory_space<vmem_shared>>) target(%arg10 : memref<512x16xf32, #tpu.memory_space<vmem>>) offsets(%arg7 : memref<512xi32, #tpu.memory_space<vmem>>) semaphore(%arg16 : memref<!tpu.dma_semaphore, #tpu.memory_space<semaphore_mem>>)
    %dma_wait3A_755 = arith.constant 0 : i32
    %dma_wait3A_756 = arith.constant 0 : i32
    %dma_wait3A_757 = tpu.memref_slice %arg5[%dma_wait3A_755, %dma_wait3A_756] : memref<100000x16xf32, #tpu.memory_space<vmem_shared>> -> memref<100000x16xf32, #tpu.memory_space<vmem_shared>>
    tpu.wait_indirect_dma semaphore(%arg15 : memref<!tpu.dma_semaphore, #tpu.memory_space<semaphore_mem>>) src(%dma_wait3A_757 : memref<100000x16xf32, #tpu.memory_space<vmem_shared>>) dst(%arg9 : memref<512x16xf32, #tpu.memory_space<vmem>>)
    %add3A_758 = arith.constant 16896 : i32
    %add3A_759 = arith.addi %mul3A_2, %add3A_758 : i32
    %dma_start3A_760 = arith.constant 0 : i32
    %dma_start3A_761 = tpu.memref_slice %arg4[%add3A_759, %dma_start3A_760] : memref<819200x16xf32, #tpu.memory_space<hbm>> -> memref<512x16xf32, #tpu.memory_space<hbm>>
    %dma_start3A_762 = arith.constant 0 : i32
    %dma_start3A_763 = tpu.memref_slice %arg4[%add3A_759, %dma_start3A_762] : memref<819200x16xf32, #tpu.memory_space<hbm>> -> memref<512x16xf32, #tpu.memory_space<hbm>>
    tpu.enqueue_dma source(%arg9 : memref<512x16xf32, #tpu.memory_space<vmem>>) target(%dma_start3A_763 : memref<512x16xf32, #tpu.memory_space<hbm>>) target_semaphore(%arg18 : memref<!tpu.dma_semaphore, #tpu.memory_space<semaphore_mem>>)
    %add3A_764 = arith.constant 18432 : i32
    %add3A_765 = arith.addi %mul3A_2, %add3A_764 : i32
    %dma_start3A_766 = tpu.memref_slice %arg2[%add3A_765] : memref<819200xi32, #tpu.memory_space<hbm>> -> memref<512xi32, #tpu.memory_space<hbm>>
    %dma_start3A_767 = tpu.memref_slice %arg2[%add3A_765] : memref<819200xi32, #tpu.memory_space<hbm>> -> memref<512xi32, #tpu.memory_space<hbm>>
    tpu.enqueue_dma source(%dma_start3A_767 : memref<512xi32, #tpu.memory_space<hbm>>) target(%arg6 : memref<512xi32, #tpu.memory_space<vmem>>) target_semaphore(%arg12 : memref<!tpu.dma_semaphore, #tpu.memory_space<semaphore_mem>>)
    %dma_wait3A_768 = tpu.memref_slice %arg2[%add3A_743] : memref<819200xi32, #tpu.memory_space<hbm>> -> memref<512xi32, #tpu.memory_space<hbm>>
    %dma_wait3A_769 = tpu.memref_slice %arg2[%add3A_743] : memref<819200xi32, #tpu.memory_space<hbm>> -> memref<512xi32, #tpu.memory_space<hbm>>
    tpu.wait_dma2 semaphore(%arg14 : memref<!tpu.dma_semaphore, #tpu.memory_space<semaphore_mem>>) src(%dma_wait3A_769 : memref<512xi32, #tpu.memory_space<hbm>>) dst(%arg8 : memref<512xi32, #tpu.memory_space<vmem>>)
    %dma_wait3A_770 = arith.constant 0 : i32
    %dma_wait3A_771 = tpu.memref_slice %arg4[%add3A_737, %dma_wait3A_770] : memref<819200x16xf32, #tpu.memory_space<hbm>> -> memref<512x16xf32, #tpu.memory_space<hbm>>
    %dma_wait3A_772 = arith.constant 0 : i32
    %dma_wait3A_773 = tpu.memref_slice %arg4[%add3A_737, %dma_wait3A_772] : memref<819200x16xf32, #tpu.memory_space<hbm>> -> memref<512x16xf32, #tpu.memory_space<hbm>>
    tpu.wait_dma2 semaphore(%arg20 : memref<!tpu.dma_semaphore, #tpu.memory_space<semaphore_mem>>) src(%arg11 : memref<512x16xf32, #tpu.memory_space<vmem>>) dst(%dma_wait3A_773 : memref<512x16xf32, #tpu.memory_space<hbm>>)
    %dma_start3A_774 = arith.constant 0 : i32
    %dma_start3A_775 = arith.constant 0 : i32
    %dma_start3A_776 = tpu.memref_slice %arg5[%dma_start3A_774, %dma_start3A_775] : memref<100000x16xf32, #tpu.memory_space<vmem_shared>> -> memref<100000x16xf32, #tpu.memory_space<vmem_shared>>
    tpu.enqueue_indirect_dma source(%dma_start3A_776 : memref<100000x16xf32, #tpu.memory_space<vmem_shared>>) target(%arg11 : memref<512x16xf32, #tpu.memory_space<vmem>>) offsets(%arg8 : memref<512xi32, #tpu.memory_space<vmem>>) semaphore(%arg17 : memref<!tpu.dma_semaphore, #tpu.memory_space<semaphore_mem>>)
    %dma_wait3A_777 = arith.constant 0 : i32
    %dma_wait3A_778 = arith.constant 0 : i32
    %dma_wait3A_779 = tpu.memref_slice %arg5[%dma_wait3A_777, %dma_wait3A_778] : memref<100000x16xf32, #tpu.memory_space<vmem_shared>> -> memref<100000x16xf32, #tpu.memory_space<vmem_shared>>
    tpu.wait_indirect_dma semaphore(%arg16 : memref<!tpu.dma_semaphore, #tpu.memory_space<semaphore_mem>>) src(%dma_wait3A_779 : memref<100000x16xf32, #tpu.memory_space<vmem_shared>>) dst(%arg10 : memref<512x16xf32, #tpu.memory_space<vmem>>)
    %add3A_780 = arith.constant 17408 : i32
    %add3A_781 = arith.addi %mul3A_2, %add3A_780 : i32
    %dma_start3A_782 = arith.constant 0 : i32
    %dma_start3A_783 = tpu.memref_slice %arg4[%add3A_781, %dma_start3A_782] : memref<819200x16xf32, #tpu.memory_space<hbm>> -> memref<512x16xf32, #tpu.memory_space<hbm>>
    %dma_start3A_784 = arith.constant 0 : i32
    %dma_start3A_785 = tpu.memref_slice %arg4[%add3A_781, %dma_start3A_784] : memref<819200x16xf32, #tpu.memory_space<hbm>> -> memref<512x16xf32, #tpu.memory_space<hbm>>
    tpu.enqueue_dma source(%arg10 : memref<512x16xf32, #tpu.memory_space<vmem>>) target(%dma_start3A_785 : memref<512x16xf32, #tpu.memory_space<hbm>>) target_semaphore(%arg19 : memref<!tpu.dma_semaphore, #tpu.memory_space<semaphore_mem>>)
    %add3A_786 = arith.constant 18944 : i32
    %add3A_787 = arith.addi %mul3A_2, %add3A_786 : i32
    %dma_start3A_788 = tpu.memref_slice %arg2[%add3A_787] : memref<819200xi32, #tpu.memory_space<hbm>> -> memref<512xi32, #tpu.memory_space<hbm>>
    %dma_start3A_789 = tpu.memref_slice %arg2[%add3A_787] : memref<819200xi32, #tpu.memory_space<hbm>> -> memref<512xi32, #tpu.memory_space<hbm>>
    tpu.enqueue_dma source(%dma_start3A_789 : memref<512xi32, #tpu.memory_space<hbm>>) target(%arg7 : memref<512xi32, #tpu.memory_space<vmem>>) target_semaphore(%arg13 : memref<!tpu.dma_semaphore, #tpu.memory_space<semaphore_mem>>)
    %dma_wait3A_790 = tpu.memref_slice %arg2[%add3A_765] : memref<819200xi32, #tpu.memory_space<hbm>> -> memref<512xi32, #tpu.memory_space<hbm>>
    %dma_wait3A_791 = tpu.memref_slice %arg2[%add3A_765] : memref<819200xi32, #tpu.memory_space<hbm>> -> memref<512xi32, #tpu.memory_space<hbm>>
    tpu.wait_dma2 semaphore(%arg12 : memref<!tpu.dma_semaphore, #tpu.memory_space<semaphore_mem>>) src(%dma_wait3A_791 : memref<512xi32, #tpu.memory_space<hbm>>) dst(%arg6 : memref<512xi32, #tpu.memory_space<vmem>>)
    %dma_wait3A_792 = arith.constant 0 : i32
    %dma_wait3A_793 = tpu.memref_slice %arg4[%add3A_759, %dma_wait3A_792] : memref<819200x16xf32, #tpu.memory_space<hbm>> -> memref<512x16xf32, #tpu.memory_space<hbm>>
    %dma_wait3A_794 = arith.constant 0 : i32
    %dma_wait3A_795 = tpu.memref_slice %arg4[%add3A_759, %dma_wait3A_794] : memref<819200x16xf32, #tpu.memory_space<hbm>> -> memref<512x16xf32, #tpu.memory_space<hbm>>
    tpu.wait_dma2 semaphore(%arg18 : memref<!tpu.dma_semaphore, #tpu.memory_space<semaphore_mem>>) src(%arg9 : memref<512x16xf32, #tpu.memory_space<vmem>>) dst(%dma_wait3A_795 : memref<512x16xf32, #tpu.memory_space<hbm>>)
    %dma_start3A_796 = arith.constant 0 : i32
    %dma_start3A_797 = arith.constant 0 : i32
    %dma_start3A_798 = tpu.memref_slice %arg5[%dma_start3A_796, %dma_start3A_797] : memref<100000x16xf32, #tpu.memory_space<vmem_shared>> -> memref<100000x16xf32, #tpu.memory_space<vmem_shared>>
    tpu.enqueue_indirect_dma source(%dma_start3A_798 : memref<100000x16xf32, #tpu.memory_space<vmem_shared>>) target(%arg9 : memref<512x16xf32, #tpu.memory_space<vmem>>) offsets(%arg6 : memref<512xi32, #tpu.memory_space<vmem>>) semaphore(%arg15 : memref<!tpu.dma_semaphore, #tpu.memory_space<semaphore_mem>>)
    %dma_wait3A_799 = arith.constant 0 : i32
    %dma_wait3A_800 = arith.constant 0 : i32
    %dma_wait3A_801 = tpu.memref_slice %arg5[%dma_wait3A_799, %dma_wait3A_800] : memref<100000x16xf32, #tpu.memory_space<vmem_shared>> -> memref<100000x16xf32, #tpu.memory_space<vmem_shared>>
    tpu.wait_indirect_dma semaphore(%arg17 : memref<!tpu.dma_semaphore, #tpu.memory_space<semaphore_mem>>) src(%dma_wait3A_801 : memref<100000x16xf32, #tpu.memory_space<vmem_shared>>) dst(%arg11 : memref<512x16xf32, #tpu.memory_space<vmem>>)
    %add3A_802 = arith.constant 17920 : i32
    %add3A_803 = arith.addi %mul3A_2, %add3A_802 : i32
    %dma_start3A_804 = arith.constant 0 : i32
    %dma_start3A_805 = tpu.memref_slice %arg4[%add3A_803, %dma_start3A_804] : memref<819200x16xf32, #tpu.memory_space<hbm>> -> memref<512x16xf32, #tpu.memory_space<hbm>>
    %dma_start3A_806 = arith.constant 0 : i32
    %dma_start3A_807 = tpu.memref_slice %arg4[%add3A_803, %dma_start3A_806] : memref<819200x16xf32, #tpu.memory_space<hbm>> -> memref<512x16xf32, #tpu.memory_space<hbm>>
    tpu.enqueue_dma source(%arg11 : memref<512x16xf32, #tpu.memory_space<vmem>>) target(%dma_start3A_807 : memref<512x16xf32, #tpu.memory_space<hbm>>) target_semaphore(%arg20 : memref<!tpu.dma_semaphore, #tpu.memory_space<semaphore_mem>>)
    %add3A_808 = arith.constant 19456 : i32
    %add3A_809 = arith.addi %mul3A_2, %add3A_808 : i32
    %dma_start3A_810 = tpu.memref_slice %arg2[%add3A_809] : memref<819200xi32, #tpu.memory_space<hbm>> -> memref<512xi32, #tpu.memory_space<hbm>>
    %dma_start3A_811 = tpu.memref_slice %arg2[%add3A_809] : memref<819200xi32, #tpu.memory_space<hbm>> -> memref<512xi32, #tpu.memory_space<hbm>>
    tpu.enqueue_dma source(%dma_start3A_811 : memref<512xi32, #tpu.memory_space<hbm>>) target(%arg8 : memref<512xi32, #tpu.memory_space<vmem>>) target_semaphore(%arg14 : memref<!tpu.dma_semaphore, #tpu.memory_space<semaphore_mem>>)
    %dma_wait3A_812 = tpu.memref_slice %arg2[%add3A_787] : memref<819200xi32, #tpu.memory_space<hbm>> -> memref<512xi32, #tpu.memory_space<hbm>>
    %dma_wait3A_813 = tpu.memref_slice %arg2[%add3A_787] : memref<819200xi32, #tpu.memory_space<hbm>> -> memref<512xi32, #tpu.memory_space<hbm>>
    tpu.wait_dma2 semaphore(%arg13 : memref<!tpu.dma_semaphore, #tpu.memory_space<semaphore_mem>>) src(%dma_wait3A_813 : memref<512xi32, #tpu.memory_space<hbm>>) dst(%arg7 : memref<512xi32, #tpu.memory_space<vmem>>)
    %dma_wait3A_814 = arith.constant 0 : i32
    %dma_wait3A_815 = tpu.memref_slice %arg4[%add3A_781, %dma_wait3A_814] : memref<819200x16xf32, #tpu.memory_space<hbm>> -> memref<512x16xf32, #tpu.memory_space<hbm>>
    %dma_wait3A_816 = arith.constant 0 : i32
    %dma_wait3A_817 = tpu.memref_slice %arg4[%add3A_781, %dma_wait3A_816] : memref<819200x16xf32, #tpu.memory_space<hbm>> -> memref<512x16xf32, #tpu.memory_space<hbm>>
    tpu.wait_dma2 semaphore(%arg19 : memref<!tpu.dma_semaphore, #tpu.memory_space<semaphore_mem>>) src(%arg10 : memref<512x16xf32, #tpu.memory_space<vmem>>) dst(%dma_wait3A_817 : memref<512x16xf32, #tpu.memory_space<hbm>>)
    %dma_start3A_818 = arith.constant 0 : i32
    %dma_start3A_819 = arith.constant 0 : i32
    %dma_start3A_820 = tpu.memref_slice %arg5[%dma_start3A_818, %dma_start3A_819] : memref<100000x16xf32, #tpu.memory_space<vmem_shared>> -> memref<100000x16xf32, #tpu.memory_space<vmem_shared>>
    tpu.enqueue_indirect_dma source(%dma_start3A_820 : memref<100000x16xf32, #tpu.memory_space<vmem_shared>>) target(%arg10 : memref<512x16xf32, #tpu.memory_space<vmem>>) offsets(%arg7 : memref<512xi32, #tpu.memory_space<vmem>>) semaphore(%arg16 : memref<!tpu.dma_semaphore, #tpu.memory_space<semaphore_mem>>)
    %dma_wait3A_821 = arith.constant 0 : i32
    %dma_wait3A_822 = arith.constant 0 : i32
    %dma_wait3A_823 = tpu.memref_slice %arg5[%dma_wait3A_821, %dma_wait3A_822] : memref<100000x16xf32, #tpu.memory_space<vmem_shared>> -> memref<100000x16xf32, #tpu.memory_space<vmem_shared>>
    tpu.wait_indirect_dma semaphore(%arg15 : memref<!tpu.dma_semaphore, #tpu.memory_space<semaphore_mem>>) src(%dma_wait3A_823 : memref<100000x16xf32, #tpu.memory_space<vmem_shared>>) dst(%arg9 : memref<512x16xf32, #tpu.memory_space<vmem>>)
    %add3A_824 = arith.constant 18432 : i32
    %add3A_825 = arith.addi %mul3A_2, %add3A_824 : i32
    %dma_start3A_826 = arith.constant 0 : i32
    %dma_start3A_827 = tpu.memref_slice %arg4[%add3A_825, %dma_start3A_826] : memref<819200x16xf32, #tpu.memory_space<hbm>> -> memref<512x16xf32, #tpu.memory_space<hbm>>
    %dma_start3A_828 = arith.constant 0 : i32
    %dma_start3A_829 = tpu.memref_slice %arg4[%add3A_825, %dma_start3A_828] : memref<819200x16xf32, #tpu.memory_space<hbm>> -> memref<512x16xf32, #tpu.memory_space<hbm>>
    tpu.enqueue_dma source(%arg9 : memref<512x16xf32, #tpu.memory_space<vmem>>) target(%dma_start3A_829 : memref<512x16xf32, #tpu.memory_space<hbm>>) target_semaphore(%arg18 : memref<!tpu.dma_semaphore, #tpu.memory_space<semaphore_mem>>)
    %add3A_830 = arith.constant 19968 : i32
    %add3A_831 = arith.addi %mul3A_2, %add3A_830 : i32
    %dma_start3A_832 = tpu.memref_slice %arg2[%add3A_831] : memref<819200xi32, #tpu.memory_space<hbm>> -> memref<512xi32, #tpu.memory_space<hbm>>
    %dma_start3A_833 = tpu.memref_slice %arg2[%add3A_831] : memref<819200xi32, #tpu.memory_space<hbm>> -> memref<512xi32, #tpu.memory_space<hbm>>
    tpu.enqueue_dma source(%dma_start3A_833 : memref<512xi32, #tpu.memory_space<hbm>>) target(%arg6 : memref<512xi32, #tpu.memory_space<vmem>>) target_semaphore(%arg12 : memref<!tpu.dma_semaphore, #tpu.memory_space<semaphore_mem>>)
    %dma_wait3A_834 = tpu.memref_slice %arg2[%add3A_809] : memref<819200xi32, #tpu.memory_space<hbm>> -> memref<512xi32, #tpu.memory_space<hbm>>
    %dma_wait3A_835 = tpu.memref_slice %arg2[%add3A_809] : memref<819200xi32, #tpu.memory_space<hbm>> -> memref<512xi32, #tpu.memory_space<hbm>>
    tpu.wait_dma2 semaphore(%arg14 : memref<!tpu.dma_semaphore, #tpu.memory_space<semaphore_mem>>) src(%dma_wait3A_835 : memref<512xi32, #tpu.memory_space<hbm>>) dst(%arg8 : memref<512xi32, #tpu.memory_space<vmem>>)
    %dma_wait3A_836 = arith.constant 0 : i32
    %dma_wait3A_837 = tpu.memref_slice %arg4[%add3A_803, %dma_wait3A_836] : memref<819200x16xf32, #tpu.memory_space<hbm>> -> memref<512x16xf32, #tpu.memory_space<hbm>>
    %dma_wait3A_838 = arith.constant 0 : i32
    %dma_wait3A_839 = tpu.memref_slice %arg4[%add3A_803, %dma_wait3A_838] : memref<819200x16xf32, #tpu.memory_space<hbm>> -> memref<512x16xf32, #tpu.memory_space<hbm>>
    tpu.wait_dma2 semaphore(%arg20 : memref<!tpu.dma_semaphore, #tpu.memory_space<semaphore_mem>>) src(%arg11 : memref<512x16xf32, #tpu.memory_space<vmem>>) dst(%dma_wait3A_839 : memref<512x16xf32, #tpu.memory_space<hbm>>)
    %dma_start3A_840 = arith.constant 0 : i32
    %dma_start3A_841 = arith.constant 0 : i32
    %dma_start3A_842 = tpu.memref_slice %arg5[%dma_start3A_840, %dma_start3A_841] : memref<100000x16xf32, #tpu.memory_space<vmem_shared>> -> memref<100000x16xf32, #tpu.memory_space<vmem_shared>>
    tpu.enqueue_indirect_dma source(%dma_start3A_842 : memref<100000x16xf32, #tpu.memory_space<vmem_shared>>) target(%arg11 : memref<512x16xf32, #tpu.memory_space<vmem>>) offsets(%arg8 : memref<512xi32, #tpu.memory_space<vmem>>) semaphore(%arg17 : memref<!tpu.dma_semaphore, #tpu.memory_space<semaphore_mem>>)
    %dma_wait3A_843 = arith.constant 0 : i32
    %dma_wait3A_844 = arith.constant 0 : i32
    %dma_wait3A_845 = tpu.memref_slice %arg5[%dma_wait3A_843, %dma_wait3A_844] : memref<100000x16xf32, #tpu.memory_space<vmem_shared>> -> memref<100000x16xf32, #tpu.memory_space<vmem_shared>>
    tpu.wait_indirect_dma semaphore(%arg16 : memref<!tpu.dma_semaphore, #tpu.memory_space<semaphore_mem>>) src(%dma_wait3A_845 : memref<100000x16xf32, #tpu.memory_space<vmem_shared>>) dst(%arg10 : memref<512x16xf32, #tpu.memory_space<vmem>>)
    %add3A_846 = arith.constant 18944 : i32
    %add3A_847 = arith.addi %mul3A_2, %add3A_846 : i32
    %dma_start3A_848 = arith.constant 0 : i32
    %dma_start3A_849 = tpu.memref_slice %arg4[%add3A_847, %dma_start3A_848] : memref<819200x16xf32, #tpu.memory_space<hbm>> -> memref<512x16xf32, #tpu.memory_space<hbm>>
    %dma_start3A_850 = arith.constant 0 : i32
    %dma_start3A_851 = tpu.memref_slice %arg4[%add3A_847, %dma_start3A_850] : memref<819200x16xf32, #tpu.memory_space<hbm>> -> memref<512x16xf32, #tpu.memory_space<hbm>>
    tpu.enqueue_dma source(%arg10 : memref<512x16xf32, #tpu.memory_space<vmem>>) target(%dma_start3A_851 : memref<512x16xf32, #tpu.memory_space<hbm>>) target_semaphore(%arg19 : memref<!tpu.dma_semaphore, #tpu.memory_space<semaphore_mem>>)
    %add3A_852 = arith.constant 20480 : i32
    %add3A_853 = arith.addi %mul3A_2, %add3A_852 : i32
    %dma_start3A_854 = tpu.memref_slice %arg2[%add3A_853] : memref<819200xi32, #tpu.memory_space<hbm>> -> memref<512xi32, #tpu.memory_space<hbm>>
    %dma_start3A_855 = tpu.memref_slice %arg2[%add3A_853] : memref<819200xi32, #tpu.memory_space<hbm>> -> memref<512xi32, #tpu.memory_space<hbm>>
    tpu.enqueue_dma source(%dma_start3A_855 : memref<512xi32, #tpu.memory_space<hbm>>) target(%arg7 : memref<512xi32, #tpu.memory_space<vmem>>) target_semaphore(%arg13 : memref<!tpu.dma_semaphore, #tpu.memory_space<semaphore_mem>>)
    %dma_wait3A_856 = tpu.memref_slice %arg2[%add3A_831] : memref<819200xi32, #tpu.memory_space<hbm>> -> memref<512xi32, #tpu.memory_space<hbm>>
    %dma_wait3A_857 = tpu.memref_slice %arg2[%add3A_831] : memref<819200xi32, #tpu.memory_space<hbm>> -> memref<512xi32, #tpu.memory_space<hbm>>
    tpu.wait_dma2 semaphore(%arg12 : memref<!tpu.dma_semaphore, #tpu.memory_space<semaphore_mem>>) src(%dma_wait3A_857 : memref<512xi32, #tpu.memory_space<hbm>>) dst(%arg6 : memref<512xi32, #tpu.memory_space<vmem>>)
    %dma_wait3A_858 = arith.constant 0 : i32
    %dma_wait3A_859 = tpu.memref_slice %arg4[%add3A_825, %dma_wait3A_858] : memref<819200x16xf32, #tpu.memory_space<hbm>> -> memref<512x16xf32, #tpu.memory_space<hbm>>
    %dma_wait3A_860 = arith.constant 0 : i32
    %dma_wait3A_861 = tpu.memref_slice %arg4[%add3A_825, %dma_wait3A_860] : memref<819200x16xf32, #tpu.memory_space<hbm>> -> memref<512x16xf32, #tpu.memory_space<hbm>>
    tpu.wait_dma2 semaphore(%arg18 : memref<!tpu.dma_semaphore, #tpu.memory_space<semaphore_mem>>) src(%arg9 : memref<512x16xf32, #tpu.memory_space<vmem>>) dst(%dma_wait3A_861 : memref<512x16xf32, #tpu.memory_space<hbm>>)
    %dma_start3A_862 = arith.constant 0 : i32
    %dma_start3A_863 = arith.constant 0 : i32
    %dma_start3A_864 = tpu.memref_slice %arg5[%dma_start3A_862, %dma_start3A_863] : memref<100000x16xf32, #tpu.memory_space<vmem_shared>> -> memref<100000x16xf32, #tpu.memory_space<vmem_shared>>
    tpu.enqueue_indirect_dma source(%dma_start3A_864 : memref<100000x16xf32, #tpu.memory_space<vmem_shared>>) target(%arg9 : memref<512x16xf32, #tpu.memory_space<vmem>>) offsets(%arg6 : memref<512xi32, #tpu.memory_space<vmem>>) semaphore(%arg15 : memref<!tpu.dma_semaphore, #tpu.memory_space<semaphore_mem>>)
    %dma_wait3A_865 = arith.constant 0 : i32
    %dma_wait3A_866 = arith.constant 0 : i32
    %dma_wait3A_867 = tpu.memref_slice %arg5[%dma_wait3A_865, %dma_wait3A_866] : memref<100000x16xf32, #tpu.memory_space<vmem_shared>> -> memref<100000x16xf32, #tpu.memory_space<vmem_shared>>
    tpu.wait_indirect_dma semaphore(%arg17 : memref<!tpu.dma_semaphore, #tpu.memory_space<semaphore_mem>>) src(%dma_wait3A_867 : memref<100000x16xf32, #tpu.memory_space<vmem_shared>>) dst(%arg11 : memref<512x16xf32, #tpu.memory_space<vmem>>)
    %add3A_868 = arith.constant 19456 : i32
    %add3A_869 = arith.addi %mul3A_2, %add3A_868 : i32
    %dma_start3A_870 = arith.constant 0 : i32
    %dma_start3A_871 = tpu.memref_slice %arg4[%add3A_869, %dma_start3A_870] : memref<819200x16xf32, #tpu.memory_space<hbm>> -> memref<512x16xf32, #tpu.memory_space<hbm>>
    %dma_start3A_872 = arith.constant 0 : i32
    %dma_start3A_873 = tpu.memref_slice %arg4[%add3A_869, %dma_start3A_872] : memref<819200x16xf32, #tpu.memory_space<hbm>> -> memref<512x16xf32, #tpu.memory_space<hbm>>
    tpu.enqueue_dma source(%arg11 : memref<512x16xf32, #tpu.memory_space<vmem>>) target(%dma_start3A_873 : memref<512x16xf32, #tpu.memory_space<hbm>>) target_semaphore(%arg20 : memref<!tpu.dma_semaphore, #tpu.memory_space<semaphore_mem>>)
    %add3A_874 = arith.constant 20992 : i32
    %add3A_875 = arith.addi %mul3A_2, %add3A_874 : i32
    %dma_start3A_876 = tpu.memref_slice %arg2[%add3A_875] : memref<819200xi32, #tpu.memory_space<hbm>> -> memref<512xi32, #tpu.memory_space<hbm>>
    %dma_start3A_877 = tpu.memref_slice %arg2[%add3A_875] : memref<819200xi32, #tpu.memory_space<hbm>> -> memref<512xi32, #tpu.memory_space<hbm>>
    tpu.enqueue_dma source(%dma_start3A_877 : memref<512xi32, #tpu.memory_space<hbm>>) target(%arg8 : memref<512xi32, #tpu.memory_space<vmem>>) target_semaphore(%arg14 : memref<!tpu.dma_semaphore, #tpu.memory_space<semaphore_mem>>)
    %dma_wait3A_878 = tpu.memref_slice %arg2[%add3A_853] : memref<819200xi32, #tpu.memory_space<hbm>> -> memref<512xi32, #tpu.memory_space<hbm>>
    %dma_wait3A_879 = tpu.memref_slice %arg2[%add3A_853] : memref<819200xi32, #tpu.memory_space<hbm>> -> memref<512xi32, #tpu.memory_space<hbm>>
    tpu.wait_dma2 semaphore(%arg13 : memref<!tpu.dma_semaphore, #tpu.memory_space<semaphore_mem>>) src(%dma_wait3A_879 : memref<512xi32, #tpu.memory_space<hbm>>) dst(%arg7 : memref<512xi32, #tpu.memory_space<vmem>>)
    %dma_wait3A_880 = arith.constant 0 : i32
    %dma_wait3A_881 = tpu.memref_slice %arg4[%add3A_847, %dma_wait3A_880] : memref<819200x16xf32, #tpu.memory_space<hbm>> -> memref<512x16xf32, #tpu.memory_space<hbm>>
    %dma_wait3A_882 = arith.constant 0 : i32
    %dma_wait3A_883 = tpu.memref_slice %arg4[%add3A_847, %dma_wait3A_882] : memref<819200x16xf32, #tpu.memory_space<hbm>> -> memref<512x16xf32, #tpu.memory_space<hbm>>
    tpu.wait_dma2 semaphore(%arg19 : memref<!tpu.dma_semaphore, #tpu.memory_space<semaphore_mem>>) src(%arg10 : memref<512x16xf32, #tpu.memory_space<vmem>>) dst(%dma_wait3A_883 : memref<512x16xf32, #tpu.memory_space<hbm>>)
    %dma_start3A_884 = arith.constant 0 : i32
    %dma_start3A_885 = arith.constant 0 : i32
    %dma_start3A_886 = tpu.memref_slice %arg5[%dma_start3A_884, %dma_start3A_885] : memref<100000x16xf32, #tpu.memory_space<vmem_shared>> -> memref<100000x16xf32, #tpu.memory_space<vmem_shared>>
    tpu.enqueue_indirect_dma source(%dma_start3A_886 : memref<100000x16xf32, #tpu.memory_space<vmem_shared>>) target(%arg10 : memref<512x16xf32, #tpu.memory_space<vmem>>) offsets(%arg7 : memref<512xi32, #tpu.memory_space<vmem>>) semaphore(%arg16 : memref<!tpu.dma_semaphore, #tpu.memory_space<semaphore_mem>>)
    %dma_wait3A_887 = arith.constant 0 : i32
    %dma_wait3A_888 = arith.constant 0 : i32
    %dma_wait3A_889 = tpu.memref_slice %arg5[%dma_wait3A_887, %dma_wait3A_888] : memref<100000x16xf32, #tpu.memory_space<vmem_shared>> -> memref<100000x16xf32, #tpu.memory_space<vmem_shared>>
    tpu.wait_indirect_dma semaphore(%arg15 : memref<!tpu.dma_semaphore, #tpu.memory_space<semaphore_mem>>) src(%dma_wait3A_889 : memref<100000x16xf32, #tpu.memory_space<vmem_shared>>) dst(%arg9 : memref<512x16xf32, #tpu.memory_space<vmem>>)
    %add3A_890 = arith.constant 19968 : i32
    %add3A_891 = arith.addi %mul3A_2, %add3A_890 : i32
    %dma_start3A_892 = arith.constant 0 : i32
    %dma_start3A_893 = tpu.memref_slice %arg4[%add3A_891, %dma_start3A_892] : memref<819200x16xf32, #tpu.memory_space<hbm>> -> memref<512x16xf32, #tpu.memory_space<hbm>>
    %dma_start3A_894 = arith.constant 0 : i32
    %dma_start3A_895 = tpu.memref_slice %arg4[%add3A_891, %dma_start3A_894] : memref<819200x16xf32, #tpu.memory_space<hbm>> -> memref<512x16xf32, #tpu.memory_space<hbm>>
    tpu.enqueue_dma source(%arg9 : memref<512x16xf32, #tpu.memory_space<vmem>>) target(%dma_start3A_895 : memref<512x16xf32, #tpu.memory_space<hbm>>) target_semaphore(%arg18 : memref<!tpu.dma_semaphore, #tpu.memory_space<semaphore_mem>>)
    %add3A_896 = arith.constant 21504 : i32
    %add3A_897 = arith.addi %mul3A_2, %add3A_896 : i32
    %dma_start3A_898 = tpu.memref_slice %arg2[%add3A_897] : memref<819200xi32, #tpu.memory_space<hbm>> -> memref<512xi32, #tpu.memory_space<hbm>>
    %dma_start3A_899 = tpu.memref_slice %arg2[%add3A_897] : memref<819200xi32, #tpu.memory_space<hbm>> -> memref<512xi32, #tpu.memory_space<hbm>>
    tpu.enqueue_dma source(%dma_start3A_899 : memref<512xi32, #tpu.memory_space<hbm>>) target(%arg6 : memref<512xi32, #tpu.memory_space<vmem>>) target_semaphore(%arg12 : memref<!tpu.dma_semaphore, #tpu.memory_space<semaphore_mem>>)
    %dma_wait3A_900 = tpu.memref_slice %arg2[%add3A_875] : memref<819200xi32, #tpu.memory_space<hbm>> -> memref<512xi32, #tpu.memory_space<hbm>>
    %dma_wait3A_901 = tpu.memref_slice %arg2[%add3A_875] : memref<819200xi32, #tpu.memory_space<hbm>> -> memref<512xi32, #tpu.memory_space<hbm>>
    tpu.wait_dma2 semaphore(%arg14 : memref<!tpu.dma_semaphore, #tpu.memory_space<semaphore_mem>>) src(%dma_wait3A_901 : memref<512xi32, #tpu.memory_space<hbm>>) dst(%arg8 : memref<512xi32, #tpu.memory_space<vmem>>)
    %dma_wait3A_902 = arith.constant 0 : i32
    %dma_wait3A_903 = tpu.memref_slice %arg4[%add3A_869, %dma_wait3A_902] : memref<819200x16xf32, #tpu.memory_space<hbm>> -> memref<512x16xf32, #tpu.memory_space<hbm>>
    %dma_wait3A_904 = arith.constant 0 : i32
    %dma_wait3A_905 = tpu.memref_slice %arg4[%add3A_869, %dma_wait3A_904] : memref<819200x16xf32, #tpu.memory_space<hbm>> -> memref<512x16xf32, #tpu.memory_space<hbm>>
    tpu.wait_dma2 semaphore(%arg20 : memref<!tpu.dma_semaphore, #tpu.memory_space<semaphore_mem>>) src(%arg11 : memref<512x16xf32, #tpu.memory_space<vmem>>) dst(%dma_wait3A_905 : memref<512x16xf32, #tpu.memory_space<hbm>>)
    %dma_start3A_906 = arith.constant 0 : i32
    %dma_start3A_907 = arith.constant 0 : i32
    %dma_start3A_908 = tpu.memref_slice %arg5[%dma_start3A_906, %dma_start3A_907] : memref<100000x16xf32, #tpu.memory_space<vmem_shared>> -> memref<100000x16xf32, #tpu.memory_space<vmem_shared>>
    tpu.enqueue_indirect_dma source(%dma_start3A_908 : memref<100000x16xf32, #tpu.memory_space<vmem_shared>>) target(%arg11 : memref<512x16xf32, #tpu.memory_space<vmem>>) offsets(%arg8 : memref<512xi32, #tpu.memory_space<vmem>>) semaphore(%arg17 : memref<!tpu.dma_semaphore, #tpu.memory_space<semaphore_mem>>)
    %dma_wait3A_909 = arith.constant 0 : i32
    %dma_wait3A_910 = arith.constant 0 : i32
    %dma_wait3A_911 = tpu.memref_slice %arg5[%dma_wait3A_909, %dma_wait3A_910] : memref<100000x16xf32, #tpu.memory_space<vmem_shared>> -> memref<100000x16xf32, #tpu.memory_space<vmem_shared>>
    tpu.wait_indirect_dma semaphore(%arg16 : memref<!tpu.dma_semaphore, #tpu.memory_space<semaphore_mem>>) src(%dma_wait3A_911 : memref<100000x16xf32, #tpu.memory_space<vmem_shared>>) dst(%arg10 : memref<512x16xf32, #tpu.memory_space<vmem>>)
    %add3A_912 = arith.constant 20480 : i32
    %add3A_913 = arith.addi %mul3A_2, %add3A_912 : i32
    %dma_start3A_914 = arith.constant 0 : i32
    %dma_start3A_915 = tpu.memref_slice %arg4[%add3A_913, %dma_start3A_914] : memref<819200x16xf32, #tpu.memory_space<hbm>> -> memref<512x16xf32, #tpu.memory_space<hbm>>
    %dma_start3A_916 = arith.constant 0 : i32
    %dma_start3A_917 = tpu.memref_slice %arg4[%add3A_913, %dma_start3A_916] : memref<819200x16xf32, #tpu.memory_space<hbm>> -> memref<512x16xf32, #tpu.memory_space<hbm>>
    tpu.enqueue_dma source(%arg10 : memref<512x16xf32, #tpu.memory_space<vmem>>) target(%dma_start3A_917 : memref<512x16xf32, #tpu.memory_space<hbm>>) target_semaphore(%arg19 : memref<!tpu.dma_semaphore, #tpu.memory_space<semaphore_mem>>)
    %add3A_918 = arith.constant 22016 : i32
    %add3A_919 = arith.addi %mul3A_2, %add3A_918 : i32
    %dma_start3A_920 = tpu.memref_slice %arg2[%add3A_919] : memref<819200xi32, #tpu.memory_space<hbm>> -> memref<512xi32, #tpu.memory_space<hbm>>
    %dma_start3A_921 = tpu.memref_slice %arg2[%add3A_919] : memref<819200xi32, #tpu.memory_space<hbm>> -> memref<512xi32, #tpu.memory_space<hbm>>
    tpu.enqueue_dma source(%dma_start3A_921 : memref<512xi32, #tpu.memory_space<hbm>>) target(%arg7 : memref<512xi32, #tpu.memory_space<vmem>>) target_semaphore(%arg13 : memref<!tpu.dma_semaphore, #tpu.memory_space<semaphore_mem>>)
    %dma_wait3A_922 = tpu.memref_slice %arg2[%add3A_897] : memref<819200xi32, #tpu.memory_space<hbm>> -> memref<512xi32, #tpu.memory_space<hbm>>
    %dma_wait3A_923 = tpu.memref_slice %arg2[%add3A_897] : memref<819200xi32, #tpu.memory_space<hbm>> -> memref<512xi32, #tpu.memory_space<hbm>>
    tpu.wait_dma2 semaphore(%arg12 : memref<!tpu.dma_semaphore, #tpu.memory_space<semaphore_mem>>) src(%dma_wait3A_923 : memref<512xi32, #tpu.memory_space<hbm>>) dst(%arg6 : memref<512xi32, #tpu.memory_space<vmem>>)
    %dma_wait3A_924 = arith.constant 0 : i32
    %dma_wait3A_925 = tpu.memref_slice %arg4[%add3A_891, %dma_wait3A_924] : memref<819200x16xf32, #tpu.memory_space<hbm>> -> memref<512x16xf32, #tpu.memory_space<hbm>>
    %dma_wait3A_926 = arith.constant 0 : i32
    %dma_wait3A_927 = tpu.memref_slice %arg4[%add3A_891, %dma_wait3A_926] : memref<819200x16xf32, #tpu.memory_space<hbm>> -> memref<512x16xf32, #tpu.memory_space<hbm>>
    tpu.wait_dma2 semaphore(%arg18 : memref<!tpu.dma_semaphore, #tpu.memory_space<semaphore_mem>>) src(%arg9 : memref<512x16xf32, #tpu.memory_space<vmem>>) dst(%dma_wait3A_927 : memref<512x16xf32, #tpu.memory_space<hbm>>)
    %dma_start3A_928 = arith.constant 0 : i32
    %dma_start3A_929 = arith.constant 0 : i32
    %dma_start3A_930 = tpu.memref_slice %arg5[%dma_start3A_928, %dma_start3A_929] : memref<100000x16xf32, #tpu.memory_space<vmem_shared>> -> memref<100000x16xf32, #tpu.memory_space<vmem_shared>>
    tpu.enqueue_indirect_dma source(%dma_start3A_930 : memref<100000x16xf32, #tpu.memory_space<vmem_shared>>) target(%arg9 : memref<512x16xf32, #tpu.memory_space<vmem>>) offsets(%arg6 : memref<512xi32, #tpu.memory_space<vmem>>) semaphore(%arg15 : memref<!tpu.dma_semaphore, #tpu.memory_space<semaphore_mem>>)
    %dma_wait3A_931 = arith.constant 0 : i32
    %dma_wait3A_932 = arith.constant 0 : i32
    %dma_wait3A_933 = tpu.memref_slice %arg5[%dma_wait3A_931, %dma_wait3A_932] : memref<100000x16xf32, #tpu.memory_space<vmem_shared>> -> memref<100000x16xf32, #tpu.memory_space<vmem_shared>>
    tpu.wait_indirect_dma semaphore(%arg17 : memref<!tpu.dma_semaphore, #tpu.memory_space<semaphore_mem>>) src(%dma_wait3A_933 : memref<100000x16xf32, #tpu.memory_space<vmem_shared>>) dst(%arg11 : memref<512x16xf32, #tpu.memory_space<vmem>>)
    %add3A_934 = arith.constant 20992 : i32
    %add3A_935 = arith.addi %mul3A_2, %add3A_934 : i32
    %dma_start3A_936 = arith.constant 0 : i32
    %dma_start3A_937 = tpu.memref_slice %arg4[%add3A_935, %dma_start3A_936] : memref<819200x16xf32, #tpu.memory_space<hbm>> -> memref<512x16xf32, #tpu.memory_space<hbm>>
    %dma_start3A_938 = arith.constant 0 : i32
    %dma_start3A_939 = tpu.memref_slice %arg4[%add3A_935, %dma_start3A_938] : memref<819200x16xf32, #tpu.memory_space<hbm>> -> memref<512x16xf32, #tpu.memory_space<hbm>>
    tpu.enqueue_dma source(%arg11 : memref<512x16xf32, #tpu.memory_space<vmem>>) target(%dma_start3A_939 : memref<512x16xf32, #tpu.memory_space<hbm>>) target_semaphore(%arg20 : memref<!tpu.dma_semaphore, #tpu.memory_space<semaphore_mem>>)
    %add3A_940 = arith.constant 22528 : i32
    %add3A_941 = arith.addi %mul3A_2, %add3A_940 : i32
    %dma_start3A_942 = tpu.memref_slice %arg2[%add3A_941] : memref<819200xi32, #tpu.memory_space<hbm>> -> memref<512xi32, #tpu.memory_space<hbm>>
    %dma_start3A_943 = tpu.memref_slice %arg2[%add3A_941] : memref<819200xi32, #tpu.memory_space<hbm>> -> memref<512xi32, #tpu.memory_space<hbm>>
    tpu.enqueue_dma source(%dma_start3A_943 : memref<512xi32, #tpu.memory_space<hbm>>) target(%arg8 : memref<512xi32, #tpu.memory_space<vmem>>) target_semaphore(%arg14 : memref<!tpu.dma_semaphore, #tpu.memory_space<semaphore_mem>>)
    %dma_wait3A_944 = tpu.memref_slice %arg2[%add3A_919] : memref<819200xi32, #tpu.memory_space<hbm>> -> memref<512xi32, #tpu.memory_space<hbm>>
    %dma_wait3A_945 = tpu.memref_slice %arg2[%add3A_919] : memref<819200xi32, #tpu.memory_space<hbm>> -> memref<512xi32, #tpu.memory_space<hbm>>
    tpu.wait_dma2 semaphore(%arg13 : memref<!tpu.dma_semaphore, #tpu.memory_space<semaphore_mem>>) src(%dma_wait3A_945 : memref<512xi32, #tpu.memory_space<hbm>>) dst(%arg7 : memref<512xi32, #tpu.memory_space<vmem>>)
    %dma_wait3A_946 = arith.constant 0 : i32
    %dma_wait3A_947 = tpu.memref_slice %arg4[%add3A_913, %dma_wait3A_946] : memref<819200x16xf32, #tpu.memory_space<hbm>> -> memref<512x16xf32, #tpu.memory_space<hbm>>
    %dma_wait3A_948 = arith.constant 0 : i32
    %dma_wait3A_949 = tpu.memref_slice %arg4[%add3A_913, %dma_wait3A_948] : memref<819200x16xf32, #tpu.memory_space<hbm>> -> memref<512x16xf32, #tpu.memory_space<hbm>>
    tpu.wait_dma2 semaphore(%arg19 : memref<!tpu.dma_semaphore, #tpu.memory_space<semaphore_mem>>) src(%arg10 : memref<512x16xf32, #tpu.memory_space<vmem>>) dst(%dma_wait3A_949 : memref<512x16xf32, #tpu.memory_space<hbm>>)
    %dma_start3A_950 = arith.constant 0 : i32
    %dma_start3A_951 = arith.constant 0 : i32
    %dma_start3A_952 = tpu.memref_slice %arg5[%dma_start3A_950, %dma_start3A_951] : memref<100000x16xf32, #tpu.memory_space<vmem_shared>> -> memref<100000x16xf32, #tpu.memory_space<vmem_shared>>
    tpu.enqueue_indirect_dma source(%dma_start3A_952 : memref<100000x16xf32, #tpu.memory_space<vmem_shared>>) target(%arg10 : memref<512x16xf32, #tpu.memory_space<vmem>>) offsets(%arg7 : memref<512xi32, #tpu.memory_space<vmem>>) semaphore(%arg16 : memref<!tpu.dma_semaphore, #tpu.memory_space<semaphore_mem>>)
    %dma_wait3A_953 = arith.constant 0 : i32
    %dma_wait3A_954 = arith.constant 0 : i32
    %dma_wait3A_955 = tpu.memref_slice %arg5[%dma_wait3A_953, %dma_wait3A_954] : memref<100000x16xf32, #tpu.memory_space<vmem_shared>> -> memref<100000x16xf32, #tpu.memory_space<vmem_shared>>
    tpu.wait_indirect_dma semaphore(%arg15 : memref<!tpu.dma_semaphore, #tpu.memory_space<semaphore_mem>>) src(%dma_wait3A_955 : memref<100000x16xf32, #tpu.memory_space<vmem_shared>>) dst(%arg9 : memref<512x16xf32, #tpu.memory_space<vmem>>)
    %add3A_956 = arith.constant 21504 : i32
    %add3A_957 = arith.addi %mul3A_2, %add3A_956 : i32
    %dma_start3A_958 = arith.constant 0 : i32
    %dma_start3A_959 = tpu.memref_slice %arg4[%add3A_957, %dma_start3A_958] : memref<819200x16xf32, #tpu.memory_space<hbm>> -> memref<512x16xf32, #tpu.memory_space<hbm>>
    %dma_start3A_960 = arith.constant 0 : i32
    %dma_start3A_961 = tpu.memref_slice %arg4[%add3A_957, %dma_start3A_960] : memref<819200x16xf32, #tpu.memory_space<hbm>> -> memref<512x16xf32, #tpu.memory_space<hbm>>
    tpu.enqueue_dma source(%arg9 : memref<512x16xf32, #tpu.memory_space<vmem>>) target(%dma_start3A_961 : memref<512x16xf32, #tpu.memory_space<hbm>>) target_semaphore(%arg18 : memref<!tpu.dma_semaphore, #tpu.memory_space<semaphore_mem>>)
    %add3A_962 = arith.constant 23040 : i32
    %add3A_963 = arith.addi %mul3A_2, %add3A_962 : i32
    %dma_start3A_964 = tpu.memref_slice %arg2[%add3A_963] : memref<819200xi32, #tpu.memory_space<hbm>> -> memref<512xi32, #tpu.memory_space<hbm>>
    %dma_start3A_965 = tpu.memref_slice %arg2[%add3A_963] : memref<819200xi32, #tpu.memory_space<hbm>> -> memref<512xi32, #tpu.memory_space<hbm>>
    tpu.enqueue_dma source(%dma_start3A_965 : memref<512xi32, #tpu.memory_space<hbm>>) target(%arg6 : memref<512xi32, #tpu.memory_space<vmem>>) target_semaphore(%arg12 : memref<!tpu.dma_semaphore, #tpu.memory_space<semaphore_mem>>)
    %dma_wait3A_966 = tpu.memref_slice %arg2[%add3A_941] : memref<819200xi32, #tpu.memory_space<hbm>> -> memref<512xi32, #tpu.memory_space<hbm>>
    %dma_wait3A_967 = tpu.memref_slice %arg2[%add3A_941] : memref<819200xi32, #tpu.memory_space<hbm>> -> memref<512xi32, #tpu.memory_space<hbm>>
    tpu.wait_dma2 semaphore(%arg14 : memref<!tpu.dma_semaphore, #tpu.memory_space<semaphore_mem>>) src(%dma_wait3A_967 : memref<512xi32, #tpu.memory_space<hbm>>) dst(%arg8 : memref<512xi32, #tpu.memory_space<vmem>>)
    %dma_wait3A_968 = arith.constant 0 : i32
    %dma_wait3A_969 = tpu.memref_slice %arg4[%add3A_935, %dma_wait3A_968] : memref<819200x16xf32, #tpu.memory_space<hbm>> -> memref<512x16xf32, #tpu.memory_space<hbm>>
    %dma_wait3A_970 = arith.constant 0 : i32
    %dma_wait3A_971 = tpu.memref_slice %arg4[%add3A_935, %dma_wait3A_970] : memref<819200x16xf32, #tpu.memory_space<hbm>> -> memref<512x16xf32, #tpu.memory_space<hbm>>
    tpu.wait_dma2 semaphore(%arg20 : memref<!tpu.dma_semaphore, #tpu.memory_space<semaphore_mem>>) src(%arg11 : memref<512x16xf32, #tpu.memory_space<vmem>>) dst(%dma_wait3A_971 : memref<512x16xf32, #tpu.memory_space<hbm>>)
    %dma_start3A_972 = arith.constant 0 : i32
    %dma_start3A_973 = arith.constant 0 : i32
    %dma_start3A_974 = tpu.memref_slice %arg5[%dma_start3A_972, %dma_start3A_973] : memref<100000x16xf32, #tpu.memory_space<vmem_shared>> -> memref<100000x16xf32, #tpu.memory_space<vmem_shared>>
    tpu.enqueue_indirect_dma source(%dma_start3A_974 : memref<100000x16xf32, #tpu.memory_space<vmem_shared>>) target(%arg11 : memref<512x16xf32, #tpu.memory_space<vmem>>) offsets(%arg8 : memref<512xi32, #tpu.memory_space<vmem>>) semaphore(%arg17 : memref<!tpu.dma_semaphore, #tpu.memory_space<semaphore_mem>>)
    %dma_wait3A_975 = arith.constant 0 : i32
    %dma_wait3A_976 = arith.constant 0 : i32
    %dma_wait3A_977 = tpu.memref_slice %arg5[%dma_wait3A_975, %dma_wait3A_976] : memref<100000x16xf32, #tpu.memory_space<vmem_shared>> -> memref<100000x16xf32, #tpu.memory_space<vmem_shared>>
    tpu.wait_indirect_dma semaphore(%arg16 : memref<!tpu.dma_semaphore, #tpu.memory_space<semaphore_mem>>) src(%dma_wait3A_977 : memref<100000x16xf32, #tpu.memory_space<vmem_shared>>) dst(%arg10 : memref<512x16xf32, #tpu.memory_space<vmem>>)
    %add3A_978 = arith.constant 22016 : i32
    %add3A_979 = arith.addi %mul3A_2, %add3A_978 : i32
    %dma_start3A_980 = arith.constant 0 : i32
    %dma_start3A_981 = tpu.memref_slice %arg4[%add3A_979, %dma_start3A_980] : memref<819200x16xf32, #tpu.memory_space<hbm>> -> memref<512x16xf32, #tpu.memory_space<hbm>>
    %dma_start3A_982 = arith.constant 0 : i32
    %dma_start3A_983 = tpu.memref_slice %arg4[%add3A_979, %dma_start3A_982] : memref<819200x16xf32, #tpu.memory_space<hbm>> -> memref<512x16xf32, #tpu.memory_space<hbm>>
    tpu.enqueue_dma source(%arg10 : memref<512x16xf32, #tpu.memory_space<vmem>>) target(%dma_start3A_983 : memref<512x16xf32, #tpu.memory_space<hbm>>) target_semaphore(%arg19 : memref<!tpu.dma_semaphore, #tpu.memory_space<semaphore_mem>>)
    %add3A_984 = arith.constant 23552 : i32
    %add3A_985 = arith.addi %mul3A_2, %add3A_984 : i32
    %dma_start3A_986 = tpu.memref_slice %arg2[%add3A_985] : memref<819200xi32, #tpu.memory_space<hbm>> -> memref<512xi32, #tpu.memory_space<hbm>>
    %dma_start3A_987 = tpu.memref_slice %arg2[%add3A_985] : memref<819200xi32, #tpu.memory_space<hbm>> -> memref<512xi32, #tpu.memory_space<hbm>>
    tpu.enqueue_dma source(%dma_start3A_987 : memref<512xi32, #tpu.memory_space<hbm>>) target(%arg7 : memref<512xi32, #tpu.memory_space<vmem>>) target_semaphore(%arg13 : memref<!tpu.dma_semaphore, #tpu.memory_space<semaphore_mem>>)
    %dma_wait3A_988 = tpu.memref_slice %arg2[%add3A_963] : memref<819200xi32, #tpu.memory_space<hbm>> -> memref<512xi32, #tpu.memory_space<hbm>>
    %dma_wait3A_989 = tpu.memref_slice %arg2[%add3A_963] : memref<819200xi32, #tpu.memory_space<hbm>> -> memref<512xi32, #tpu.memory_space<hbm>>
    tpu.wait_dma2 semaphore(%arg12 : memref<!tpu.dma_semaphore, #tpu.memory_space<semaphore_mem>>) src(%dma_wait3A_989 : memref<512xi32, #tpu.memory_space<hbm>>) dst(%arg6 : memref<512xi32, #tpu.memory_space<vmem>>)
    %dma_wait3A_990 = arith.constant 0 : i32
    %dma_wait3A_991 = tpu.memref_slice %arg4[%add3A_957, %dma_wait3A_990] : memref<819200x16xf32, #tpu.memory_space<hbm>> -> memref<512x16xf32, #tpu.memory_space<hbm>>
    %dma_wait3A_992 = arith.constant 0 : i32
    %dma_wait3A_993 = tpu.memref_slice %arg4[%add3A_957, %dma_wait3A_992] : memref<819200x16xf32, #tpu.memory_space<hbm>> -> memref<512x16xf32, #tpu.memory_space<hbm>>
    tpu.wait_dma2 semaphore(%arg18 : memref<!tpu.dma_semaphore, #tpu.memory_space<semaphore_mem>>) src(%arg9 : memref<512x16xf32, #tpu.memory_space<vmem>>) dst(%dma_wait3A_993 : memref<512x16xf32, #tpu.memory_space<hbm>>)
    %dma_start3A_994 = arith.constant 0 : i32
    %dma_start3A_995 = arith.constant 0 : i32
    %dma_start3A_996 = tpu.memref_slice %arg5[%dma_start3A_994, %dma_start3A_995] : memref<100000x16xf32, #tpu.memory_space<vmem_shared>> -> memref<100000x16xf32, #tpu.memory_space<vmem_shared>>
    tpu.enqueue_indirect_dma source(%dma_start3A_996 : memref<100000x16xf32, #tpu.memory_space<vmem_shared>>) target(%arg9 : memref<512x16xf32, #tpu.memory_space<vmem>>) offsets(%arg6 : memref<512xi32, #tpu.memory_space<vmem>>) semaphore(%arg15 : memref<!tpu.dma_semaphore, #tpu.memory_space<semaphore_mem>>)
    %dma_wait3A_997 = arith.constant 0 : i32
    %dma_wait3A_998 = arith.constant 0 : i32
    %dma_wait3A_999 = tpu.memref_slice %arg5[%dma_wait3A_997, %dma_wait3A_998] : memref<100000x16xf32, #tpu.memory_space<vmem_shared>> -> memref<100000x16xf32, #tpu.memory_space<vmem_shared>>
    tpu.wait_indirect_dma semaphore(%arg17 : memref<!tpu.dma_semaphore, #tpu.memory_space<semaphore_mem>>) src(%dma_wait3A_999 : memref<100000x16xf32, #tpu.memory_space<vmem_shared>>) dst(%arg11 : memref<512x16xf32, #tpu.memory_space<vmem>>)
    %add3A_1000 = arith.constant 22528 : i32
    %add3A_1001 = arith.addi %mul3A_2, %add3A_1000 : i32
    %dma_start3A_1002 = arith.constant 0 : i32
    %dma_start3A_1003 = tpu.memref_slice %arg4[%add3A_1001, %dma_start3A_1002] : memref<819200x16xf32, #tpu.memory_space<hbm>> -> memref<512x16xf32, #tpu.memory_space<hbm>>
    %dma_start3A_1004 = arith.constant 0 : i32
    %dma_start3A_1005 = tpu.memref_slice %arg4[%add3A_1001, %dma_start3A_1004] : memref<819200x16xf32, #tpu.memory_space<hbm>> -> memref<512x16xf32, #tpu.memory_space<hbm>>
    tpu.enqueue_dma source(%arg11 : memref<512x16xf32, #tpu.memory_space<vmem>>) target(%dma_start3A_1005 : memref<512x16xf32, #tpu.memory_space<hbm>>) target_semaphore(%arg20 : memref<!tpu.dma_semaphore, #tpu.memory_space<semaphore_mem>>)
    %add3A_1006 = arith.constant 24064 : i32
    %add3A_1007 = arith.addi %mul3A_2, %add3A_1006 : i32
    %dma_start3A_1008 = tpu.memref_slice %arg2[%add3A_1007] : memref<819200xi32, #tpu.memory_space<hbm>> -> memref<512xi32, #tpu.memory_space<hbm>>
    %dma_start3A_1009 = tpu.memref_slice %arg2[%add3A_1007] : memref<819200xi32, #tpu.memory_space<hbm>> -> memref<512xi32, #tpu.memory_space<hbm>>
    tpu.enqueue_dma source(%dma_start3A_1009 : memref<512xi32, #tpu.memory_space<hbm>>) target(%arg8 : memref<512xi32, #tpu.memory_space<vmem>>) target_semaphore(%arg14 : memref<!tpu.dma_semaphore, #tpu.memory_space<semaphore_mem>>)
    %dma_wait3A_1010 = tpu.memref_slice %arg2[%add3A_985] : memref<819200xi32, #tpu.memory_space<hbm>> -> memref<512xi32, #tpu.memory_space<hbm>>
    %dma_wait3A_1011 = tpu.memref_slice %arg2[%add3A_985] : memref<819200xi32, #tpu.memory_space<hbm>> -> memref<512xi32, #tpu.memory_space<hbm>>
    tpu.wait_dma2 semaphore(%arg13 : memref<!tpu.dma_semaphore, #tpu.memory_space<semaphore_mem>>) src(%dma_wait3A_1011 : memref<512xi32, #tpu.memory_space<hbm>>) dst(%arg7 : memref<512xi32, #tpu.memory_space<vmem>>)
    %dma_wait3A_1012 = arith.constant 0 : i32
    %dma_wait3A_1013 = tpu.memref_slice %arg4[%add3A_979, %dma_wait3A_1012] : memref<819200x16xf32, #tpu.memory_space<hbm>> -> memref<512x16xf32, #tpu.memory_space<hbm>>
    %dma_wait3A_1014 = arith.constant 0 : i32
    %dma_wait3A_1015 = tpu.memref_slice %arg4[%add3A_979, %dma_wait3A_1014] : memref<819200x16xf32, #tpu.memory_space<hbm>> -> memref<512x16xf32, #tpu.memory_space<hbm>>
    tpu.wait_dma2 semaphore(%arg19 : memref<!tpu.dma_semaphore, #tpu.memory_space<semaphore_mem>>) src(%arg10 : memref<512x16xf32, #tpu.memory_space<vmem>>) dst(%dma_wait3A_1015 : memref<512x16xf32, #tpu.memory_space<hbm>>)
    %dma_start3A_1016 = arith.constant 0 : i32
    %dma_start3A_1017 = arith.constant 0 : i32
    %dma_start3A_1018 = tpu.memref_slice %arg5[%dma_start3A_1016, %dma_start3A_1017] : memref<100000x16xf32, #tpu.memory_space<vmem_shared>> -> memref<100000x16xf32, #tpu.memory_space<vmem_shared>>
    tpu.enqueue_indirect_dma source(%dma_start3A_1018 : memref<100000x16xf32, #tpu.memory_space<vmem_shared>>) target(%arg10 : memref<512x16xf32, #tpu.memory_space<vmem>>) offsets(%arg7 : memref<512xi32, #tpu.memory_space<vmem>>) semaphore(%arg16 : memref<!tpu.dma_semaphore, #tpu.memory_space<semaphore_mem>>)
    %dma_wait3A_1019 = arith.constant 0 : i32
    %dma_wait3A_1020 = arith.constant 0 : i32
    %dma_wait3A_1021 = tpu.memref_slice %arg5[%dma_wait3A_1019, %dma_wait3A_1020] : memref<100000x16xf32, #tpu.memory_space<vmem_shared>> -> memref<100000x16xf32, #tpu.memory_space<vmem_shared>>
    tpu.wait_indirect_dma semaphore(%arg15 : memref<!tpu.dma_semaphore, #tpu.memory_space<semaphore_mem>>) src(%dma_wait3A_1021 : memref<100000x16xf32, #tpu.memory_space<vmem_shared>>) dst(%arg9 : memref<512x16xf32, #tpu.memory_space<vmem>>)
    %add3A_1022 = arith.constant 23040 : i32
    %add3A_1023 = arith.addi %mul3A_2, %add3A_1022 : i32
    %dma_start3A_1024 = arith.constant 0 : i32
    %dma_start3A_1025 = tpu.memref_slice %arg4[%add3A_1023, %dma_start3A_1024] : memref<819200x16xf32, #tpu.memory_space<hbm>> -> memref<512x16xf32, #tpu.memory_space<hbm>>
    %dma_start3A_1026 = arith.constant 0 : i32
    %dma_start3A_1027 = tpu.memref_slice %arg4[%add3A_1023, %dma_start3A_1026] : memref<819200x16xf32, #tpu.memory_space<hbm>> -> memref<512x16xf32, #tpu.memory_space<hbm>>
    tpu.enqueue_dma source(%arg9 : memref<512x16xf32, #tpu.memory_space<vmem>>) target(%dma_start3A_1027 : memref<512x16xf32, #tpu.memory_space<hbm>>) target_semaphore(%arg18 : memref<!tpu.dma_semaphore, #tpu.memory_space<semaphore_mem>>)
    %add3A_1028 = arith.constant 24576 : i32
    %add3A_1029 = arith.addi %mul3A_2, %add3A_1028 : i32
    %dma_start3A_1030 = tpu.memref_slice %arg2[%add3A_1029] : memref<819200xi32, #tpu.memory_space<hbm>> -> memref<512xi32, #tpu.memory_space<hbm>>
    %dma_start3A_1031 = tpu.memref_slice %arg2[%add3A_1029] : memref<819200xi32, #tpu.memory_space<hbm>> -> memref<512xi32, #tpu.memory_space<hbm>>
    tpu.enqueue_dma source(%dma_start3A_1031 : memref<512xi32, #tpu.memory_space<hbm>>) target(%arg6 : memref<512xi32, #tpu.memory_space<vmem>>) target_semaphore(%arg12 : memref<!tpu.dma_semaphore, #tpu.memory_space<semaphore_mem>>)
    %dma_wait3A_1032 = tpu.memref_slice %arg2[%add3A_1007] : memref<819200xi32, #tpu.memory_space<hbm>> -> memref<512xi32, #tpu.memory_space<hbm>>
    %dma_wait3A_1033 = tpu.memref_slice %arg2[%add3A_1007] : memref<819200xi32, #tpu.memory_space<hbm>> -> memref<512xi32, #tpu.memory_space<hbm>>
    tpu.wait_dma2 semaphore(%arg14 : memref<!tpu.dma_semaphore, #tpu.memory_space<semaphore_mem>>) src(%dma_wait3A_1033 : memref<512xi32, #tpu.memory_space<hbm>>) dst(%arg8 : memref<512xi32, #tpu.memory_space<vmem>>)
    %dma_wait3A_1034 = arith.constant 0 : i32
    %dma_wait3A_1035 = tpu.memref_slice %arg4[%add3A_1001, %dma_wait3A_1034] : memref<819200x16xf32, #tpu.memory_space<hbm>> -> memref<512x16xf32, #tpu.memory_space<hbm>>
    %dma_wait3A_1036 = arith.constant 0 : i32
    %dma_wait3A_1037 = tpu.memref_slice %arg4[%add3A_1001, %dma_wait3A_1036] : memref<819200x16xf32, #tpu.memory_space<hbm>> -> memref<512x16xf32, #tpu.memory_space<hbm>>
    tpu.wait_dma2 semaphore(%arg20 : memref<!tpu.dma_semaphore, #tpu.memory_space<semaphore_mem>>) src(%arg11 : memref<512x16xf32, #tpu.memory_space<vmem>>) dst(%dma_wait3A_1037 : memref<512x16xf32, #tpu.memory_space<hbm>>)
    %dma_start3A_1038 = arith.constant 0 : i32
    %dma_start3A_1039 = arith.constant 0 : i32
    %dma_start3A_1040 = tpu.memref_slice %arg5[%dma_start3A_1038, %dma_start3A_1039] : memref<100000x16xf32, #tpu.memory_space<vmem_shared>> -> memref<100000x16xf32, #tpu.memory_space<vmem_shared>>
    tpu.enqueue_indirect_dma source(%dma_start3A_1040 : memref<100000x16xf32, #tpu.memory_space<vmem_shared>>) target(%arg11 : memref<512x16xf32, #tpu.memory_space<vmem>>) offsets(%arg8 : memref<512xi32, #tpu.memory_space<vmem>>) semaphore(%arg17 : memref<!tpu.dma_semaphore, #tpu.memory_space<semaphore_mem>>)
    %dma_wait3A_1041 = arith.constant 0 : i32
    %dma_wait3A_1042 = arith.constant 0 : i32
    %dma_wait3A_1043 = tpu.memref_slice %arg5[%dma_wait3A_1041, %dma_wait3A_1042] : memref<100000x16xf32, #tpu.memory_space<vmem_shared>> -> memref<100000x16xf32, #tpu.memory_space<vmem_shared>>
    tpu.wait_indirect_dma semaphore(%arg16 : memref<!tpu.dma_semaphore, #tpu.memory_space<semaphore_mem>>) src(%dma_wait3A_1043 : memref<100000x16xf32, #tpu.memory_space<vmem_shared>>) dst(%arg10 : memref<512x16xf32, #tpu.memory_space<vmem>>)
    %add3A_1044 = arith.constant 23552 : i32
    %add3A_1045 = arith.addi %mul3A_2, %add3A_1044 : i32
    %dma_start3A_1046 = arith.constant 0 : i32
    %dma_start3A_1047 = tpu.memref_slice %arg4[%add3A_1045, %dma_start3A_1046] : memref<819200x16xf32, #tpu.memory_space<hbm>> -> memref<512x16xf32, #tpu.memory_space<hbm>>
    %dma_start3A_1048 = arith.constant 0 : i32
    %dma_start3A_1049 = tpu.memref_slice %arg4[%add3A_1045, %dma_start3A_1048] : memref<819200x16xf32, #tpu.memory_space<hbm>> -> memref<512x16xf32, #tpu.memory_space<hbm>>
    tpu.enqueue_dma source(%arg10 : memref<512x16xf32, #tpu.memory_space<vmem>>) target(%dma_start3A_1049 : memref<512x16xf32, #tpu.memory_space<hbm>>) target_semaphore(%arg19 : memref<!tpu.dma_semaphore, #tpu.memory_space<semaphore_mem>>)
    %add3A_1050 = arith.constant 25088 : i32
    %add3A_1051 = arith.addi %mul3A_2, %add3A_1050 : i32
    %dma_start3A_1052 = tpu.memref_slice %arg2[%add3A_1051] : memref<819200xi32, #tpu.memory_space<hbm>> -> memref<512xi32, #tpu.memory_space<hbm>>
    %dma_start3A_1053 = tpu.memref_slice %arg2[%add3A_1051] : memref<819200xi32, #tpu.memory_space<hbm>> -> memref<512xi32, #tpu.memory_space<hbm>>
    tpu.enqueue_dma source(%dma_start3A_1053 : memref<512xi32, #tpu.memory_space<hbm>>) target(%arg7 : memref<512xi32, #tpu.memory_space<vmem>>) target_semaphore(%arg13 : memref<!tpu.dma_semaphore, #tpu.memory_space<semaphore_mem>>)
    %dma_wait3A_1054 = tpu.memref_slice %arg2[%add3A_1029] : memref<819200xi32, #tpu.memory_space<hbm>> -> memref<512xi32, #tpu.memory_space<hbm>>
    %dma_wait3A_1055 = tpu.memref_slice %arg2[%add3A_1029] : memref<819200xi32, #tpu.memory_space<hbm>> -> memref<512xi32, #tpu.memory_space<hbm>>
    tpu.wait_dma2 semaphore(%arg12 : memref<!tpu.dma_semaphore, #tpu.memory_space<semaphore_mem>>) src(%dma_wait3A_1055 : memref<512xi32, #tpu.memory_space<hbm>>) dst(%arg6 : memref<512xi32, #tpu.memory_space<vmem>>)
    %dma_wait3A_1056 = arith.constant 0 : i32
    %dma_wait3A_1057 = tpu.memref_slice %arg4[%add3A_1023, %dma_wait3A_1056] : memref<819200x16xf32, #tpu.memory_space<hbm>> -> memref<512x16xf32, #tpu.memory_space<hbm>>
    %dma_wait3A_1058 = arith.constant 0 : i32
    %dma_wait3A_1059 = tpu.memref_slice %arg4[%add3A_1023, %dma_wait3A_1058] : memref<819200x16xf32, #tpu.memory_space<hbm>> -> memref<512x16xf32, #tpu.memory_space<hbm>>
    tpu.wait_dma2 semaphore(%arg18 : memref<!tpu.dma_semaphore, #tpu.memory_space<semaphore_mem>>) src(%arg9 : memref<512x16xf32, #tpu.memory_space<vmem>>) dst(%dma_wait3A_1059 : memref<512x16xf32, #tpu.memory_space<hbm>>)
    %dma_start3A_1060 = arith.constant 0 : i32
    %dma_start3A_1061 = arith.constant 0 : i32
    %dma_start3A_1062 = tpu.memref_slice %arg5[%dma_start3A_1060, %dma_start3A_1061] : memref<100000x16xf32, #tpu.memory_space<vmem_shared>> -> memref<100000x16xf32, #tpu.memory_space<vmem_shared>>
    tpu.enqueue_indirect_dma source(%dma_start3A_1062 : memref<100000x16xf32, #tpu.memory_space<vmem_shared>>) target(%arg9 : memref<512x16xf32, #tpu.memory_space<vmem>>) offsets(%arg6 : memref<512xi32, #tpu.memory_space<vmem>>) semaphore(%arg15 : memref<!tpu.dma_semaphore, #tpu.memory_space<semaphore_mem>>)
    %dma_wait3A_1063 = arith.constant 0 : i32
    %dma_wait3A_1064 = arith.constant 0 : i32
    %dma_wait3A_1065 = tpu.memref_slice %arg5[%dma_wait3A_1063, %dma_wait3A_1064] : memref<100000x16xf32, #tpu.memory_space<vmem_shared>> -> memref<100000x16xf32, #tpu.memory_space<vmem_shared>>
    tpu.wait_indirect_dma semaphore(%arg17 : memref<!tpu.dma_semaphore, #tpu.memory_space<semaphore_mem>>) src(%dma_wait3A_1065 : memref<100000x16xf32, #tpu.memory_space<vmem_shared>>) dst(%arg11 : memref<512x16xf32, #tpu.memory_space<vmem>>)
    %add3A_1066 = arith.constant 24064 : i32
    %add3A_1067 = arith.addi %mul3A_2, %add3A_1066 : i32
    %dma_start3A_1068 = arith.constant 0 : i32
    %dma_start3A_1069 = tpu.memref_slice %arg4[%add3A_1067, %dma_start3A_1068] : memref<819200x16xf32, #tpu.memory_space<hbm>> -> memref<512x16xf32, #tpu.memory_space<hbm>>
    %dma_start3A_1070 = arith.constant 0 : i32
    %dma_start3A_1071 = tpu.memref_slice %arg4[%add3A_1067, %dma_start3A_1070] : memref<819200x16xf32, #tpu.memory_space<hbm>> -> memref<512x16xf32, #tpu.memory_space<hbm>>
    tpu.enqueue_dma source(%arg11 : memref<512x16xf32, #tpu.memory_space<vmem>>) target(%dma_start3A_1071 : memref<512x16xf32, #tpu.memory_space<hbm>>) target_semaphore(%arg20 : memref<!tpu.dma_semaphore, #tpu.memory_space<semaphore_mem>>)
    %dma_wait3A_1072 = tpu.memref_slice %arg2[%add3A_1051] : memref<819200xi32, #tpu.memory_space<hbm>> -> memref<512xi32, #tpu.memory_space<hbm>>
    %dma_wait3A_1073 = tpu.memref_slice %arg2[%add3A_1051] : memref<819200xi32, #tpu.memory_space<hbm>> -> memref<512xi32, #tpu.memory_space<hbm>>
    tpu.wait_dma2 semaphore(%arg13 : memref<!tpu.dma_semaphore, #tpu.memory_space<semaphore_mem>>) src(%dma_wait3A_1073 : memref<512xi32, #tpu.memory_space<hbm>>) dst(%arg7 : memref<512xi32, #tpu.memory_space<vmem>>)
    %dma_wait3A_1074 = arith.constant 0 : i32
    %dma_wait3A_1075 = tpu.memref_slice %arg4[%add3A_1045, %dma_wait3A_1074] : memref<819200x16xf32, #tpu.memory_space<hbm>> -> memref<512x16xf32, #tpu.memory_space<hbm>>
    %dma_wait3A_1076 = arith.constant 0 : i32
    %dma_wait3A_1077 = tpu.memref_slice %arg4[%add3A_1045, %dma_wait3A_1076] : memref<819200x16xf32, #tpu.memory_space<hbm>> -> memref<512x16xf32, #tpu.memory_space<hbm>>
    tpu.wait_dma2 semaphore(%arg19 : memref<!tpu.dma_semaphore, #tpu.memory_space<semaphore_mem>>) src(%arg10 : memref<512x16xf32, #tpu.memory_space<vmem>>) dst(%dma_wait3A_1077 : memref<512x16xf32, #tpu.memory_space<hbm>>)
    %dma_start3A_1078 = arith.constant 0 : i32
    %dma_start3A_1079 = arith.constant 0 : i32
    %dma_start3A_1080 = tpu.memref_slice %arg5[%dma_start3A_1078, %dma_start3A_1079] : memref<100000x16xf32, #tpu.memory_space<vmem_shared>> -> memref<100000x16xf32, #tpu.memory_space<vmem_shared>>
    tpu.enqueue_indirect_dma source(%dma_start3A_1080 : memref<100000x16xf32, #tpu.memory_space<vmem_shared>>) target(%arg10 : memref<512x16xf32, #tpu.memory_space<vmem>>) offsets(%arg7 : memref<512xi32, #tpu.memory_space<vmem>>) semaphore(%arg16 : memref<!tpu.dma_semaphore, #tpu.memory_space<semaphore_mem>>)
    %dma_wait3A_1081 = arith.constant 0 : i32
    %dma_wait3A_1082 = arith.constant 0 : i32
    %dma_wait3A_1083 = tpu.memref_slice %arg5[%dma_wait3A_1081, %dma_wait3A_1082] : memref<100000x16xf32, #tpu.memory_space<vmem_shared>> -> memref<100000x16xf32, #tpu.memory_space<vmem_shared>>
    tpu.wait_indirect_dma semaphore(%arg15 : memref<!tpu.dma_semaphore, #tpu.memory_space<semaphore_mem>>) src(%dma_wait3A_1083 : memref<100000x16xf32, #tpu.memory_space<vmem_shared>>) dst(%arg9 : memref<512x16xf32, #tpu.memory_space<vmem>>)
    %add3A_1084 = arith.constant 24576 : i32
    %add3A_1085 = arith.addi %mul3A_2, %add3A_1084 : i32
    %dma_start3A_1086 = arith.constant 0 : i32
    %dma_start3A_1087 = tpu.memref_slice %arg4[%add3A_1085, %dma_start3A_1086] : memref<819200x16xf32, #tpu.memory_space<hbm>> -> memref<512x16xf32, #tpu.memory_space<hbm>>
    %dma_start3A_1088 = arith.constant 0 : i32
    %dma_start3A_1089 = tpu.memref_slice %arg4[%add3A_1085, %dma_start3A_1088] : memref<819200x16xf32, #tpu.memory_space<hbm>> -> memref<512x16xf32, #tpu.memory_space<hbm>>
    tpu.enqueue_dma source(%arg9 : memref<512x16xf32, #tpu.memory_space<vmem>>) target(%dma_start3A_1089 : memref<512x16xf32, #tpu.memory_space<hbm>>) target_semaphore(%arg18 : memref<!tpu.dma_semaphore, #tpu.memory_space<semaphore_mem>>)
    %dma_wait3A_1090 = arith.constant 0 : i32
    %dma_wait3A_1091 = arith.constant 0 : i32
    %dma_wait3A_1092 = tpu.memref_slice %arg5[%dma_wait3A_1090, %dma_wait3A_1091] : memref<100000x16xf32, #tpu.memory_space<vmem_shared>> -> memref<100000x16xf32, #tpu.memory_space<vmem_shared>>
    tpu.wait_indirect_dma semaphore(%arg16 : memref<!tpu.dma_semaphore, #tpu.memory_space<semaphore_mem>>) src(%dma_wait3A_1092 : memref<100000x16xf32, #tpu.memory_space<vmem_shared>>) dst(%arg10 : memref<512x16xf32, #tpu.memory_space<vmem>>)
    %add3A_1093 = arith.constant 25088 : i32
    %add3A_1094 = arith.addi %mul3A_2, %add3A_1093 : i32
    %dma_start3A_1095 = arith.constant 0 : i32
    %dma_start3A_1096 = tpu.memref_slice %arg4[%add3A_1094, %dma_start3A_1095] : memref<819200x16xf32, #tpu.memory_space<hbm>> -> memref<512x16xf32, #tpu.memory_space<hbm>>
    %dma_start3A_1097 = arith.constant 0 : i32
    %dma_start3A_1098 = tpu.memref_slice %arg4[%add3A_1094, %dma_start3A_1097] : memref<819200x16xf32, #tpu.memory_space<hbm>> -> memref<512x16xf32, #tpu.memory_space<hbm>>
    tpu.enqueue_dma source(%arg10 : memref<512x16xf32, #tpu.memory_space<vmem>>) target(%dma_start3A_1098 : memref<512x16xf32, #tpu.memory_space<hbm>>) target_semaphore(%arg19 : memref<!tpu.dma_semaphore, #tpu.memory_space<semaphore_mem>>)
    %dma_wait3A_1099 = arith.constant 0 : i32
    %dma_wait3A_1100 = tpu.memref_slice %arg4[%add3A_1085, %dma_wait3A_1099] : memref<819200x16xf32, #tpu.memory_space<hbm>> -> memref<512x16xf32, #tpu.memory_space<hbm>>
    %dma_wait3A_1101 = arith.constant 0 : i32
    %dma_wait3A_1102 = tpu.memref_slice %arg4[%add3A_1085, %dma_wait3A_1101] : memref<819200x16xf32, #tpu.memory_space<hbm>> -> memref<512x16xf32, #tpu.memory_space<hbm>>
    tpu.wait_dma2 semaphore(%arg18 : memref<!tpu.dma_semaphore, #tpu.memory_space<semaphore_mem>>) src(%arg9 : memref<512x16xf32, #tpu.memory_space<vmem>>) dst(%dma_wait3A_1102 : memref<512x16xf32, #tpu.memory_space<hbm>>)
    %dma_wait3A_1103 = arith.constant 0 : i32
    %dma_wait3A_1104 = tpu.memref_slice %arg4[%add3A_1094, %dma_wait3A_1103] : memref<819200x16xf32, #tpu.memory_space<hbm>> -> memref<512x16xf32, #tpu.memory_space<hbm>>
    %dma_wait3A_1105 = arith.constant 0 : i32
    %dma_wait3A_1106 = tpu.memref_slice %arg4[%add3A_1094, %dma_wait3A_1105] : memref<819200x16xf32, #tpu.memory_space<hbm>> -> memref<512x16xf32, #tpu.memory_space<hbm>>
    tpu.wait_dma2 semaphore(%arg19 : memref<!tpu.dma_semaphore, #tpu.memory_space<semaphore_mem>>) src(%arg10 : memref<512x16xf32, #tpu.memory_space<vmem>>) dst(%dma_wait3A_1106 : memref<512x16xf32, #tpu.memory_space<hbm>>)
    %dma_wait3A_1107 = arith.constant 0 : i32
    %dma_wait3A_1108 = tpu.memref_slice %arg4[%add3A_1067, %dma_wait3A_1107] : memref<819200x16xf32, #tpu.memory_space<hbm>> -> memref<512x16xf32, #tpu.memory_space<hbm>>
    %dma_wait3A_1109 = arith.constant 0 : i32
    %dma_wait3A_1110 = tpu.memref_slice %arg4[%add3A_1067, %dma_wait3A_1109] : memref<819200x16xf32, #tpu.memory_space<hbm>> -> memref<512x16xf32, #tpu.memory_space<hbm>>
    tpu.wait_dma2 semaphore(%arg20 : memref<!tpu.dma_semaphore, #tpu.memory_space<semaphore_mem>>) src(%arg11 : memref<512x16xf32, #tpu.memory_space<vmem>>) dst(%dma_wait3A_1110 : memref<512x16xf32, #tpu.memory_space<hbm>>)
    return
  }
}

</mosaic_0001>

<sc_bundles>
// kernel: kernel.3.cloned.1.call-start
scs
__scs_entry_jumppad:
0x0: {  	(pc) =	sbr.rel $0x88, $3  }
0x1: {  	(tag) =	ssettag $0x0;
	lr =	simm.s32 $0x1  }
0x2: {  	[smem:$0x3F9F] =	sst lr;
	_ =	strace $0xD0000000  }
0x3: {  	_ = 	snop  }
0x4: {  	_ = 	snop  }
0x5: {  	_ = 	snop  }
0x6: {  	_ = 	snop  }
0x7: {  	_ = 	snop  }
__scs_overlays_trampoline_lowered:
0x8: {  	[smem:$0x3FAE] =	sst s0  }
0x9: {  	[smem:$0x3FAF] =	sst s1  }
0xa: {  	[smem:$0x3FB0] =	sst s2  }
0xb: {  	[smem:$0x3FB1] =	sst s3  }
0xc: {  	[smem:$0x3FB2] =	sst s4  }
0xd: {  	[smem:$0x3FB3] =	sst s5  }
0xe: {  	[smem:$0x3FB4] =	sst s6  }
0xf: {  	[smem:$0x3FB5] =	sst s7  }
0x10: {  	[smem:$0x3FB6] =	sst s8  }
0x11: {  	[smem:$0x3FB7] =	sst s9;
	s0 =	simm.s32 @!p0 $0x0  }
0x12: {  	s1 =	sld [smem:$0x3F9D];
	s0 =	simm.s32 @p0 $0x1  }
0x13: {  	[smem:$0x3FB8] =	sst s0;
	s0 =	simm.s32 @!p1 $0x0  }
0x14: {  	s2 =	sld [smem:$0x3F9C];
	s0 =	simm.s32 @p1 $0x1  }
0x15: {  	[smem:$0x3FB9] =	sst s0;
	s0 =	simm.s32 @!p2 $0x0  }
0x16: {  	s3 =	sld [smem:$0x3FDB];
	s0 =	simm.s32 @p2 $0x1  }
0x17: {  	s4 =	simm.s32 $0x1BF5;
	[smem:$0x3FBB] =	sst s0  }
0x18: {  	s0 =	sld [smem:$0x3F9E];
	_ =	swait.ge [sflag:s4], $0x0  }
0x19: {  	s7 =	sld [smem:$0x3F9F]  }
0x1a: {  	s8 =	sadd.s32 $0xFFFFE003, lr  }
0x1b: {  	s9 =	sadd.s32 $0xFFFFFEF7, lr;
	s5 =	simm.s32 $0xFFFFFFFF;
	p2 =	slt.u32 s8, $0xFFFFF086  }
0x1c: {  	p1 =	slt.u32 s9, $0xF7A;
	s5 =	simm.s32 @!p2 $0x0  }
0x1d: {  	s5 =	simm.s32 @p1 $0x1;
	p0 =	seq.s32 s7, s2  }
0x1e: {  	s7 =	smul.u32 @!p0 $0xF7A, s2;
	p2 =	seq.s32 @!p0 s5, $0x0  }
0x1f: {  	s9 =	smul.u32 $0xF7A, s1;
	s8 =	simm.s32 @!p0 $0x1BF5;
	p2 =	por !p2, p0  }
0x20: {  	[sflag:s8] =	ssyncset.s32 @!p0 $0xFFFFF086;
	s6 =	sadd.s32 @!p0 s3, s7;
	s7 =	simm.s32 @!p0 $0x108  }
0x21: {  	s3 =	sadd.s32 s3, s9;
	s6 =	sadd.s32 @!p0 $0x88, s6;
	s7 =	simm.s32 @p2 $0x1082  }
0x22: {  	[simem:s7], [sflag:s8] =	dma.local @!p0 [hbm:s6], $0xF7A  }
0x23: {  	s9 =	sor.u32 $0xD0000000, s2;
	s6 =	simm.s32 $0x108;
	_ =	swait.ge @!p0 [sflag:s8], $0x0  }
0x24: {  	s3 =	sadd.s32 $0x88, s3;
	s6 =	simm.s32 @!p1 $0x1082;
	[sflag:s4] =	ssyncset.s32 $0xFFFFF086  }
0x25: {  	[simem:s6], [sflag:s4] =	dma.local [hbm:s3], $0xF7A  }
0x26: {  	[smem:$0x3F9F] =	sst s1;
	(tag) =	ssettag s2;
	_ =	strace s9  }
0x27: {  	s1 =	sld [smem:$0x3FAF]  }
0x28: {  	s2 =	sld [smem:$0x3FB0]  }
0x29: {  	s4 =	sld [smem:$0x3FB2]  }
0x2a: {  	p0 =	seq.s32 s5, $0x0;
	s5 =	sld [smem:$0x3FB3]  }
0x2b: {  	s6 =	sld [smem:$0x3FB4]  }
0x2c: {  	s7 =	sld [smem:$0x3FB5]  }
0x2d: {  	s3 =	simm.s32 $0x108;
	s8 =	sld [smem:$0x3FB6]  }
0x2e: {  	s3 =	simm.s32 @!p0 $0x1082;
	s9 =	sld [smem:$0x3FB7]  }
0x2f: {  	lr =	sadd.s32 s0, s3;
	s0 =	sld [smem:$0x3FAE]  }
0x30: {  	s3 =	sld [smem:$0x3FB1]  }
0x31: {  	[smem:$0x3FBA] =	sst s10  }
0x32: {  	s10 =	sld [smem:$0x3FB8];
	_ =	sdelay $0x3  }
0x33: {  	p0 =	seq.s32 s10, $0x1;
	s10 =	sld [smem:$0x3FBA];
	_ =	sdelay $0x3  }
0x34: {  	[smem:$0x3FBA] =	sst s10  }
0x35: {  	s10 =	sld [smem:$0x3FB9];
	_ =	sdelay $0x3  }
0x36: {  	p1 =	seq.s32 s10, $0x1;
	s10 =	sld [smem:$0x3FBA];
	_ =	sdelay $0x3  }
0x37: {  	[smem:$0x3FBA] =	sst s10  }
0x38: {  	s10 =	sld [smem:$0x3FBB]  }
0x39: {  	_ = 	snop;
	(pc) =	sbr.ind lr, $3  }
0x3a: {  	_ = 	snop  }
0x3b: {  	_ = 	snop  }
0x3c: {  	p2 =	seq.s32 s10, $0x1;
	s10 =	sld [smem:$0x3FBA]  }
0x3d: {  	_ =	shalt  }
0x3e: {  	_ =	shalt  }
0x3f: {  	_ =	shalt  }
0x40: {  	_ =	shalt  }
0x41: {  	_ =	shalt  }
0x42: {  	_ =	shalt  }
0x43: {  	_ =	shalt  }
0x44: {  	_ =	shalt  }
0x45: {  	_ =	shalt  }
0x46: {  	_ =	shalt  }
0x47: {  	_ =	shalt  }
0x48: {  	_ =	shalt  }
0x49: {  	_ =	shalt  }
0x4a: {  	_ =	shalt  }
0x4b: {  	_ =	shalt  }
0x4c: {  	_ =	shalt  }
0x4d: {  	_ =	shalt  }
0x4e: {  	_ =	shalt  }
0x4f: {  	_ =	shalt  }
0x50: {  	_ =	shalt  }
0x51: {  	_ =	shalt  }
0x52: {  	_ =	shalt  }
0x53: {  	_ =	shalt  }
0x54: {  	_ =	shalt  }
0x55: {  	_ =	shalt  }
0x56: {  	_ =	shalt  }
0x57: {  	_ =	shalt  }
0x58: {  	_ =	shalt  }
0x59: {  	_ =	shalt  }
0x5a: {  	_ =	shalt  }
0x5b: {  	_ =	shalt  }
0x5c: {  	_ =	shalt  }
0x5d: {  	_ =	shalt  }
0x5e: {  	_ =	shalt  }
0x5f: {  	_ =	shalt  }
0x60: {  	_ =	shalt  }
0x61: {  	_ =	shalt  }
0x62: {  	_ =	shalt  }
0x63: {  	_ =	shalt  }
0x64: {  	_ =	shalt  }
0x65: {  	_ =	shalt  }
0x66: {  	_ =	shalt  }
0x67: {  	_ =	shalt  }
0x68: {  	_ =	shalt  }
0x69: {  	_ =	shalt  }
0x6a: {  	_ =	shalt  }
0x6b: {  	_ =	shalt  }
0x6c: {  	_ =	shalt  }
0x6d: {  	_ =	shalt  }
0x6e: {  	_ =	shalt  }
0x6f: {  	_ =	shalt  }
0x70: {  	_ =	shalt  }
0x71: {  	_ =	shalt  }
0x72: {  	_ =	shalt  }
0x73: {  	_ =	shalt  }
0x74: {  	_ =	shalt  }
0x75: {  	_ =	shalt  }
0x76: {  	_ =	shalt  }
0x77: {  	_ =	shalt  }
0x78: {  	_ =	shalt  }
0x79: {  	_ =	shalt  }
0x7a: {  	_ =	shalt  }
0x7b: {  	_ =	shalt  }
0x7c: {  	_ =	shalt  }
0x7d: {  	_ =	shalt  }
0x7e: {  	_ =	shalt  }
0x7f: {  	_ =	shalt  }
0x80: {  	_ =	shalt  }
0x81: {  	_ =	shalt  }
0x82: {  	_ =	shalt  }
0x83: {  	_ =	shalt  }
0x84: {  	_ =	shalt  }
0x85: {  	_ =	shalt  }
0x86: {  	_ =	shalt  }
0x87: {  	_ =	shalt  }
.Lfunc_end0:
.L_simem_size_0:
called_computation.1_lowered:
.L_overlay_start_0:
0x88: {  	s2 =	sld [smem:$0x3FD9]  }
0x89: {  	s3 =	sld [smem:$0x3FFE];
	_ =	sdelay $0x1  }
0x8a: {  	s1 =	srdreg.scid  }
0x8b: {  	s0 =	sand.u32 $0x1, s1  }
0x8c: {  	s17 =	sshll.u32 s0, $0xA;
	s2 =	sadd.s32 s3, s2  }
0x8d: {  	s2 =	sadd.s32 s2, s17  }
0x8e: {  	[smem:$0x3FC6] =	sst s2  }
0x8f: {  	_ = 	snop  }
0x90: {  	s2 =	sld [smem:$0x3FD0];
	(tm) =	ssettm $0x1  }
0x91: {  	s18 =	sld [smem:$0x3FFB];
	_ =	sdelay $0x3  }
0x92: {  	_ =	strace s18  }
0x93: {  	s3 =	sld [smem:$0x3FFC];
	_ =	sdelay $0x3  }
0x94: {  	_ =	strace s3  }
0x95: {  	s3 =	sld [smem:$0x3FFD];
	_ =	sdelay $0x3  }
0x96: {  	_ =	strace s3  }
0x97: {  	_ =	strace $0x8FFFFFFF  }
0x98: {  	s19 =	sld [smem:$0x3FDB];
	_ =	sdelay $0x1  }
0x99: {  	s4 =	simm.s32 $_scs_section_size  }
0x9a: {  	s5 =	simm.s32 $_size__tile_overlayer_lowered;
	s6 =	simm.s32 $_tile_overlayer_lowered  }
0x9b: {  	s22 =	simm.s32 $0x1BFF;
	s21 =	sshll.u32 s6, $0x1;
	s3 =	sadd.s32 s4, s19  }
0x9c: {  	s7 =	simm.s32 $0x0;
	s20 =	sshll.u32 s5, $0x1;
	s5 =	sadd.s32 s21, s3  }
0x9d: {  	[timem:s7], [sflag:s22] =	dma.local [hbm:s5], s20  }
0x9e: {  	_ =	swait.ge [sflag:s22], s20  }
0x9f: {  	s4 =	ssub.s32 $0x0, s20;
	[sflag:s22] =	ssyncset.done $0x0  }
0xa0: {  	[sflag:s22] =	ssyncadd.s32 s4;
	_ =	sdelay $0x1  }
0xa1: {  	s23 =	simm.s32 $0x1B8B  }
0xa2: {  	_ =	swait.ge [sflag:s23], $0x1  }
0xa3: {  	[sflag:s23] =	ssyncset.done $0x0  }
0xa4: {  	s25 =	simm.s32 $0x1B8E;
	s24 =	sld [smem:$0x3FFE];
	[sflag:s23] =	ssyncadd.s32 $0xFFFFFFFF  }
0xa5: {  	s26 =	simm.s32 $execute0_lowered;
	[smem:$0x3FD2] =	sst s25  }
0xa6: {  	s5 =	sshll.u32 s26, $0x1;
	_ =	strace $0x80000046;
	[dreg:$0x1] =	wrdreg $0xFFFFFFFF  }
0xa7: {  	s28 =	simm.s32 $_size_execute0_lowered;
	s3 =	sadd.s32 s3, s5;
	[dreg:$0x0] =	wrdreg $0x0  }
0xa8: {  	s5 =	sshll.u32 s28, $0x1;
	[dreg:$0x2] =	wrdreg s3  }
0xa9: {  	[dreg:$0x3] =	wrdreg s5  }
0xaa: {  	[dreg:$0x4] =	wrdreg $0xC0  }
0xab: {  	_ =	task [dreg:s7], $0x5FFFF  }
0xac: {  	[dreg:$0x1] =	wrdreg $0xFFFFFFFF  }
0xad: {  	[dreg:$0x0] =	wrdreg $0x60  }
0xae: {  	[dreg:$0x2] =	wrdreg s24  }
0xaf: {  	[dreg:$0x3] =	wrdreg s2  }
0xb0: {  	[dreg:$0x4] =	wrdreg $0x0  }
0xb1: {  	[dreg:$0x5] =	wrdreg $0x9  }
0xb2: {  	_ =	task.clear_ibuf [dreg:s7], $0x6FFFF;
	_ =	strace $0x90000046  }
0xb3: {  	s29 =	simm.s32 $0x9;
	_ =	strace $0x80000048  }
0xb4: {  	_ =	swait.ge [sflag:s29], $0x1  }
0xb5: {  	[sflag:s29] =	ssyncadd.s32 $0xFFFFFFFF  }
0xb6: {  	_ =	strace $0x90000048  }
0xb7: {  	_ =	sfence  }
0xb8: {  	s30 =	sld [smem:$0x0];
	_ =	sdelay $0x2  }
0xb9: {  	s31 =	sshll.u32 s1, $0xD;
	s1 =	sshrl.u32 s1, $0x2  }
0xba: {  	s3 =	sand.u32 $0x4000, s31;
	s1 =	sadd.s32 s1, s30  }
0xbb: {  	s0 =	sor.u32 s3, s0;
	s1 =	sshll.u32 s1, $0x11  }
0xbc: {  	s0 =	sor.u32 s1, s0  }
0xbd: {  	s0 =	sadd.s32 $0x8F2B, s0  }
0xbe: {  	[sflag:s0] =	ssyncadd.remote.s32 $0x1  }
0xbf: {  	_ =	sfence.sel $0xFFFF  }
0xc0: {  	[dreg:$0x0] =	wrdreg $0xFFFFFFFF;
	(pc) =	sbr.abs _section_cstart, $3  }
0xc1: {  	[dreg:$0x1] =	wrdreg $0xFFFFFFFF  }
0xc2: {  	_ =	task.clear_ibuf [dreg:s7], $0x2FFFF;
	_ =	strace $0x9FFFFFFF  }
0xc3: {  	(tm) =	ssettm $0x7FFFFFFF  }
tec
execute0_lowered:
.L_overlay_start_1:
0x0: {  	(tag) =	ssettag $0x1  }
0x1: {  	s1 =	rddreg [dreg:$0x0]  }
0x2: {  	s0 =	rddreg [dreg:$0x1]  }
0x3: {  	s3 =	rddreg [dreg:$0x2]  }
0x4: {  	s10 =	stileid.u32;
	s4 =	srdreg.scid;
	s2 =	simm.s32 $0x0  }
0x5: {  	s28 =	simm.s32 $0x18AA0;
	s30 =	simm.s32 $0x3;
	p0 =	por $0x0, $0x0  }
0x6: {  	s6 =	smul.u32 $0x186A0, s10;
	s7 =	sand.u32 $0x1, s4;
	s14 =	sshll.u32 s10, $0x1  }
0x7: {  	[smem:$0x7FF] =	sst s2;
	s4 =	sadd.s32 $0xA00, s1;
	s16 =	sshll.u32 s10, $0x6  }
0x8: {  	s8 =	sor.u32 s7, s14;
	_ =	strace $0x80000047;
	s5 =	sshrl.u32 s6, $0x3  }
0x9: {  	s17 =	sor.u32 $0x1C04, s16;
	s9 =	sadd.s32 s5, s1;
	s5 =	smul.u32 $0x6400, s8  }
0xa: {  	s7 =	ssub.s32 $0x2, s7;
	[dreg:$0x5] =	wrdreg s17;
	s15 =	sadd.s32 $0x19A00, s9  }
0xb: {  	s8 =	smul.u32 $0xC800, s8;
	[dreg:$0x4] =	wrdreg s15;
	s18 =	sshrl.u32 s5, $0x3  }
0xc: {  	s20 =	sor.u32 $0x200, s5;
	s22 =	sadd.s32 $0x400, s5;
	s24 =	sadd.s32 $0x600, s5  }
0xd: {  	s25 =	sadd.s32 s0, s8;
	s15 =	sadd.s32 $0x800, s5;
	s19 =	sadd.s32 s4, s18  }
0xe: {  	s21 =	sshrl.u32 s20, $0x3;
	s11 =	sshrl.u32 s22, $0x3;
	s26 =	sshrl.u32 s24, $0x3  }
0xf: {  	[dreg:$0x9] =	wrdreg s25;
	s13 =	sshll.u32 s20, $0x1;
	s16 =	sshrl.u32 s15, $0x3  }
0x10: {  	s17 =	sshll.u32 s22, $0x1;
	s18 =	sadd.s32 $0xA00, s5;
	s22 =	sshll.u32 s24, $0x1  }
0x11: {  	s24 =	sadd.s32 $0xC00, s5;
	s8 =	sshll.u32 s15, $0x1;
	[dreg:$0x6] =	wrdreg s19  }
0x12: {  	s1 =	sadd.s32 s4, s21;
	s23 =	sadd.s32 s4, s11;
	s12 =	sadd.s32 s4, s26  }
0x13: {  	s14 =	sadd.s32 s0, s13;
	s19 =	sadd.s32 s0, s17;
	[dreg:$0x7] =	wrdreg s1  }
0x14: {  	s20 =	sshrl.u32 s18, $0x3;
	s25 =	sshrl.u32 s24, $0x3;
	[dreg:$0x8] =	wrdreg s23  }
0x15: {  	s26 =	sadd.s32 $0xE00, s5;
	s8 =	sadd.s32 s0, s8;
	[dreg:$0xa] =	wrdreg s12  }
0x16: {  	s9 =	sshll.u32 s24, $0x1;
	s24 =	sadd.s32 $0x1400, s5;
	[dreg:$0xb] =	wrdreg s14  }
0x17: {  	s11 =	sadd.s32 $0x5E00, s5;
	s1 =	sadd.s32 s4, s16;
	[dreg:$0xd] =	wrdreg s19  }
0x18: {  	s21 =	sadd.s32 s4, s20;
	s23 =	sadd.s32 s0, s22;
	s12 =	sshrl.u32 s26, $0x3  }
0x19: {  	[dreg:$0x11] =	wrdreg s8;
	s14 =	sshll.u32 s18, $0x1;
	s16 =	sadd.s32 $0x1000, s5  }
0x1a: {  	s18 =	sadd.s32 $0x1200, s5;
	s19 =	sadd.s32 s0, s9;
	[dreg:$0xc] =	wrdreg s1  }
0x1b: {  	s22 =	sshll.u32 s26, $0x1;
	s26 =	sadd.s32 $0x1600, s5;
	[dreg:$0xe] =	wrdreg s21  }
0x1c: {  	s9 =	sshll.u32 s24, $0x1;
	[dreg:$0xf] =	wrdreg s23;
	s1 =	sadd.s32 s4, s25  }
0x1d: {  	s13 =	sadd.s32 s4, s12;
	s15 =	sadd.s32 s0, s14;
	s17 =	sshrl.u32 s16, $0x3  }
0x1e: {  	s20 =	sshrl.u32 s18, $0x3;
	[dreg:$0x15] =	wrdreg s19;
	s23 =	sadd.s32 s0, s22  }
0x1f: {  	s25 =	sshrl.u32 s24, $0x3;
	s8 =	sshll.u32 s16, $0x1;
	s12 =	sshrl.u32 s26, $0x3  }
0x20: {  	s14 =	sshll.u32 s18, $0x1;
	s16 =	sadd.s32 $0x1800, s5;
	s18 =	sadd.s32 $0x1A00, s5  }
0x21: {  	s19 =	sadd.s32 s0, s9;
	s22 =	sshll.u32 s26, $0x1;
	[dreg:$0x10] =	wrdreg s1  }
0x22: {  	s24 =	sadd.s32 $0x1C00, s5;
	s26 =	sadd.s32 $0x1E00, s5;
	[dreg:$0x12] =	wrdreg s13  }
0x23: {  	[dreg:$0x13] =	wrdreg s15;
	s1 =	sadd.s32 s4, s17;
	s21 =	sadd.s32 s4, s20  }
0x24: {  	[dreg:$0x17] =	wrdreg s23;
	s8 =	sadd.s32 s0, s8;
	s13 =	sadd.s32 s4, s12  }
0x25: {  	s15 =	sadd.s32 s0, s14;
	s17 =	sshrl.u32 s16, $0x3;
	[dreg:$0x1d] =	wrdreg s19  }
0x26: {  	s20 =	sshrl.u32 s18, $0x3;
	s23 =	sadd.s32 s0, s22;
	[dreg:$0x14] =	wrdreg s1  }
0x27: {  	s12 =	sshrl.u32 s26, $0x3;
	s14 =	sshll.u32 s18, $0x1;
	[dreg:$0x16] =	wrdreg s21  }
0x28: {  	s9 =	sshll.u32 s24, $0x1;
	s18 =	sadd.s32 $0x2200, s5;
	[dreg:$0x19] =	wrdreg s8  }
0x29: {  	s22 =	sshll.u32 s26, $0x1;
	s26 =	sadd.s32 $0x2600, s5;
	[dreg:$0x1a] =	wrdreg s13  }
0x2a: {  	s1 =	sadd.s32 s4, s25;
	[dreg:$0x1b] =	wrdreg s15;
	s21 =	sadd.s32 s4, s20  }
0x2b: {  	[dreg:$0x1f] =	wrdreg s23;
	s25 =	sshrl.u32 s24, $0x3;
	s8 =	sshll.u32 s16, $0x1  }
0x2c: {  	s13 =	sadd.s32 s4, s12;
	s15 =	sadd.s32 s0, s14;
	s16 =	sadd.s32 $0x2000, s5  }
0x2d: {  	s19 =	sadd.s32 s0, s9;
	s20 =	sshrl.u32 s18, $0x3;
	s23 =	sadd.s32 s0, s22  }
0x2e: {  	s24 =	sadd.s32 $0x2400, s5;
	s12 =	sshrl.u32 s26, $0x3;
	[dreg:$0x18] =	wrdreg s1  }
0x2f: {  	s14 =	sshll.u32 s18, $0x1;
	s18 =	sadd.s32 $0x2A00, s5;
	[dreg:$0x1e] =	wrdreg s21  }
0x30: {  	s22 =	sshll.u32 s26, $0x1;
	s26 =	sadd.s32 $0x2E00, s5;
	[smem:$0x7C0] =	sst s13  }
0x31: {  	s1 =	sadd.s32 s4, s17;
	s8 =	sadd.s32 s0, s8;
	[smem:$0x7C1] =	sst s15  }
0x32: {  	s17 =	sshrl.u32 s16, $0x3;
	[smem:$0x7C3] =	sst s19;
	s21 =	sadd.s32 s4, s20  }
0x33: {  	[smem:$0x7C5] =	sst s23;
	s13 =	sadd.s32 s4, s12;
	s15 =	sadd.s32 s0, s14  }
0x34: {  	s9 =	sshll.u32 s24, $0x1;
	s20 =	sshrl.u32 s18, $0x3;
	s23 =	sadd.s32 s0, s22  }
0x35: {  	s12 =	sshrl.u32 s26, $0x3;
	s14 =	sshll.u32 s18, $0x1;
	[dreg:$0x1c] =	wrdreg s1  }
0x36: {  	s18 =	sadd.s32 $0x3200, s5;
	s22 =	sshll.u32 s26, $0x1;
	[smem:$0x7BF] =	sst s8  }
0x37: {  	s26 =	sadd.s32 $0x3600, s5;
	s1 =	sadd.s32 s4, s25;
	[smem:$0x7C4] =	sst s21  }
0x38: {  	s25 =	sshrl.u32 s24, $0x3;
	s8 =	sshll.u32 s16, $0x1;
	[smem:$0x7C8] =	sst s13  }
0x39: {  	s16 =	sadd.s32 $0x2800, s5;
	[smem:$0x7C9] =	sst s15;
	s19 =	sadd.s32 s0, s9  }
0x3a: {  	s21 =	sadd.s32 s4, s20;
	s24 =	sadd.s32 $0x2C00, s5;
	[smem:$0x7CD] =	sst s23  }
0x3b: {  	s13 =	sadd.s32 s4, s12;
	s15 =	sadd.s32 s0, s14;
	s20 =	sshrl.u32 s18, $0x3  }
0x3c: {  	s23 =	sadd.s32 s0, s22;
	s12 =	sshrl.u32 s26, $0x3;
	[smem:$0x7BE] =	sst s1  }
0x3d: {  	s14 =	sshll.u32 s18, $0x1;
	s18 =	sadd.s32 $0x3A00, s5;
	[smem:$0x7CB] =	sst s19  }
0x3e: {  	s22 =	sshll.u32 s26, $0x1;
	s26 =	sadd.s32 $0x3E00, s5;
	[smem:$0x7CC] =	sst s21  }
0x3f: {  	s1 =	sadd.s32 s4, s17;
	s8 =	sadd.s32 s0, s8;
	[smem:$0x7D0] =	sst s13  }
0x40: {  	s17 =	sshrl.u32 s16, $0x3;
	[smem:$0x7D1] =	sst s15;
	s9 =	sshll.u32 s24, $0x1  }
0x41: {  	s21 =	sadd.s32 s4, s20;
	[smem:$0x7D5] =	sst s23;
	s13 =	sadd.s32 s4, s12  }
0x42: {  	s15 =	sadd.s32 s0, s14;
	s20 =	sshrl.u32 s18, $0x3;
	s23 =	sadd.s32 s0, s22  }
0x43: {  	s12 =	sshrl.u32 s26, $0x3;
	s14 =	sshll.u32 s18, $0x1;
	[smem:$0x7C2] =	sst s1  }
0x44: {  	s18 =	sadd.s32 $0x4200, s5;
	s22 =	sshll.u32 s26, $0x1;
	[smem:$0x7C7] =	sst s8  }
0x45: {  	s26 =	sadd.s32 $0x4600, s5;
	s1 =	sadd.s32 s4, s25;
	[smem:$0x7D4] =	sst s21  }
0x46: {  	s25 =	sshrl.u32 s24, $0x3;
	s8 =	sshll.u32 s16, $0x1;
	[smem:$0x7D8] =	sst s13  }
0x47: {  	s16 =	sadd.s32 $0x3000, s5;
	s19 =	sadd.s32 s0, s9;
	[smem:$0x7D9] =	sst s15  }
0x48: {  	s24 =	sadd.s32 $0x3400, s5;
	s21 =	sadd.s32 s4, s20;
	[smem:$0x7DD] =	sst s23  }
0x49: {  	s13 =	sadd.s32 s4, s12;
	s15 =	sadd.s32 s0, s14;
	s20 =	sshrl.u32 s18, $0x3  }
0x4a: {  	s23 =	sadd.s32 s0, s22;
	s12 =	sshrl.u32 s26, $0x3;
	[smem:$0x7C6] =	sst s1  }
0x4b: {  	s14 =	sshll.u32 s18, $0x1;
	s18 =	sadd.s32 $0x4A00, s5;
	[smem:$0x7D3] =	sst s19  }
0x4c: {  	s22 =	sshll.u32 s26, $0x1;
	s26 =	sadd.s32 $0x4E00, s5;
	[smem:$0x7DC] =	sst s21  }
0x4d: {  	s1 =	sadd.s32 s4, s17;
	s8 =	sadd.s32 s0, s8;
	[smem:$0x7E0] =	sst s13  }
0x4e: {  	s17 =	sshrl.u32 s16, $0x3;
	s9 =	sshll.u32 s24, $0x1;
	[smem:$0x7E1] =	sst s15  }
0x4f: {  	s21 =	sadd.s32 s4, s20;
	[smem:$0x7E5] =	sst s23;
	s13 =	sadd.s32 s4, s12  }
0x50: {  	s15 =	sadd.s32 s0, s14;
	s20 =	sshrl.u32 s18, $0x3;
	s23 =	sadd.s32 s0, s22  }
0x51: {  	s12 =	sshrl.u32 s26, $0x3;
	s14 =	sshll.u32 s18, $0x1;
	[smem:$0x7CA] =	sst s1  }
0x52: {  	s18 =	sadd.s32 $0x5200, s5;
	s22 =	sshll.u32 s26, $0x1;
	[smem:$0x7CF] =	sst s8  }
0x53: {  	s26 =	sadd.s32 $0x5600, s5;
	s1 =	sadd.s32 s4, s25;
	[smem:$0x7E4] =	sst s21  }
0x54: {  	s25 =	sshrl.u32 s24, $0x3;
	s8 =	sshll.u32 s16, $0x1;
	[smem:$0x7E8] =	sst s13  }
0x55: {  	s16 =	sadd.s32 $0x3800, s5;
	s19 =	sadd.s32 s0, s9;
	[smem:$0x7E9] =	sst s15  }
0x56: {  	s24 =	sadd.s32 $0x3C00, s5;
	s21 =	sadd.s32 s4, s20;
	[smem:$0x7ED] =	sst s23  }
0x57: {  	s13 =	sadd.s32 s4, s12;
	s15 =	sadd.s32 s0, s14;
	[smem:$0x7CE] =	sst s1  }
0x58: {  	s20 =	sshrl.u32 s18, $0x3;
	s23 =	sadd.s32 s0, s22;
	[smem:$0x7DB] =	sst s19  }
0x59: {  	s14 =	sshrl.u32 s26, $0x3;
	s12 =	sadd.s32 $0x5A00, s5;
	[smem:$0x7EC] =	sst s21  }
0x5a: {  	s1 =	sadd.s32 s4, s17;
	s8 =	sadd.s32 s0, s8;
	[smem:$0x7F0] =	sst s13  }
0x5b: {  	s17 =	sshrl.u32 s16, $0x3;
	s9 =	sshll.u32 s24, $0x1;
	[smem:$0x7F1] =	sst s15  }
0x5c: {  	s21 =	sadd.s32 s4, s20;
	[smem:$0x7F5] =	sst s23;
	s15 =	sadd.s32 s4, s14  }
0x5d: {  	s22 =	sshrl.u32 s12, $0x3;
	s14 =	sshll.u32 s12, $0x1;
	[smem:$0x7D2] =	sst s1  }
0x5e: {  	s12 =	simm.s32 $0x8;
	s1 =	sadd.s32 s4, s25;
	[smem:$0x7D7] =	sst s8  }
0x5f: {  	s25 =	sshrl.u32 s24, $0x3;
	s8 =	sshll.u32 s16, $0x1;
	[smem:$0x7F4] =	sst s21  }
0x60: {  	s16 =	sadd.s32 $0x4000, s5;
	s19 =	sadd.s32 s0, s9;
	[smem:$0x7F8] =	sst s15  }
0x61: {  	s24 =	sadd.s32 $0x4400, s5;
	s23 =	sadd.s32 s4, s22;
	[smem:$0x7D6] =	sst s1  }
0x62: {  	s15 =	sadd.s32 $0x6000, s5;
	s1 =	sadd.s32 s4, s17;
	[smem:$0x7E3] =	sst s19  }
0x63: {  	s8 =	sadd.s32 s0, s8;
	s17 =	sshrl.u32 s16, $0x3;
	[smem:$0x7FC] =	sst s23  }
0x64: {  	s9 =	sshll.u32 s24, $0x1;
	s22 =	sshll.u32 s15, $0x1;
	[smem:$0x7DA] =	sst s1  }
0x65: {  	s1 =	sadd.s32 s4, s25;
	[smem:$0x7DF] =	sst s8;
	s25 =	sshrl.u32 s24, $0x3  }
0x66: {  	s8 =	sshll.u32 s16, $0x1;
	s16 =	sadd.s32 $0x4800, s5;
	s19 =	sadd.s32 s0, s9  }
0x67: {  	s24 =	sadd.s32 $0x4C00, s5;
	[smem:$0x7DE] =	sst s1;
	s1 =	sadd.s32 s4, s17  }
0x68: {  	s8 =	sadd.s32 s0, s8;
	s17 =	sshrl.u32 s16, $0x3;
	[smem:$0x7EB] =	sst s19  }
0x69: {  	s9 =	sshll.u32 s24, $0x1;
	[smem:$0x7E2] =	sst s1;
	s1 =	sadd.s32 s4, s25  }
0x6a: {  	[smem:$0x7E7] =	sst s8;
	s25 =	sshrl.u32 s24, $0x3;
	s8 =	sshll.u32 s16, $0x1  }
0x6b: {  	s16 =	sadd.s32 $0x5000, s5;
	s19 =	sadd.s32 s0, s9;
	s24 =	sadd.s32 $0x5400, s5  }
0x6c: {  	[smem:$0x7E6] =	sst s1;
	s1 =	sadd.s32 s4, s17;
	s8 =	sadd.s32 s0, s8  }
0x6d: {  	s17 =	sshrl.u32 s16, $0x3;
	[smem:$0x7F3] =	sst s19;
	s19 =	sshrl.u32 s7, $0x1  }
0x6e: {  	s9 =	sshll.u32 s24, $0x1;
	[smem:$0x7EA] =	sst s1;
	s1 =	sadd.s32 s4, s25  }
0x6f: {  	[smem:$0x7EF] =	sst s8;
	s25 =	sshrl.u32 s24, $0x3;
	s8 =	sshll.u32 s16, $0x1  }
0x70: {  	s16 =	sshll.u32 s18, $0x1;
	s18 =	sadd.s32 $0x5800, s5;
	s21 =	sadd.s32 s0, s9  }
0x71: {  	s24 =	sshll.u32 s26, $0x1;
	s7 =	ssub.s32 s7, s19;
	s9 =	sadd.s32 s6, s3  }
0x72: {  	s26 =	sadd.s32 $0x5C00, s5;
	s5 =	sadd.s32 $0x6200, s5;
	s19 =	sshll.u32 s11, $0x1  }
0x73: {  	[smem:$0x7EE] =	sst s1;
	s1 =	sadd.s32 s4, s17;
	s13 =	sadd.s32 s0, s8  }
0x74: {  	s17 =	sadd.s32 s0, s16;
	s20 =	sshrl.u32 s18, $0x3;
	[smem:$0x7FB] =	sst s21  }
0x75: {  	s10 =	sshrl.u32 s26, $0x3;
	s8 =	sshll.u32 s18, $0x1;
	s18 =	sshrl.u32 s5, $0x3  }
0x76: {  	s6 =	sadd.s32 s0, s19;
	s23 =	sshll.u32 s5, $0x1;
	s5 =	sadd.s32 s0, s22  }
0x77: {  	s31 =	sshrl.u32 s9, $0x3;
	s9 =	simm.s32 $0x188A0;
	[smem:$0x7F2] =	sst s1  }
0x78: {  	s22 =	simm.s32 $0x1;
	s19 =	simm.s32 $0x2;
	[smem:$0x7F7] =	sst s13  }
0x79: {  	s1 =	sadd.s32 s4, s25;
	[smem:$0x7F9] =	sst s17;
	s25 =	sadd.s32 s0, s24  }
0x7a: {  	s29 =	sadd.s32 s4, s10;
	s24 =	sadd.s32 s0, s8;
	s13 =	sshrl.u32 s11, $0x3  }
0x7b: {  	s17 =	sshrl.u32 s15, $0x3;
	s11 =	simm.s32 $0x18CA0;
	s8 =	simm.s32 $0x1ACA0  }
0x7c: {  	s15 =	simm.s32 $0x5;
	[smem:$0x7F6] =	sst s1;
	s1 =	sadd.s32 s4, s20  }
0x7d: {  	[smem:$0x7FA] =	sst s1;
	s1 =	sshll.u32 s26, $0x1;
	s26 =	smax.u32 s7, $0x1  }
0x7e: {  	s10 =	simm.s32 $0x9;
	[smem:$0x7FD] =	sst s25;
	p1 =	sne.s32 s26, $0x1  }
.Ltmp0:
0x7f: {  	s25 =	sadd.s32 s4, s13;
	s20 =	sadd.s32 s0, s14;
	(pc) =	sbr.rel @!p1 .LBB2_5-.Ltmp0, $4  }
0x80: {  	s21 =	sadd.s32 s4, s17;
	s17 =	sadd.s32 s4, s18;
	s4 =	sadd.s32 s0, s23  }
0x81: {  	s18 =	simm.s32 $0x186A0;
	s14 =	simm.s32 $0x200;
	s23 =	simm.s32 $0x1CCA0  }
0x82: {  	s13 =	simm.s32 $0x7;
	s7 =	simm.s32 $0x4;
	s16 =	sadd.s32 s0, s1  }
0x83: {  	s0 =	sadd.s32 $0xFFFFFFFF, s26;
	s26 =	simm.s32 $0x6;
	s1 =	rddreg [dreg:$0x4]  }
0x84: {  	[smem:$0x7BB] =	sst s0  }
0x85: {  	s0 =	rddreg [dreg:$0x5]  }
0x86: {  	[spmem:s31], [sflag:s0] =	dma.local [hbm:s1], $0x30D4  }
0x87: {  	s0 =	rddreg [dreg:$0x6]  }
0x88: {  	[tilespmem:s18], [sflag:$0x1] =	stream.linear.gather [hbm4b:s0+s2], $0x200, $0x38;
	[tilespmem:$0x1ECA0] =	vst v63  }
0x89: {  	s1 =	rddreg [dreg:$0x7]  }
0x8a: {  	[tilespmem:s9], [sflag:$0x2] =	stream.linear.gather [hbm4b:s1+s2], $0x200, $0x38;
	[tilespmem:$0x1ECA0] =	vst v63  }
0x8b: {  	s0 =	rddreg [dreg:$0x8]  }
0x8c: {  	[tilespmem:s28], [sflag:$0x3] =	stream.linear.gather [hbm4b:s0+s2], $0x200, $0x38;
	[tilespmem:$0x1ECA0] =	vst v63  }
0x8d: {  	_ =	swait.ge [sflag:s7], $0x30D4  }
0x8e: {  	[sflag:s7] =	ssyncset.done $0x0  }
0x8f: {  	[sflag:s7] =	ssyncadd.s32 $0xFFFFCF2C  }
0x90: {  	[bflag:$0x0] =	sbarrier.arrive $0xFFFF  }
0x91: {  	_ =	swait.ge [sflag:s22], $0x200  }
0x92: {  	[sflag:s22] =	ssyncset.done $0x0  }
0x93: {  	[sflag:s22] =	ssyncadd.s32 $0xFFFFFE00  }
0x94: {  	[tilespmem:s11], [sflag:$0x4] =	stream.indirect.gather [spmem:s3], $0x10, s18, s14, $0xb8;
	[tilespmem:$0x1ECA0] =	vst v63  }
0x95: {  	_ =	swait.ge [sflag:s19], $0x200  }
0x96: {  	[sflag:s19] =	ssyncset.done $0x0  }
0x97: {  	[sflag:s19] =	ssyncadd.s32 $0xFFFFFE00  }
0x98: {  	[tilespmem:s8], [sflag:$0x5] =	stream.indirect.gather [spmem:s3], $0x10, s9, s14, $0xb8;
	[tilespmem:$0x1ECA0] =	vst v63  }
0x99: {  	_ =	swait.ge [sflag:s7], $0x2000  }
0x9a: {  	[sflag:s7] =	ssyncset.done $0x0  }
0x9b: {  	s0 =	rddreg [dreg:$0x9];
	[sflag:s7] =	ssyncadd.s32 $0xFFFFE000  }
0x9c: {  	[hbm4b:s0+s2] =	stream.linear.scatter [tilespmem:s11], [sflag:$0x7], $0x2000, $0x38;
	[tilespmem:$0x1ECA0] =	vst v63  }
0x9d: {  	s1 =	rddreg [dreg:$0xa]  }
0x9e: {  	[tilespmem:s18], [sflag:$0x1] =	stream.linear.gather [hbm4b:s1+s2], $0x200, $0x38;
	[tilespmem:$0x1ECA0] =	vst v63  }
0x9f: {  	_ =	swait.ge [sflag:s30], $0x200  }
0xa0: {  	[sflag:s30] =	ssyncset.done $0x0  }
0xa1: {  	[sflag:s30] =	ssyncadd.s32 $0xFFFFFE00  }
0xa2: {  	[tilespmem:s23], [sflag:$0x6] =	stream.indirect.gather [spmem:s3], $0x10, s28, s14, $0xb8;
	[tilespmem:$0x1ECA0] =	vst v63  }
0xa3: {  	_ =	swait.ge [sflag:s15], $0x2000  }
0xa4: {  	[sflag:s15] =	ssyncset.done $0x0  }
0xa5: {  	s0 =	rddreg [dreg:$0xb];
	[sflag:s15] =	ssyncadd.s32 $0xFFFFE000  }
0xa6: {  	[hbm4b:s0+s2] =	stream.linear.scatter [tilespmem:s8], [sflag:$0x8], $0x2000, $0x38;
	[tilespmem:$0x1ECA0] =	vst v63  }
0xa7: {  	s1 =	rddreg [dreg:$0xc]  }
0xa8: {  	[tilespmem:s9], [sflag:$0x2] =	stream.linear.gather [hbm4b:s1+s2], $0x200, $0x38;
	[tilespmem:$0x1ECA0] =	vst v63  }
0xa9: {  	_ =	swait.ge [sflag:s22], $0x200  }
0xaa: {  	[sflag:s22] =	ssyncset.done $0x0  }
0xab: {  	[sflag:s22] =	ssyncadd.s32 $0xFFFFFE00  }
0xac: {  	_ =	swait.ge [sflag:s13], $0x2000  }
0xad: {  	[sflag:s13] =	ssyncset.done $0x0  }
0xae: {  	[sflag:s13] =	ssyncadd.s32 $0xFFFFE000  }
0xaf: {  	[tilespmem:s11], [sflag:$0x4] =	stream.indirect.gather [spmem:s3], $0x10, s18, s14, $0xb8;
	[tilespmem:$0x1ECA0] =	vst v63  }
0xb0: {  	_ =	swait.ge [sflag:s26], $0x2000  }
0xb1: {  	[sflag:s26] =	ssyncset.done $0x0  }
0xb2: {  	s0 =	rddreg [dreg:$0xd];
	[sflag:s26] =	ssyncadd.s32 $0xFFFFE000  }
0xb3: {  	[hbm4b:s0+s2] =	stream.linear.scatter [tilespmem:s23], [sflag:$0x9], $0x2000, $0x38;
	[tilespmem:$0x1ECA0] =	vst v63  }
0xb4: {  	s1 =	rddreg [dreg:$0xe]  }
0xb5: {  	[tilespmem:s28], [sflag:$0x3] =	stream.linear.gather [hbm4b:s1+s2], $0x200, $0x38;
	[tilespmem:$0x1ECA0] =	vst v63  }
0xb6: {  	_ =	swait.ge [sflag:s19], $0x200  }
0xb7: {  	[sflag:s19] =	ssyncset.done $0x0  }
0xb8: {  	[sflag:s19] =	ssyncadd.s32 $0xFFFFFE00  }
0xb9: {  	_ =	swait.ge [sflag:s12], $0x2000  }
0xba: {  	[sflag:s12] =	ssyncset.done $0x0  }
0xbb: {  	[sflag:s12] =	ssyncadd.s32 $0xFFFFE000  }
0xbc: {  	[tilespmem:s8], [sflag:$0x5] =	stream.indirect.gather [spmem:s3], $0x10, s9, s14, $0xb8;
	[tilespmem:$0x1ECA0] =	vst v63  }
0xbd: {  	_ =	swait.ge [sflag:s7], $0x2000  }
0xbe: {  	s0 =	rddreg [dreg:$0xf];
	[sflag:s7] =	ssyncset.done $0x0  }
0xbf: {  	[sflag:s7] =	ssyncadd.s32 $0xFFFFE000  }
0xc0: {  	[hbm4b:s0+s2] =	stream.linear.scatter [tilespmem:s11], [sflag:$0x7], $0x2000, $0x38;
	[tilespmem:$0x1ECA0] =	vst v63  }
0xc1: {  	s1 =	rddreg [dreg:$0x10]  }
0xc2: {  	[tilespmem:s18], [sflag:$0x1] =	stream.linear.gather [hbm4b:s1+s2], $0x200, $0x38;
	[tilespmem:$0x1ECA0] =	vst v63  }
0xc3: {  	_ =	swait.ge [sflag:s30], $0x200  }
0xc4: {  	[sflag:s30] =	ssyncset.done $0x0  }
0xc5: {  	[sflag:s30] =	ssyncadd.s32 $0xFFFFFE00  }
0xc6: {  	_ =	swait.ge [sflag:s10], $0x2000  }
0xc7: {  	[sflag:s10] =	ssyncset.done $0x0  }
0xc8: {  	[sflag:s10] =	ssyncadd.s32 $0xFFFFE000  }
0xc9: {  	[tilespmem:s23], [sflag:$0x6] =	stream.indirect.gather [spmem:s3], $0x10, s28, s14, $0xb8;
	[tilespmem:$0x1ECA0] =	vst v63  }
0xca: {  	_ =	swait.ge [sflag:s15], $0x2000  }
0xcb: {  	[sflag:s15] =	ssyncset.done $0x0  }
0xcc: {  	s0 =	rddreg [dreg:$0x11];
	[sflag:s15] =	ssyncadd.s32 $0xFFFFE000  }
0xcd: {  	[hbm4b:s0+s2] =	stream.linear.scatter [tilespmem:s8], [sflag:$0x8], $0x2000, $0x38;
	[tilespmem:$0x1ECA0] =	vst v63  }
0xce: {  	s1 =	rddreg [dreg:$0x12]  }
0xcf: {  	[tilespmem:s9], [sflag:$0x2] =	stream.linear.gather [hbm4b:s1+s2], $0x200, $0x38;
	[tilespmem:$0x1ECA0] =	vst v63  }
0xd0: {  	_ =	swait.ge [sflag:s22], $0x200  }
0xd1: {  	[sflag:s22] =	ssyncset.done $0x0  }
0xd2: {  	[sflag:s22] =	ssyncadd.s32 $0xFFFFFE00  }
0xd3: {  	_ =	swait.ge [sflag:s13], $0x2000  }
0xd4: {  	[sflag:s13] =	ssyncset.done $0x0  }
0xd5: {  	[sflag:s13] =	ssyncadd.s32 $0xFFFFE000  }
0xd6: {  	[tilespmem:s11], [sflag:$0x4] =	stream.indirect.gather [spmem:s3], $0x10, s18, s14, $0xb8;
	[tilespmem:$0x1ECA0] =	vst v63  }
0xd7: {  	_ =	swait.ge [sflag:s26], $0x2000  }
0xd8: {  	[sflag:s26] =	ssyncset.done $0x0  }
0xd9: {  	s0 =	rddreg [dreg:$0x13];
	[sflag:s26] =	ssyncadd.s32 $0xFFFFE000  }
0xda: {  	[hbm4b:s0+s2] =	stream.linear.scatter [tilespmem:s23], [sflag:$0x9], $0x2000, $0x38;
	[tilespmem:$0x1ECA0] =	vst v63  }
0xdb: {  	s1 =	rddreg [dreg:$0x14]  }
0xdc: {  	[tilespmem:s28], [sflag:$0x3] =	stream.linear.gather [hbm4b:s1+s2], $0x200, $0x38;
	[tilespmem:$0x1ECA0] =	vst v63  }
0xdd: {  	_ =	swait.ge [sflag:s19], $0x200  }
0xde: {  	[sflag:s19] =	ssyncset.done $0x0  }
0xdf: {  	[sflag:s19] =	ssyncadd.s32 $0xFFFFFE00  }
0xe0: {  	_ =	swait.ge [sflag:s12], $0x2000  }
0xe1: {  	[sflag:s12] =	ssyncset.done $0x0  }
0xe2: {  	[sflag:s12] =	ssyncadd.s32 $0xFFFFE000  }
0xe3: {  	[tilespmem:s8], [sflag:$0x5] =	stream.indirect.gather [spmem:s3], $0x10, s9, s14, $0xb8;
	[tilespmem:$0x1ECA0] =	vst v63  }
0xe4: {  	_ =	swait.ge [sflag:s7], $0x2000  }
0xe5: {  	[sflag:s7] =	ssyncset.done $0x0  }
0xe6: {  	s0 =	rddreg [dreg:$0x15];
	[sflag:s7] =	ssyncadd.s32 $0xFFFFE000  }
0xe7: {  	[hbm4b:s0+s2] =	stream.linear.scatter [tilespmem:s11], [sflag:$0x7], $0x2000, $0x38;
	[tilespmem:$0x1ECA0] =	vst v63  }
0xe8: {  	s1 =	rddreg [dreg:$0x16]  }
0xe9: {  	[tilespmem:s18], [sflag:$0x1] =	stream.linear.gather [hbm4b:s1+s2], $0x200, $0x38;
	[tilespmem:$0x1ECA0] =	vst v63  }
0xea: {  	_ =	swait.ge [sflag:s30], $0x200  }
0xeb: {  	[sflag:s30] =	ssyncset.done $0x0  }
0xec: {  	[sflag:s30] =	ssyncadd.s32 $0xFFFFFE00  }
0xed: {  	_ =	swait.ge [sflag:s10], $0x2000  }
0xee: {  	[sflag:s10] =	ssyncset.done $0x0  }
0xef: {  	[sflag:s10] =	ssyncadd.s32 $0xFFFFE000  }
0xf0: {  	[tilespmem:s23], [sflag:$0x6] =	stream.indirect.gather [spmem:s3], $0x10, s28, s14, $0xb8;
	[tilespmem:$0x1ECA0] =	vst v63  }
0xf1: {  	_ =	swait.ge [sflag:s15], $0x2000  }
0xf2: {  	[sflag:s15] =	ssyncset.done $0x0  }
0xf3: {  	s0 =	rddreg [dreg:$0x17];
	[sflag:s15] =	ssyncadd.s32 $0xFFFFE000  }
0xf4: {  	[hbm4b:s0+s2] =	stream.linear.scatter [tilespmem:s8], [sflag:$0x8], $0x2000, $0x38;
	[tilespmem:$0x1ECA0] =	vst v63  }
0xf5: {  	s1 =	rddreg [dreg:$0x18]  }
0xf6: {  	[tilespmem:s9], [sflag:$0x2] =	stream.linear.gather [hbm4b:s1+s2], $0x200, $0x38;
	[tilespmem:$0x1ECA0] =	vst v63  }
0xf7: {  	_ =	swait.ge [sflag:s22], $0x200  }
0xf8: {  	[sflag:s22] =	ssyncset.done $0x0  }
0xf9: {  	[sflag:s22] =	ssyncadd.s32 $0xFFFFFE00  }
0xfa: {  	_ =	swait.ge [sflag:s13], $0x2000  }
0xfb: {  	[sflag:s13] =	ssyncset.done $0x0  }
0xfc: {  	[sflag:s13] =	ssyncadd.s32 $0xFFFFE000  }
0xfd: {  	[tilespmem:s11], [sflag:$0x4] =	stream.indirect.gather [spmem:s3], $0x10, s18, s14, $0xb8;
	[tilespmem:$0x1ECA0] =	vst v63  }
0xfe: {  	_ =	swait.ge [sflag:s26], $0x2000  }
0xff: {  	[sflag:s26] =	ssyncset.done $0x0  }
0x100: {  	s0 =	rddreg [dreg:$0x19];
	[sflag:s26] =	ssyncadd.s32 $0xFFFFE000  }
0x101: {  	[hbm4b:s0+s2] =	stream.linear.scatter [tilespmem:s23], [sflag:$0x9], $0x2000, $0x38;
	[tilespmem:$0x1ECA0] =	vst v63  }
0x102: {  	s1 =	rddreg [dreg:$0x1a]  }
0x103: {  	[tilespmem:s28], [sflag:$0x3] =	stream.linear.gather [hbm4b:s1+s2], $0x200, $0x38;
	[tilespmem:$0x1ECA0] =	vst v63  }
0x104: {  	_ =	swait.ge [sflag:s19], $0x200  }
0x105: {  	[sflag:s19] =	ssyncset.done $0x0  }
0x106: {  	[sflag:s19] =	ssyncadd.s32 $0xFFFFFE00  }
0x107: {  	_ =	swait.ge [sflag:s12], $0x2000  }
0x108: {  	[sflag:s12] =	ssyncset.done $0x0  }
0x109: {  	[sflag:s12] =	ssyncadd.s32 $0xFFFFE000  }
0x10a: {  	[tilespmem:s8], [sflag:$0x5] =	stream.indirect.gather [spmem:s3], $0x10, s9, s14, $0xb8;
	[tilespmem:$0x1ECA0] =	vst v63  }
0x10b: {  	_ =	swait.ge [sflag:s7], $0x2000  }
0x10c: {  	[sflag:s7] =	ssyncset.done $0x0  }
0x10d: {  	s0 =	rddreg [dreg:$0x1b];
	[sflag:s7] =	ssyncadd.s32 $0xFFFFE000  }
0x10e: {  	[hbm4b:s0+s2] =	stream.linear.scatter [tilespmem:s11], [sflag:$0x7], $0x2000, $0x38;
	[tilespmem:$0x1ECA0] =	vst v63  }
0x10f: {  	s1 =	rddreg [dreg:$0x1c]  }
0x110: {  	[tilespmem:s18], [sflag:$0x1] =	stream.linear.gather [hbm4b:s1+s2], $0x200, $0x38;
	[tilespmem:$0x1ECA0] =	vst v63  }
0x111: {  	_ =	swait.ge [sflag:s30], $0x200  }
0x112: {  	[sflag:s30] =	ssyncset.done $0x0  }
0x113: {  	[sflag:s30] =	ssyncadd.s32 $0xFFFFFE00  }
0x114: {  	_ =	swait.ge [sflag:s10], $0x2000  }
0x115: {  	[sflag:s10] =	ssyncset.done $0x0  }
0x116: {  	[sflag:s10] =	ssyncadd.s32 $0xFFFFE000  }
0x117: {  	[tilespmem:s23], [sflag:$0x6] =	stream.indirect.gather [spmem:s3], $0x10, s28, s14, $0xb8;
	[tilespmem:$0x1ECA0] =	vst v63  }
0x118: {  	_ =	swait.ge [sflag:s15], $0x2000  }
0x119: {  	[sflag:s15] =	ssyncset.done $0x0  }
0x11a: {  	s0 =	rddreg [dreg:$0x1d];
	[sflag:s15] =	ssyncadd.s32 $0xFFFFE000  }
0x11b: {  	[hbm4b:s0+s2] =	stream.linear.scatter [tilespmem:s8], [sflag:$0x8], $0x2000, $0x38;
	[tilespmem:$0x1ECA0] =	vst v63  }
0x11c: {  	s1 =	rddreg [dreg:$0x1e]  }
0x11d: {  	[tilespmem:s9], [sflag:$0x2] =	stream.linear.gather [hbm4b:s1+s2], $0x200, $0x38;
	[tilespmem:$0x1ECA0] =	vst v63  }
0x11e: {  	_ =	swait.ge [sflag:s22], $0x200  }
0x11f: {  	[sflag:s22] =	ssyncset.done $0x0  }
0x120: {  	[sflag:s22] =	ssyncadd.s32 $0xFFFFFE00  }
0x121: {  	_ =	swait.ge [sflag:s13], $0x2000  }
0x122: {  	[sflag:s13] =	ssyncset.done $0x0  }
0x123: {  	[sflag:s13] =	ssyncadd.s32 $0xFFFFE000  }
0x124: {  	[tilespmem:s11], [sflag:$0x4] =	stream.indirect.gather [spmem:s3], $0x10, s18, s14, $0xb8;
	[tilespmem:$0x1ECA0] =	vst v63  }
0x125: {  	_ =	swait.ge [sflag:s26], $0x2000  }
0x126: {  	s0 =	rddreg [dreg:$0x1f];
	[sflag:s26] =	ssyncset.done $0x0  }
0x127: {  	s1 =	sld [smem:$0x7BE];
	[sflag:s26] =	ssyncadd.s32 $0xFFFFE000  }
0x128: {  	[hbm4b:s0+s2] =	stream.linear.scatter [tilespmem:s23], [sflag:$0x9], $0x2000, $0x38;
	[tilespmem:$0x1ECA0] =	vst v63  }
0x129: {  	_ = 	snop  }
0x12a: {  	[tilespmem:s28], [sflag:$0x3] =	stream.linear.gather [hbm4b:s1+s2], $0x200, $0x38;
	[tilespmem:$0x1ECA0] =	vst v63  }
0x12b: {  	_ =	swait.ge [sflag:s19], $0x200  }
0x12c: {  	[sflag:s19] =	ssyncset.done $0x0  }
0x12d: {  	[sflag:s19] =	ssyncadd.s32 $0xFFFFFE00  }
0x12e: {  	_ =	swait.ge [sflag:s12], $0x2000  }
0x12f: {  	[sflag:s12] =	ssyncset.done $0x0  }
0x130: {  	[sflag:s12] =	ssyncadd.s32 $0xFFFFE000  }
0x131: {  	[tilespmem:s8], [sflag:$0x5] =	stream.indirect.gather [spmem:s3], $0x10, s9, s14, $0xb8;
	[tilespmem:$0x1ECA0] =	vst v63  }
0x132: {  	_ =	swait.ge [sflag:s7], $0x2000  }
0x133: {  	s0 =	sld [smem:$0x7BF]  }
0x134: {  	[sflag:s7] =	ssyncset.done $0x0  }
0x135: {  	s1 =	sld [smem:$0x7C0];
	[sflag:s7] =	ssyncadd.s32 $0xFFFFE000  }
0x136: {  	[hbm4b:s0+s2] =	stream.linear.scatter [tilespmem:s11], [sflag:$0x7], $0x2000, $0x38;
	[tilespmem:$0x1ECA0] =	vst v63  }
0x137: {  	_ = 	snop  }
0x138: {  	[tilespmem:s18], [sflag:$0x1] =	stream.linear.gather [hbm4b:s1+s2], $0x200, $0x38;
	[tilespmem:$0x1ECA0] =	vst v63  }
0x139: {  	_ =	swait.ge [sflag:s30], $0x200  }
0x13a: {  	[sflag:s30] =	ssyncset.done $0x0  }
0x13b: {  	[sflag:s30] =	ssyncadd.s32 $0xFFFFFE00  }
0x13c: {  	_ =	swait.ge [sflag:s10], $0x2000  }
0x13d: {  	[sflag:s10] =	ssyncset.done $0x0  }
0x13e: {  	[sflag:s10] =	ssyncadd.s32 $0xFFFFE000  }
0x13f: {  	[tilespmem:s23], [sflag:$0x6] =	stream.indirect.gather [spmem:s3], $0x10, s28, s14, $0xb8;
	[tilespmem:$0x1ECA0] =	vst v63  }
0x140: {  	_ =	swait.ge [sflag:s15], $0x2000  }
0x141: {  	s0 =	sld [smem:$0x7C1]  }
0x142: {  	[sflag:s15] =	ssyncset.done $0x0  }
0x143: {  	s1 =	sld [smem:$0x7C2];
	[sflag:s15] =	ssyncadd.s32 $0xFFFFE000  }
0x144: {  	[hbm4b:s0+s2] =	stream.linear.scatter [tilespmem:s8], [sflag:$0x8], $0x2000, $0x38;
	[tilespmem:$0x1ECA0] =	vst v63  }
0x145: {  	_ = 	snop  }
0x146: {  	[tilespmem:s9], [sflag:$0x2] =	stream.linear.gather [hbm4b:s1+s2], $0x200, $0x38;
	[tilespmem:$0x1ECA0] =	vst v63  }
0x147: {  	_ =	swait.ge [sflag:s22], $0x200  }
0x148: {  	[sflag:s22] =	ssyncset.done $0x0  }
0x149: {  	[sflag:s22] =	ssyncadd.s32 $0xFFFFFE00  }
0x14a: {  	_ =	swait.ge [sflag:s13], $0x2000  }
0x14b: {  	[sflag:s13] =	ssyncset.done $0x0  }
0x14c: {  	[sflag:s13] =	ssyncadd.s32 $0xFFFFE000  }
0x14d: {  	[tilespmem:s11], [sflag:$0x4] =	stream.indirect.gather [spmem:s3], $0x10, s18, s14, $0xb8;
	[tilespmem:$0x1ECA0] =	vst v63  }
0x14e: {  	_ =	swait.ge [sflag:s26], $0x2000  }
0x14f: {  	s0 =	sld [smem:$0x7C3]  }
0x150: {  	[sflag:s26] =	ssyncset.done $0x0  }
0x151: {  	s1 =	sld [smem:$0x7C4];
	[sflag:s26] =	ssyncadd.s32 $0xFFFFE000  }
0x152: {  	[hbm4b:s0+s2] =	stream.linear.scatter [tilespmem:s23], [sflag:$0x9], $0x2000, $0x38;
	[tilespmem:$0x1ECA0] =	vst v63  }
0x153: {  	_ = 	snop  }
0x154: {  	[tilespmem:s28], [sflag:$0x3] =	stream.linear.gather [hbm4b:s1+s2], $0x200, $0x38;
	[tilespmem:$0x1ECA0] =	vst v63  }
0x155: {  	_ =	swait.ge [sflag:s19], $0x200  }
0x156: {  	[sflag:s19] =	ssyncset.done $0x0  }
0x157: {  	[sflag:s19] =	ssyncadd.s32 $0xFFFFFE00  }
0x158: {  	_ =	swait.ge [sflag:s12], $0x2000  }
0x159: {  	[sflag:s12] =	ssyncset.done $0x0  }
0x15a: {  	[sflag:s12] =	ssyncadd.s32 $0xFFFFE000  }
0x15b: {  	[tilespmem:s8], [sflag:$0x5] =	stream.indirect.gather [spmem:s3], $0x10, s9, s14, $0xb8;
	[tilespmem:$0x1ECA0] =	vst v63  }
0x15c: {  	_ =	swait.ge [sflag:s7], $0x2000  }
0x15d: {  	s0 =	sld [smem:$0x7C5]  }
0x15e: {  	[sflag:s7] =	ssyncset.done $0x0  }
0x15f: {  	s1 =	sld [smem:$0x7C6];
	[sflag:s7] =	ssyncadd.s32 $0xFFFFE000  }
0x160: {  	[hbm4b:s0+s2] =	stream.linear.scatter [tilespmem:s11], [sflag:$0x7], $0x2000, $0x38;
	[tilespmem:$0x1ECA0] =	vst v63  }
0x161: {  	_ = 	snop  }
0x162: {  	[tilespmem:s18], [sflag:$0x1] =	stream.linear.gather [hbm4b:s1+s2], $0x200, $0x38;
	[tilespmem:$0x1ECA0] =	vst v63  }
0x163: {  	_ =	swait.ge [sflag:s30], $0x200  }
0x164: {  	[sflag:s30] =	ssyncset.done $0x0  }
0x165: {  	[sflag:s30] =	ssyncadd.s32 $0xFFFFFE00  }
0x166: {  	_ =	swait.ge [sflag:s10], $0x2000  }
0x167: {  	[sflag:s10] =	ssyncset.done $0x0  }
0x168: {  	[sflag:s10] =	ssyncadd.s32 $0xFFFFE000  }
0x169: {  	[tilespmem:s23], [sflag:$0x6] =	stream.indirect.gather [spmem:s3], $0x10, s28, s14, $0xb8;
	[tilespmem:$0x1ECA0] =	vst v63  }
0x16a: {  	_ =	swait.ge [sflag:s15], $0x2000  }
0x16b: {  	s0 =	sld [smem:$0x7C7]  }
0x16c: {  	[sflag:s15] =	ssyncset.done $0x0  }
0x16d: {  	s1 =	sld [smem:$0x7C8];
	[sflag:s15] =	ssyncadd.s32 $0xFFFFE000  }
0x16e: {  	[hbm4b:s0+s2] =	stream.linear.scatter [tilespmem:s8], [sflag:$0x8], $0x2000, $0x38;
	[tilespmem:$0x1ECA0] =	vst v63  }
0x16f: {  	_ = 	snop  }
0x170: {  	[tilespmem:s9], [sflag:$0x2] =	stream.linear.gather [hbm4b:s1+s2], $0x200, $0x38;
	[tilespmem:$0x1ECA0] =	vst v63  }
0x171: {  	_ =	swait.ge [sflag:s22], $0x200  }
0x172: {  	[sflag:s22] =	ssyncset.done $0x0  }
0x173: {  	[sflag:s22] =	ssyncadd.s32 $0xFFFFFE00  }
0x174: {  	_ =	swait.ge [sflag:s13], $0x2000  }
0x175: {  	[sflag:s13] =	ssyncset.done $0x0  }
0x176: {  	[sflag:s13] =	ssyncadd.s32 $0xFFFFE000  }
0x177: {  	[tilespmem:s11], [sflag:$0x4] =	stream.indirect.gather [spmem:s3], $0x10, s18, s14, $0xb8;
	[tilespmem:$0x1ECA0] =	vst v63  }
0x178: {  	_ =	swait.ge [sflag:s26], $0x2000  }
0x179: {  	s0 =	sld [smem:$0x7C9]  }
0x17a: {  	[sflag:s26] =	ssyncset.done $0x0  }
0x17b: {  	s1 =	sld [smem:$0x7CA];
	[sflag:s26] =	ssyncadd.s32 $0xFFFFE000  }
0x17c: {  	[hbm4b:s0+s2] =	stream.linear.scatter [tilespmem:s23], [sflag:$0x9], $0x2000, $0x38;
	[tilespmem:$0x1ECA0] =	vst v63  }
0x17d: {  	_ = 	snop  }
0x17e: {  	[tilespmem:s28], [sflag:$0x3] =	stream.linear.gather [hbm4b:s1+s2], $0x200, $0x38;
	[tilespmem:$0x1ECA0] =	vst v63  }
0x17f: {  	_ =	swait.ge [sflag:s19], $0x200  }
0x180: {  	[sflag:s19] =	ssyncset.done $0x0  }
0x181: {  	[sflag:s19] =	ssyncadd.s32 $0xFFFFFE00  }
0x182: {  	_ =	swait.ge [sflag:s12], $0x2000  }
0x183: {  	[sflag:s12] =	ssyncset.done $0x0  }
0x184: {  	[sflag:s12] =	ssyncadd.s32 $0xFFFFE000  }
0x185: {  	[tilespmem:s8], [sflag:$0x5] =	stream.indirect.gather [spmem:s3], $0x10, s9, s14, $0xb8;
	[tilespmem:$0x1ECA0] =	vst v63  }
0x186: {  	_ =	swait.ge [sflag:s7], $0x2000  }
0x187: {  	s0 =	sld [smem:$0x7CB]  }
0x188: {  	[sflag:s7] =	ssyncset.done $0x0  }
0x189: {  	s1 =	sld [smem:$0x7CC];
	[sflag:s7] =	ssyncadd.s32 $0xFFFFE000  }
0x18a: {  	[hbm4b:s0+s2] =	stream.linear.scatter [tilespmem:s11], [sflag:$0x7], $0x2000, $0x38;
	[tilespmem:$0x1ECA0] =	vst v63  }
0x18b: {  	_ = 	snop  }
0x18c: {  	[tilespmem:s18], [sflag:$0x1] =	stream.linear.gather [hbm4b:s1+s2], $0x200, $0x38;
	[tilespmem:$0x1ECA0] =	vst v63  }
0x18d: {  	_ =	swait.ge [sflag:s30], $0x200  }
0x18e: {  	[sflag:s30] =	ssyncset.done $0x0  }
0x18f: {  	[sflag:s30] =	ssyncadd.s32 $0xFFFFFE00  }
0x190: {  	_ =	swait.ge [sflag:s10], $0x2000  }
0x191: {  	[sflag:s10] =	ssyncset.done $0x0  }
0x192: {  	[sflag:s10] =	ssyncadd.s32 $0xFFFFE000  }
0x193: {  	[tilespmem:s23], [sflag:$0x6] =	stream.indirect.gather [spmem:s3], $0x10, s28, s14, $0xb8;
	[tilespmem:$0x1ECA0] =	vst v63  }
0x194: {  	_ =	swait.ge [sflag:s15], $0x2000  }
0x195: {  	s0 =	sld [smem:$0x7CD]  }
0x196: {  	[sflag:s15] =	ssyncset.done $0x0  }
0x197: {  	s1 =	sld [smem:$0x7CE];
	[sflag:s15] =	ssyncadd.s32 $0xFFFFE000  }
0x198: {  	[hbm4b:s0+s2] =	stream.linear.scatter [tilespmem:s8], [sflag:$0x8], $0x2000, $0x38;
	[tilespmem:$0x1ECA0] =	vst v63  }
0x199: {  	_ = 	snop  }
0x19a: {  	[tilespmem:s9], [sflag:$0x2] =	stream.linear.gather [hbm4b:s1+s2], $0x200, $0x38;
	[tilespmem:$0x1ECA0] =	vst v63  }
0x19b: {  	_ =	swait.ge [sflag:s22], $0x200  }
0x19c: {  	[sflag:s22] =	ssyncset.done $0x0  }
0x19d: {  	[sflag:s22] =	ssyncadd.s32 $0xFFFFFE00  }
0x19e: {  	_ =	swait.ge [sflag:s13], $0x2000  }
0x19f: {  	[sflag:s13] =	ssyncset.done $0x0  }
0x1a0: {  	[sflag:s13] =	ssyncadd.s32 $0xFFFFE000  }
0x1a1: {  	[tilespmem:s11], [sflag:$0x4] =	stream.indirect.gather [spmem:s3], $0x10, s18, s14, $0xb8;
	[tilespmem:$0x1ECA0] =	vst v63  }
0x1a2: {  	_ =	swait.ge [sflag:s26], $0x2000  }
0x1a3: {  	s0 =	sld [smem:$0x7CF]  }
0x1a4: {  	[sflag:s26] =	ssyncset.done $0x0  }
0x1a5: {  	s1 =	sld [smem:$0x7D0];
	[sflag:s26] =	ssyncadd.s32 $0xFFFFE000  }
0x1a6: {  	[hbm4b:s0+s2] =	stream.linear.scatter [tilespmem:s23], [sflag:$0x9], $0x2000, $0x38;
	[tilespmem:$0x1ECA0] =	vst v63  }
0x1a7: {  	_ = 	snop  }
0x1a8: {  	[tilespmem:s28], [sflag:$0x3] =	stream.linear.gather [hbm4b:s1+s2], $0x200, $0x38;
	[tilespmem:$0x1ECA0] =	vst v63  }
0x1a9: {  	_ =	swait.ge [sflag:s19], $0x200  }
0x1aa: {  	[sflag:s19] =	ssyncset.done $0x0  }
0x1ab: {  	[sflag:s19] =	ssyncadd.s32 $0xFFFFFE00  }
0x1ac: {  	_ =	swait.ge [sflag:s12], $0x2000  }
0x1ad: {  	[sflag:s12] =	ssyncset.done $0x0  }
0x1ae: {  	[sflag:s12] =	ssyncadd.s32 $0xFFFFE000  }
0x1af: {  	[tilespmem:s8], [sflag:$0x5] =	stream.indirect.gather [spmem:s3], $0x10, s9, s14, $0xb8;
	[tilespmem:$0x1ECA0] =	vst v63  }
0x1b0: {  	_ =	swait.ge [sflag:s7], $0x2000  }
0x1b1: {  	s0 =	sld [smem:$0x7D1]  }
0x1b2: {  	[sflag:s7] =	ssyncset.done $0x0  }
0x1b3: {  	s1 =	sld [smem:$0x7D2];
	[sflag:s7] =	ssyncadd.s32 $0xFFFFE000  }
0x1b4: {  	[hbm4b:s0+s2] =	stream.linear.scatter [tilespmem:s11], [sflag:$0x7], $0x2000, $0x38;
	[tilespmem:$0x1ECA0] =	vst v63  }
0x1b5: {  	_ = 	snop  }
0x1b6: {  	[tilespmem:s18], [sflag:$0x1] =	stream.linear.gather [hbm4b:s1+s2], $0x200, $0x38;
	[tilespmem:$0x1ECA0] =	vst v63  }
0x1b7: {  	_ =	swait.ge [sflag:s30], $0x200  }
0x1b8: {  	[sflag:s30] =	ssyncset.done $0x0  }
0x1b9: {  	[sflag:s30] =	ssyncadd.s32 $0xFFFFFE00  }
0x1ba: {  	_ =	swait.ge [sflag:s10], $0x2000  }
0x1bb: {  	[sflag:s10] =	ssyncset.done $0x0  }
0x1bc: {  	[sflag:s10] =	ssyncadd.s32 $0xFFFFE000  }
0x1bd: {  	[tilespmem:s23], [sflag:$0x6] =	stream.indirect.gather [spmem:s3], $0x10, s28, s14, $0xb8;
	[tilespmem:$0x1ECA0] =	vst v63  }
0x1be: {  	_ =	swait.ge [sflag:s15], $0x2000  }
0x1bf: {  	s0 =	sld [smem:$0x7D3]  }
0x1c0: {  	[sflag:s15] =	ssyncset.done $0x0  }
0x1c1: {  	s1 =	sld [smem:$0x7D4];
	[sflag:s15] =	ssyncadd.s32 $0xFFFFE000  }
0x1c2: {  	[hbm4b:s0+s2] =	stream.linear.scatter [tilespmem:s8], [sflag:$0x8], $0x2000, $0x38;
	[tilespmem:$0x1ECA0] =	vst v63  }
0x1c3: {  	_ = 	snop  }
0x1c4: {  	[tilespmem:s9], [sflag:$0x2] =	stream.linear.gather [hbm4b:s1+s2], $0x200, $0x38;
	[tilespmem:$0x1ECA0] =	vst v63  }
0x1c5: {  	_ =	swait.ge [sflag:s22], $0x200  }
0x1c6: {  	[sflag:s22] =	ssyncset.done $0x0  }
0x1c7: {  	[sflag:s22] =	ssyncadd.s32 $0xFFFFFE00  }
0x1c8: {  	_ =	swait.ge [sflag:s13], $0x2000  }
0x1c9: {  	[sflag:s13] =	ssyncset.done $0x0  }
0x1ca: {  	[sflag:s13] =	ssyncadd.s32 $0xFFFFE000  }
0x1cb: {  	[tilespmem:s11], [sflag:$0x4] =	stream.indirect.gather [spmem:s3], $0x10, s18, s14, $0xb8;
	[tilespmem:$0x1ECA0] =	vst v63  }
0x1cc: {  	_ =	swait.ge [sflag:s26], $0x2000  }
0x1cd: {  	s0 =	sld [smem:$0x7D5]  }
0x1ce: {  	[sflag:s26] =	ssyncset.done $0x0  }
0x1cf: {  	s1 =	sld [smem:$0x7D6];
	[sflag:s26] =	ssyncadd.s32 $0xFFFFE000  }
0x1d0: {  	[hbm4b:s0+s2] =	stream.linear.scatter [tilespmem:s23], [sflag:$0x9], $0x2000, $0x38;
	[tilespmem:$0x1ECA0] =	vst v63  }
0x1d1: {  	_ = 	snop  }
0x1d2: {  	[tilespmem:s28], [sflag:$0x3] =	stream.linear.gather [hbm4b:s1+s2], $0x200, $0x38;
	[tilespmem:$0x1ECA0] =	vst v63  }
0x1d3: {  	_ =	swait.ge [sflag:s19], $0x200  }
0x1d4: {  	[sflag:s19] =	ssyncset.done $0x0  }
0x1d5: {  	[sflag:s19] =	ssyncadd.s32 $0xFFFFFE00  }
0x1d6: {  	_ =	swait.ge [sflag:s12], $0x2000  }
0x1d7: {  	[sflag:s12] =	ssyncset.done $0x0  }
0x1d8: {  	[sflag:s12] =	ssyncadd.s32 $0xFFFFE000  }
0x1d9: {  	[tilespmem:s8], [sflag:$0x5] =	stream.indirect.gather [spmem:s3], $0x10, s9, s14, $0xb8;
	[tilespmem:$0x1ECA0] =	vst v63  }
0x1da: {  	_ =	swait.ge [sflag:s7], $0x2000  }
0x1db: {  	s0 =	sld [smem:$0x7D7]  }
0x1dc: {  	[sflag:s7] =	ssyncset.done $0x0  }
0x1dd: {  	s1 =	sld [smem:$0x7D8];
	[sflag:s7] =	ssyncadd.s32 $0xFFFFE000  }
0x1de: {  	[hbm4b:s0+s2] =	stream.linear.scatter [tilespmem:s11], [sflag:$0x7], $0x2000, $0x38;
	[tilespmem:$0x1ECA0] =	vst v63  }
0x1df: {  	_ = 	snop  }
0x1e0: {  	[tilespmem:s18], [sflag:$0x1] =	stream.linear.gather [hbm4b:s1+s2], $0x200, $0x38;
	[tilespmem:$0x1ECA0] =	vst v63  }
0x1e1: {  	_ =	swait.ge [sflag:s30], $0x200  }
0x1e2: {  	[sflag:s30] =	ssyncset.done $0x0  }
0x1e3: {  	[sflag:s30] =	ssyncadd.s32 $0xFFFFFE00  }
0x1e4: {  	_ =	swait.ge [sflag:s10], $0x2000  }
0x1e5: {  	[sflag:s10] =	ssyncset.done $0x0  }
0x1e6: {  	[sflag:s10] =	ssyncadd.s32 $0xFFFFE000  }
0x1e7: {  	[tilespmem:s23], [sflag:$0x6] =	stream.indirect.gather [spmem:s3], $0x10, s28, s14, $0xb8;
	[tilespmem:$0x1ECA0] =	vst v63  }
0x1e8: {  	_ =	swait.ge [sflag:s15], $0x2000  }
0x1e9: {  	s0 =	sld [smem:$0x7D9]  }
0x1ea: {  	[sflag:s15] =	ssyncset.done $0x0  }
0x1eb: {  	s1 =	sld [smem:$0x7DA];
	[sflag:s15] =	ssyncadd.s32 $0xFFFFE000  }
0x1ec: {  	[hbm4b:s0+s2] =	stream.linear.scatter [tilespmem:s8], [sflag:$0x8], $0x2000, $0x38;
	[tilespmem:$0x1ECA0] =	vst v63  }
0x1ed: {  	_ = 	snop  }
0x1ee: {  	[tilespmem:s9], [sflag:$0x2] =	stream.linear.gather [hbm4b:s1+s2], $0x200, $0x38;
	[tilespmem:$0x1ECA0] =	vst v63  }
0x1ef: {  	_ =	swait.ge [sflag:s22], $0x200  }
0x1f0: {  	[sflag:s22] =	ssyncset.done $0x0  }
0x1f1: {  	[sflag:s22] =	ssyncadd.s32 $0xFFFFFE00  }
0x1f2: {  	_ =	swait.ge [sflag:s13], $0x2000  }
0x1f3: {  	[sflag:s13] =	ssyncset.done $0x0  }
0x1f4: {  	[sflag:s13] =	ssyncadd.s32 $0xFFFFE000  }
0x1f5: {  	[tilespmem:s11], [sflag:$0x4] =	stream.indirect.gather [spmem:s3], $0x10, s18, s14, $0xb8;
	[tilespmem:$0x1ECA0] =	vst v63  }
0x1f6: {  	_ =	swait.ge [sflag:s26], $0x2000  }
0x1f7: {  	s0 =	sld [smem:$0x7DB]  }
0x1f8: {  	[sflag:s26] =	ssyncset.done $0x0  }
0x1f9: {  	s1 =	sld [smem:$0x7DC];
	[sflag:s26] =	ssyncadd.s32 $0xFFFFE000  }
0x1fa: {  	[hbm4b:s0+s2] =	stream.linear.scatter [tilespmem:s23], [sflag:$0x9], $0x2000, $0x38;
	[tilespmem:$0x1ECA0] =	vst v63  }
0x1fb: {  	_ = 	snop  }
0x1fc: {  	[tilespmem:s28], [sflag:$0x3] =	stream.linear.gather [hbm4b:s1+s2], $0x200, $0x38;
	[tilespmem:$0x1ECA0] =	vst v63  }
0x1fd: {  	_ =	swait.ge [sflag:s19], $0x200  }
0x1fe: {  	[sflag:s19] =	ssyncset.done $0x0  }
0x1ff: {  	[sflag:s19] =	ssyncadd.s32 $0xFFFFFE00  }
0x200: {  	_ =	swait.ge [sflag:s12], $0x2000  }
0x201: {  	[sflag:s12] =	ssyncset.done $0x0  }
0x202: {  	[sflag:s12] =	ssyncadd.s32 $0xFFFFE000  }
0x203: {  	[tilespmem:s8], [sflag:$0x5] =	stream.indirect.gather [spmem:s3], $0x10, s9, s14, $0xb8;
	[tilespmem:$0x1ECA0] =	vst v63  }
0x204: {  	_ =	swait.ge [sflag:s7], $0x2000  }
0x205: {  	s0 =	sld [smem:$0x7DD]  }
0x206: {  	[sflag:s7] =	ssyncset.done $0x0  }
0x207: {  	s1 =	sld [smem:$0x7DE];
	[sflag:s7] =	ssyncadd.s32 $0xFFFFE000  }
0x208: {  	[hbm4b:s0+s2] =	stream.linear.scatter [tilespmem:s11], [sflag:$0x7], $0x2000, $0x38;
	[tilespmem:$0x1ECA0] =	vst v63  }
0x209: {  	_ = 	snop  }
0x20a: {  	[tilespmem:s18], [sflag:$0x1] =	stream.linear.gather [hbm4b:s1+s2], $0x200, $0x38;
	[tilespmem:$0x1ECA0] =	vst v63  }
0x20b: {  	_ =	swait.ge [sflag:s30], $0x200  }
0x20c: {  	[sflag:s30] =	ssyncset.done $0x0  }
0x20d: {  	[sflag:s30] =	ssyncadd.s32 $0xFFFFFE00  }
0x20e: {  	_ =	swait.ge [sflag:s10], $0x2000  }
0x20f: {  	[sflag:s10] =	ssyncset.done $0x0  }
0x210: {  	[sflag:s10] =	ssyncadd.s32 $0xFFFFE000  }
0x211: {  	[tilespmem:s23], [sflag:$0x6] =	stream.indirect.gather [spmem:s3], $0x10, s28, s14, $0xb8;
	[tilespmem:$0x1ECA0] =	vst v63  }
0x212: {  	_ =	swait.ge [sflag:s15], $0x2000  }
0x213: {  	s0 =	sld [smem:$0x7DF]  }
0x214: {  	[sflag:s15] =	ssyncset.done $0x0  }
0x215: {  	s1 =	sld [smem:$0x7E0];
	[sflag:s15] =	ssyncadd.s32 $0xFFFFE000  }
0x216: {  	[hbm4b:s0+s2] =	stream.linear.scatter [tilespmem:s8], [sflag:$0x8], $0x2000, $0x38;
	[tilespmem:$0x1ECA0] =	vst v63  }
0x217: {  	_ = 	snop  }
0x218: {  	[tilespmem:s9], [sflag:$0x2] =	stream.linear.gather [hbm4b:s1+s2], $0x200, $0x38;
	[tilespmem:$0x1ECA0] =	vst v63  }
0x219: {  	_ =	swait.ge [sflag:s22], $0x200  }
0x21a: {  	[sflag:s22] =	ssyncset.done $0x0  }
0x21b: {  	[sflag:s22] =	ssyncadd.s32 $0xFFFFFE00  }
0x21c: {  	_ =	swait.ge [sflag:s13], $0x2000  }
0x21d: {  	[sflag:s13] =	ssyncset.done $0x0  }
0x21e: {  	[sflag:s13] =	ssyncadd.s32 $0xFFFFE000  }
0x21f: {  	[tilespmem:s11], [sflag:$0x4] =	stream.indirect.gather [spmem:s3], $0x10, s18, s14, $0xb8;
	[tilespmem:$0x1ECA0] =	vst v63  }
0x220: {  	_ =	swait.ge [sflag:s26], $0x2000  }
0x221: {  	s0 =	sld [smem:$0x7E1]  }
0x222: {  	[sflag:s26] =	ssyncset.done $0x0  }
0x223: {  	s1 =	sld [smem:$0x7E2];
	[sflag:s26] =	ssyncadd.s32 $0xFFFFE000  }
0x224: {  	[hbm4b:s0+s2] =	stream.linear.scatter [tilespmem:s23], [sflag:$0x9], $0x2000, $0x38;
	[tilespmem:$0x1ECA0] =	vst v63  }
0x225: {  	_ = 	snop  }
0x226: {  	[tilespmem:s28], [sflag:$0x3] =	stream.linear.gather [hbm4b:s1+s2], $0x200, $0x38;
	[tilespmem:$0x1ECA0] =	vst v63  }
0x227: {  	_ =	swait.ge [sflag:s19], $0x200  }
0x228: {  	[sflag:s19] =	ssyncset.done $0x0  }
0x229: {  	[sflag:s19] =	ssyncadd.s32 $0xFFFFFE00  }
0x22a: {  	_ =	swait.ge [sflag:s12], $0x2000  }
0x22b: {  	[sflag:s12] =	ssyncset.done $0x0  }
0x22c: {  	[sflag:s12] =	ssyncadd.s32 $0xFFFFE000  }
0x22d: {  	[tilespmem:s8], [sflag:$0x5] =	stream.indirect.gather [spmem:s3], $0x10, s9, s14, $0xb8;
	[tilespmem:$0x1ECA0] =	vst v63  }
0x22e: {  	_ =	swait.ge [sflag:s7], $0x2000  }
0x22f: {  	s0 =	sld [smem:$0x7E3]  }
0x230: {  	[sflag:s7] =	ssyncset.done $0x0  }
0x231: {  	s1 =	sld [smem:$0x7E4];
	[sflag:s7] =	ssyncadd.s32 $0xFFFFE000  }
0x232: {  	[hbm4b:s0+s2] =	stream.linear.scatter [tilespmem:s11], [sflag:$0x7], $0x2000, $0x38;
	[tilespmem:$0x1ECA0] =	vst v63  }
0x233: {  	_ = 	snop  }
0x234: {  	[tilespmem:s18], [sflag:$0x1] =	stream.linear.gather [hbm4b:s1+s2], $0x200, $0x38;
	[tilespmem:$0x1ECA0] =	vst v63  }
0x235: {  	_ =	swait.ge [sflag:s30], $0x200  }
0x236: {  	[sflag:s30] =	ssyncset.done $0x0  }
0x237: {  	[sflag:s30] =	ssyncadd.s32 $0xFFFFFE00  }
0x238: {  	_ =	swait.ge [sflag:s10], $0x2000  }
0x239: {  	[sflag:s10] =	ssyncset.done $0x0  }
0x23a: {  	[sflag:s10] =	ssyncadd.s32 $0xFFFFE000  }
0x23b: {  	[tilespmem:s23], [sflag:$0x6] =	stream.indirect.gather [spmem:s3], $0x10, s28, s14, $0xb8;
	[tilespmem:$0x1ECA0] =	vst v63  }
0x23c: {  	_ =	swait.ge [sflag:s15], $0x2000  }
0x23d: {  	s0 =	sld [smem:$0x7E5]  }
0x23e: {  	[sflag:s15] =	ssyncset.done $0x0  }
0x23f: {  	s1 =	sld [smem:$0x7E6];
	[sflag:s15] =	ssyncadd.s32 $0xFFFFE000  }
0x240: {  	[hbm4b:s0+s2] =	stream.linear.scatter [tilespmem:s8], [sflag:$0x8], $0x2000, $0x38;
	[tilespmem:$0x1ECA0] =	vst v63  }
0x241: {  	_ = 	snop  }
0x242: {  	[tilespmem:s9], [sflag:$0x2] =	stream.linear.gather [hbm4b:s1+s2], $0x200, $0x38;
	[tilespmem:$0x1ECA0] =	vst v63  }
0x243: {  	_ =	swait.ge [sflag:s22], $0x200  }
0x244: {  	[sflag:s22] =	ssyncset.done $0x0  }
0x245: {  	[sflag:s22] =	ssyncadd.s32 $0xFFFFFE00  }
0x246: {  	_ =	swait.ge [sflag:s13], $0x2000  }
0x247: {  	[sflag:s13] =	ssyncset.done $0x0  }
0x248: {  	[sflag:s13] =	ssyncadd.s32 $0xFFFFE000  }
0x249: {  	[tilespmem:s11], [sflag:$0x4] =	stream.indirect.gather [spmem:s3], $0x10, s18, s14, $0xb8;
	[tilespmem:$0x1ECA0] =	vst v63  }
0x24a: {  	_ =	swait.ge [sflag:s26], $0x2000  }
0x24b: {  	s0 =	sld [smem:$0x7E7]  }
0x24c: {  	[sflag:s26] =	ssyncset.done $0x0  }
0x24d: {  	s1 =	sld [smem:$0x7E8];
	[sflag:s26] =	ssyncadd.s32 $0xFFFFE000  }
0x24e: {  	[hbm4b:s0+s2] =	stream.linear.scatter [tilespmem:s23], [sflag:$0x9], $0x2000, $0x38;
	[tilespmem:$0x1ECA0] =	vst v63  }
0x24f: {  	_ = 	snop  }
0x250: {  	[tilespmem:s28], [sflag:$0x3] =	stream.linear.gather [hbm4b:s1+s2], $0x200, $0x38;
	[tilespmem:$0x1ECA0] =	vst v63  }
0x251: {  	_ =	swait.ge [sflag:s19], $0x200  }
0x252: {  	[sflag:s19] =	ssyncset.done $0x0  }
0x253: {  	[sflag:s19] =	ssyncadd.s32 $0xFFFFFE00  }
0x254: {  	_ =	swait.ge [sflag:s12], $0x2000  }
0x255: {  	[sflag:s12] =	ssyncset.done $0x0  }
0x256: {  	[sflag:s12] =	ssyncadd.s32 $0xFFFFE000  }
0x257: {  	[tilespmem:s8], [sflag:$0x5] =	stream.indirect.gather [spmem:s3], $0x10, s9, s14, $0xb8;
	[tilespmem:$0x1ECA0] =	vst v63  }
0x258: {  	_ =	swait.ge [sflag:s7], $0x2000  }
0x259: {  	s0 =	sld [smem:$0x7E9]  }
0x25a: {  	[sflag:s7] =	ssyncset.done $0x0  }
0x25b: {  	s1 =	sld [smem:$0x7EA];
	[sflag:s7] =	ssyncadd.s32 $0xFFFFE000  }
0x25c: {  	[hbm4b:s0+s2] =	stream.linear.scatter [tilespmem:s11], [sflag:$0x7], $0x2000, $0x38;
	[tilespmem:$0x1ECA0] =	vst v63  }
0x25d: {  	_ = 	snop  }
0x25e: {  	[tilespmem:s18], [sflag:$0x1] =	stream.linear.gather [hbm4b:s1+s2], $0x200, $0x38;
	[tilespmem:$0x1ECA0] =	vst v63  }
0x25f: {  	_ =	swait.ge [sflag:s30], $0x200  }
0x260: {  	[sflag:s30] =	ssyncset.done $0x0  }
0x261: {  	[sflag:s30] =	ssyncadd.s32 $0xFFFFFE00  }
0x262: {  	_ =	swait.ge [sflag:s10], $0x2000  }
0x263: {  	[sflag:s10] =	ssyncset.done $0x0  }
0x264: {  	[sflag:s10] =	ssyncadd.s32 $0xFFFFE000  }
0x265: {  	[tilespmem:s23], [sflag:$0x6] =	stream.indirect.gather [spmem:s3], $0x10, s28, s14, $0xb8;
	[tilespmem:$0x1ECA0] =	vst v63  }
0x266: {  	_ =	swait.ge [sflag:s15], $0x2000  }
0x267: {  	s0 =	sld [smem:$0x7EB]  }
0x268: {  	[sflag:s15] =	ssyncset.done $0x0  }
0x269: {  	s1 =	sld [smem:$0x7EC];
	[sflag:s15] =	ssyncadd.s32 $0xFFFFE000  }
0x26a: {  	[hbm4b:s0+s2] =	stream.linear.scatter [tilespmem:s8], [sflag:$0x8], $0x2000, $0x38;
	[tilespmem:$0x1ECA0] =	vst v63  }
0x26b: {  	_ = 	snop  }
0x26c: {  	[tilespmem:s9], [sflag:$0x2] =	stream.linear.gather [hbm4b:s1+s2], $0x200, $0x38;
	[tilespmem:$0x1ECA0] =	vst v63  }
0x26d: {  	_ =	swait.ge [sflag:s22], $0x200  }
0x26e: {  	[sflag:s22] =	ssyncset.done $0x0  }
0x26f: {  	[sflag:s22] =	ssyncadd.s32 $0xFFFFFE00  }
0x270: {  	_ =	swait.ge [sflag:s13], $0x2000  }
0x271: {  	[sflag:s13] =	ssyncset.done $0x0  }
0x272: {  	[sflag:s13] =	ssyncadd.s32 $0xFFFFE000  }
0x273: {  	[tilespmem:s11], [sflag:$0x4] =	stream.indirect.gather [spmem:s3], $0x10, s18, s14, $0xb8;
	[tilespmem:$0x1ECA0] =	vst v63  }
0x274: {  	_ =	swait.ge [sflag:s26], $0x2000  }
0x275: {  	s0 =	sld [smem:$0x7ED]  }
0x276: {  	[sflag:s26] =	ssyncset.done $0x0  }
0x277: {  	s1 =	sld [smem:$0x7EE];
	[sflag:s26] =	ssyncadd.s32 $0xFFFFE000  }
0x278: {  	[hbm4b:s0+s2] =	stream.linear.scatter [tilespmem:s23], [sflag:$0x9], $0x2000, $0x38;
	[tilespmem:$0x1ECA0] =	vst v63  }
0x279: {  	_ = 	snop  }
0x27a: {  	[tilespmem:s28], [sflag:$0x3] =	stream.linear.gather [hbm4b:s1+s2], $0x200, $0x38;
	[tilespmem:$0x1ECA0] =	vst v63  }
0x27b: {  	_ =	swait.ge [sflag:s19], $0x200  }
0x27c: {  	[sflag:s19] =	ssyncset.done $0x0  }
0x27d: {  	[sflag:s19] =	ssyncadd.s32 $0xFFFFFE00  }
0x27e: {  	_ =	swait.ge [sflag:s12], $0x2000  }
0x27f: {  	[sflag:s12] =	ssyncset.done $0x0  }
0x280: {  	[sflag:s12] =	ssyncadd.s32 $0xFFFFE000  }
0x281: {  	[tilespmem:s8], [sflag:$0x5] =	stream.indirect.gather [spmem:s3], $0x10, s9, s14, $0xb8;
	[tilespmem:$0x1ECA0] =	vst v63  }
0x282: {  	_ =	swait.ge [sflag:s7], $0x2000  }
0x283: {  	s0 =	sld [smem:$0x7EF]  }
0x284: {  	[sflag:s7] =	ssyncset.done $0x0  }
0x285: {  	s1 =	sld [smem:$0x7F0];
	[sflag:s7] =	ssyncadd.s32 $0xFFFFE000  }
0x286: {  	[hbm4b:s0+s2] =	stream.linear.scatter [tilespmem:s11], [sflag:$0x7], $0x2000, $0x38;
	[tilespmem:$0x1ECA0] =	vst v63  }
0x287: {  	_ = 	snop  }
0x288: {  	[tilespmem:s18], [sflag:$0x1] =	stream.linear.gather [hbm4b:s1+s2], $0x200, $0x38;
	[tilespmem:$0x1ECA0] =	vst v63  }
0x289: {  	_ =	swait.ge [sflag:s30], $0x200  }
0x28a: {  	[sflag:s30] =	ssyncset.done $0x0  }
0x28b: {  	[sflag:s30] =	ssyncadd.s32 $0xFFFFFE00  }
0x28c: {  	_ =	swait.ge [sflag:s10], $0x2000  }
0x28d: {  	[sflag:s10] =	ssyncset.done $0x0  }
0x28e: {  	[sflag:s10] =	ssyncadd.s32 $0xFFFFE000  }
0x28f: {  	[tilespmem:s23], [sflag:$0x6] =	stream.indirect.gather [spmem:s3], $0x10, s28, s14, $0xb8;
	[tilespmem:$0x1ECA0] =	vst v63  }
0x290: {  	_ =	swait.ge [sflag:s15], $0x2000  }
0x291: {  	s0 =	sld [smem:$0x7F1]  }
0x292: {  	[sflag:s15] =	ssyncset.done $0x0  }
0x293: {  	s1 =	sld [smem:$0x7F2];
	[sflag:s15] =	ssyncadd.s32 $0xFFFFE000  }
0x294: {  	[hbm4b:s0+s2] =	stream.linear.scatter [tilespmem:s8], [sflag:$0x8], $0x2000, $0x38;
	[tilespmem:$0x1ECA0] =	vst v63  }
0x295: {  	_ = 	snop  }
0x296: {  	[tilespmem:s9], [sflag:$0x2] =	stream.linear.gather [hbm4b:s1+s2], $0x200, $0x38;
	[tilespmem:$0x1ECA0] =	vst v63  }
0x297: {  	_ =	swait.ge [sflag:s22], $0x200  }
0x298: {  	[sflag:s22] =	ssyncset.done $0x0  }
0x299: {  	[sflag:s22] =	ssyncadd.s32 $0xFFFFFE00  }
0x29a: {  	_ =	swait.ge [sflag:s13], $0x2000  }
0x29b: {  	[sflag:s13] =	ssyncset.done $0x0  }
0x29c: {  	[sflag:s13] =	ssyncadd.s32 $0xFFFFE000  }
0x29d: {  	[tilespmem:s11], [sflag:$0x4] =	stream.indirect.gather [spmem:s3], $0x10, s18, s14, $0xb8;
	[tilespmem:$0x1ECA0] =	vst v63  }
0x29e: {  	_ =	swait.ge [sflag:s26], $0x2000  }
0x29f: {  	s0 =	sld [smem:$0x7F3]  }
0x2a0: {  	[sflag:s26] =	ssyncset.done $0x0  }
0x2a1: {  	s1 =	sld [smem:$0x7F4];
	[sflag:s26] =	ssyncadd.s32 $0xFFFFE000  }
0x2a2: {  	[hbm4b:s0+s2] =	stream.linear.scatter [tilespmem:s23], [sflag:$0x9], $0x2000, $0x38;
	[tilespmem:$0x1ECA0] =	vst v63  }
0x2a3: {  	_ = 	snop  }
0x2a4: {  	[tilespmem:s28], [sflag:$0x3] =	stream.linear.gather [hbm4b:s1+s2], $0x200, $0x38;
	[tilespmem:$0x1ECA0] =	vst v63  }
0x2a5: {  	_ =	swait.ge [sflag:s19], $0x200  }
0x2a6: {  	[sflag:s19] =	ssyncset.done $0x0  }
0x2a7: {  	[sflag:s19] =	ssyncadd.s32 $0xFFFFFE00  }
0x2a8: {  	_ =	swait.ge [sflag:s12], $0x2000  }
0x2a9: {  	[sflag:s12] =	ssyncset.done $0x0  }
0x2aa: {  	[sflag:s12] =	ssyncadd.s32 $0xFFFFE000  }
0x2ab: {  	[tilespmem:s8], [sflag:$0x5] =	stream.indirect.gather [spmem:s3], $0x10, s9, s14, $0xb8;
	[tilespmem:$0x1ECA0] =	vst v63  }
0x2ac: {  	_ =	swait.ge [sflag:s7], $0x2000  }
0x2ad: {  	s0 =	sld [smem:$0x7F5]  }
0x2ae: {  	[sflag:s7] =	ssyncset.done $0x0  }
0x2af: {  	s1 =	sld [smem:$0x7F6];
	[sflag:s7] =	ssyncadd.s32 $0xFFFFE000  }
0x2b0: {  	[hbm4b:s0+s2] =	stream.linear.scatter [tilespmem:s11], [sflag:$0x7], $0x2000, $0x38;
	[tilespmem:$0x1ECA0] =	vst v63  }
0x2b1: {  	_ = 	snop  }
0x2b2: {  	[tilespmem:s18], [sflag:$0x1] =	stream.linear.gather [hbm4b:s1+s2], $0x200, $0x38;
	[tilespmem:$0x1ECA0] =	vst v63  }
0x2b3: {  	_ =	swait.ge [sflag:s30], $0x200  }
0x2b4: {  	[sflag:s30] =	ssyncset.done $0x0  }
0x2b5: {  	[sflag:s30] =	ssyncadd.s32 $0xFFFFFE00  }
0x2b6: {  	_ =	swait.ge [sflag:s10], $0x2000  }
0x2b7: {  	[sflag:s10] =	ssyncset.done $0x0  }
0x2b8: {  	[sflag:s10] =	ssyncadd.s32 $0xFFFFE000  }
0x2b9: {  	[tilespmem:s23], [sflag:$0x6] =	stream.indirect.gather [spmem:s3], $0x10, s28, s14, $0xb8;
	[tilespmem:$0x1ECA0] =	vst v63  }
0x2ba: {  	_ =	swait.ge [sflag:s15], $0x2000  }
0x2bb: {  	s0 =	sld [smem:$0x7F7]  }
0x2bc: {  	[sflag:s15] =	ssyncset.done $0x0  }
0x2bd: {  	s1 =	sld [smem:$0x7F8];
	[sflag:s15] =	ssyncadd.s32 $0xFFFFE000  }
0x2be: {  	[hbm4b:s0+s2] =	stream.linear.scatter [tilespmem:s8], [sflag:$0x8], $0x2000, $0x38;
	[tilespmem:$0x1ECA0] =	vst v63  }
0x2bf: {  	_ = 	snop  }
0x2c0: {  	[tilespmem:s9], [sflag:$0x2] =	stream.linear.gather [hbm4b:s1+s2], $0x200, $0x38;
	[tilespmem:$0x1ECA0] =	vst v63  }
0x2c1: {  	_ =	swait.ge [sflag:s22], $0x200  }
0x2c2: {  	[sflag:s22] =	ssyncset.done $0x0  }
0x2c3: {  	[sflag:s22] =	ssyncadd.s32 $0xFFFFFE00  }
0x2c4: {  	_ =	swait.ge [sflag:s13], $0x2000  }
0x2c5: {  	[sflag:s13] =	ssyncset.done $0x0  }
0x2c6: {  	[sflag:s13] =	ssyncadd.s32 $0xFFFFE000  }
0x2c7: {  	[tilespmem:s11], [sflag:$0x4] =	stream.indirect.gather [spmem:s3], $0x10, s18, s14, $0xb8;
	[tilespmem:$0x1ECA0] =	vst v63  }
0x2c8: {  	_ =	swait.ge [sflag:s26], $0x2000  }
0x2c9: {  	s0 =	sld [smem:$0x7F9]  }
0x2ca: {  	[sflag:s26] =	ssyncset.done $0x0  }
0x2cb: {  	s1 =	sld [smem:$0x7FA];
	[sflag:s26] =	ssyncadd.s32 $0xFFFFE000  }
0x2cc: {  	[hbm4b:s0+s2] =	stream.linear.scatter [tilespmem:s23], [sflag:$0x9], $0x2000, $0x38;
	[tilespmem:$0x1ECA0] =	vst v63  }
0x2cd: {  	_ = 	snop  }
0x2ce: {  	[tilespmem:s28], [sflag:$0x3] =	stream.linear.gather [hbm4b:s1+s2], $0x200, $0x38;
	[tilespmem:$0x1ECA0] =	vst v63  }
0x2cf: {  	_ =	swait.ge [sflag:s19], $0x200  }
0x2d0: {  	[sflag:s19] =	ssyncset.done $0x0  }
0x2d1: {  	[sflag:s19] =	ssyncadd.s32 $0xFFFFFE00  }
0x2d2: {  	_ =	swait.ge [sflag:s12], $0x2000  }
0x2d3: {  	[sflag:s12] =	ssyncset.done $0x0  }
0x2d4: {  	[sflag:s12] =	ssyncadd.s32 $0xFFFFE000  }
0x2d5: {  	[tilespmem:s8], [sflag:$0x5] =	stream.indirect.gather [spmem:s3], $0x10, s9, s14, $0xb8;
	[tilespmem:$0x1ECA0] =	vst v63  }
0x2d6: {  	_ =	swait.ge [sflag:s7], $0x2000  }
0x2d7: {  	s0 =	sld [smem:$0x7FB]  }
0x2d8: {  	[sflag:s7] =	ssyncset.done $0x0  }
0x2d9: {  	s1 =	sld [smem:$0x7FC];
	[sflag:s7] =	ssyncadd.s32 $0xFFFFE000  }
0x2da: {  	[hbm4b:s0+s2] =	stream.linear.scatter [tilespmem:s11], [sflag:$0x7], $0x2000, $0x38;
	[tilespmem:$0x1ECA0] =	vst v63  }
0x2db: {  	_ = 	snop  }
0x2dc: {  	[tilespmem:s18], [sflag:$0x1] =	stream.linear.gather [hbm4b:s1+s2], $0x200, $0x38;
	[tilespmem:$0x1ECA0] =	vst v63  }
0x2dd: {  	_ =	swait.ge [sflag:s30], $0x200  }
0x2de: {  	[sflag:s30] =	ssyncset.done $0x0  }
0x2df: {  	[sflag:s30] =	ssyncadd.s32 $0xFFFFFE00  }
0x2e0: {  	_ =	swait.ge [sflag:s10], $0x2000  }
0x2e1: {  	[sflag:s10] =	ssyncset.done $0x0  }
0x2e2: {  	[sflag:s10] =	ssyncadd.s32 $0xFFFFE000  }
0x2e3: {  	[tilespmem:s23], [sflag:$0x6] =	stream.indirect.gather [spmem:s3], $0x10, s28, s14, $0xb8;
	[tilespmem:$0x1ECA0] =	vst v63  }
0x2e4: {  	_ =	swait.ge [sflag:s15], $0x2000  }
0x2e5: {  	s1 =	sld [smem:$0x7FD]  }
0x2e6: {  	[sflag:s15] =	ssyncset.done $0x0  }
0x2e7: {  	[sflag:s15] =	ssyncadd.s32 $0xFFFFE000  }
0x2e8: {  	[hbm4b:s1+s2] =	stream.linear.scatter [tilespmem:s8], [sflag:$0x8], $0x2000, $0x38;
	[tilespmem:$0x1ECA0] =	vst v63  }
0x2e9: {  	_ = 	snop  }
0x2ea: {  	[tilespmem:s9], [sflag:$0x2] =	stream.linear.gather [hbm4b:s29+s2], $0x200, $0x38;
	[tilespmem:$0x1ECA0] =	vst v63  }
0x2eb: {  	_ =	swait.ge [sflag:s22], $0x200  }
0x2ec: {  	[sflag:s22] =	ssyncset.done $0x0  }
0x2ed: {  	[sflag:s22] =	ssyncadd.s32 $0xFFFFFE00  }
0x2ee: {  	_ =	swait.ge [sflag:s13], $0x2000  }
0x2ef: {  	[sflag:s13] =	ssyncset.done $0x0  }
0x2f0: {  	[sflag:s13] =	ssyncadd.s32 $0xFFFFE000  }
0x2f1: {  	[tilespmem:s11], [sflag:$0x4] =	stream.indirect.gather [spmem:s3], $0x10, s18, s14, $0xb8;
	[tilespmem:$0x1ECA0] =	vst v63  }
0x2f2: {  	_ =	swait.ge [sflag:s26], $0x2000  }
0x2f3: {  	[sflag:s26] =	ssyncset.done $0x0  }
0x2f4: {  	[sflag:s26] =	ssyncadd.s32 $0xFFFFE000  }
0x2f5: {  	[hbm4b:s24+s2] =	stream.linear.scatter [tilespmem:s23], [sflag:$0x9], $0x2000, $0x38;
	[tilespmem:$0x1ECA0] =	vst v63  }
0x2f6: {  	_ = 	snop  }
0x2f7: {  	[tilespmem:s28], [sflag:$0x3] =	stream.linear.gather [hbm4b:s25+s2], $0x200, $0x38;
	[tilespmem:$0x1ECA0] =	vst v63  }
0x2f8: {  	_ =	swait.ge [sflag:s19], $0x200  }
0x2f9: {  	[sflag:s19] =	ssyncset.done $0x0  }
0x2fa: {  	[sflag:s19] =	ssyncadd.s32 $0xFFFFFE00  }
0x2fb: {  	_ =	swait.ge [sflag:s12], $0x2000  }
0x2fc: {  	[sflag:s12] =	ssyncset.done $0x0  }
0x2fd: {  	[sflag:s12] =	ssyncadd.s32 $0xFFFFE000  }
0x2fe: {  	[tilespmem:s8], [sflag:$0x5] =	stream.indirect.gather [spmem:s3], $0x10, s9, s14, $0xb8;
	[tilespmem:$0x1ECA0] =	vst v63  }
0x2ff: {  	_ =	swait.ge [sflag:s7], $0x2000  }
0x300: {  	[sflag:s7] =	ssyncset.done $0x0  }
0x301: {  	[sflag:s7] =	ssyncadd.s32 $0xFFFFE000  }
0x302: {  	[hbm4b:s20+s2] =	stream.linear.scatter [tilespmem:s11], [sflag:$0x7], $0x2000, $0x38;
	[tilespmem:$0x1ECA0] =	vst v63  }
0x303: {  	_ = 	snop  }
0x304: {  	[tilespmem:s18], [sflag:$0x1] =	stream.linear.gather [hbm4b:s21+s2], $0x200, $0x38;
	[tilespmem:$0x1ECA0] =	vst v63  }
0x305: {  	_ =	swait.ge [sflag:s30], $0x200  }
0x306: {  	[sflag:s30] =	ssyncset.done $0x0  }
0x307: {  	[sflag:s30] =	ssyncadd.s32 $0xFFFFFE00  }
0x308: {  	_ =	swait.ge [sflag:s10], $0x2000  }
0x309: {  	[sflag:s10] =	ssyncset.done $0x0  }
0x30a: {  	[sflag:s10] =	ssyncadd.s32 $0xFFFFE000  }
0x30b: {  	[tilespmem:s23], [sflag:$0x6] =	stream.indirect.gather [spmem:s3], $0x10, s28, s14, $0xb8;
	[tilespmem:$0x1ECA0] =	vst v63  }
0x30c: {  	_ =	swait.ge [sflag:s15], $0x2000  }
0x30d: {  	[sflag:s15] =	ssyncset.done $0x0  }
0x30e: {  	[sflag:s15] =	ssyncadd.s32 $0xFFFFE000  }
0x30f: {  	[hbm4b:s16+s2] =	stream.linear.scatter [tilespmem:s8], [sflag:$0x8], $0x2000, $0x38;
	[tilespmem:$0x1ECA0] =	vst v63  }
0x310: {  	_ = 	snop  }
0x311: {  	[tilespmem:s9], [sflag:$0x2] =	stream.linear.gather [hbm4b:s17+s2], $0x200, $0x38;
	[tilespmem:$0x1ECA0] =	vst v63  }
0x312: {  	_ =	swait.ge [sflag:s22], $0x200  }
0x313: {  	[sflag:s22] =	ssyncset.done $0x0  }
0x314: {  	[sflag:s22] =	ssyncadd.s32 $0xFFFFFE00  }
0x315: {  	_ =	swait.ge [sflag:s13], $0x2000  }
0x316: {  	[sflag:s13] =	ssyncset.done $0x0  }
0x317: {  	[sflag:s13] =	ssyncadd.s32 $0xFFFFE000  }
0x318: {  	[tilespmem:s11], [sflag:$0x4] =	stream.indirect.gather [spmem:s3], $0x10, s18, s14, $0xb8;
	[tilespmem:$0x1ECA0] =	vst v63  }
0x319: {  	_ =	swait.ge [sflag:s26], $0x2000  }
0x31a: {  	[sflag:s26] =	ssyncset.done $0x0  }
0x31b: {  	[sflag:s26] =	ssyncadd.s32 $0xFFFFE000  }
0x31c: {  	[hbm4b:s6+s2] =	stream.linear.scatter [tilespmem:s23], [sflag:$0x9], $0x2000, $0x38;
	[tilespmem:$0x1ECA0] =	vst v63  }
0x31d: {  	_ =	swait.ge [sflag:s19], $0x200  }
0x31e: {  	[sflag:s19] =	ssyncset.done $0x0  }
0x31f: {  	[sflag:s19] =	ssyncadd.s32 $0xFFFFFE00  }
0x320: {  	_ =	swait.ge [sflag:s12], $0x2000  }
0x321: {  	[sflag:s12] =	ssyncset.done $0x0  }
0x322: {  	[sflag:s12] =	ssyncadd.s32 $0xFFFFE000  }
0x323: {  	[tilespmem:s8], [sflag:$0x5] =	stream.indirect.gather [spmem:s3], $0x10, s9, s14, $0xb8;
	[tilespmem:$0x1ECA0] =	vst v63  }
0x324: {  	_ =	swait.ge [sflag:s7], $0x2000  }
0x325: {  	[sflag:s7] =	ssyncset.done $0x0  }
0x326: {  	[sflag:s7] =	ssyncadd.s32 $0xFFFFE000  }
0x327: {  	[hbm4b:s5+s2] =	stream.linear.scatter [tilespmem:s11], [sflag:$0x7], $0x2000, $0x38;
	[tilespmem:$0x1ECA0] =	vst v63  }
0x328: {  	_ =	swait.ge [sflag:s15], $0x2000  }
0x329: {  	[sflag:s15] =	ssyncset.done $0x0  }
0x32a: {  	[sflag:s15] =	ssyncadd.s32 $0xFFFFE000  }
0x32b: {  	[hbm4b:s4+s2] =	stream.linear.scatter [tilespmem:s8], [sflag:$0x8], $0x2000, $0x38;
	[tilespmem:$0x1ECA0] =	vst v63  }
0x32c: {  	_ =	swait.ge [sflag:s13], $0x2000  }
0x32d: {  	[sflag:s13] =	ssyncset.done $0x0  }
0x32e: {  	[sflag:s13] =	ssyncadd.s32 $0xFFFFE000  }
0x32f: {  	_ =	swait.ge [sflag:s12], $0x2000  }
0x330: {  	s1 =	sld [smem:$0x7BB];
	_ =	sdelay $0x2  }
0x331: {  	[sflag:s12] =	ssyncset.done $0x0;
	p1 =	sne.s32 s1, $0x1  }
.Ltmp1:
0x332: {  	[sflag:s12] =	ssyncadd.s32 $0xFFFFE000;
	(pc) =	sbr.rel @!p1 .LBB2_2-.Ltmp1, $4  }
0x333: {  	_ =	swait.ge [sflag:s10], $0x2000  }
0x334: {  	s0 =	sadd.s32 $0xFFFFFFFF, s1;
	s1 =	rddreg [dreg:$0x4]  }
0x335: {  	[smem:$0x7BC] =	sst s31  }
0x336: {  	p0 =	por $0x1, $0x1;
	[sflag:s10] =	ssyncset.done $0x0;
	[smem:$0x7BD] =	sst s29  }
.LBB2_3:
0x337: {  	s29 =	smov.u32 s25;
	s25 =	smov.u32 s24;
	s24 =	smov.u32 s21  }
0x338: {  	s21 =	smov.u32 s20;
	s20 =	smov.u32 s17;
	s31 =	sld [smem:$0x7BC]  }
0x339: {  	s17 =	smov.u32 s16;
	s16 =	smov.u32 s6;
	s6 =	smov.u32 s5  }
0x33a: {  	s5 =	smov.u32 s4;
	s4 =	rddreg [dreg:$0x5];
	[sflag:s10] =	ssyncadd.s32 $0xFFFFE000  }
0x33b: {  	[spmem:s31], [sflag:s4] =	dma.local [hbm:s1], $0x30D4  }
0x33c: {  	s1 =	rddreg [dreg:$0x6]  }
0x33d: {  	[tilespmem:s18], [sflag:$0x1] =	stream.linear.gather [hbm4b:s1+s2], $0x200, $0x38;
	[tilespmem:$0x1ECA0] =	vst v63  }
0x33e: {  	s4 =	rddreg [dreg:$0x7]  }
0x33f: {  	[tilespmem:s9], [sflag:$0x2] =	stream.linear.gather [hbm4b:s4+s2], $0x200, $0x38;
	[tilespmem:$0x1ECA0] =	vst v63  }
0x340: {  	s31 =	rddreg [dreg:$0x8]  }
0x341: {  	[tilespmem:s28], [sflag:$0x3] =	stream.linear.gather [hbm4b:s31+s2], $0x200, $0x38;
	[tilespmem:$0x1ECA0] =	vst v63  }
0x342: {  	_ =	swait.ge [sflag:s7], $0x30D4  }
0x343: {  	[sflag:s7] =	ssyncset.done $0x0  }
0x344: {  	[sflag:s7] =	ssyncadd.s32 $0xFFFFCF2C  }
0x345: {  	[bflag:$0x0] =	sbarrier.arrive $0xFFFF  }
0x346: {  	_ =	swait.ge [sflag:s22], $0x200  }
0x347: {  	[sflag:s22] =	ssyncset.done $0x0  }
0x348: {  	[sflag:s22] =	ssyncadd.s32 $0xFFFFFE00  }
0x349: {  	[tilespmem:s11], [sflag:$0x4] =	stream.indirect.gather [spmem:s3], $0x10, s18, s14, $0xb8;
	[tilespmem:$0x1ECA0] =	vst v63  }
0x34a: {  	_ =	swait.ge [sflag:s19], $0x200  }
0x34b: {  	[sflag:s19] =	ssyncset.done $0x0  }
0x34c: {  	[sflag:s19] =	ssyncadd.s32 $0xFFFFFE00  }
0x34d: {  	[tilespmem:s8], [sflag:$0x5] =	stream.indirect.gather [spmem:s3], $0x10, s9, s14, $0xb8;
	[tilespmem:$0x1ECA0] =	vst v63  }
0x34e: {  	_ =	swait.ge [sflag:s7], $0x2000  }
0x34f: {  	[sflag:s7] =	ssyncset.done $0x0  }
0x350: {  	s4 =	rddreg [dreg:$0x9];
	[sflag:s7] =	ssyncadd.s32 $0xFFFFE000  }
0x351: {  	[hbm4b:s4+s2] =	stream.linear.scatter [tilespmem:s11], [sflag:$0x7], $0x2000, $0x38;
	[tilespmem:$0x1ECA0] =	vst v63  }
0x352: {  	s31 =	rddreg [dreg:$0xa]  }
0x353: {  	[tilespmem:s18], [sflag:$0x1] =	stream.linear.gather [hbm4b:s31+s2], $0x200, $0x38;
	[tilespmem:$0x1ECA0] =	vst v63  }
0x354: {  	_ =	swait.ge [sflag:s30], $0x200  }
0x355: {  	[sflag:s30] =	ssyncset.done $0x0  }
0x356: {  	[sflag:s30] =	ssyncadd.s32 $0xFFFFFE00  }
0x357: {  	[tilespmem:s23], [sflag:$0x6] =	stream.indirect.gather [spmem:s3], $0x10, s28, s14, $0xb8;
	[tilespmem:$0x1ECA0] =	vst v63  }
0x358: {  	_ =	swait.ge [sflag:s15], $0x2000  }
0x359: {  	[sflag:s15] =	ssyncset.done $0x0  }
0x35a: {  	s4 =	rddreg [dreg:$0xb];
	[sflag:s15] =	ssyncadd.s32 $0xFFFFE000  }
0x35b: {  	[hbm4b:s4+s2] =	stream.linear.scatter [tilespmem:s8], [sflag:$0x8], $0x2000, $0x38;
	[tilespmem:$0x1ECA0] =	vst v63  }
0x35c: {  	s31 =	rddreg [dreg:$0xc]  }
0x35d: {  	[tilespmem:s9], [sflag:$0x2] =	stream.linear.gather [hbm4b:s31+s2], $0x200, $0x38;
	[tilespmem:$0x1ECA0] =	vst v63  }
0x35e: {  	_ =	swait.ge [sflag:s22], $0x200  }
0x35f: {  	[sflag:s22] =	ssyncset.done $0x0  }
0x360: {  	[sflag:s22] =	ssyncadd.s32 $0xFFFFFE00  }
0x361: {  	_ =	swait.ge [sflag:s13], $0x2000  }
0x362: {  	[sflag:s13] =	ssyncset.done $0x0  }
0x363: {  	[sflag:s13] =	ssyncadd.s32 $0xFFFFE000  }
0x364: {  	[tilespmem:s11], [sflag:$0x4] =	stream.indirect.gather [spmem:s3], $0x10, s18, s14, $0xb8;
	[tilespmem:$0x1ECA0] =	vst v63  }
0x365: {  	_ =	swait.ge [sflag:s26], $0x2000  }
0x366: {  	[sflag:s26] =	ssyncset.done $0x0  }
0x367: {  	s4 =	rddreg [dreg:$0xd];
	[sflag:s26] =	ssyncadd.s32 $0xFFFFE000  }
0x368: {  	[hbm4b:s4+s2] =	stream.linear.scatter [tilespmem:s23], [sflag:$0x9], $0x2000, $0x38;
	[tilespmem:$0x1ECA0] =	vst v63  }
0x369: {  	s31 =	rddreg [dreg:$0xe]  }
0x36a: {  	[tilespmem:s28], [sflag:$0x3] =	stream.linear.gather [hbm4b:s31+s2], $0x200, $0x38;
	[tilespmem:$0x1ECA0] =	vst v63  }
0x36b: {  	_ =	swait.ge [sflag:s19], $0x200  }
0x36c: {  	[sflag:s19] =	ssyncset.done $0x0  }
0x36d: {  	[sflag:s19] =	ssyncadd.s32 $0xFFFFFE00  }
0x36e: {  	_ =	swait.ge [sflag:s12], $0x2000  }
0x36f: {  	[sflag:s12] =	ssyncset.done $0x0  }
0x370: {  	[sflag:s12] =	ssyncadd.s32 $0xFFFFE000  }
0x371: {  	[tilespmem:s8], [sflag:$0x5] =	stream.indirect.gather [spmem:s3], $0x10, s9, s14, $0xb8;
	[tilespmem:$0x1ECA0] =	vst v63  }
0x372: {  	_ =	swait.ge [sflag:s7], $0x2000  }
0x373: {  	[sflag:s7] =	ssyncset.done $0x0  }
0x374: {  	s4 =	rddreg [dreg:$0xf];
	[sflag:s7] =	ssyncadd.s32 $0xFFFFE000  }
0x375: {  	[hbm4b:s4+s2] =	stream.linear.scatter [tilespmem:s11], [sflag:$0x7], $0x2000, $0x38;
	[tilespmem:$0x1ECA0] =	vst v63  }
0x376: {  	s31 =	rddreg [dreg:$0x10]  }
0x377: {  	[tilespmem:s18], [sflag:$0x1] =	stream.linear.gather [hbm4b:s31+s2], $0x200, $0x38;
	[tilespmem:$0x1ECA0] =	vst v63  }
0x378: {  	_ =	swait.ge [sflag:s30], $0x200  }
0x379: {  	[sflag:s30] =	ssyncset.done $0x0  }
0x37a: {  	[sflag:s30] =	ssyncadd.s32 $0xFFFFFE00  }
0x37b: {  	_ =	swait.ge [sflag:s10], $0x2000  }
0x37c: {  	[sflag:s10] =	ssyncset.done $0x0  }
0x37d: {  	[sflag:s10] =	ssyncadd.s32 $0xFFFFE000  }
0x37e: {  	[tilespmem:s23], [sflag:$0x6] =	stream.indirect.gather [spmem:s3], $0x10, s28, s14, $0xb8;
	[tilespmem:$0x1ECA0] =	vst v63  }
0x37f: {  	_ =	swait.ge [sflag:s15], $0x2000  }
0x380: {  	[sflag:s15] =	ssyncset.done $0x0  }
0x381: {  	s4 =	rddreg [dreg:$0x11];
	[sflag:s15] =	ssyncadd.s32 $0xFFFFE000  }
0x382: {  	[hbm4b:s4+s2] =	stream.linear.scatter [tilespmem:s8], [sflag:$0x8], $0x2000, $0x38;
	[tilespmem:$0x1ECA0] =	vst v63  }
0x383: {  	s31 =	rddreg [dreg:$0x12]  }
0x384: {  	[tilespmem:s9], [sflag:$0x2] =	stream.linear.gather [hbm4b:s31+s2], $0x200, $0x38;
	[tilespmem:$0x1ECA0] =	vst v63  }
0x385: {  	_ =	swait.ge [sflag:s22], $0x200  }
0x386: {  	[sflag:s22] =	ssyncset.done $0x0  }
0x387: {  	[sflag:s22] =	ssyncadd.s32 $0xFFFFFE00  }
0x388: {  	_ =	swait.ge [sflag:s13], $0x2000  }
0x389: {  	[sflag:s13] =	ssyncset.done $0x0  }
0x38a: {  	[sflag:s13] =	ssyncadd.s32 $0xFFFFE000  }
0x38b: {  	[tilespmem:s11], [sflag:$0x4] =	stream.indirect.gather [spmem:s3], $0x10, s18, s14, $0xb8;
	[tilespmem:$0x1ECA0] =	vst v63  }
0x38c: {  	_ =	swait.ge [sflag:s26], $0x2000  }
0x38d: {  	[sflag:s26] =	ssyncset.done $0x0  }
0x38e: {  	s4 =	rddreg [dreg:$0x13];
	[sflag:s26] =	ssyncadd.s32 $0xFFFFE000  }
0x38f: {  	[hbm4b:s4+s2] =	stream.linear.scatter [tilespmem:s23], [sflag:$0x9], $0x2000, $0x38;
	[tilespmem:$0x1ECA0] =	vst v63  }
0x390: {  	s31 =	rddreg [dreg:$0x14]  }
0x391: {  	[tilespmem:s28], [sflag:$0x3] =	stream.linear.gather [hbm4b:s31+s2], $0x200, $0x38;
	[tilespmem:$0x1ECA0] =	vst v63  }
0x392: {  	_ =	swait.ge [sflag:s19], $0x200  }
0x393: {  	[sflag:s19] =	ssyncset.done $0x0  }
0x394: {  	[sflag:s19] =	ssyncadd.s32 $0xFFFFFE00  }
0x395: {  	_ =	swait.ge [sflag:s12], $0x2000  }
0x396: {  	[sflag:s12] =	ssyncset.done $0x0  }
0x397: {  	[sflag:s12] =	ssyncadd.s32 $0xFFFFE000  }
0x398: {  	[tilespmem:s8], [sflag:$0x5] =	stream.indirect.gather [spmem:s3], $0x10, s9, s14, $0xb8;
	[tilespmem:$0x1ECA0] =	vst v63  }
0x399: {  	_ =	swait.ge [sflag:s7], $0x2000  }
0x39a: {  	[sflag:s7] =	ssyncset.done $0x0  }
0x39b: {  	s4 =	rddreg [dreg:$0x15];
	[sflag:s7] =	ssyncadd.s32 $0xFFFFE000  }
0x39c: {  	[hbm4b:s4+s2] =	stream.linear.scatter [tilespmem:s11], [sflag:$0x7], $0x2000, $0x38;
	[tilespmem:$0x1ECA0] =	vst v63  }
0x39d: {  	s31 =	rddreg [dreg:$0x16]  }
0x39e: {  	[tilespmem:s18], [sflag:$0x1] =	stream.linear.gather [hbm4b:s31+s2], $0x200, $0x38;
	[tilespmem:$0x1ECA0] =	vst v63  }
0x39f: {  	_ =	swait.ge [sflag:s30], $0x200  }
0x3a0: {  	[sflag:s30] =	ssyncset.done $0x0  }
0x3a1: {  	[sflag:s30] =	ssyncadd.s32 $0xFFFFFE00  }
0x3a2: {  	_ =	swait.ge [sflag:s10], $0x2000  }
0x3a3: {  	[sflag:s10] =	ssyncset.done $0x0  }
0x3a4: {  	[sflag:s10] =	ssyncadd.s32 $0xFFFFE000  }
0x3a5: {  	[tilespmem:s23], [sflag:$0x6] =	stream.indirect.gather [spmem:s3], $0x10, s28, s14, $0xb8;
	[tilespmem:$0x1ECA0] =	vst v63  }
0x3a6: {  	_ =	swait.ge [sflag:s15], $0x2000  }
0x3a7: {  	[sflag:s15] =	ssyncset.done $0x0  }
0x3a8: {  	s4 =	rddreg [dreg:$0x17];
	[sflag:s15] =	ssyncadd.s32 $0xFFFFE000  }
0x3a9: {  	[hbm4b:s4+s2] =	stream.linear.scatter [tilespmem:s8], [sflag:$0x8], $0x2000, $0x38;
	[tilespmem:$0x1ECA0] =	vst v63  }
0x3aa: {  	s31 =	rddreg [dreg:$0x18]  }
0x3ab: {  	[tilespmem:s9], [sflag:$0x2] =	stream.linear.gather [hbm4b:s31+s2], $0x200, $0x38;
	[tilespmem:$0x1ECA0] =	vst v63  }
0x3ac: {  	_ =	swait.ge [sflag:s22], $0x200  }
0x3ad: {  	[sflag:s22] =	ssyncset.done $0x0  }
0x3ae: {  	[sflag:s22] =	ssyncadd.s32 $0xFFFFFE00  }
0x3af: {  	_ =	swait.ge [sflag:s13], $0x2000  }
0x3b0: {  	[sflag:s13] =	ssyncset.done $0x0  }
0x3b1: {  	[sflag:s13] =	ssyncadd.s32 $0xFFFFE000  }
0x3b2: {  	[tilespmem:s11], [sflag:$0x4] =	stream.indirect.gather [spmem:s3], $0x10, s18, s14, $0xb8;
	[tilespmem:$0x1ECA0] =	vst v63  }
0x3b3: {  	_ =	swait.ge [sflag:s26], $0x2000  }
0x3b4: {  	[sflag:s26] =	ssyncset.done $0x0  }
0x3b5: {  	s4 =	rddreg [dreg:$0x19];
	[sflag:s26] =	ssyncadd.s32 $0xFFFFE000  }
0x3b6: {  	[hbm4b:s4+s2] =	stream.linear.scatter [tilespmem:s23], [sflag:$0x9], $0x2000, $0x38;
	[tilespmem:$0x1ECA0] =	vst v63  }
0x3b7: {  	s31 =	rddreg [dreg:$0x1a]  }
0x3b8: {  	[tilespmem:s28], [sflag:$0x3] =	stream.linear.gather [hbm4b:s31+s2], $0x200, $0x38;
	[tilespmem:$0x1ECA0] =	vst v63  }
0x3b9: {  	_ =	swait.ge [sflag:s19], $0x200  }
0x3ba: {  	[sflag:s19] =	ssyncset.done $0x0  }
0x3bb: {  	[sflag:s19] =	ssyncadd.s32 $0xFFFFFE00  }
0x3bc: {  	_ =	swait.ge [sflag:s12], $0x2000  }
0x3bd: {  	[sflag:s12] =	ssyncset.done $0x0  }
0x3be: {  	[sflag:s12] =	ssyncadd.s32 $0xFFFFE000  }
0x3bf: {  	[tilespmem:s8], [sflag:$0x5] =	stream.indirect.gather [spmem:s3], $0x10, s9, s14, $0xb8;
	[tilespmem:$0x1ECA0] =	vst v63  }
0x3c0: {  	_ =	swait.ge [sflag:s7], $0x2000  }
0x3c1: {  	[sflag:s7] =	ssyncset.done $0x0  }
0x3c2: {  	s4 =	rddreg [dreg:$0x1b];
	[sflag:s7] =	ssyncadd.s32 $0xFFFFE000  }
0x3c3: {  	[hbm4b:s4+s2] =	stream.linear.scatter [tilespmem:s11], [sflag:$0x7], $0x2000, $0x38;
	[tilespmem:$0x1ECA0] =	vst v63  }
0x3c4: {  	s31 =	rddreg [dreg:$0x1c]  }
0x3c5: {  	[tilespmem:s18], [sflag:$0x1] =	stream.linear.gather [hbm4b:s31+s2], $0x200, $0x38;
	[tilespmem:$0x1ECA0] =	vst v63  }
0x3c6: {  	_ =	swait.ge [sflag:s30], $0x200  }
0x3c7: {  	[sflag:s30] =	ssyncset.done $0x0  }
0x3c8: {  	[sflag:s30] =	ssyncadd.s32 $0xFFFFFE00  }
0x3c9: {  	_ =	swait.ge [sflag:s10], $0x2000  }
0x3ca: {  	[sflag:s10] =	ssyncset.done $0x0  }
0x3cb: {  	[sflag:s10] =	ssyncadd.s32 $0xFFFFE000  }
0x3cc: {  	[tilespmem:s23], [sflag:$0x6] =	stream.indirect.gather [spmem:s3], $0x10, s28, s14, $0xb8;
	[tilespmem:$0x1ECA0] =	vst v63  }
0x3cd: {  	_ =	swait.ge [sflag:s15], $0x2000  }
0x3ce: {  	[sflag:s15] =	ssyncset.done $0x0  }
0x3cf: {  	s4 =	rddreg [dreg:$0x1d];
	[sflag:s15] =	ssyncadd.s32 $0xFFFFE000  }
0x3d0: {  	[hbm4b:s4+s2] =	stream.linear.scatter [tilespmem:s8], [sflag:$0x8], $0x2000, $0x38;
	[tilespmem:$0x1ECA0] =	vst v63  }
0x3d1: {  	s31 =	rddreg [dreg:$0x1e]  }
0x3d2: {  	[tilespmem:s9], [sflag:$0x2] =	stream.linear.gather [hbm4b:s31+s2], $0x200, $0x38;
	[tilespmem:$0x1ECA0] =	vst v63  }
0x3d3: {  	_ =	swait.ge [sflag:s22], $0x200  }
0x3d4: {  	[sflag:s22] =	ssyncset.done $0x0  }
0x3d5: {  	[sflag:s22] =	ssyncadd.s32 $0xFFFFFE00  }
0x3d6: {  	_ =	swait.ge [sflag:s13], $0x2000  }
0x3d7: {  	[sflag:s13] =	ssyncset.done $0x0  }
0x3d8: {  	[sflag:s13] =	ssyncadd.s32 $0xFFFFE000  }
0x3d9: {  	[tilespmem:s11], [sflag:$0x4] =	stream.indirect.gather [spmem:s3], $0x10, s18, s14, $0xb8;
	[tilespmem:$0x1ECA0] =	vst v63  }
0x3da: {  	_ =	swait.ge [sflag:s26], $0x2000  }
0x3db: {  	s4 =	rddreg [dreg:$0x1f];
	[sflag:s26] =	ssyncset.done $0x0  }
0x3dc: {  	s31 =	sld [smem:$0x7BE];
	[sflag:s26] =	ssyncadd.s32 $0xFFFFE000  }
0x3dd: {  	[hbm4b:s4+s2] =	stream.linear.scatter [tilespmem:s23], [sflag:$0x9], $0x2000, $0x38;
	[tilespmem:$0x1ECA0] =	vst v63  }
0x3de: {  	_ = 	snop  }
0x3df: {  	[tilespmem:s28], [sflag:$0x3] =	stream.linear.gather [hbm4b:s31+s2], $0x200, $0x38;
	[tilespmem:$0x1ECA0] =	vst v63  }
0x3e0: {  	_ =	swait.ge [sflag:s19], $0x200  }
0x3e1: {  	[sflag:s19] =	ssyncset.done $0x0  }
0x3e2: {  	[sflag:s19] =	ssyncadd.s32 $0xFFFFFE00  }
0x3e3: {  	_ =	swait.ge [sflag:s12], $0x2000  }
0x3e4: {  	[sflag:s12] =	ssyncset.done $0x0  }
0x3e5: {  	[sflag:s12] =	ssyncadd.s32 $0xFFFFE000  }
0x3e6: {  	[tilespmem:s8], [sflag:$0x5] =	stream.indirect.gather [spmem:s3], $0x10, s9, s14, $0xb8;
	[tilespmem:$0x1ECA0] =	vst v63  }
0x3e7: {  	_ =	swait.ge [sflag:s7], $0x2000  }
0x3e8: {  	s4 =	sld [smem:$0x7BF]  }
0x3e9: {  	[sflag:s7] =	ssyncset.done $0x0  }
0x3ea: {  	s31 =	sld [smem:$0x7C0];
	[sflag:s7] =	ssyncadd.s32 $0xFFFFE000  }
0x3eb: {  	[hbm4b:s4+s2] =	stream.linear.scatter [tilespmem:s11], [sflag:$0x7], $0x2000, $0x38;
	[tilespmem:$0x1ECA0] =	vst v63  }
0x3ec: {  	_ = 	snop  }
0x3ed: {  	[tilespmem:s18], [sflag:$0x1] =	stream.linear.gather [hbm4b:s31+s2], $0x200, $0x38;
	[tilespmem:$0x1ECA0] =	vst v63  }
0x3ee: {  	_ =	swait.ge [sflag:s30], $0x200  }
0x3ef: {  	[sflag:s30] =	ssyncset.done $0x0  }
0x3f0: {  	[sflag:s30] =	ssyncadd.s32 $0xFFFFFE00  }
0x3f1: {  	_ =	swait.ge [sflag:s10], $0x2000  }
0x3f2: {  	[sflag:s10] =	ssyncset.done $0x0  }
0x3f3: {  	[sflag:s10] =	ssyncadd.s32 $0xFFFFE000  }
0x3f4: {  	[tilespmem:s23], [sflag:$0x6] =	stream.indirect.gather [spmem:s3], $0x10, s28, s14, $0xb8;
	[tilespmem:$0x1ECA0] =	vst v63  }
0x3f5: {  	_ =	swait.ge [sflag:s15], $0x2000  }
0x3f6: {  	s4 =	sld [smem:$0x7C1]  }
0x3f7: {  	[sflag:s15] =	ssyncset.done $0x0  }
0x3f8: {  	s31 =	sld [smem:$0x7C2];
	[sflag:s15] =	ssyncadd.s32 $0xFFFFE000  }
0x3f9: {  	[hbm4b:s4+s2] =	stream.linear.scatter [tilespmem:s8], [sflag:$0x8], $0x2000, $0x38;
	[tilespmem:$0x1ECA0] =	vst v63  }
0x3fa: {  	_ = 	snop  }
0x3fb: {  	[tilespmem:s9], [sflag:$0x2] =	stream.linear.gather [hbm4b:s31+s2], $0x200, $0x38;
	[tilespmem:$0x1ECA0] =	vst v63  }
0x3fc: {  	_ =	swait.ge [sflag:s22], $0x200  }
0x3fd: {  	[sflag:s22] =	ssyncset.done $0x0  }
0x3fe: {  	[sflag:s22] =	ssyncadd.s32 $0xFFFFFE00  }
0x3ff: {  	_ =	swait.ge [sflag:s13], $0x2000  }
0x400: {  	[sflag:s13] =	ssyncset.done $0x0  }
0x401: {  	[sflag:s13] =	ssyncadd.s32 $0xFFFFE000  }
0x402: {  	[tilespmem:s11], [sflag:$0x4] =	stream.indirect.gather [spmem:s3], $0x10, s18, s14, $0xb8;
	[tilespmem:$0x1ECA0] =	vst v63  }
0x403: {  	_ =	swait.ge [sflag:s26], $0x2000  }
0x404: {  	s4 =	sld [smem:$0x7C3]  }
0x405: {  	[sflag:s26] =	ssyncset.done $0x0  }
0x406: {  	s31 =	sld [smem:$0x7C4];
	[sflag:s26] =	ssyncadd.s32 $0xFFFFE000  }
0x407: {  	[hbm4b:s4+s2] =	stream.linear.scatter [tilespmem:s23], [sflag:$0x9], $0x2000, $0x38;
	[tilespmem:$0x1ECA0] =	vst v63  }
0x408: {  	_ = 	snop  }
0x409: {  	[tilespmem:s28], [sflag:$0x3] =	stream.linear.gather [hbm4b:s31+s2], $0x200, $0x38;
	[tilespmem:$0x1ECA0] =	vst v63  }
0x40a: {  	_ =	swait.ge [sflag:s19], $0x200  }
0x40b: {  	[sflag:s19] =	ssyncset.done $0x0  }
0x40c: {  	[sflag:s19] =	ssyncadd.s32 $0xFFFFFE00  }
0x40d: {  	_ =	swait.ge [sflag:s12], $0x2000  }
0x40e: {  	[sflag:s12] =	ssyncset.done $0x0  }
0x40f: {  	[sflag:s12] =	ssyncadd.s32 $0xFFFFE000  }
0x410: {  	[tilespmem:s8], [sflag:$0x5] =	stream.indirect.gather [spmem:s3], $0x10, s9, s14, $0xb8;
	[tilespmem:$0x1ECA0] =	vst v63  }
0x411: {  	_ =	swait.ge [sflag:s7], $0x2000  }
0x412: {  	s4 =	sld [smem:$0x7C5]  }
0x413: {  	[sflag:s7] =	ssyncset.done $0x0  }
0x414: {  	s31 =	sld [smem:$0x7C6];
	[sflag:s7] =	ssyncadd.s32 $0xFFFFE000  }
0x415: {  	[hbm4b:s4+s2] =	stream.linear.scatter [tilespmem:s11], [sflag:$0x7], $0x2000, $0x38;
	[tilespmem:$0x1ECA0] =	vst v63  }
0x416: {  	_ = 	snop  }
0x417: {  	[tilespmem:s18], [sflag:$0x1] =	stream.linear.gather [hbm4b:s31+s2], $0x200, $0x38;
	[tilespmem:$0x1ECA0] =	vst v63  }
0x418: {  	_ =	swait.ge [sflag:s30], $0x200  }
0x419: {  	[sflag:s30] =	ssyncset.done $0x0  }
0x41a: {  	[sflag:s30] =	ssyncadd.s32 $0xFFFFFE00  }
0x41b: {  	_ =	swait.ge [sflag:s10], $0x2000  }
0x41c: {  	[sflag:s10] =	ssyncset.done $0x0  }
0x41d: {  	[sflag:s10] =	ssyncadd.s32 $0xFFFFE000  }
0x41e: {  	[tilespmem:s23], [sflag:$0x6] =	stream.indirect.gather [spmem:s3], $0x10, s28, s14, $0xb8;
	[tilespmem:$0x1ECA0] =	vst v63  }
0x41f: {  	_ =	swait.ge [sflag:s15], $0x2000  }
0x420: {  	s4 =	sld [smem:$0x7C7]  }
0x421: {  	[sflag:s15] =	ssyncset.done $0x0  }
0x422: {  	s31 =	sld [smem:$0x7C8];
	[sflag:s15] =	ssyncadd.s32 $0xFFFFE000  }
0x423: {  	[hbm4b:s4+s2] =	stream.linear.scatter [tilespmem:s8], [sflag:$0x8], $0x2000, $0x38;
	[tilespmem:$0x1ECA0] =	vst v63  }
0x424: {  	_ = 	snop  }
0x425: {  	[tilespmem:s9], [sflag:$0x2] =	stream.linear.gather [hbm4b:s31+s2], $0x200, $0x38;
	[tilespmem:$0x1ECA0] =	vst v63  }
0x426: {  	_ =	swait.ge [sflag:s22], $0x200  }
0x427: {  	[sflag:s22] =	ssyncset.done $0x0  }
0x428: {  	[sflag:s22] =	ssyncadd.s32 $0xFFFFFE00  }
0x429: {  	_ =	swait.ge [sflag:s13], $0x2000  }
0x42a: {  	[sflag:s13] =	ssyncset.done $0x0  }
0x42b: {  	[sflag:s13] =	ssyncadd.s32 $0xFFFFE000  }
0x42c: {  	[tilespmem:s11], [sflag:$0x4] =	stream.indirect.gather [spmem:s3], $0x10, s18, s14, $0xb8;
	[tilespmem:$0x1ECA0] =	vst v63  }
0x42d: {  	_ =	swait.ge [sflag:s26], $0x2000  }
0x42e: {  	s4 =	sld [smem:$0x7C9]  }
0x42f: {  	[sflag:s26] =	ssyncset.done $0x0  }
0x430: {  	s31 =	sld [smem:$0x7CA];
	[sflag:s26] =	ssyncadd.s32 $0xFFFFE000  }
0x431: {  	[hbm4b:s4+s2] =	stream.linear.scatter [tilespmem:s23], [sflag:$0x9], $0x2000, $0x38;
	[tilespmem:$0x1ECA0] =	vst v63  }
0x432: {  	_ = 	snop  }
0x433: {  	[tilespmem:s28], [sflag:$0x3] =	stream.linear.gather [hbm4b:s31+s2], $0x200, $0x38;
	[tilespmem:$0x1ECA0] =	vst v63  }
0x434: {  	_ =	swait.ge [sflag:s19], $0x200  }
0x435: {  	[sflag:s19] =	ssyncset.done $0x0  }
0x436: {  	[sflag:s19] =	ssyncadd.s32 $0xFFFFFE00  }
0x437: {  	_ =	swait.ge [sflag:s12], $0x2000  }
0x438: {  	[sflag:s12] =	ssyncset.done $0x0  }
0x439: {  	[sflag:s12] =	ssyncadd.s32 $0xFFFFE000  }
0x43a: {  	[tilespmem:s8], [sflag:$0x5] =	stream.indirect.gather [spmem:s3], $0x10, s9, s14, $0xb8;
	[tilespmem:$0x1ECA0] =	vst v63  }
0x43b: {  	_ =	swait.ge [sflag:s7], $0x2000  }
0x43c: {  	s4 =	sld [smem:$0x7CB]  }
0x43d: {  	[sflag:s7] =	ssyncset.done $0x0  }
0x43e: {  	s31 =	sld [smem:$0x7CC];
	[sflag:s7] =	ssyncadd.s32 $0xFFFFE000  }
0x43f: {  	[hbm4b:s4+s2] =	stream.linear.scatter [tilespmem:s11], [sflag:$0x7], $0x2000, $0x38;
	[tilespmem:$0x1ECA0] =	vst v63  }
0x440: {  	_ = 	snop  }
0x441: {  	[tilespmem:s18], [sflag:$0x1] =	stream.linear.gather [hbm4b:s31+s2], $0x200, $0x38;
	[tilespmem:$0x1ECA0] =	vst v63  }
0x442: {  	_ =	swait.ge [sflag:s30], $0x200  }
0x443: {  	[sflag:s30] =	ssyncset.done $0x0  }
0x444: {  	[sflag:s30] =	ssyncadd.s32 $0xFFFFFE00  }
0x445: {  	_ =	swait.ge [sflag:s10], $0x2000  }
0x446: {  	[sflag:s10] =	ssyncset.done $0x0  }
0x447: {  	[sflag:s10] =	ssyncadd.s32 $0xFFFFE000  }
0x448: {  	[tilespmem:s23], [sflag:$0x6] =	stream.indirect.gather [spmem:s3], $0x10, s28, s14, $0xb8;
	[tilespmem:$0x1ECA0] =	vst v63  }
0x449: {  	_ =	swait.ge [sflag:s15], $0x2000  }
0x44a: {  	s4 =	sld [smem:$0x7CD]  }
0x44b: {  	[sflag:s15] =	ssyncset.done $0x0  }
0x44c: {  	s31 =	sld [smem:$0x7CE];
	[sflag:s15] =	ssyncadd.s32 $0xFFFFE000  }
0x44d: {  	[hbm4b:s4+s2] =	stream.linear.scatter [tilespmem:s8], [sflag:$0x8], $0x2000, $0x38;
	[tilespmem:$0x1ECA0] =	vst v63  }
0x44e: {  	_ = 	snop  }
0x44f: {  	[tilespmem:s9], [sflag:$0x2] =	stream.linear.gather [hbm4b:s31+s2], $0x200, $0x38;
	[tilespmem:$0x1ECA0] =	vst v63  }
0x450: {  	_ =	swait.ge [sflag:s22], $0x200  }
0x451: {  	[sflag:s22] =	ssyncset.done $0x0  }
0x452: {  	[sflag:s22] =	ssyncadd.s32 $0xFFFFFE00  }
0x453: {  	_ =	swait.ge [sflag:s13], $0x2000  }
0x454: {  	[sflag:s13] =	ssyncset.done $0x0  }
0x455: {  	[sflag:s13] =	ssyncadd.s32 $0xFFFFE000  }
0x456: {  	[tilespmem:s11], [sflag:$0x4] =	stream.indirect.gather [spmem:s3], $0x10, s18, s14, $0xb8;
	[tilespmem:$0x1ECA0] =	vst v63  }
0x457: {  	_ =	swait.ge [sflag:s26], $0x2000  }
0x458: {  	s4 =	sld [smem:$0x7CF]  }
0x459: {  	[sflag:s26] =	ssyncset.done $0x0  }
0x45a: {  	s31 =	sld [smem:$0x7D0];
	[sflag:s26] =	ssyncadd.s32 $0xFFFFE000  }
0x45b: {  	[hbm4b:s4+s2] =	stream.linear.scatter [tilespmem:s23], [sflag:$0x9], $0x2000, $0x38;
	[tilespmem:$0x1ECA0] =	vst v63  }
0x45c: {  	_ = 	snop  }
0x45d: {  	[tilespmem:s28], [sflag:$0x3] =	stream.linear.gather [hbm4b:s31+s2], $0x200, $0x38;
	[tilespmem:$0x1ECA0] =	vst v63  }
0x45e: {  	_ =	swait.ge [sflag:s19], $0x200  }
0x45f: {  	[sflag:s19] =	ssyncset.done $0x0  }
0x460: {  	[sflag:s19] =	ssyncadd.s32 $0xFFFFFE00  }
0x461: {  	_ =	swait.ge [sflag:s12], $0x2000  }
0x462: {  	[sflag:s12] =	ssyncset.done $0x0  }
0x463: {  	[sflag:s12] =	ssyncadd.s32 $0xFFFFE000  }
0x464: {  	[tilespmem:s8], [sflag:$0x5] =	stream.indirect.gather [spmem:s3], $0x10, s9, s14, $0xb8;
	[tilespmem:$0x1ECA0] =	vst v63  }
0x465: {  	_ =	swait.ge [sflag:s7], $0x2000  }
0x466: {  	s4 =	sld [smem:$0x7D1]  }
0x467: {  	[sflag:s7] =	ssyncset.done $0x0  }
0x468: {  	s31 =	sld [smem:$0x7D2];
	[sflag:s7] =	ssyncadd.s32 $0xFFFFE000  }
0x469: {  	[hbm4b:s4+s2] =	stream.linear.scatter [tilespmem:s11], [sflag:$0x7], $0x2000, $0x38;
	[tilespmem:$0x1ECA0] =	vst v63  }
0x46a: {  	_ = 	snop  }
0x46b: {  	[tilespmem:s18], [sflag:$0x1] =	stream.linear.gather [hbm4b:s31+s2], $0x200, $0x38;
	[tilespmem:$0x1ECA0] =	vst v63  }
0x46c: {  	_ =	swait.ge [sflag:s30], $0x200  }
0x46d: {  	[sflag:s30] =	ssyncset.done $0x0  }
0x46e: {  	[sflag:s30] =	ssyncadd.s32 $0xFFFFFE00  }
0x46f: {  	_ =	swait.ge [sflag:s10], $0x2000  }
0x470: {  	[sflag:s10] =	ssyncset.done $0x0  }
0x471: {  	[sflag:s10] =	ssyncadd.s32 $0xFFFFE000  }
0x472: {  	[tilespmem:s23], [sflag:$0x6] =	stream.indirect.gather [spmem:s3], $0x10, s28, s14, $0xb8;
	[tilespmem:$0x1ECA0] =	vst v63  }
0x473: {  	_ =	swait.ge [sflag:s15], $0x2000  }
0x474: {  	s4 =	sld [smem:$0x7D3]  }
0x475: {  	[sflag:s15] =	ssyncset.done $0x0  }
0x476: {  	s31 =	sld [smem:$0x7D4];
	[sflag:s15] =	ssyncadd.s32 $0xFFFFE000  }
0x477: {  	[hbm4b:s4+s2] =	stream.linear.scatter [tilespmem:s8], [sflag:$0x8], $0x2000, $0x38;
	[tilespmem:$0x1ECA0] =	vst v63  }
0x478: {  	_ = 	snop  }
0x479: {  	[tilespmem:s9], [sflag:$0x2] =	stream.linear.gather [hbm4b:s31+s2], $0x200, $0x38;
	[tilespmem:$0x1ECA0] =	vst v63  }
0x47a: {  	_ =	swait.ge [sflag:s22], $0x200  }
0x47b: {  	[sflag:s22] =	ssyncset.done $0x0  }
0x47c: {  	[sflag:s22] =	ssyncadd.s32 $0xFFFFFE00  }
0x47d: {  	_ =	swait.ge [sflag:s13], $0x2000  }
0x47e: {  	[sflag:s13] =	ssyncset.done $0x0  }
0x47f: {  	[sflag:s13] =	ssyncadd.s32 $0xFFFFE000  }
0x480: {  	[tilespmem:s11], [sflag:$0x4] =	stream.indirect.gather [spmem:s3], $0x10, s18, s14, $0xb8;
	[tilespmem:$0x1ECA0] =	vst v63  }
0x481: {  	_ =	swait.ge [sflag:s26], $0x2000  }
0x482: {  	s4 =	sld [smem:$0x7D5]  }
0x483: {  	[sflag:s26] =	ssyncset.done $0x0  }
0x484: {  	s31 =	sld [smem:$0x7D6];
	[sflag:s26] =	ssyncadd.s32 $0xFFFFE000  }
0x485: {  	[hbm4b:s4+s2] =	stream.linear.scatter [tilespmem:s23], [sflag:$0x9], $0x2000, $0x38;
	[tilespmem:$0x1ECA0] =	vst v63  }
0x486: {  	_ = 	snop  }
0x487: {  	[tilespmem:s28], [sflag:$0x3] =	stream.linear.gather [hbm4b:s31+s2], $0x200, $0x38;
	[tilespmem:$0x1ECA0] =	vst v63  }
0x488: {  	_ =	swait.ge [sflag:s19], $0x200  }
0x489: {  	[sflag:s19] =	ssyncset.done $0x0  }
0x48a: {  	[sflag:s19] =	ssyncadd.s32 $0xFFFFFE00  }
0x48b: {  	_ =	swait.ge [sflag:s12], $0x2000  }
0x48c: {  	[sflag:s12] =	ssyncset.done $0x0  }
0x48d: {  	[sflag:s12] =	ssyncadd.s32 $0xFFFFE000  }
0x48e: {  	[tilespmem:s8], [sflag:$0x5] =	stream.indirect.gather [spmem:s3], $0x10, s9, s14, $0xb8;
	[tilespmem:$0x1ECA0] =	vst v63  }
0x48f: {  	_ =	swait.ge [sflag:s7], $0x2000  }
0x490: {  	s4 =	sld [smem:$0x7D7]  }
0x491: {  	[sflag:s7] =	ssyncset.done $0x0  }
0x492: {  	s31 =	sld [smem:$0x7D8];
	[sflag:s7] =	ssyncadd.s32 $0xFFFFE000  }
0x493: {  	[hbm4b:s4+s2] =	stream.linear.scatter [tilespmem:s11], [sflag:$0x7], $0x2000, $0x38;
	[tilespmem:$0x1ECA0] =	vst v63  }
0x494: {  	_ = 	snop  }
0x495: {  	[tilespmem:s18], [sflag:$0x1] =	stream.linear.gather [hbm4b:s31+s2], $0x200, $0x38;
	[tilespmem:$0x1ECA0] =	vst v63  }
0x496: {  	_ =	swait.ge [sflag:s30], $0x200  }
0x497: {  	[sflag:s30] =	ssyncset.done $0x0  }
0x498: {  	[sflag:s30] =	ssyncadd.s32 $0xFFFFFE00  }
0x499: {  	_ =	swait.ge [sflag:s10], $0x2000  }
0x49a: {  	[sflag:s10] =	ssyncset.done $0x0  }
0x49b: {  	[sflag:s10] =	ssyncadd.s32 $0xFFFFE000  }
0x49c: {  	[tilespmem:s23], [sflag:$0x6] =	stream.indirect.gather [spmem:s3], $0x10, s28, s14, $0xb8;
	[tilespmem:$0x1ECA0] =	vst v63  }
0x49d: {  	_ =	swait.ge [sflag:s15], $0x2000  }
0x49e: {  	s4 =	sld [smem:$0x7D9]  }
0x49f: {  	[sflag:s15] =	ssyncset.done $0x0  }
0x4a0: {  	s31 =	sld [smem:$0x7DA];
	[sflag:s15] =	ssyncadd.s32 $0xFFFFE000  }
0x4a1: {  	[hbm4b:s4+s2] =	stream.linear.scatter [tilespmem:s8], [sflag:$0x8], $0x2000, $0x38;
	[tilespmem:$0x1ECA0] =	vst v63  }
0x4a2: {  	_ = 	snop  }
0x4a3: {  	[tilespmem:s9], [sflag:$0x2] =	stream.linear.gather [hbm4b:s31+s2], $0x200, $0x38;
	[tilespmem:$0x1ECA0] =	vst v63  }
0x4a4: {  	_ =	swait.ge [sflag:s22], $0x200  }
0x4a5: {  	[sflag:s22] =	ssyncset.done $0x0  }
0x4a6: {  	[sflag:s22] =	ssyncadd.s32 $0xFFFFFE00  }
0x4a7: {  	_ =	swait.ge [sflag:s13], $0x2000  }
0x4a8: {  	[sflag:s13] =	ssyncset.done $0x0  }
0x4a9: {  	[sflag:s13] =	ssyncadd.s32 $0xFFFFE000  }
0x4aa: {  	[tilespmem:s11], [sflag:$0x4] =	stream.indirect.gather [spmem:s3], $0x10, s18, s14, $0xb8;
	[tilespmem:$0x1ECA0] =	vst v63  }
0x4ab: {  	_ =	swait.ge [sflag:s26], $0x2000  }
0x4ac: {  	s4 =	sld [smem:$0x7DB]  }
0x4ad: {  	[sflag:s26] =	ssyncset.done $0x0  }
0x4ae: {  	s31 =	sld [smem:$0x7DC];
	[sflag:s26] =	ssyncadd.s32 $0xFFFFE000  }
0x4af: {  	[hbm4b:s4+s2] =	stream.linear.scatter [tilespmem:s23], [sflag:$0x9], $0x2000, $0x38;
	[tilespmem:$0x1ECA0] =	vst v63  }
0x4b0: {  	_ = 	snop  }
0x4b1: {  	[tilespmem:s28], [sflag:$0x3] =	stream.linear.gather [hbm4b:s31+s2], $0x200, $0x38;
	[tilespmem:$0x1ECA0] =	vst v63  }
0x4b2: {  	_ =	swait.ge [sflag:s19], $0x200  }
0x4b3: {  	[sflag:s19] =	ssyncset.done $0x0  }
0x4b4: {  	[sflag:s19] =	ssyncadd.s32 $0xFFFFFE00  }
0x4b5: {  	_ =	swait.ge [sflag:s12], $0x2000  }
0x4b6: {  	[sflag:s12] =	ssyncset.done $0x0  }
0x4b7: {  	[sflag:s12] =	ssyncadd.s32 $0xFFFFE000  }
0x4b8: {  	[tilespmem:s8], [sflag:$0x5] =	stream.indirect.gather [spmem:s3], $0x10, s9, s14, $0xb8;
	[tilespmem:$0x1ECA0] =	vst v63  }
0x4b9: {  	_ =	swait.ge [sflag:s7], $0x2000  }
0x4ba: {  	s4 =	sld [smem:$0x7DD]  }
0x4bb: {  	[sflag:s7] =	ssyncset.done $0x0  }
0x4bc: {  	s31 =	sld [smem:$0x7DE];
	[sflag:s7] =	ssyncadd.s32 $0xFFFFE000  }
0x4bd: {  	[hbm4b:s4+s2] =	stream.linear.scatter [tilespmem:s11], [sflag:$0x7], $0x2000, $0x38;
	[tilespmem:$0x1ECA0] =	vst v63  }
0x4be: {  	_ = 	snop  }
0x4bf: {  	[tilespmem:s18], [sflag:$0x1] =	stream.linear.gather [hbm4b:s31+s2], $0x200, $0x38;
	[tilespmem:$0x1ECA0] =	vst v63  }
0x4c0: {  	_ =	swait.ge [sflag:s30], $0x200  }
0x4c1: {  	[sflag:s30] =	ssyncset.done $0x0  }
0x4c2: {  	[sflag:s30] =	ssyncadd.s32 $0xFFFFFE00  }
0x4c3: {  	_ =	swait.ge [sflag:s10], $0x2000  }
0x4c4: {  	[sflag:s10] =	ssyncset.done $0x0  }
0x4c5: {  	[sflag:s10] =	ssyncadd.s32 $0xFFFFE000  }
0x4c6: {  	[tilespmem:s23], [sflag:$0x6] =	stream.indirect.gather [spmem:s3], $0x10, s28, s14, $0xb8;
	[tilespmem:$0x1ECA0] =	vst v63  }
0x4c7: {  	_ =	swait.ge [sflag:s15], $0x2000  }
0x4c8: {  	s4 =	sld [smem:$0x7DF]  }
0x4c9: {  	[sflag:s15] =	ssyncset.done $0x0  }
0x4ca: {  	s31 =	sld [smem:$0x7E0];
	[sflag:s15] =	ssyncadd.s32 $0xFFFFE000  }
0x4cb: {  	[hbm4b:s4+s2] =	stream.linear.scatter [tilespmem:s8], [sflag:$0x8], $0x2000, $0x38;
	[tilespmem:$0x1ECA0] =	vst v63  }
0x4cc: {  	_ = 	snop  }
0x4cd: {  	[tilespmem:s9], [sflag:$0x2] =	stream.linear.gather [hbm4b:s31+s2], $0x200, $0x38;
	[tilespmem:$0x1ECA0] =	vst v63  }
0x4ce: {  	_ =	swait.ge [sflag:s22], $0x200  }
0x4cf: {  	[sflag:s22] =	ssyncset.done $0x0  }
0x4d0: {  	[sflag:s22] =	ssyncadd.s32 $0xFFFFFE00  }
0x4d1: {  	_ =	swait.ge [sflag:s13], $0x2000  }
0x4d2: {  	[sflag:s13] =	ssyncset.done $0x0  }
0x4d3: {  	[sflag:s13] =	ssyncadd.s32 $0xFFFFE000  }
0x4d4: {  	[tilespmem:s11], [sflag:$0x4] =	stream.indirect.gather [spmem:s3], $0x10, s18, s14, $0xb8;
	[tilespmem:$0x1ECA0] =	vst v63  }
0x4d5: {  	_ =	swait.ge [sflag:s26], $0x2000  }
0x4d6: {  	s4 =	sld [smem:$0x7E1]  }
0x4d7: {  	[sflag:s26] =	ssyncset.done $0x0  }
0x4d8: {  	s31 =	sld [smem:$0x7E2];
	[sflag:s26] =	ssyncadd.s32 $0xFFFFE000  }
0x4d9: {  	[hbm4b:s4+s2] =	stream.linear.scatter [tilespmem:s23], [sflag:$0x9], $0x2000, $0x38;
	[tilespmem:$0x1ECA0] =	vst v63  }
0x4da: {  	_ = 	snop  }
0x4db: {  	[tilespmem:s28], [sflag:$0x3] =	stream.linear.gather [hbm4b:s31+s2], $0x200, $0x38;
	[tilespmem:$0x1ECA0] =	vst v63  }
0x4dc: {  	_ =	swait.ge [sflag:s19], $0x200  }
0x4dd: {  	[sflag:s19] =	ssyncset.done $0x0  }
0x4de: {  	[sflag:s19] =	ssyncadd.s32 $0xFFFFFE00  }
0x4df: {  	_ =	swait.ge [sflag:s12], $0x2000  }
0x4e0: {  	[sflag:s12] =	ssyncset.done $0x0  }
0x4e1: {  	[sflag:s12] =	ssyncadd.s32 $0xFFFFE000  }
0x4e2: {  	[tilespmem:s8], [sflag:$0x5] =	stream.indirect.gather [spmem:s3], $0x10, s9, s14, $0xb8;
	[tilespmem:$0x1ECA0] =	vst v63  }
0x4e3: {  	_ =	swait.ge [sflag:s7], $0x2000  }
0x4e4: {  	s4 =	sld [smem:$0x7E3]  }
0x4e5: {  	[sflag:s7] =	ssyncset.done $0x0  }
0x4e6: {  	s31 =	sld [smem:$0x7E4];
	[sflag:s7] =	ssyncadd.s32 $0xFFFFE000  }
0x4e7: {  	[hbm4b:s4+s2] =	stream.linear.scatter [tilespmem:s11], [sflag:$0x7], $0x2000, $0x38;
	[tilespmem:$0x1ECA0] =	vst v63  }
0x4e8: {  	_ = 	snop  }
0x4e9: {  	[tilespmem:s18], [sflag:$0x1] =	stream.linear.gather [hbm4b:s31+s2], $0x200, $0x38;
	[tilespmem:$0x1ECA0] =	vst v63  }
0x4ea: {  	_ =	swait.ge [sflag:s30], $0x200  }
0x4eb: {  	[sflag:s30] =	ssyncset.done $0x0  }
0x4ec: {  	[sflag:s30] =	ssyncadd.s32 $0xFFFFFE00  }
0x4ed: {  	_ =	swait.ge [sflag:s10], $0x2000  }
0x4ee: {  	[sflag:s10] =	ssyncset.done $0x0  }
0x4ef: {  	[sflag:s10] =	ssyncadd.s32 $0xFFFFE000  }
0x4f0: {  	[tilespmem:s23], [sflag:$0x6] =	stream.indirect.gather [spmem:s3], $0x10, s28, s14, $0xb8;
	[tilespmem:$0x1ECA0] =	vst v63  }
0x4f1: {  	_ =	swait.ge [sflag:s15], $0x2000  }
0x4f2: {  	s4 =	sld [smem:$0x7E5]  }
0x4f3: {  	[sflag:s15] =	ssyncset.done $0x0  }
0x4f4: {  	s31 =	sld [smem:$0x7E6];
	[sflag:s15] =	ssyncadd.s32 $0xFFFFE000  }
0x4f5: {  	[hbm4b:s4+s2] =	stream.linear.scatter [tilespmem:s8], [sflag:$0x8], $0x2000, $0x38;
	[tilespmem:$0x1ECA0] =	vst v63  }
0x4f6: {  	_ = 	snop  }
0x4f7: {  	[tilespmem:s9], [sflag:$0x2] =	stream.linear.gather [hbm4b:s31+s2], $0x200, $0x38;
	[tilespmem:$0x1ECA0] =	vst v63  }
0x4f8: {  	_ =	swait.ge [sflag:s22], $0x200  }
0x4f9: {  	[sflag:s22] =	ssyncset.done $0x0  }
0x4fa: {  	[sflag:s22] =	ssyncadd.s32 $0xFFFFFE00  }
0x4fb: {  	_ =	swait.ge [sflag:s13], $0x2000  }
0x4fc: {  	[sflag:s13] =	ssyncset.done $0x0  }
0x4fd: {  	[sflag:s13] =	ssyncadd.s32 $0xFFFFE000  }
0x4fe: {  	[tilespmem:s11], [sflag:$0x4] =	stream.indirect.gather [spmem:s3], $0x10, s18, s14, $0xb8;
	[tilespmem:$0x1ECA0] =	vst v63  }
0x4ff: {  	_ =	swait.ge [sflag:s26], $0x2000  }
0x500: {  	s4 =	sld [smem:$0x7E7]  }
0x501: {  	[sflag:s26] =	ssyncset.done $0x0  }
0x502: {  	s31 =	sld [smem:$0x7E8];
	[sflag:s26] =	ssyncadd.s32 $0xFFFFE000  }
0x503: {  	[hbm4b:s4+s2] =	stream.linear.scatter [tilespmem:s23], [sflag:$0x9], $0x2000, $0x38;
	[tilespmem:$0x1ECA0] =	vst v63  }
0x504: {  	_ = 	snop  }
0x505: {  	[tilespmem:s28], [sflag:$0x3] =	stream.linear.gather [hbm4b:s31+s2], $0x200, $0x38;
	[tilespmem:$0x1ECA0] =	vst v63  }
0x506: {  	_ =	swait.ge [sflag:s19], $0x200  }
0x507: {  	[sflag:s19] =	ssyncset.done $0x0  }
0x508: {  	[sflag:s19] =	ssyncadd.s32 $0xFFFFFE00  }
0x509: {  	_ =	swait.ge [sflag:s12], $0x2000  }
0x50a: {  	[sflag:s12] =	ssyncset.done $0x0  }
0x50b: {  	[sflag:s12] =	ssyncadd.s32 $0xFFFFE000  }
0x50c: {  	[tilespmem:s8], [sflag:$0x5] =	stream.indirect.gather [spmem:s3], $0x10, s9, s14, $0xb8;
	[tilespmem:$0x1ECA0] =	vst v63  }
0x50d: {  	_ =	swait.ge [sflag:s7], $0x2000  }
0x50e: {  	s4 =	sld [smem:$0x7E9]  }
0x50f: {  	[sflag:s7] =	ssyncset.done $0x0  }
0x510: {  	s31 =	sld [smem:$0x7EA];
	[sflag:s7] =	ssyncadd.s32 $0xFFFFE000  }
0x511: {  	[hbm4b:s4+s2] =	stream.linear.scatter [tilespmem:s11], [sflag:$0x7], $0x2000, $0x38;
	[tilespmem:$0x1ECA0] =	vst v63  }
0x512: {  	_ = 	snop  }
0x513: {  	[tilespmem:s18], [sflag:$0x1] =	stream.linear.gather [hbm4b:s31+s2], $0x200, $0x38;
	[tilespmem:$0x1ECA0] =	vst v63  }
0x514: {  	_ =	swait.ge [sflag:s30], $0x200  }
0x515: {  	[sflag:s30] =	ssyncset.done $0x0  }
0x516: {  	[sflag:s30] =	ssyncadd.s32 $0xFFFFFE00  }
0x517: {  	_ =	swait.ge [sflag:s10], $0x2000  }
0x518: {  	[sflag:s10] =	ssyncset.done $0x0  }
0x519: {  	[sflag:s10] =	ssyncadd.s32 $0xFFFFE000  }
0x51a: {  	[tilespmem:s23], [sflag:$0x6] =	stream.indirect.gather [spmem:s3], $0x10, s28, s14, $0xb8;
	[tilespmem:$0x1ECA0] =	vst v63  }
0x51b: {  	_ =	swait.ge [sflag:s15], $0x2000  }
0x51c: {  	s4 =	sld [smem:$0x7EB]  }
0x51d: {  	[sflag:s15] =	ssyncset.done $0x0  }
0x51e: {  	s31 =	sld [smem:$0x7EC];
	[sflag:s15] =	ssyncadd.s32 $0xFFFFE000  }
0x51f: {  	[hbm4b:s4+s2] =	stream.linear.scatter [tilespmem:s8], [sflag:$0x8], $0x2000, $0x38;
	[tilespmem:$0x1ECA0] =	vst v63  }
0x520: {  	_ = 	snop  }
0x521: {  	[tilespmem:s9], [sflag:$0x2] =	stream.linear.gather [hbm4b:s31+s2], $0x200, $0x38;
	[tilespmem:$0x1ECA0] =	vst v63  }
0x522: {  	_ =	swait.ge [sflag:s22], $0x200  }
0x523: {  	[sflag:s22] =	ssyncset.done $0x0  }
0x524: {  	[sflag:s22] =	ssyncadd.s32 $0xFFFFFE00  }
0x525: {  	_ =	swait.ge [sflag:s13], $0x2000  }
0x526: {  	[sflag:s13] =	ssyncset.done $0x0  }
0x527: {  	[sflag:s13] =	ssyncadd.s32 $0xFFFFE000  }
0x528: {  	[tilespmem:s11], [sflag:$0x4] =	stream.indirect.gather [spmem:s3], $0x10, s18, s14, $0xb8;
	[tilespmem:$0x1ECA0] =	vst v63  }
0x529: {  	_ =	swait.ge [sflag:s26], $0x2000  }
0x52a: {  	s4 =	sld [smem:$0x7ED]  }
0x52b: {  	[sflag:s26] =	ssyncset.done $0x0  }
0x52c: {  	s31 =	sld [smem:$0x7EE];
	[sflag:s26] =	ssyncadd.s32 $0xFFFFE000  }
0x52d: {  	[hbm4b:s4+s2] =	stream.linear.scatter [tilespmem:s23], [sflag:$0x9], $0x2000, $0x38;
	[tilespmem:$0x1ECA0] =	vst v63  }
0x52e: {  	_ = 	snop  }
0x52f: {  	[tilespmem:s28], [sflag:$0x3] =	stream.linear.gather [hbm4b:s31+s2], $0x200, $0x38;
	[tilespmem:$0x1ECA0] =	vst v63  }
0x530: {  	_ =	swait.ge [sflag:s19], $0x200  }
0x531: {  	[sflag:s19] =	ssyncset.done $0x0  }
0x532: {  	[sflag:s19] =	ssyncadd.s32 $0xFFFFFE00  }
0x533: {  	_ =	swait.ge [sflag:s12], $0x2000  }
0x534: {  	[sflag:s12] =	ssyncset.done $0x0  }
0x535: {  	[sflag:s12] =	ssyncadd.s32 $0xFFFFE000  }
0x536: {  	[tilespmem:s8], [sflag:$0x5] =	stream.indirect.gather [spmem:s3], $0x10, s9, s14, $0xb8;
	[tilespmem:$0x1ECA0] =	vst v63  }
0x537: {  	_ =	swait.ge [sflag:s7], $0x2000  }
0x538: {  	s4 =	sld [smem:$0x7EF]  }
0x539: {  	[sflag:s7] =	ssyncset.done $0x0  }
0x53a: {  	s31 =	sld [smem:$0x7F0];
	[sflag:s7] =	ssyncadd.s32 $0xFFFFE000  }
0x53b: {  	[hbm4b:s4+s2] =	stream.linear.scatter [tilespmem:s11], [sflag:$0x7], $0x2000, $0x38;
	[tilespmem:$0x1ECA0] =	vst v63  }
0x53c: {  	_ = 	snop  }
0x53d: {  	[tilespmem:s18], [sflag:$0x1] =	stream.linear.gather [hbm4b:s31+s2], $0x200, $0x38;
	[tilespmem:$0x1ECA0] =	vst v63  }
0x53e: {  	_ =	swait.ge [sflag:s30], $0x200  }
0x53f: {  	[sflag:s30] =	ssyncset.done $0x0  }
0x540: {  	[sflag:s30] =	ssyncadd.s32 $0xFFFFFE00  }
0x541: {  	_ =	swait.ge [sflag:s10], $0x2000  }
0x542: {  	[sflag:s10] =	ssyncset.done $0x0  }
0x543: {  	[sflag:s10] =	ssyncadd.s32 $0xFFFFE000  }
0x544: {  	[tilespmem:s23], [sflag:$0x6] =	stream.indirect.gather [spmem:s3], $0x10, s28, s14, $0xb8;
	[tilespmem:$0x1ECA0] =	vst v63  }
0x545: {  	_ =	swait.ge [sflag:s15], $0x2000  }
0x546: {  	s4 =	sld [smem:$0x7F1]  }
0x547: {  	[sflag:s15] =	ssyncset.done $0x0  }
0x548: {  	s31 =	sld [smem:$0x7F2];
	[sflag:s15] =	ssyncadd.s32 $0xFFFFE000  }
0x549: {  	[hbm4b:s4+s2] =	stream.linear.scatter [tilespmem:s8], [sflag:$0x8], $0x2000, $0x38;
	[tilespmem:$0x1ECA0] =	vst v63  }
0x54a: {  	_ = 	snop  }
0x54b: {  	[tilespmem:s9], [sflag:$0x2] =	stream.linear.gather [hbm4b:s31+s2], $0x200, $0x38;
	[tilespmem:$0x1ECA0] =	vst v63  }
0x54c: {  	_ =	swait.ge [sflag:s22], $0x200  }
0x54d: {  	[sflag:s22] =	ssyncset.done $0x0  }
0x54e: {  	[sflag:s22] =	ssyncadd.s32 $0xFFFFFE00  }
0x54f: {  	_ =	swait.ge [sflag:s13], $0x2000  }
0x550: {  	[sflag:s13] =	ssyncset.done $0x0  }
0x551: {  	[sflag:s13] =	ssyncadd.s32 $0xFFFFE000  }
0x552: {  	[tilespmem:s11], [sflag:$0x4] =	stream.indirect.gather [spmem:s3], $0x10, s18, s14, $0xb8;
	[tilespmem:$0x1ECA0] =	vst v63  }
0x553: {  	_ =	swait.ge [sflag:s26], $0x2000  }
0x554: {  	s4 =	sld [smem:$0x7F3]  }
0x555: {  	[sflag:s26] =	ssyncset.done $0x0  }
0x556: {  	s31 =	sld [smem:$0x7F4];
	[sflag:s26] =	ssyncadd.s32 $0xFFFFE000  }
0x557: {  	[hbm4b:s4+s2] =	stream.linear.scatter [tilespmem:s23], [sflag:$0x9], $0x2000, $0x38;
	[tilespmem:$0x1ECA0] =	vst v63  }
0x558: {  	_ = 	snop  }
0x559: {  	[tilespmem:s28], [sflag:$0x3] =	stream.linear.gather [hbm4b:s31+s2], $0x200, $0x38;
	[tilespmem:$0x1ECA0] =	vst v63  }
0x55a: {  	_ =	swait.ge [sflag:s19], $0x200  }
0x55b: {  	[sflag:s19] =	ssyncset.done $0x0  }
0x55c: {  	[sflag:s19] =	ssyncadd.s32 $0xFFFFFE00  }
0x55d: {  	_ =	swait.ge [sflag:s12], $0x2000  }
0x55e: {  	[sflag:s12] =	ssyncset.done $0x0  }
0x55f: {  	[sflag:s12] =	ssyncadd.s32 $0xFFFFE000  }
0x560: {  	[tilespmem:s8], [sflag:$0x5] =	stream.indirect.gather [spmem:s3], $0x10, s9, s14, $0xb8;
	[tilespmem:$0x1ECA0] =	vst v63  }
0x561: {  	_ =	swait.ge [sflag:s7], $0x2000  }
0x562: {  	s4 =	sld [smem:$0x7F5]  }
0x563: {  	[sflag:s7] =	ssyncset.done $0x0  }
0x564: {  	s31 =	sld [smem:$0x7F6];
	[sflag:s7] =	ssyncadd.s32 $0xFFFFE000  }
0x565: {  	[hbm4b:s4+s2] =	stream.linear.scatter [tilespmem:s11], [sflag:$0x7], $0x2000, $0x38;
	[tilespmem:$0x1ECA0] =	vst v63  }
0x566: {  	_ = 	snop  }
0x567: {  	[tilespmem:s18], [sflag:$0x1] =	stream.linear.gather [hbm4b:s31+s2], $0x200, $0x38;
	[tilespmem:$0x1ECA0] =	vst v63  }
0x568: {  	_ =	swait.ge [sflag:s30], $0x200  }
0x569: {  	[sflag:s30] =	ssyncset.done $0x0  }
0x56a: {  	[sflag:s30] =	ssyncadd.s32 $0xFFFFFE00  }
0x56b: {  	_ =	swait.ge [sflag:s10], $0x2000  }
0x56c: {  	[sflag:s10] =	ssyncset.done $0x0  }
0x56d: {  	[sflag:s10] =	ssyncadd.s32 $0xFFFFE000  }
0x56e: {  	[tilespmem:s23], [sflag:$0x6] =	stream.indirect.gather [spmem:s3], $0x10, s28, s14, $0xb8;
	[tilespmem:$0x1ECA0] =	vst v63  }
0x56f: {  	_ =	swait.ge [sflag:s15], $0x2000  }
0x570: {  	s4 =	sld [smem:$0x7F7]  }
0x571: {  	[sflag:s15] =	ssyncset.done $0x0  }
0x572: {  	s31 =	sld [smem:$0x7F8];
	[sflag:s15] =	ssyncadd.s32 $0xFFFFE000  }
0x573: {  	[hbm4b:s4+s2] =	stream.linear.scatter [tilespmem:s8], [sflag:$0x8], $0x2000, $0x38;
	[tilespmem:$0x1ECA0] =	vst v63  }
0x574: {  	_ = 	snop  }
0x575: {  	[tilespmem:s9], [sflag:$0x2] =	stream.linear.gather [hbm4b:s31+s2], $0x200, $0x38;
	[tilespmem:$0x1ECA0] =	vst v63  }
0x576: {  	_ =	swait.ge [sflag:s22], $0x200  }
0x577: {  	[sflag:s22] =	ssyncset.done $0x0  }
0x578: {  	[sflag:s22] =	ssyncadd.s32 $0xFFFFFE00  }
0x579: {  	_ =	swait.ge [sflag:s13], $0x2000  }
0x57a: {  	[sflag:s13] =	ssyncset.done $0x0  }
0x57b: {  	[sflag:s13] =	ssyncadd.s32 $0xFFFFE000  }
0x57c: {  	[tilespmem:s11], [sflag:$0x4] =	stream.indirect.gather [spmem:s3], $0x10, s18, s14, $0xb8;
	[tilespmem:$0x1ECA0] =	vst v63  }
0x57d: {  	_ =	swait.ge [sflag:s26], $0x2000  }
0x57e: {  	s4 =	sld [smem:$0x7F9]  }
0x57f: {  	[sflag:s26] =	ssyncset.done $0x0  }
0x580: {  	s31 =	sld [smem:$0x7FA];
	[sflag:s26] =	ssyncadd.s32 $0xFFFFE000  }
0x581: {  	[hbm4b:s4+s2] =	stream.linear.scatter [tilespmem:s23], [sflag:$0x9], $0x2000, $0x38;
	[tilespmem:$0x1ECA0] =	vst v63  }
0x582: {  	_ = 	snop  }
0x583: {  	[tilespmem:s28], [sflag:$0x3] =	stream.linear.gather [hbm4b:s31+s2], $0x200, $0x38;
	[tilespmem:$0x1ECA0] =	vst v63  }
0x584: {  	_ =	swait.ge [sflag:s19], $0x200  }
0x585: {  	[sflag:s19] =	ssyncset.done $0x0  }
0x586: {  	[sflag:s19] =	ssyncadd.s32 $0xFFFFFE00  }
0x587: {  	_ =	swait.ge [sflag:s12], $0x2000  }
0x588: {  	[sflag:s12] =	ssyncset.done $0x0  }
0x589: {  	[sflag:s12] =	ssyncadd.s32 $0xFFFFE000  }
0x58a: {  	[tilespmem:s8], [sflag:$0x5] =	stream.indirect.gather [spmem:s3], $0x10, s9, s14, $0xb8;
	[tilespmem:$0x1ECA0] =	vst v63  }
0x58b: {  	_ =	swait.ge [sflag:s7], $0x2000  }
0x58c: {  	s4 =	sld [smem:$0x7FB]  }
0x58d: {  	[sflag:s7] =	ssyncset.done $0x0  }
0x58e: {  	[sflag:s7] =	ssyncadd.s32 $0xFFFFE000  }
0x58f: {  	[hbm4b:s4+s2] =	stream.linear.scatter [tilespmem:s11], [sflag:$0x7], $0x2000, $0x38;
	[tilespmem:$0x1ECA0] =	vst v63  }
0x590: {  	s31 =	sld [smem:$0x7FC];
	s4 =	smov.u32 s5;
	s5 =	smov.u32 s6  }
0x591: {  	s6 =	smov.u32 s16;
	s16 =	smov.u32 s17;
	s17 =	smov.u32 s20  }
0x592: {  	s20 =	smov.u32 s21;
	s21 =	smov.u32 s24;
	s24 =	smov.u32 s25  }
0x593: {  	[tilespmem:s18], [sflag:$0x1] =	stream.linear.gather [hbm4b:s31+s2], $0x200, $0x38;
	[tilespmem:$0x1ECA0] =	vst v63  }
0x594: {  	s25 =	smov.u32 s29;
	s29 =	sld [smem:$0x7BD];
	_ =	swait.ge [sflag:s30], $0x200  }
0x595: {  	[sflag:s30] =	ssyncset.done $0x0  }
0x596: {  	[sflag:s30] =	ssyncadd.s32 $0xFFFFFE00  }
0x597: {  	_ =	swait.ge [sflag:s10], $0x2000  }
0x598: {  	[sflag:s10] =	ssyncset.done $0x0  }
0x599: {  	[sflag:s10] =	ssyncadd.s32 $0xFFFFE000  }
0x59a: {  	[tilespmem:s23], [sflag:$0x6] =	stream.indirect.gather [spmem:s3], $0x10, s28, s14, $0xb8;
	[tilespmem:$0x1ECA0] =	vst v63  }
0x59b: {  	_ =	swait.ge [sflag:s15], $0x2000  }
0x59c: {  	s31 =	sld [smem:$0x7FD]  }
0x59d: {  	[sflag:s15] =	ssyncset.done $0x0  }
0x59e: {  	[sflag:s15] =	ssyncadd.s32 $0xFFFFE000  }
0x59f: {  	[hbm4b:s31+s2] =	stream.linear.scatter [tilespmem:s8], [sflag:$0x8], $0x2000, $0x38;
	[tilespmem:$0x1ECA0] =	vst v63  }
0x5a0: {  	_ = 	snop  }
0x5a1: {  	[tilespmem:s9], [sflag:$0x2] =	stream.linear.gather [hbm4b:s29+s2], $0x200, $0x38;
	[tilespmem:$0x1ECA0] =	vst v63  }
0x5a2: {  	_ =	swait.ge [sflag:s22], $0x200  }
0x5a3: {  	[sflag:s22] =	ssyncset.done $0x0  }
0x5a4: {  	[sflag:s22] =	ssyncadd.s32 $0xFFFFFE00  }
0x5a5: {  	_ =	swait.ge [sflag:s13], $0x2000  }
0x5a6: {  	[sflag:s13] =	ssyncset.done $0x0  }
0x5a7: {  	[sflag:s13] =	ssyncadd.s32 $0xFFFFE000  }
0x5a8: {  	[tilespmem:s11], [sflag:$0x4] =	stream.indirect.gather [spmem:s3], $0x10, s18, s14, $0xb8;
	[tilespmem:$0x1ECA0] =	vst v63  }
0x5a9: {  	_ =	swait.ge [sflag:s26], $0x2000  }
0x5aa: {  	[sflag:s26] =	ssyncset.done $0x0  }
0x5ab: {  	[sflag:s26] =	ssyncadd.s32 $0xFFFFE000  }
0x5ac: {  	[hbm4b:s24+s2] =	stream.linear.scatter [tilespmem:s23], [sflag:$0x9], $0x2000, $0x38;
	[tilespmem:$0x1ECA0] =	vst v63  }
0x5ad: {  	_ = 	snop  }
0x5ae: {  	[tilespmem:s28], [sflag:$0x3] =	stream.linear.gather [hbm4b:s25+s2], $0x200, $0x38;
	[tilespmem:$0x1ECA0] =	vst v63  }
0x5af: {  	_ =	swait.ge [sflag:s19], $0x200  }
0x5b0: {  	[sflag:s19] =	ssyncset.done $0x0  }
0x5b1: {  	[sflag:s19] =	ssyncadd.s32 $0xFFFFFE00  }
0x5b2: {  	_ =	swait.ge [sflag:s12], $0x2000  }
0x5b3: {  	[sflag:s12] =	ssyncset.done $0x0  }
0x5b4: {  	[sflag:s12] =	ssyncadd.s32 $0xFFFFE000  }
0x5b5: {  	[tilespmem:s8], [sflag:$0x5] =	stream.indirect.gather [spmem:s3], $0x10, s9, s14, $0xb8;
	[tilespmem:$0x1ECA0] =	vst v63  }
0x5b6: {  	_ =	swait.ge [sflag:s7], $0x2000  }
0x5b7: {  	[sflag:s7] =	ssyncset.done $0x0  }
0x5b8: {  	[sflag:s7] =	ssyncadd.s32 $0xFFFFE000  }
0x5b9: {  	[hbm4b:s20+s2] =	stream.linear.scatter [tilespmem:s11], [sflag:$0x7], $0x2000, $0x38;
	[tilespmem:$0x1ECA0] =	vst v63  }
0x5ba: {  	_ = 	snop  }
0x5bb: {  	[tilespmem:s18], [sflag:$0x1] =	stream.linear.gather [hbm4b:s21+s2], $0x200, $0x38;
	[tilespmem:$0x1ECA0] =	vst v63  }
0x5bc: {  	_ =	swait.ge [sflag:s30], $0x200  }
0x5bd: {  	[sflag:s30] =	ssyncset.done $0x0  }
0x5be: {  	[sflag:s30] =	ssyncadd.s32 $0xFFFFFE00  }
0x5bf: {  	_ =	swait.ge [sflag:s10], $0x2000  }
0x5c0: {  	[sflag:s10] =	ssyncset.done $0x0  }
0x5c1: {  	[sflag:s10] =	ssyncadd.s32 $0xFFFFE000  }
0x5c2: {  	[tilespmem:s23], [sflag:$0x6] =	stream.indirect.gather [spmem:s3], $0x10, s28, s14, $0xb8;
	[tilespmem:$0x1ECA0] =	vst v63  }
0x5c3: {  	_ =	swait.ge [sflag:s15], $0x2000  }
0x5c4: {  	[sflag:s15] =	ssyncset.done $0x0  }
0x5c5: {  	[sflag:s15] =	ssyncadd.s32 $0xFFFFE000  }
0x5c6: {  	[hbm4b:s16+s2] =	stream.linear.scatter [tilespmem:s8], [sflag:$0x8], $0x2000, $0x38;
	[tilespmem:$0x1ECA0] =	vst v63  }
0x5c7: {  	_ = 	snop  }
0x5c8: {  	[tilespmem:s9], [sflag:$0x2] =	stream.linear.gather [hbm4b:s17+s2], $0x200, $0x38;
	[tilespmem:$0x1ECA0] =	vst v63  }
0x5c9: {  	_ =	swait.ge [sflag:s22], $0x200  }
0x5ca: {  	[sflag:s22] =	ssyncset.done $0x0  }
0x5cb: {  	[sflag:s22] =	ssyncadd.s32 $0xFFFFFE00  }
0x5cc: {  	_ =	swait.ge [sflag:s13], $0x2000  }
0x5cd: {  	[sflag:s13] =	ssyncset.done $0x0  }
0x5ce: {  	[sflag:s13] =	ssyncadd.s32 $0xFFFFE000  }
0x5cf: {  	[tilespmem:s11], [sflag:$0x4] =	stream.indirect.gather [spmem:s3], $0x10, s18, s14, $0xb8;
	[tilespmem:$0x1ECA0] =	vst v63  }
0x5d0: {  	_ =	swait.ge [sflag:s26], $0x2000  }
0x5d1: {  	[sflag:s26] =	ssyncset.done $0x0  }
0x5d2: {  	[sflag:s26] =	ssyncadd.s32 $0xFFFFE000  }
0x5d3: {  	[hbm4b:s6+s2] =	stream.linear.scatter [tilespmem:s23], [sflag:$0x9], $0x2000, $0x38;
	[tilespmem:$0x1ECA0] =	vst v63  }
0x5d4: {  	_ =	swait.ge [sflag:s19], $0x200  }
0x5d5: {  	[sflag:s19] =	ssyncset.done $0x0  }
0x5d6: {  	[sflag:s19] =	ssyncadd.s32 $0xFFFFFE00  }
0x5d7: {  	_ =	swait.ge [sflag:s12], $0x2000  }
0x5d8: {  	[sflag:s12] =	ssyncset.done $0x0  }
0x5d9: {  	[sflag:s12] =	ssyncadd.s32 $0xFFFFE000  }
0x5da: {  	[tilespmem:s8], [sflag:$0x5] =	stream.indirect.gather [spmem:s3], $0x10, s9, s14, $0xb8;
	[tilespmem:$0x1ECA0] =	vst v63  }
0x5db: {  	_ =	swait.ge [sflag:s7], $0x2000  }
0x5dc: {  	[sflag:s7] =	ssyncset.done $0x0  }
0x5dd: {  	[sflag:s7] =	ssyncadd.s32 $0xFFFFE000  }
0x5de: {  	[hbm4b:s5+s2] =	stream.linear.scatter [tilespmem:s11], [sflag:$0x7], $0x2000, $0x38;
	[tilespmem:$0x1ECA0] =	vst v63  }
0x5df: {  	_ =	swait.ge [sflag:s15], $0x2000  }
0x5e0: {  	[sflag:s15] =	ssyncset.done $0x0  }
0x5e1: {  	[sflag:s15] =	ssyncadd.s32 $0xFFFFE000  }
0x5e2: {  	[hbm4b:s4+s2] =	stream.linear.scatter [tilespmem:s8], [sflag:$0x8], $0x2000, $0x38;
	[tilespmem:$0x1ECA0] =	vst v63  }
0x5e3: {  	_ =	swait.ge [sflag:s13], $0x2000  }
0x5e4: {  	[sflag:s13] =	ssyncset.done $0x0  }
0x5e5: {  	p1 =	sne.s32 s0, $0x1;
	[sflag:s13] =	ssyncadd.s32 $0xFFFFE000  }
.Ltmp2:
0x5e6: {  	_ =	swait.ge [sflag:s12], $0x2000;
	(pc) =	sbr.rel @p1 .LBB2_3-.Ltmp2, $4  }
0x5e7: {  	[sflag:s12] =	ssyncset.done $0x0  }
0x5e8: {  	[sflag:s12] =	ssyncadd.s32 $0xFFFFE000  }
0x5e9: {  	_ =	swait.ge [sflag:s10], $0x2000  }
0x5ea: {  	s0 =	sadd.s32 $0xFFFFFFFF, s0;
	s1 =	rddreg [dreg:$0x4];
	[sflag:s10] =	ssyncset.done $0x0  }
0x5eb: {  	s31 =	sld [smem:$0x7BC]  }
.LBB2_5:
0x5ec: {  	_ = 	snop  }
0x5ed: {  	s0 =	rddreg [dreg:$0x5];
	[sflag:s10] =	ssyncadd.s32 @p0 $0xFFFFE000  }
0x5ee: {  	[spmem:s31], [sflag:s0] =	dma.local [hbm:s1], $0x30D4  }
0x5ef: {  	s0 =	rddreg [dreg:$0x6]  }
0x5f0: {  	[tilespmem:s18], [sflag:$0x1] =	stream.linear.gather [hbm4b:s0+s2], $0x200, $0x38;
	[tilespmem:$0x1ECA0] =	vst v63  }
0x5f1: {  	s1 =	rddreg [dreg:$0x7]  }
0x5f2: {  	[tilespmem:s9], [sflag:$0x2] =	stream.linear.gather [hbm4b:s1+s2], $0x200, $0x38;
	[tilespmem:$0x1ECA0] =	vst v63  }
0x5f3: {  	s31 =	rddreg [dreg:$0x8]  }
0x5f4: {  	[tilespmem:s28], [sflag:$0x3] =	stream.linear.gather [hbm4b:s31+s2], $0x200, $0x38;
	[tilespmem:$0x1ECA0] =	vst v63  }
0x5f5: {  	_ =	swait.ge [sflag:s7], $0x30D4  }
0x5f6: {  	[sflag:s7] =	ssyncset.done $0x0  }
0x5f7: {  	[sflag:s7] =	ssyncadd.s32 $0xFFFFCF2C  }
0x5f8: {  	[bflag:$0x0] =	sbarrier.arrive $0xFFFF  }
0x5f9: {  	_ =	swait.ge [sflag:s22], $0x200  }
0x5fa: {  	[sflag:s22] =	ssyncset.done $0x0  }
0x5fb: {  	[sflag:s22] =	ssyncadd.s32 $0xFFFFFE00  }
0x5fc: {  	[tilespmem:s11], [sflag:$0x4] =	stream.indirect.gather [spmem:s3], $0x10, s18, s14, $0xb8;
	[tilespmem:$0x1ECA0] =	vst v63  }
0x5fd: {  	_ =	swait.ge [sflag:s19], $0x200  }
0x5fe: {  	[sflag:s19] =	ssyncset.done $0x0  }
0x5ff: {  	[sflag:s19] =	ssyncadd.s32 $0xFFFFFE00  }
0x600: {  	[tilespmem:s8], [sflag:$0x5] =	stream.indirect.gather [spmem:s3], $0x10, s9, s14, $0xb8;
	[tilespmem:$0x1ECA0] =	vst v63  }
0x601: {  	_ =	swait.ge [sflag:s7], $0x2000  }
0x602: {  	[sflag:s7] =	ssyncset.done $0x0  }
0x603: {  	s1 =	rddreg [dreg:$0x9];
	[sflag:s7] =	ssyncadd.s32 $0xFFFFE000  }
0x604: {  	[hbm4b:s1+s2] =	stream.linear.scatter [tilespmem:s11], [sflag:$0x7], $0x2000, $0x38;
	[tilespmem:$0x1ECA0] =	vst v63  }
0x605: {  	s31 =	rddreg [dreg:$0xa]  }
0x606: {  	[tilespmem:s18], [sflag:$0x1] =	stream.linear.gather [hbm4b:s31+s2], $0x200, $0x38;
	[tilespmem:$0x1ECA0] =	vst v63  }
0x607: {  	_ =	swait.ge [sflag:s30], $0x200  }
0x608: {  	[sflag:s30] =	ssyncset.done $0x0  }
0x609: {  	[sflag:s30] =	ssyncadd.s32 $0xFFFFFE00  }
0x60a: {  	[tilespmem:s23], [sflag:$0x6] =	stream.indirect.gather [spmem:s3], $0x10, s28, s14, $0xb8;
	[tilespmem:$0x1ECA0] =	vst v63  }
0x60b: {  	_ =	swait.ge [sflag:s15], $0x2000  }
0x60c: {  	[sflag:s15] =	ssyncset.done $0x0  }
0x60d: {  	s1 =	rddreg [dreg:$0xb];
	[sflag:s15] =	ssyncadd.s32 $0xFFFFE000  }
0x60e: {  	[hbm4b:s1+s2] =	stream.linear.scatter [tilespmem:s8], [sflag:$0x8], $0x2000, $0x38;
	[tilespmem:$0x1ECA0] =	vst v63  }
0x60f: {  	s31 =	rddreg [dreg:$0xc]  }
0x610: {  	[tilespmem:s9], [sflag:$0x2] =	stream.linear.gather [hbm4b:s31+s2], $0x200, $0x38;
	[tilespmem:$0x1ECA0] =	vst v63  }
0x611: {  	_ =	swait.ge [sflag:s22], $0x200  }
0x612: {  	[sflag:s22] =	ssyncset.done $0x0  }
0x613: {  	[sflag:s22] =	ssyncadd.s32 $0xFFFFFE00  }
0x614: {  	_ =	swait.ge [sflag:s13], $0x2000  }
0x615: {  	[sflag:s13] =	ssyncset.done $0x0  }
0x616: {  	[sflag:s13] =	ssyncadd.s32 $0xFFFFE000  }
0x617: {  	[tilespmem:s11], [sflag:$0x4] =	stream.indirect.gather [spmem:s3], $0x10, s18, s14, $0xb8;
	[tilespmem:$0x1ECA0] =	vst v63  }
0x618: {  	_ =	swait.ge [sflag:s26], $0x2000  }
0x619: {  	[sflag:s26] =	ssyncset.done $0x0  }
0x61a: {  	s1 =	rddreg [dreg:$0xd];
	[sflag:s26] =	ssyncadd.s32 $0xFFFFE000  }
0x61b: {  	[hbm4b:s1+s2] =	stream.linear.scatter [tilespmem:s23], [sflag:$0x9], $0x2000, $0x38;
	[tilespmem:$0x1ECA0] =	vst v63  }
0x61c: {  	s31 =	rddreg [dreg:$0xe]  }
0x61d: {  	[tilespmem:s28], [sflag:$0x3] =	stream.linear.gather [hbm4b:s31+s2], $0x200, $0x38;
	[tilespmem:$0x1ECA0] =	vst v63  }
0x61e: {  	_ =	swait.ge [sflag:s19], $0x200  }
0x61f: {  	[sflag:s19] =	ssyncset.done $0x0  }
0x620: {  	[sflag:s19] =	ssyncadd.s32 $0xFFFFFE00  }
0x621: {  	_ =	swait.ge [sflag:s12], $0x2000  }
0x622: {  	[sflag:s12] =	ssyncset.done $0x0  }
0x623: {  	[sflag:s12] =	ssyncadd.s32 $0xFFFFE000  }
0x624: {  	[tilespmem:s8], [sflag:$0x5] =	stream.indirect.gather [spmem:s3], $0x10, s9, s14, $0xb8;
	[tilespmem:$0x1ECA0] =	vst v63  }
0x625: {  	_ =	swait.ge [sflag:s7], $0x2000  }
0x626: {  	[sflag:s7] =	ssyncset.done $0x0  }
0x627: {  	s1 =	rddreg [dreg:$0xf];
	[sflag:s7] =	ssyncadd.s32 $0xFFFFE000  }
0x628: {  	[hbm4b:s1+s2] =	stream.linear.scatter [tilespmem:s11], [sflag:$0x7], $0x2000, $0x38;
	[tilespmem:$0x1ECA0] =	vst v63  }
0x629: {  	s31 =	rddreg [dreg:$0x10]  }
0x62a: {  	[tilespmem:s18], [sflag:$0x1] =	stream.linear.gather [hbm4b:s31+s2], $0x200, $0x38;
	[tilespmem:$0x1ECA0] =	vst v63  }
0x62b: {  	_ =	swait.ge [sflag:s30], $0x200  }
0x62c: {  	[sflag:s30] =	ssyncset.done $0x0  }
0x62d: {  	[sflag:s30] =	ssyncadd.s32 $0xFFFFFE00  }
0x62e: {  	_ =	swait.ge [sflag:s10], $0x2000  }
0x62f: {  	[sflag:s10] =	ssyncset.done $0x0  }
0x630: {  	[sflag:s10] =	ssyncadd.s32 $0xFFFFE000  }
0x631: {  	[tilespmem:s23], [sflag:$0x6] =	stream.indirect.gather [spmem:s3], $0x10, s28, s14, $0xb8;
	[tilespmem:$0x1ECA0] =	vst v63  }
0x632: {  	_ =	swait.ge [sflag:s15], $0x2000  }
0x633: {  	[sflag:s15] =	ssyncset.done $0x0  }
0x634: {  	s1 =	rddreg [dreg:$0x11];
	[sflag:s15] =	ssyncadd.s32 $0xFFFFE000  }
0x635: {  	[hbm4b:s1+s2] =	stream.linear.scatter [tilespmem:s8], [sflag:$0x8], $0x2000, $0x38;
	[tilespmem:$0x1ECA0] =	vst v63  }
0x636: {  	s31 =	rddreg [dreg:$0x12]  }
0x637: {  	[tilespmem:s9], [sflag:$0x2] =	stream.linear.gather [hbm4b:s31+s2], $0x200, $0x38;
	[tilespmem:$0x1ECA0] =	vst v63  }
0x638: {  	_ =	swait.ge [sflag:s22], $0x200  }
0x639: {  	[sflag:s22] =	ssyncset.done $0x0  }
0x63a: {  	[sflag:s22] =	ssyncadd.s32 $0xFFFFFE00  }
0x63b: {  	_ =	swait.ge [sflag:s13], $0x2000  }
0x63c: {  	[sflag:s13] =	ssyncset.done $0x0  }
0x63d: {  	[sflag:s13] =	ssyncadd.s32 $0xFFFFE000  }
0x63e: {  	[tilespmem:s11], [sflag:$0x4] =	stream.indirect.gather [spmem:s3], $0x10, s18, s14, $0xb8;
	[tilespmem:$0x1ECA0] =	vst v63  }
0x63f: {  	_ =	swait.ge [sflag:s26], $0x2000  }
0x640: {  	[sflag:s26] =	ssyncset.done $0x0  }
0x641: {  	s1 =	rddreg [dreg:$0x13];
	[sflag:s26] =	ssyncadd.s32 $0xFFFFE000  }
0x642: {  	[hbm4b:s1+s2] =	stream.linear.scatter [tilespmem:s23], [sflag:$0x9], $0x2000, $0x38;
	[tilespmem:$0x1ECA0] =	vst v63  }
0x643: {  	s31 =	rddreg [dreg:$0x14]  }
0x644: {  	[tilespmem:s28], [sflag:$0x3] =	stream.linear.gather [hbm4b:s31+s2], $0x200, $0x38;
	[tilespmem:$0x1ECA0] =	vst v63  }
0x645: {  	_ =	swait.ge [sflag:s19], $0x200  }
0x646: {  	[sflag:s19] =	ssyncset.done $0x0  }
0x647: {  	[sflag:s19] =	ssyncadd.s32 $0xFFFFFE00  }
0x648: {  	_ =	swait.ge [sflag:s12], $0x2000  }
0x649: {  	[sflag:s12] =	ssyncset.done $0x0  }
0x64a: {  	[sflag:s12] =	ssyncadd.s32 $0xFFFFE000  }
0x64b: {  	[tilespmem:s8], [sflag:$0x5] =	stream.indirect.gather [spmem:s3], $0x10, s9, s14, $0xb8;
	[tilespmem:$0x1ECA0] =	vst v63  }
0x64c: {  	_ =	swait.ge [sflag:s7], $0x2000  }
0x64d: {  	[sflag:s7] =	ssyncset.done $0x0  }
0x64e: {  	s1 =	rddreg [dreg:$0x15];
	[sflag:s7] =	ssyncadd.s32 $0xFFFFE000  }
0x64f: {  	[hbm4b:s1+s2] =	stream.linear.scatter [tilespmem:s11], [sflag:$0x7], $0x2000, $0x38;
	[tilespmem:$0x1ECA0] =	vst v63  }
0x650: {  	s31 =	rddreg [dreg:$0x16]  }
0x651: {  	[tilespmem:s18], [sflag:$0x1] =	stream.linear.gather [hbm4b:s31+s2], $0x200, $0x38;
	[tilespmem:$0x1ECA0] =	vst v63  }
0x652: {  	_ =	swait.ge [sflag:s30], $0x200  }
0x653: {  	[sflag:s30] =	ssyncset.done $0x0  }
0x654: {  	[sflag:s30] =	ssyncadd.s32 $0xFFFFFE00  }
0x655: {  	_ =	swait.ge [sflag:s10], $0x2000  }
0x656: {  	[sflag:s10] =	ssyncset.done $0x0  }
0x657: {  	[sflag:s10] =	ssyncadd.s32 $0xFFFFE000  }
0x658: {  	[tilespmem:s23], [sflag:$0x6] =	stream.indirect.gather [spmem:s3], $0x10, s28, s14, $0xb8;
	[tilespmem:$0x1ECA0] =	vst v63  }
0x659: {  	_ =	swait.ge [sflag:s15], $0x2000  }
0x65a: {  	[sflag:s15] =	ssyncset.done $0x0  }
0x65b: {  	s1 =	rddreg [dreg:$0x17];
	[sflag:s15] =	ssyncadd.s32 $0xFFFFE000  }
0x65c: {  	[hbm4b:s1+s2] =	stream.linear.scatter [tilespmem:s8], [sflag:$0x8], $0x2000, $0x38;
	[tilespmem:$0x1ECA0] =	vst v63  }
0x65d: {  	s31 =	rddreg [dreg:$0x18]  }
0x65e: {  	[tilespmem:s9], [sflag:$0x2] =	stream.linear.gather [hbm4b:s31+s2], $0x200, $0x38;
	[tilespmem:$0x1ECA0] =	vst v63  }
0x65f: {  	_ =	swait.ge [sflag:s22], $0x200  }
0x660: {  	[sflag:s22] =	ssyncset.done $0x0  }
0x661: {  	[sflag:s22] =	ssyncadd.s32 $0xFFFFFE00  }
0x662: {  	_ =	swait.ge [sflag:s13], $0x2000  }
0x663: {  	[sflag:s13] =	ssyncset.done $0x0  }
0x664: {  	[sflag:s13] =	ssyncadd.s32 $0xFFFFE000  }
0x665: {  	[tilespmem:s11], [sflag:$0x4] =	stream.indirect.gather [spmem:s3], $0x10, s18, s14, $0xb8;
	[tilespmem:$0x1ECA0] =	vst v63  }
0x666: {  	_ =	swait.ge [sflag:s26], $0x2000  }
0x667: {  	[sflag:s26] =	ssyncset.done $0x0  }
0x668: {  	s1 =	rddreg [dreg:$0x19];
	[sflag:s26] =	ssyncadd.s32 $0xFFFFE000  }
0x669: {  	[hbm4b:s1+s2] =	stream.linear.scatter [tilespmem:s23], [sflag:$0x9], $0x2000, $0x38;
	[tilespmem:$0x1ECA0] =	vst v63  }
0x66a: {  	s31 =	rddreg [dreg:$0x1a]  }
0x66b: {  	[tilespmem:s28], [sflag:$0x3] =	stream.linear.gather [hbm4b:s31+s2], $0x200, $0x38;
	[tilespmem:$0x1ECA0] =	vst v63  }
0x66c: {  	_ =	swait.ge [sflag:s19], $0x200  }
0x66d: {  	[sflag:s19] =	ssyncset.done $0x0  }
0x66e: {  	[sflag:s19] =	ssyncadd.s32 $0xFFFFFE00  }
0x66f: {  	_ =	swait.ge [sflag:s12], $0x2000  }
0x670: {  	[sflag:s12] =	ssyncset.done $0x0  }
0x671: {  	[sflag:s12] =	ssyncadd.s32 $0xFFFFE000  }
0x672: {  	[tilespmem:s8], [sflag:$0x5] =	stream.indirect.gather [spmem:s3], $0x10, s9, s14, $0xb8;
	[tilespmem:$0x1ECA0] =	vst v63  }
0x673: {  	_ =	swait.ge [sflag:s7], $0x2000  }
0x674: {  	[sflag:s7] =	ssyncset.done $0x0  }
0x675: {  	s1 =	rddreg [dreg:$0x1b];
	[sflag:s7] =	ssyncadd.s32 $0xFFFFE000  }
0x676: {  	[hbm4b:s1+s2] =	stream.linear.scatter [tilespmem:s11], [sflag:$0x7], $0x2000, $0x38;
	[tilespmem:$0x1ECA0] =	vst v63  }
0x677: {  	s31 =	rddreg [dreg:$0x1c]  }
0x678: {  	[tilespmem:s18], [sflag:$0x1] =	stream.linear.gather [hbm4b:s31+s2], $0x200, $0x38;
	[tilespmem:$0x1ECA0] =	vst v63  }
0x679: {  	_ =	swait.ge [sflag:s30], $0x200  }
0x67a: {  	[sflag:s30] =	ssyncset.done $0x0  }
0x67b: {  	[sflag:s30] =	ssyncadd.s32 $0xFFFFFE00  }
0x67c: {  	_ =	swait.ge [sflag:s10], $0x2000  }
0x67d: {  	[sflag:s10] =	ssyncset.done $0x0  }
0x67e: {  	[sflag:s10] =	ssyncadd.s32 $0xFFFFE000  }
0x67f: {  	[tilespmem:s23], [sflag:$0x6] =	stream.indirect.gather [spmem:s3], $0x10, s28, s14, $0xb8;
	[tilespmem:$0x1ECA0] =	vst v63  }
0x680: {  	_ =	swait.ge [sflag:s15], $0x2000  }
0x681: {  	[sflag:s15] =	ssyncset.done $0x0  }
0x682: {  	s1 =	rddreg [dreg:$0x1d];
	[sflag:s15] =	ssyncadd.s32 $0xFFFFE000  }
0x683: {  	[hbm4b:s1+s2] =	stream.linear.scatter [tilespmem:s8], [sflag:$0x8], $0x2000, $0x38;
	[tilespmem:$0x1ECA0] =	vst v63  }
0x684: {  	s31 =	rddreg [dreg:$0x1e]  }
0x685: {  	[tilespmem:s9], [sflag:$0x2] =	stream.linear.gather [hbm4b:s31+s2], $0x200, $0x38;
	[tilespmem:$0x1ECA0] =	vst v63  }
0x686: {  	_ =	swait.ge [sflag:s22], $0x200  }
0x687: {  	[sflag:s22] =	ssyncset.done $0x0  }
0x688: {  	[sflag:s22] =	ssyncadd.s32 $0xFFFFFE00  }
0x689: {  	_ =	swait.ge [sflag:s13], $0x2000  }
0x68a: {  	[sflag:s13] =	ssyncset.done $0x0  }
0x68b: {  	[sflag:s13] =	ssyncadd.s32 $0xFFFFE000  }
0x68c: {  	[tilespmem:s11], [sflag:$0x4] =	stream.indirect.gather [spmem:s3], $0x10, s18, s14, $0xb8;
	[tilespmem:$0x1ECA0] =	vst v63  }
0x68d: {  	_ =	swait.ge [sflag:s26], $0x2000  }
0x68e: {  	s1 =	rddreg [dreg:$0x1f];
	[sflag:s26] =	ssyncset.done $0x0  }
0x68f: {  	s31 =	sld [smem:$0x7BE];
	[sflag:s26] =	ssyncadd.s32 $0xFFFFE000  }
0x690: {  	[hbm4b:s1+s2] =	stream.linear.scatter [tilespmem:s23], [sflag:$0x9], $0x2000, $0x38;
	[tilespmem:$0x1ECA0] =	vst v63  }
0x691: {  	_ = 	snop  }
0x692: {  	[tilespmem:s28], [sflag:$0x3] =	stream.linear.gather [hbm4b:s31+s2], $0x200, $0x38;
	[tilespmem:$0x1ECA0] =	vst v63  }
0x693: {  	_ =	swait.ge [sflag:s19], $0x200  }
0x694: {  	[sflag:s19] =	ssyncset.done $0x0  }
0x695: {  	[sflag:s19] =	ssyncadd.s32 $0xFFFFFE00  }
0x696: {  	_ =	swait.ge [sflag:s12], $0x2000  }
0x697: {  	[sflag:s12] =	ssyncset.done $0x0  }
0x698: {  	[sflag:s12] =	ssyncadd.s32 $0xFFFFE000  }
0x699: {  	[tilespmem:s8], [sflag:$0x5] =	stream.indirect.gather [spmem:s3], $0x10, s9, s14, $0xb8;
	[tilespmem:$0x1ECA0] =	vst v63  }
0x69a: {  	_ =	swait.ge [sflag:s7], $0x2000  }
0x69b: {  	s1 =	sld [smem:$0x7BF]  }
0x69c: {  	[sflag:s7] =	ssyncset.done $0x0  }
0x69d: {  	s31 =	sld [smem:$0x7C0];
	[sflag:s7] =	ssyncadd.s32 $0xFFFFE000  }
0x69e: {  	[hbm4b:s1+s2] =	stream.linear.scatter [tilespmem:s11], [sflag:$0x7], $0x2000, $0x38;
	[tilespmem:$0x1ECA0] =	vst v63  }
0x69f: {  	_ = 	snop  }
0x6a0: {  	[tilespmem:s18], [sflag:$0x1] =	stream.linear.gather [hbm4b:s31+s2], $0x200, $0x38;
	[tilespmem:$0x1ECA0] =	vst v63  }
0x6a1: {  	_ =	swait.ge [sflag:s30], $0x200  }
0x6a2: {  	[sflag:s30] =	ssyncset.done $0x0  }
0x6a3: {  	[sflag:s30] =	ssyncadd.s32 $0xFFFFFE00  }
0x6a4: {  	_ =	swait.ge [sflag:s10], $0x2000  }
0x6a5: {  	[sflag:s10] =	ssyncset.done $0x0  }
0x6a6: {  	[sflag:s10] =	ssyncadd.s32 $0xFFFFE000  }
0x6a7: {  	[tilespmem:s23], [sflag:$0x6] =	stream.indirect.gather [spmem:s3], $0x10, s28, s14, $0xb8;
	[tilespmem:$0x1ECA0] =	vst v63  }
0x6a8: {  	_ =	swait.ge [sflag:s15], $0x2000  }
0x6a9: {  	s1 =	sld [smem:$0x7C1]  }
0x6aa: {  	[sflag:s15] =	ssyncset.done $0x0  }
0x6ab: {  	s31 =	sld [smem:$0x7C2];
	[sflag:s15] =	ssyncadd.s32 $0xFFFFE000  }
0x6ac: {  	[hbm4b:s1+s2] =	stream.linear.scatter [tilespmem:s8], [sflag:$0x8], $0x2000, $0x38;
	[tilespmem:$0x1ECA0] =	vst v63  }
0x6ad: {  	_ = 	snop  }
0x6ae: {  	[tilespmem:s9], [sflag:$0x2] =	stream.linear.gather [hbm4b:s31+s2], $0x200, $0x38;
	[tilespmem:$0x1ECA0] =	vst v63  }
0x6af: {  	_ =	swait.ge [sflag:s22], $0x200  }
0x6b0: {  	[sflag:s22] =	ssyncset.done $0x0  }
0x6b1: {  	[sflag:s22] =	ssyncadd.s32 $0xFFFFFE00  }
0x6b2: {  	_ =	swait.ge [sflag:s13], $0x2000  }
0x6b3: {  	[sflag:s13] =	ssyncset.done $0x0  }
0x6b4: {  	[sflag:s13] =	ssyncadd.s32 $0xFFFFE000  }
0x6b5: {  	[tilespmem:s11], [sflag:$0x4] =	stream.indirect.gather [spmem:s3], $0x10, s18, s14, $0xb8;
	[tilespmem:$0x1ECA0] =	vst v63  }
0x6b6: {  	_ =	swait.ge [sflag:s26], $0x2000  }
0x6b7: {  	s1 =	sld [smem:$0x7C3]  }
0x6b8: {  	[sflag:s26] =	ssyncset.done $0x0  }
0x6b9: {  	s31 =	sld [smem:$0x7C4];
	[sflag:s26] =	ssyncadd.s32 $0xFFFFE000  }
0x6ba: {  	[hbm4b:s1+s2] =	stream.linear.scatter [tilespmem:s23], [sflag:$0x9], $0x2000, $0x38;
	[tilespmem:$0x1ECA0] =	vst v63  }
0x6bb: {  	_ = 	snop  }
0x6bc: {  	[tilespmem:s28], [sflag:$0x3] =	stream.linear.gather [hbm4b:s31+s2], $0x200, $0x38;
	[tilespmem:$0x1ECA0] =	vst v63  }
0x6bd: {  	_ =	swait.ge [sflag:s19], $0x200  }
0x6be: {  	[sflag:s19] =	ssyncset.done $0x0  }
0x6bf: {  	[sflag:s19] =	ssyncadd.s32 $0xFFFFFE00  }
0x6c0: {  	_ =	swait.ge [sflag:s12], $0x2000  }
0x6c1: {  	[sflag:s12] =	ssyncset.done $0x0  }
0x6c2: {  	[sflag:s12] =	ssyncadd.s32 $0xFFFFE000  }
0x6c3: {  	[tilespmem:s8], [sflag:$0x5] =	stream.indirect.gather [spmem:s3], $0x10, s9, s14, $0xb8;
	[tilespmem:$0x1ECA0] =	vst v63  }
0x6c4: {  	_ =	swait.ge [sflag:s7], $0x2000  }
0x6c5: {  	s1 =	sld [smem:$0x7C5]  }
0x6c6: {  	[sflag:s7] =	ssyncset.done $0x0  }
0x6c7: {  	s31 =	sld [smem:$0x7C6];
	[sflag:s7] =	ssyncadd.s32 $0xFFFFE000  }
0x6c8: {  	[hbm4b:s1+s2] =	stream.linear.scatter [tilespmem:s11], [sflag:$0x7], $0x2000, $0x38;
	[tilespmem:$0x1ECA0] =	vst v63  }
0x6c9: {  	_ = 	snop  }
0x6ca: {  	[tilespmem:s18], [sflag:$0x1] =	stream.linear.gather [hbm4b:s31+s2], $0x200, $0x38;
	[tilespmem:$0x1ECA0] =	vst v63  }
0x6cb: {  	_ =	swait.ge [sflag:s30], $0x200  }
0x6cc: {  	[sflag:s30] =	ssyncset.done $0x0  }
0x6cd: {  	[sflag:s30] =	ssyncadd.s32 $0xFFFFFE00  }
0x6ce: {  	_ =	swait.ge [sflag:s10], $0x2000  }
0x6cf: {  	[sflag:s10] =	ssyncset.done $0x0  }
0x6d0: {  	[sflag:s10] =	ssyncadd.s32 $0xFFFFE000  }
0x6d1: {  	[tilespmem:s23], [sflag:$0x6] =	stream.indirect.gather [spmem:s3], $0x10, s28, s14, $0xb8;
	[tilespmem:$0x1ECA0] =	vst v63  }
0x6d2: {  	_ =	swait.ge [sflag:s15], $0x2000  }
0x6d3: {  	s1 =	sld [smem:$0x7C7]  }
0x6d4: {  	[sflag:s15] =	ssyncset.done $0x0  }
0x6d5: {  	s31 =	sld [smem:$0x7C8];
	[sflag:s15] =	ssyncadd.s32 $0xFFFFE000  }
0x6d6: {  	[hbm4b:s1+s2] =	stream.linear.scatter [tilespmem:s8], [sflag:$0x8], $0x2000, $0x38;
	[tilespmem:$0x1ECA0] =	vst v63  }
0x6d7: {  	_ = 	snop  }
0x6d8: {  	[tilespmem:s9], [sflag:$0x2] =	stream.linear.gather [hbm4b:s31+s2], $0x200, $0x38;
	[tilespmem:$0x1ECA0] =	vst v63  }
0x6d9: {  	_ =	swait.ge [sflag:s22], $0x200  }
0x6da: {  	[sflag:s22] =	ssyncset.done $0x0  }
0x6db: {  	[sflag:s22] =	ssyncadd.s32 $0xFFFFFE00  }
0x6dc: {  	_ =	swait.ge [sflag:s13], $0x2000  }
0x6dd: {  	[sflag:s13] =	ssyncset.done $0x0  }
0x6de: {  	[sflag:s13] =	ssyncadd.s32 $0xFFFFE000  }
0x6df: {  	[tilespmem:s11], [sflag:$0x4] =	stream.indirect.gather [spmem:s3], $0x10, s18, s14, $0xb8;
	[tilespmem:$0x1ECA0] =	vst v63  }
0x6e0: {  	_ =	swait.ge [sflag:s26], $0x2000  }
0x6e1: {  	s1 =	sld [smem:$0x7C9]  }
0x6e2: {  	[sflag:s26] =	ssyncset.done $0x0  }
0x6e3: {  	s31 =	sld [smem:$0x7CA];
	[sflag:s26] =	ssyncadd.s32 $0xFFFFE000  }
0x6e4: {  	[hbm4b:s1+s2] =	stream.linear.scatter [tilespmem:s23], [sflag:$0x9], $0x2000, $0x38;
	[tilespmem:$0x1ECA0] =	vst v63  }
0x6e5: {  	_ = 	snop  }
0x6e6: {  	[tilespmem:s28], [sflag:$0x3] =	stream.linear.gather [hbm4b:s31+s2], $0x200, $0x38;
	[tilespmem:$0x1ECA0] =	vst v63  }
0x6e7: {  	_ =	swait.ge [sflag:s19], $0x200  }
0x6e8: {  	[sflag:s19] =	ssyncset.done $0x0  }
0x6e9: {  	[sflag:s19] =	ssyncadd.s32 $0xFFFFFE00  }
0x6ea: {  	_ =	swait.ge [sflag:s12], $0x2000  }
0x6eb: {  	[sflag:s12] =	ssyncset.done $0x0  }
0x6ec: {  	[sflag:s12] =	ssyncadd.s32 $0xFFFFE000  }
0x6ed: {  	[tilespmem:s8], [sflag:$0x5] =	stream.indirect.gather [spmem:s3], $0x10, s9, s14, $0xb8;
	[tilespmem:$0x1ECA0] =	vst v63  }
0x6ee: {  	_ =	swait.ge [sflag:s7], $0x2000  }
0x6ef: {  	s1 =	sld [smem:$0x7CB]  }
0x6f0: {  	[sflag:s7] =	ssyncset.done $0x0  }
0x6f1: {  	s31 =	sld [smem:$0x7CC];
	[sflag:s7] =	ssyncadd.s32 $0xFFFFE000  }
0x6f2: {  	[hbm4b:s1+s2] =	stream.linear.scatter [tilespmem:s11], [sflag:$0x7], $0x2000, $0x38;
	[tilespmem:$0x1ECA0] =	vst v63  }
0x6f3: {  	_ = 	snop  }
0x6f4: {  	[tilespmem:s18], [sflag:$0x1] =	stream.linear.gather [hbm4b:s31+s2], $0x200, $0x38;
	[tilespmem:$0x1ECA0] =	vst v63  }
0x6f5: {  	_ =	swait.ge [sflag:s30], $0x200  }
0x6f6: {  	[sflag:s30] =	ssyncset.done $0x0  }
0x6f7: {  	[sflag:s30] =	ssyncadd.s32 $0xFFFFFE00  }
0x6f8: {  	_ =	swait.ge [sflag:s10], $0x2000  }
0x6f9: {  	[sflag:s10] =	ssyncset.done $0x0  }
0x6fa: {  	[sflag:s10] =	ssyncadd.s32 $0xFFFFE000  }
0x6fb: {  	[tilespmem:s23], [sflag:$0x6] =	stream.indirect.gather [spmem:s3], $0x10, s28, s14, $0xb8;
	[tilespmem:$0x1ECA0] =	vst v63  }
0x6fc: {  	_ =	swait.ge [sflag:s15], $0x2000  }
0x6fd: {  	s1 =	sld [smem:$0x7CD]  }
0x6fe: {  	[sflag:s15] =	ssyncset.done $0x0  }
0x6ff: {  	s31 =	sld [smem:$0x7CE];
	[sflag:s15] =	ssyncadd.s32 $0xFFFFE000  }
0x700: {  	[hbm4b:s1+s2] =	stream.linear.scatter [tilespmem:s8], [sflag:$0x8], $0x2000, $0x38;
	[tilespmem:$0x1ECA0] =	vst v63  }
0x701: {  	_ = 	snop  }
0x702: {  	[tilespmem:s9], [sflag:$0x2] =	stream.linear.gather [hbm4b:s31+s2], $0x200, $0x38;
	[tilespmem:$0x1ECA0] =	vst v63  }
0x703: {  	_ =	swait.ge [sflag:s22], $0x200  }
0x704: {  	[sflag:s22] =	ssyncset.done $0x0  }
0x705: {  	[sflag:s22] =	ssyncadd.s32 $0xFFFFFE00  }
0x706: {  	_ =	swait.ge [sflag:s13], $0x2000  }
0x707: {  	[sflag:s13] =	ssyncset.done $0x0  }
0x708: {  	[sflag:s13] =	ssyncadd.s32 $0xFFFFE000  }
0x709: {  	[tilespmem:s11], [sflag:$0x4] =	stream.indirect.gather [spmem:s3], $0x10, s18, s14, $0xb8;
	[tilespmem:$0x1ECA0] =	vst v63  }
0x70a: {  	_ =	swait.ge [sflag:s26], $0x2000  }
0x70b: {  	s1 =	sld [smem:$0x7CF]  }
0x70c: {  	[sflag:s26] =	ssyncset.done $0x0  }
0x70d: {  	s31 =	sld [smem:$0x7D0];
	[sflag:s26] =	ssyncadd.s32 $0xFFFFE000  }
0x70e: {  	[hbm4b:s1+s2] =	stream.linear.scatter [tilespmem:s23], [sflag:$0x9], $0x2000, $0x38;
	[tilespmem:$0x1ECA0] =	vst v63  }
0x70f: {  	_ = 	snop  }
0x710: {  	[tilespmem:s28], [sflag:$0x3] =	stream.linear.gather [hbm4b:s31+s2], $0x200, $0x38;
	[tilespmem:$0x1ECA0] =	vst v63  }
0x711: {  	_ =	swait.ge [sflag:s19], $0x200  }
0x712: {  	[sflag:s19] =	ssyncset.done $0x0  }
0x713: {  	[sflag:s19] =	ssyncadd.s32 $0xFFFFFE00  }
0x714: {  	_ =	swait.ge [sflag:s12], $0x2000  }
0x715: {  	[sflag:s12] =	ssyncset.done $0x0  }
0x716: {  	[sflag:s12] =	ssyncadd.s32 $0xFFFFE000  }
0x717: {  	[tilespmem:s8], [sflag:$0x5] =	stream.indirect.gather [spmem:s3], $0x10, s9, s14, $0xb8;
	[tilespmem:$0x1ECA0] =	vst v63  }
0x718: {  	_ =	swait.ge [sflag:s7], $0x2000  }
0x719: {  	s1 =	sld [smem:$0x7D1]  }
0x71a: {  	[sflag:s7] =	ssyncset.done $0x0  }
0x71b: {  	s31 =	sld [smem:$0x7D2];
	[sflag:s7] =	ssyncadd.s32 $0xFFFFE000  }
0x71c: {  	[hbm4b:s1+s2] =	stream.linear.scatter [tilespmem:s11], [sflag:$0x7], $0x2000, $0x38;
	[tilespmem:$0x1ECA0] =	vst v63  }
0x71d: {  	_ = 	snop  }
0x71e: {  	[tilespmem:s18], [sflag:$0x1] =	stream.linear.gather [hbm4b:s31+s2], $0x200, $0x38;
	[tilespmem:$0x1ECA0] =	vst v63  }
0x71f: {  	_ =	swait.ge [sflag:s30], $0x200  }
0x720: {  	[sflag:s30] =	ssyncset.done $0x0  }
0x721: {  	[sflag:s30] =	ssyncadd.s32 $0xFFFFFE00  }
0x722: {  	_ =	swait.ge [sflag:s10], $0x2000  }
0x723: {  	[sflag:s10] =	ssyncset.done $0x0  }
0x724: {  	[sflag:s10] =	ssyncadd.s32 $0xFFFFE000  }
0x725: {  	[tilespmem:s23], [sflag:$0x6] =	stream.indirect.gather [spmem:s3], $0x10, s28, s14, $0xb8;
	[tilespmem:$0x1ECA0] =	vst v63  }
0x726: {  	_ =	swait.ge [sflag:s15], $0x2000  }
0x727: {  	s1 =	sld [smem:$0x7D3]  }
0x728: {  	[sflag:s15] =	ssyncset.done $0x0  }
0x729: {  	s31 =	sld [smem:$0x7D4];
	[sflag:s15] =	ssyncadd.s32 $0xFFFFE000  }
0x72a: {  	[hbm4b:s1+s2] =	stream.linear.scatter [tilespmem:s8], [sflag:$0x8], $0x2000, $0x38;
	[tilespmem:$0x1ECA0] =	vst v63  }
0x72b: {  	_ = 	snop  }
0x72c: {  	[tilespmem:s9], [sflag:$0x2] =	stream.linear.gather [hbm4b:s31+s2], $0x200, $0x38;
	[tilespmem:$0x1ECA0] =	vst v63  }
0x72d: {  	_ =	swait.ge [sflag:s22], $0x200  }
0x72e: {  	[sflag:s22] =	ssyncset.done $0x0  }
0x72f: {  	[sflag:s22] =	ssyncadd.s32 $0xFFFFFE00  }
0x730: {  	_ =	swait.ge [sflag:s13], $0x2000  }
0x731: {  	[sflag:s13] =	ssyncset.done $0x0  }
0x732: {  	[sflag:s13] =	ssyncadd.s32 $0xFFFFE000  }
0x733: {  	[tilespmem:s11], [sflag:$0x4] =	stream.indirect.gather [spmem:s3], $0x10, s18, s14, $0xb8;
	[tilespmem:$0x1ECA0] =	vst v63  }
0x734: {  	_ =	swait.ge [sflag:s26], $0x2000  }
0x735: {  	s1 =	sld [smem:$0x7D5]  }
0x736: {  	[sflag:s26] =	ssyncset.done $0x0  }
0x737: {  	s31 =	sld [smem:$0x7D6];
	[sflag:s26] =	ssyncadd.s32 $0xFFFFE000  }
0x738: {  	[hbm4b:s1+s2] =	stream.linear.scatter [tilespmem:s23], [sflag:$0x9], $0x2000, $0x38;
	[tilespmem:$0x1ECA0] =	vst v63  }
0x739: {  	_ = 	snop  }
0x73a: {  	[tilespmem:s28], [sflag:$0x3] =	stream.linear.gather [hbm4b:s31+s2], $0x200, $0x38;
	[tilespmem:$0x1ECA0] =	vst v63  }
0x73b: {  	_ =	swait.ge [sflag:s19], $0x200  }
0x73c: {  	[sflag:s19] =	ssyncset.done $0x0  }
0x73d: {  	[sflag:s19] =	ssyncadd.s32 $0xFFFFFE00  }
0x73e: {  	_ =	swait.ge [sflag:s12], $0x2000  }
0x73f: {  	[sflag:s12] =	ssyncset.done $0x0  }
0x740: {  	[sflag:s12] =	ssyncadd.s32 $0xFFFFE000  }
0x741: {  	[tilespmem:s8], [sflag:$0x5] =	stream.indirect.gather [spmem:s3], $0x10, s9, s14, $0xb8;
	[tilespmem:$0x1ECA0] =	vst v63  }
0x742: {  	_ =	swait.ge [sflag:s7], $0x2000  }
0x743: {  	s1 =	sld [smem:$0x7D7]  }
0x744: {  	[sflag:s7] =	ssyncset.done $0x0  }
0x745: {  	s31 =	sld [smem:$0x7D8];
	[sflag:s7] =	ssyncadd.s32 $0xFFFFE000  }
0x746: {  	[hbm4b:s1+s2] =	stream.linear.scatter [tilespmem:s11], [sflag:$0x7], $0x2000, $0x38;
	[tilespmem:$0x1ECA0] =	vst v63  }
0x747: {  	_ = 	snop  }
0x748: {  	[tilespmem:s18], [sflag:$0x1] =	stream.linear.gather [hbm4b:s31+s2], $0x200, $0x38;
	[tilespmem:$0x1ECA0] =	vst v63  }
0x749: {  	_ =	swait.ge [sflag:s30], $0x200  }
0x74a: {  	[sflag:s30] =	ssyncset.done $0x0  }
0x74b: {  	[sflag:s30] =	ssyncadd.s32 $0xFFFFFE00  }
0x74c: {  	_ =	swait.ge [sflag:s10], $0x2000  }
0x74d: {  	[sflag:s10] =	ssyncset.done $0x0  }
0x74e: {  	[sflag:s10] =	ssyncadd.s32 $0xFFFFE000  }
0x74f: {  	[tilespmem:s23], [sflag:$0x6] =	stream.indirect.gather [spmem:s3], $0x10, s28, s14, $0xb8;
	[tilespmem:$0x1ECA0] =	vst v63  }
0x750: {  	_ =	swait.ge [sflag:s15], $0x2000  }
0x751: {  	s1 =	sld [smem:$0x7D9]  }
0x752: {  	[sflag:s15] =	ssyncset.done $0x0  }
0x753: {  	s31 =	sld [smem:$0x7DA];
	[sflag:s15] =	ssyncadd.s32 $0xFFFFE000  }
0x754: {  	[hbm4b:s1+s2] =	stream.linear.scatter [tilespmem:s8], [sflag:$0x8], $0x2000, $0x38;
	[tilespmem:$0x1ECA0] =	vst v63  }
0x755: {  	_ = 	snop  }
0x756: {  	[tilespmem:s9], [sflag:$0x2] =	stream.linear.gather [hbm4b:s31+s2], $0x200, $0x38;
	[tilespmem:$0x1ECA0] =	vst v63  }
0x757: {  	_ =	swait.ge [sflag:s22], $0x200  }
0x758: {  	[sflag:s22] =	ssyncset.done $0x0  }
0x759: {  	[sflag:s22] =	ssyncadd.s32 $0xFFFFFE00  }
0x75a: {  	_ =	swait.ge [sflag:s13], $0x2000  }
0x75b: {  	[sflag:s13] =	ssyncset.done $0x0  }
0x75c: {  	[sflag:s13] =	ssyncadd.s32 $0xFFFFE000  }
0x75d: {  	[tilespmem:s11], [sflag:$0x4] =	stream.indirect.gather [spmem:s3], $0x10, s18, s14, $0xb8;
	[tilespmem:$0x1ECA0] =	vst v63  }
0x75e: {  	_ =	swait.ge [sflag:s26], $0x2000  }
0x75f: {  	s1 =	sld [smem:$0x7DB]  }
0x760: {  	[sflag:s26] =	ssyncset.done $0x0  }
0x761: {  	s31 =	sld [smem:$0x7DC];
	[sflag:s26] =	ssyncadd.s32 $0xFFFFE000  }
0x762: {  	[hbm4b:s1+s2] =	stream.linear.scatter [tilespmem:s23], [sflag:$0x9], $0x2000, $0x38;
	[tilespmem:$0x1ECA0] =	vst v63  }
0x763: {  	_ = 	snop  }
0x764: {  	[tilespmem:s28], [sflag:$0x3] =	stream.linear.gather [hbm4b:s31+s2], $0x200, $0x38;
	[tilespmem:$0x1ECA0] =	vst v63  }
0x765: {  	_ =	swait.ge [sflag:s19], $0x200  }
0x766: {  	[sflag:s19] =	ssyncset.done $0x0  }
0x767: {  	[sflag:s19] =	ssyncadd.s32 $0xFFFFFE00  }
0x768: {  	_ =	swait.ge [sflag:s12], $0x2000  }
0x769: {  	[sflag:s12] =	ssyncset.done $0x0  }
0x76a: {  	[sflag:s12] =	ssyncadd.s32 $0xFFFFE000  }
0x76b: {  	[tilespmem:s8], [sflag:$0x5] =	stream.indirect.gather [spmem:s3], $0x10, s9, s14, $0xb8;
	[tilespmem:$0x1ECA0] =	vst v63  }
0x76c: {  	_ =	swait.ge [sflag:s7], $0x2000  }
0x76d: {  	s1 =	sld [smem:$0x7DD]  }
0x76e: {  	[sflag:s7] =	ssyncset.done $0x0  }
0x76f: {  	s31 =	sld [smem:$0x7DE];
	[sflag:s7] =	ssyncadd.s32 $0xFFFFE000  }
0x770: {  	[hbm4b:s1+s2] =	stream.linear.scatter [tilespmem:s11], [sflag:$0x7], $0x2000, $0x38;
	[tilespmem:$0x1ECA0] =	vst v63  }
0x771: {  	_ = 	snop  }
0x772: {  	[tilespmem:s18], [sflag:$0x1] =	stream.linear.gather [hbm4b:s31+s2], $0x200, $0x38;
	[tilespmem:$0x1ECA0] =	vst v63  }
0x773: {  	_ =	swait.ge [sflag:s30], $0x200  }
0x774: {  	[sflag:s30] =	ssyncset.done $0x0  }
0x775: {  	[sflag:s30] =	ssyncadd.s32 $0xFFFFFE00  }
0x776: {  	_ =	swait.ge [sflag:s10], $0x2000  }
0x777: {  	[sflag:s10] =	ssyncset.done $0x0  }
0x778: {  	[sflag:s10] =	ssyncadd.s32 $0xFFFFE000  }
0x779: {  	[tilespmem:s23], [sflag:$0x6] =	stream.indirect.gather [spmem:s3], $0x10, s28, s14, $0xb8;
	[tilespmem:$0x1ECA0] =	vst v63  }
0x77a: {  	_ =	swait.ge [sflag:s15], $0x2000  }
0x77b: {  	s1 =	sld [smem:$0x7DF]  }
0x77c: {  	[sflag:s15] =	ssyncset.done $0x0  }
0x77d: {  	s31 =	sld [smem:$0x7E0];
	[sflag:s15] =	ssyncadd.s32 $0xFFFFE000  }
0x77e: {  	[hbm4b:s1+s2] =	stream.linear.scatter [tilespmem:s8], [sflag:$0x8], $0x2000, $0x38;
	[tilespmem:$0x1ECA0] =	vst v63  }
0x77f: {  	_ = 	snop  }
0x780: {  	[tilespmem:s9], [sflag:$0x2] =	stream.linear.gather [hbm4b:s31+s2], $0x200, $0x38;
	[tilespmem:$0x1ECA0] =	vst v63  }
0x781: {  	_ =	swait.ge [sflag:s22], $0x200  }
0x782: {  	[sflag:s22] =	ssyncset.done $0x0  }
0x783: {  	[sflag:s22] =	ssyncadd.s32 $0xFFFFFE00  }
0x784: {  	_ =	swait.ge [sflag:s13], $0x2000  }
0x785: {  	[sflag:s13] =	ssyncset.done $0x0  }
0x786: {  	[sflag:s13] =	ssyncadd.s32 $0xFFFFE000  }
0x787: {  	[tilespmem:s11], [sflag:$0x4] =	stream.indirect.gather [spmem:s3], $0x10, s18, s14, $0xb8;
	[tilespmem:$0x1ECA0] =	vst v63  }
0x788: {  	_ =	swait.ge [sflag:s26], $0x2000  }
0x789: {  	s1 =	sld [smem:$0x7E1]  }
0x78a: {  	[sflag:s26] =	ssyncset.done $0x0  }
0x78b: {  	s31 =	sld [smem:$0x7E2];
	[sflag:s26] =	ssyncadd.s32 $0xFFFFE000  }
0x78c: {  	[hbm4b:s1+s2] =	stream.linear.scatter [tilespmem:s23], [sflag:$0x9], $0x2000, $0x38;
	[tilespmem:$0x1ECA0] =	vst v63  }
0x78d: {  	_ = 	snop  }
0x78e: {  	[tilespmem:s28], [sflag:$0x3] =	stream.linear.gather [hbm4b:s31+s2], $0x200, $0x38;
	[tilespmem:$0x1ECA0] =	vst v63  }
0x78f: {  	_ =	swait.ge [sflag:s19], $0x200  }
0x790: {  	[sflag:s19] =	ssyncset.done $0x0  }
0x791: {  	[sflag:s19] =	ssyncadd.s32 $0xFFFFFE00  }
0x792: {  	_ =	swait.ge [sflag:s12], $0x2000  }
0x793: {  	[sflag:s12] =	ssyncset.done $0x0  }
0x794: {  	[sflag:s12] =	ssyncadd.s32 $0xFFFFE000  }
0x795: {  	[tilespmem:s8], [sflag:$0x5] =	stream.indirect.gather [spmem:s3], $0x10, s9, s14, $0xb8;
	[tilespmem:$0x1ECA0] =	vst v63  }
0x796: {  	_ =	swait.ge [sflag:s7], $0x2000  }
0x797: {  	s1 =	sld [smem:$0x7E3]  }
0x798: {  	[sflag:s7] =	ssyncset.done $0x0  }
0x799: {  	s31 =	sld [smem:$0x7E4];
	[sflag:s7] =	ssyncadd.s32 $0xFFFFE000  }
0x79a: {  	[hbm4b:s1+s2] =	stream.linear.scatter [tilespmem:s11], [sflag:$0x7], $0x2000, $0x38;
	[tilespmem:$0x1ECA0] =	vst v63  }
0x79b: {  	_ = 	snop  }
0x79c: {  	[tilespmem:s18], [sflag:$0x1] =	stream.linear.gather [hbm4b:s31+s2], $0x200, $0x38;
	[tilespmem:$0x1ECA0] =	vst v63  }
0x79d: {  	_ =	swait.ge [sflag:s30], $0x200  }
0x79e: {  	[sflag:s30] =	ssyncset.done $0x0  }
0x79f: {  	[sflag:s30] =	ssyncadd.s32 $0xFFFFFE00  }
0x7a0: {  	_ =	swait.ge [sflag:s10], $0x2000  }
0x7a1: {  	[sflag:s10] =	ssyncset.done $0x0  }
0x7a2: {  	[sflag:s10] =	ssyncadd.s32 $0xFFFFE000  }
0x7a3: {  	[tilespmem:s23], [sflag:$0x6] =	stream.indirect.gather [spmem:s3], $0x10, s28, s14, $0xb8;
	[tilespmem:$0x1ECA0] =	vst v63  }
0x7a4: {  	_ =	swait.ge [sflag:s15], $0x2000  }
0x7a5: {  	s1 =	sld [smem:$0x7E5]  }
0x7a6: {  	[sflag:s15] =	ssyncset.done $0x0  }
0x7a7: {  	s31 =	sld [smem:$0x7E6];
	[sflag:s15] =	ssyncadd.s32 $0xFFFFE000  }
0x7a8: {  	[hbm4b:s1+s2] =	stream.linear.scatter [tilespmem:s8], [sflag:$0x8], $0x2000, $0x38;
	[tilespmem:$0x1ECA0] =	vst v63  }
0x7a9: {  	_ = 	snop  }
0x7aa: {  	[tilespmem:s9], [sflag:$0x2] =	stream.linear.gather [hbm4b:s31+s2], $0x200, $0x38;
	[tilespmem:$0x1ECA0] =	vst v63  }
0x7ab: {  	_ =	swait.ge [sflag:s22], $0x200  }
0x7ac: {  	[sflag:s22] =	ssyncset.done $0x0  }
0x7ad: {  	[sflag:s22] =	ssyncadd.s32 $0xFFFFFE00  }
0x7ae: {  	_ =	swait.ge [sflag:s13], $0x2000  }
0x7af: {  	[sflag:s13] =	ssyncset.done $0x0  }
0x7b0: {  	[sflag:s13] =	ssyncadd.s32 $0xFFFFE000  }
0x7b1: {  	[tilespmem:s11], [sflag:$0x4] =	stream.indirect.gather [spmem:s3], $0x10, s18, s14, $0xb8;
	[tilespmem:$0x1ECA0] =	vst v63  }
0x7b2: {  	_ =	swait.ge [sflag:s26], $0x2000  }
0x7b3: {  	s1 =	sld [smem:$0x7E7]  }
0x7b4: {  	[sflag:s26] =	ssyncset.done $0x0  }
0x7b5: {  	s31 =	sld [smem:$0x7E8];
	[sflag:s26] =	ssyncadd.s32 $0xFFFFE000  }
0x7b6: {  	[hbm4b:s1+s2] =	stream.linear.scatter [tilespmem:s23], [sflag:$0x9], $0x2000, $0x38;
	[tilespmem:$0x1ECA0] =	vst v63  }
0x7b7: {  	_ = 	snop  }
0x7b8: {  	[tilespmem:s28], [sflag:$0x3] =	stream.linear.gather [hbm4b:s31+s2], $0x200, $0x38;
	[tilespmem:$0x1ECA0] =	vst v63  }
0x7b9: {  	_ =	swait.ge [sflag:s19], $0x200  }
0x7ba: {  	[sflag:s19] =	ssyncset.done $0x0  }
0x7bb: {  	[sflag:s19] =	ssyncadd.s32 $0xFFFFFE00  }
0x7bc: {  	_ =	swait.ge [sflag:s12], $0x2000  }
0x7bd: {  	[sflag:s12] =	ssyncset.done $0x0  }
0x7be: {  	[sflag:s12] =	ssyncadd.s32 $0xFFFFE000  }
0x7bf: {  	[tilespmem:s8], [sflag:$0x5] =	stream.indirect.gather [spmem:s3], $0x10, s9, s14, $0xb8;
	[tilespmem:$0x1ECA0] =	vst v63  }
0x7c0: {  	_ =	swait.ge [sflag:s7], $0x2000  }
0x7c1: {  	s1 =	sld [smem:$0x7E9]  }
0x7c2: {  	[sflag:s7] =	ssyncset.done $0x0  }
0x7c3: {  	s31 =	sld [smem:$0x7EA];
	[sflag:s7] =	ssyncadd.s32 $0xFFFFE000  }
0x7c4: {  	[hbm4b:s1+s2] =	stream.linear.scatter [tilespmem:s11], [sflag:$0x7], $0x2000, $0x38;
	[tilespmem:$0x1ECA0] =	vst v63  }
0x7c5: {  	_ = 	snop  }
0x7c6: {  	[tilespmem:s18], [sflag:$0x1] =	stream.linear.gather [hbm4b:s31+s2], $0x200, $0x38;
	[tilespmem:$0x1ECA0] =	vst v63  }
0x7c7: {  	_ =	swait.ge [sflag:s30], $0x200  }
0x7c8: {  	[sflag:s30] =	ssyncset.done $0x0  }
0x7c9: {  	[sflag:s30] =	ssyncadd.s32 $0xFFFFFE00  }
0x7ca: {  	_ =	swait.ge [sflag:s10], $0x2000  }
0x7cb: {  	[sflag:s10] =	ssyncset.done $0x0  }
0x7cc: {  	[sflag:s10] =	ssyncadd.s32 $0xFFFFE000  }
0x7cd: {  	[tilespmem:s23], [sflag:$0x6] =	stream.indirect.gather [spmem:s3], $0x10, s28, s14, $0xb8;
	[tilespmem:$0x1ECA0] =	vst v63  }
0x7ce: {  	_ =	swait.ge [sflag:s15], $0x2000  }
0x7cf: {  	s1 =	sld [smem:$0x7EB]  }
0x7d0: {  	[sflag:s15] =	ssyncset.done $0x0  }
0x7d1: {  	s31 =	sld [smem:$0x7EC];
	[sflag:s15] =	ssyncadd.s32 $0xFFFFE000  }
0x7d2: {  	[hbm4b:s1+s2] =	stream.linear.scatter [tilespmem:s8], [sflag:$0x8], $0x2000, $0x38;
	[tilespmem:$0x1ECA0] =	vst v63  }
0x7d3: {  	_ = 	snop  }
0x7d4: {  	[tilespmem:s9], [sflag:$0x2] =	stream.linear.gather [hbm4b:s31+s2], $0x200, $0x38;
	[tilespmem:$0x1ECA0] =	vst v63  }
0x7d5: {  	_ =	swait.ge [sflag:s22], $0x200  }
0x7d6: {  	[sflag:s22] =	ssyncset.done $0x0  }
0x7d7: {  	[sflag:s22] =	ssyncadd.s32 $0xFFFFFE00  }
0x7d8: {  	_ =	swait.ge [sflag:s13], $0x2000  }
0x7d9: {  	[sflag:s13] =	ssyncset.done $0x0  }
0x7da: {  	[sflag:s13] =	ssyncadd.s32 $0xFFFFE000  }
0x7db: {  	[tilespmem:s11], [sflag:$0x4] =	stream.indirect.gather [spmem:s3], $0x10, s18, s14, $0xb8;
	[tilespmem:$0x1ECA0] =	vst v63  }
0x7dc: {  	_ =	swait.ge [sflag:s26], $0x2000  }
0x7dd: {  	s1 =	sld [smem:$0x7ED]  }
0x7de: {  	[sflag:s26] =	ssyncset.done $0x0  }
0x7df: {  	s31 =	sld [smem:$0x7EE];
	[sflag:s26] =	ssyncadd.s32 $0xFFFFE000  }
0x7e0: {  	[hbm4b:s1+s2] =	stream.linear.scatter [tilespmem:s23], [sflag:$0x9], $0x2000, $0x38;
	[tilespmem:$0x1ECA0] =	vst v63  }
0x7e1: {  	_ = 	snop  }
0x7e2: {  	[tilespmem:s28], [sflag:$0x3] =	stream.linear.gather [hbm4b:s31+s2], $0x200, $0x38;
	[tilespmem:$0x1ECA0] =	vst v63  }
0x7e3: {  	_ =	swait.ge [sflag:s19], $0x200  }
0x7e4: {  	[sflag:s19] =	ssyncset.done $0x0  }
0x7e5: {  	[sflag:s19] =	ssyncadd.s32 $0xFFFFFE00  }
0x7e6: {  	_ =	swait.ge [sflag:s12], $0x2000  }
0x7e7: {  	[sflag:s12] =	ssyncset.done $0x0  }
0x7e8: {  	[sflag:s12] =	ssyncadd.s32 $0xFFFFE000  }
0x7e9: {  	[tilespmem:s8], [sflag:$0x5] =	stream.indirect.gather [spmem:s3], $0x10, s9, s14, $0xb8;
	[tilespmem:$0x1ECA0] =	vst v63  }
0x7ea: {  	_ =	swait.ge [sflag:s7], $0x2000  }
0x7eb: {  	s1 =	sld [smem:$0x7EF]  }
0x7ec: {  	[sflag:s7] =	ssyncset.done $0x0  }
0x7ed: {  	s31 =	sld [smem:$0x7F0];
	[sflag:s7] =	ssyncadd.s32 $0xFFFFE000  }
0x7ee: {  	[hbm4b:s1+s2] =	stream.linear.scatter [tilespmem:s11], [sflag:$0x7], $0x2000, $0x38;
	[tilespmem:$0x1ECA0] =	vst v63  }
0x7ef: {  	_ = 	snop  }
0x7f0: {  	[tilespmem:s18], [sflag:$0x1] =	stream.linear.gather [hbm4b:s31+s2], $0x200, $0x38;
	[tilespmem:$0x1ECA0] =	vst v63  }
0x7f1: {  	_ =	swait.ge [sflag:s30], $0x200  }
0x7f2: {  	[sflag:s30] =	ssyncset.done $0x0  }
0x7f3: {  	[sflag:s30] =	ssyncadd.s32 $0xFFFFFE00  }
0x7f4: {  	_ =	swait.ge [sflag:s10], $0x2000  }
0x7f5: {  	[sflag:s10] =	ssyncset.done $0x0  }
0x7f6: {  	[sflag:s10] =	ssyncadd.s32 $0xFFFFE000  }
0x7f7: {  	[tilespmem:s23], [sflag:$0x6] =	stream.indirect.gather [spmem:s3], $0x10, s28, s14, $0xb8;
	[tilespmem:$0x1ECA0] =	vst v63  }
0x7f8: {  	_ =	swait.ge [sflag:s15], $0x2000  }
0x7f9: {  	s1 =	sld [smem:$0x7F1]  }
0x7fa: {  	[sflag:s15] =	ssyncset.done $0x0  }
0x7fb: {  	s31 =	sld [smem:$0x7F2];
	[sflag:s15] =	ssyncadd.s32 $0xFFFFE000  }
0x7fc: {  	[hbm4b:s1+s2] =	stream.linear.scatter [tilespmem:s8], [sflag:$0x8], $0x2000, $0x38;
	[tilespmem:$0x1ECA0] =	vst v63  }
0x7fd: {  	_ = 	snop  }
0x7fe: {  	[tilespmem:s9], [sflag:$0x2] =	stream.linear.gather [hbm4b:s31+s2], $0x200, $0x38;
	[tilespmem:$0x1ECA0] =	vst v63  }
0x7ff: {  	_ =	swait.ge [sflag:s22], $0x200  }
0x800: {  	[sflag:s22] =	ssyncset.done $0x0  }
0x801: {  	[sflag:s22] =	ssyncadd.s32 $0xFFFFFE00  }
0x802: {  	_ =	swait.ge [sflag:s13], $0x2000  }
0x803: {  	[sflag:s13] =	ssyncset.done $0x0  }
0x804: {  	[sflag:s13] =	ssyncadd.s32 $0xFFFFE000  }
0x805: {  	[tilespmem:s11], [sflag:$0x4] =	stream.indirect.gather [spmem:s3], $0x10, s18, s14, $0xb8;
	[tilespmem:$0x1ECA0] =	vst v63  }
0x806: {  	_ =	swait.ge [sflag:s26], $0x2000  }
0x807: {  	s1 =	sld [smem:$0x7F3]  }
0x808: {  	[sflag:s26] =	ssyncset.done $0x0  }
0x809: {  	s31 =	sld [smem:$0x7F4];
	[sflag:s26] =	ssyncadd.s32 $0xFFFFE000  }
0x80a: {  	[hbm4b:s1+s2] =	stream.linear.scatter [tilespmem:s23], [sflag:$0x9], $0x2000, $0x38;
	[tilespmem:$0x1ECA0] =	vst v63  }
0x80b: {  	_ = 	snop  }
0x80c: {  	[tilespmem:s28], [sflag:$0x3] =	stream.linear.gather [hbm4b:s31+s2], $0x200, $0x38;
	[tilespmem:$0x1ECA0] =	vst v63  }
0x80d: {  	_ =	swait.ge [sflag:s19], $0x200  }
0x80e: {  	[sflag:s19] =	ssyncset.done $0x0  }
0x80f: {  	[sflag:s19] =	ssyncadd.s32 $0xFFFFFE00  }
0x810: {  	_ =	swait.ge [sflag:s12], $0x2000  }
0x811: {  	[sflag:s12] =	ssyncset.done $0x0  }
0x812: {  	[sflag:s12] =	ssyncadd.s32 $0xFFFFE000  }
0x813: {  	[tilespmem:s8], [sflag:$0x5] =	stream.indirect.gather [spmem:s3], $0x10, s9, s14, $0xb8;
	[tilespmem:$0x1ECA0] =	vst v63  }
0x814: {  	_ =	swait.ge [sflag:s7], $0x2000  }
0x815: {  	s1 =	sld [smem:$0x7F5]  }
0x816: {  	[sflag:s7] =	ssyncset.done $0x0  }
0x817: {  	s31 =	sld [smem:$0x7F6];
	[sflag:s7] =	ssyncadd.s32 $0xFFFFE000  }
0x818: {  	[hbm4b:s1+s2] =	stream.linear.scatter [tilespmem:s11], [sflag:$0x7], $0x2000, $0x38;
	[tilespmem:$0x1ECA0] =	vst v63  }
0x819: {  	_ = 	snop  }
0x81a: {  	[tilespmem:s18], [sflag:$0x1] =	stream.linear.gather [hbm4b:s31+s2], $0x200, $0x38;
	[tilespmem:$0x1ECA0] =	vst v63  }
0x81b: {  	_ =	swait.ge [sflag:s30], $0x200  }
0x81c: {  	[sflag:s30] =	ssyncset.done $0x0  }
0x81d: {  	[sflag:s30] =	ssyncadd.s32 $0xFFFFFE00  }
0x81e: {  	_ =	swait.ge [sflag:s10], $0x2000  }
0x81f: {  	[sflag:s10] =	ssyncset.done $0x0  }
0x820: {  	[sflag:s10] =	ssyncadd.s32 $0xFFFFE000  }
0x821: {  	[tilespmem:s23], [sflag:$0x6] =	stream.indirect.gather [spmem:s3], $0x10, s28, s14, $0xb8;
	[tilespmem:$0x1ECA0] =	vst v63  }
0x822: {  	_ =	swait.ge [sflag:s15], $0x2000  }
0x823: {  	s1 =	sld [smem:$0x7F7]  }
0x824: {  	[sflag:s15] =	ssyncset.done $0x0  }
0x825: {  	s31 =	sld [smem:$0x7F8];
	[sflag:s15] =	ssyncadd.s32 $0xFFFFE000  }
0x826: {  	[hbm4b:s1+s2] =	stream.linear.scatter [tilespmem:s8], [sflag:$0x8], $0x2000, $0x38;
	[tilespmem:$0x1ECA0] =	vst v63  }
0x827: {  	_ = 	snop  }
0x828: {  	[tilespmem:s9], [sflag:$0x2] =	stream.linear.gather [hbm4b:s31+s2], $0x200, $0x38;
	[tilespmem:$0x1ECA0] =	vst v63  }
0x829: {  	_ =	swait.ge [sflag:s22], $0x200  }
0x82a: {  	[sflag:s22] =	ssyncset.done $0x0  }
0x82b: {  	[sflag:s22] =	ssyncadd.s32 $0xFFFFFE00  }
0x82c: {  	_ =	swait.ge [sflag:s13], $0x2000  }
0x82d: {  	[sflag:s13] =	ssyncset.done $0x0  }
0x82e: {  	[sflag:s13] =	ssyncadd.s32 $0xFFFFE000  }
0x82f: {  	[tilespmem:s11], [sflag:$0x4] =	stream.indirect.gather [spmem:s3], $0x10, s18, s14, $0xb8;
	[tilespmem:$0x1ECA0] =	vst v63  }
0x830: {  	_ =	swait.ge [sflag:s26], $0x2000  }
0x831: {  	s1 =	sld [smem:$0x7F9]  }
0x832: {  	[sflag:s26] =	ssyncset.done $0x0  }
0x833: {  	s31 =	sld [smem:$0x7FA];
	[sflag:s26] =	ssyncadd.s32 $0xFFFFE000  }
0x834: {  	[hbm4b:s1+s2] =	stream.linear.scatter [tilespmem:s23], [sflag:$0x9], $0x2000, $0x38;
	[tilespmem:$0x1ECA0] =	vst v63  }
0x835: {  	_ = 	snop  }
0x836: {  	[tilespmem:s28], [sflag:$0x3] =	stream.linear.gather [hbm4b:s31+s2], $0x200, $0x38;
	[tilespmem:$0x1ECA0] =	vst v63  }
0x837: {  	_ =	swait.ge [sflag:s19], $0x200  }
0x838: {  	[sflag:s19] =	ssyncset.done $0x0  }
0x839: {  	[sflag:s19] =	ssyncadd.s32 $0xFFFFFE00  }
0x83a: {  	_ =	swait.ge [sflag:s12], $0x2000  }
0x83b: {  	[sflag:s12] =	ssyncset.done $0x0  }
0x83c: {  	[sflag:s12] =	ssyncadd.s32 $0xFFFFE000  }
0x83d: {  	[tilespmem:s8], [sflag:$0x5] =	stream.indirect.gather [spmem:s3], $0x10, s9, s14, $0xb8;
	[tilespmem:$0x1ECA0] =	vst v63  }
0x83e: {  	_ =	swait.ge [sflag:s7], $0x2000  }
0x83f: {  	s1 =	sld [smem:$0x7FB]  }
0x840: {  	[sflag:s7] =	ssyncset.done $0x0  }
0x841: {  	s31 =	sld [smem:$0x7FC];
	[sflag:s7] =	ssyncadd.s32 $0xFFFFE000  }
0x842: {  	[hbm4b:s1+s2] =	stream.linear.scatter [tilespmem:s11], [sflag:$0x7], $0x2000, $0x38;
	[tilespmem:$0x1ECA0] =	vst v63  }
0x843: {  	_ = 	snop  }
0x844: {  	[tilespmem:s18], [sflag:$0x1] =	stream.linear.gather [hbm4b:s31+s2], $0x200, $0x38;
	[tilespmem:$0x1ECA0] =	vst v63  }
0x845: {  	_ =	swait.ge [sflag:s30], $0x200  }
0x846: {  	[sflag:s30] =	ssyncset.done $0x0  }
0x847: {  	[sflag:s30] =	ssyncadd.s32 $0xFFFFFE00  }
0x848: {  	_ =	swait.ge [sflag:s10], $0x2000  }
0x849: {  	[sflag:s10] =	ssyncset.done $0x0  }
0x84a: {  	[sflag:s10] =	ssyncadd.s32 $0xFFFFE000  }
0x84b: {  	[tilespmem:s23], [sflag:$0x6] =	stream.indirect.gather [spmem:s3], $0x10, s28, s14, $0xb8;
	[tilespmem:$0x1ECA0] =	vst v63  }
0x84c: {  	_ =	swait.ge [sflag:s15], $0x2000  }
0x84d: {  	s1 =	sld [smem:$0x7FD]  }
0x84e: {  	[sflag:s15] =	ssyncset.done $0x0  }
0x84f: {  	[sflag:s15] =	ssyncadd.s32 $0xFFFFE000  }
0x850: {  	[hbm4b:s1+s2] =	stream.linear.scatter [tilespmem:s8], [sflag:$0x8], $0x2000, $0x38;
	[tilespmem:$0x1ECA0] =	vst v63  }
0x851: {  	_ = 	snop  }
0x852: {  	[tilespmem:s9], [sflag:$0x2] =	stream.linear.gather [hbm4b:s29+s2], $0x200, $0x38;
	[tilespmem:$0x1ECA0] =	vst v63  }
0x853: {  	_ =	swait.ge [sflag:s22], $0x200  }
0x854: {  	[sflag:s22] =	ssyncset.done $0x0  }
0x855: {  	[sflag:s22] =	ssyncadd.s32 $0xFFFFFE00  }
0x856: {  	_ =	swait.ge [sflag:s13], $0x2000  }
0x857: {  	[sflag:s13] =	ssyncset.done $0x0  }
0x858: {  	[sflag:s13] =	ssyncadd.s32 $0xFFFFE000  }
0x859: {  	[tilespmem:s11], [sflag:$0x4] =	stream.indirect.gather [spmem:s3], $0x10, s18, s14, $0xb8;
	[tilespmem:$0x1ECA0] =	vst v63  }
0x85a: {  	_ =	swait.ge [sflag:s26], $0x2000  }
0x85b: {  	[sflag:s26] =	ssyncset.done $0x0  }
0x85c: {  	[sflag:s26] =	ssyncadd.s32 $0xFFFFE000  }
0x85d: {  	[hbm4b:s24+s2] =	stream.linear.scatter [tilespmem:s23], [sflag:$0x9], $0x2000, $0x38;
	[tilespmem:$0x1ECA0] =	vst v63  }
0x85e: {  	_ = 	snop  }
0x85f: {  	[tilespmem:s28], [sflag:$0x3] =	stream.linear.gather [hbm4b:s25+s2], $0x200, $0x38;
	[tilespmem:$0x1ECA0] =	vst v63  }
0x860: {  	_ =	swait.ge [sflag:s19], $0x200  }
0x861: {  	[sflag:s19] =	ssyncset.done $0x0  }
0x862: {  	[sflag:s19] =	ssyncadd.s32 $0xFFFFFE00  }
0x863: {  	_ =	swait.ge [sflag:s12], $0x2000  }
0x864: {  	[sflag:s12] =	ssyncset.done $0x0  }
0x865: {  	[sflag:s12] =	ssyncadd.s32 $0xFFFFE000  }
0x866: {  	[tilespmem:s8], [sflag:$0x5] =	stream.indirect.gather [spmem:s3], $0x10, s9, s14, $0xb8;
	[tilespmem:$0x1ECA0] =	vst v63  }
0x867: {  	_ =	swait.ge [sflag:s7], $0x2000  }
0x868: {  	[sflag:s7] =	ssyncset.done $0x0  }
0x869: {  	[sflag:s7] =	ssyncadd.s32 $0xFFFFE000  }
0x86a: {  	[hbm4b:s20+s2] =	stream.linear.scatter [tilespmem:s11], [sflag:$0x7], $0x2000, $0x38;
	[tilespmem:$0x1ECA0] =	vst v63  }
0x86b: {  	_ = 	snop  }
0x86c: {  	[tilespmem:s18], [sflag:$0x1] =	stream.linear.gather [hbm4b:s21+s2], $0x200, $0x38;
	[tilespmem:$0x1ECA0] =	vst v63  }
0x86d: {  	_ =	swait.ge [sflag:s30], $0x200  }
0x86e: {  	[sflag:s30] =	ssyncset.done $0x0  }
0x86f: {  	[sflag:s30] =	ssyncadd.s32 $0xFFFFFE00  }
0x870: {  	_ =	swait.ge [sflag:s10], $0x2000  }
0x871: {  	[sflag:s10] =	ssyncset.done $0x0  }
0x872: {  	[sflag:s10] =	ssyncadd.s32 $0xFFFFE000  }
0x873: {  	[tilespmem:s23], [sflag:$0x6] =	stream.indirect.gather [spmem:s3], $0x10, s28, s14, $0xb8;
	[tilespmem:$0x1ECA0] =	vst v63  }
0x874: {  	_ =	swait.ge [sflag:s15], $0x2000  }
0x875: {  	[sflag:s15] =	ssyncset.done $0x0  }
0x876: {  	[sflag:s15] =	ssyncadd.s32 $0xFFFFE000  }
0x877: {  	[hbm4b:s16+s2] =	stream.linear.scatter [tilespmem:s8], [sflag:$0x8], $0x2000, $0x38;
	[tilespmem:$0x1ECA0] =	vst v63  }
0x878: {  	_ = 	snop  }
0x879: {  	[tilespmem:s9], [sflag:$0x2] =	stream.linear.gather [hbm4b:s17+s2], $0x200, $0x38;
	[tilespmem:$0x1ECA0] =	vst v63  }
0x87a: {  	_ =	swait.ge [sflag:s22], $0x200  }
0x87b: {  	[sflag:s22] =	ssyncset.done $0x0  }
0x87c: {  	[sflag:s22] =	ssyncadd.s32 $0xFFFFFE00  }
0x87d: {  	_ =	swait.ge [sflag:s13], $0x2000  }
0x87e: {  	[sflag:s13] =	ssyncset.done $0x0  }
0x87f: {  	[sflag:s13] =	ssyncadd.s32 $0xFFFFE000  }
0x880: {  	[tilespmem:s11], [sflag:$0x4] =	stream.indirect.gather [spmem:s3], $0x10, s18, s14, $0xb8;
	[tilespmem:$0x1ECA0] =	vst v63  }
0x881: {  	_ =	swait.ge [sflag:s26], $0x2000  }
0x882: {  	[sflag:s26] =	ssyncset.done $0x0  }
0x883: {  	[sflag:s26] =	ssyncadd.s32 $0xFFFFE000  }
0x884: {  	[hbm4b:s6+s2] =	stream.linear.scatter [tilespmem:s23], [sflag:$0x9], $0x2000, $0x38;
	[tilespmem:$0x1ECA0] =	vst v63  }
0x885: {  	_ =	swait.ge [sflag:s19], $0x200  }
0x886: {  	[sflag:s19] =	ssyncset.done $0x0  }
0x887: {  	[sflag:s19] =	ssyncadd.s32 $0xFFFFFE00  }
0x888: {  	_ =	swait.ge [sflag:s12], $0x2000  }
0x889: {  	[sflag:s12] =	ssyncset.done $0x0  }
0x88a: {  	[sflag:s12] =	ssyncadd.s32 $0xFFFFE000  }
0x88b: {  	[tilespmem:s8], [sflag:$0x5] =	stream.indirect.gather [spmem:s3], $0x10, s9, s14, $0xb8;
	[tilespmem:$0x1ECA0] =	vst v63  }
0x88c: {  	_ =	swait.ge [sflag:s7], $0x2000  }
0x88d: {  	[sflag:s7] =	ssyncset.done $0x0  }
0x88e: {  	[sflag:s7] =	ssyncadd.s32 $0xFFFFE000  }
0x88f: {  	[hbm4b:s5+s2] =	stream.linear.scatter [tilespmem:s11], [sflag:$0x7], $0x2000, $0x38;
	[tilespmem:$0x1ECA0] =	vst v63  }
0x890: {  	_ =	swait.ge [sflag:s15], $0x2000  }
0x891: {  	[sflag:s15] =	ssyncset.done $0x0  }
0x892: {  	[sflag:s15] =	ssyncadd.s32 $0xFFFFE000  }
0x893: {  	[hbm4b:s4+s2] =	stream.linear.scatter [tilespmem:s8], [sflag:$0x8], $0x2000, $0x38;
	[tilespmem:$0x1ECA0] =	vst v63  }
0x894: {  	_ =	swait.ge [sflag:s13], $0x2000  }
0x895: {  	[sflag:s13] =	ssyncset.done $0x0  }
0x896: {  	[sflag:s13] =	ssyncadd.s32 $0xFFFFE000  }
0x897: {  	_ =	swait.ge [sflag:s12], $0x2000  }
0x898: {  	[sflag:s12] =	ssyncset.done $0x0  }
0x899: {  	[sflag:s12] =	ssyncadd.s32 $0xFFFFE000  }
0x89a: {  	_ =	swait.ge [sflag:s10], $0x2000  }
0x89b: {  	[sflag:s10] =	ssyncset.done $0x0  }
0x89c: {  	[sflag:s10] =	ssyncadd.s32 $0xFFFFE000  }
0x89d: {  	_ =	sfence.sel $0x180000  }
0x89e: {  	[bflag:$0x0] =	sbarrier.arrive $0xFFFF  }
0x89f: {  	_ =	strace $0x90000047  }
0x8a0: {  	s31 =	stileid.u32;
	[bflag:$0x2] =	sbarrier.arrive $0xFFFF  }
0x8a1: {  	p0 =	sne.s32 s31, $0x0;
	s0 =	rddreg [dreg:$0x3]  }
0x8a2: {  	s0 =	sadd.s32 @!p0 $0x100000, s0  }
0x8a3: {  	[sflag:s0] =	ssyncadd.tile.s32 @!p0 $0x1;
	_ =	shalt  }
.LBB2_2:
.Ltmp3:
0x8a4: {  	(pc) =	sbr.rel .LBB2_5-.Ltmp3, $2  }
0x8a5: {  	_ =	sdelay $0x2  }
0x8a6: {  	s31 =	sld [smem:$0x7BC]  }
.Lfunc_end2:
_tile_overlayer_lowered:
.L_overlay_start_2:
0x8a7: {  	(tag) =	ssettag $0x2  }
0x8a8: {  	s0 =	rddreg [dreg:$0x0];
	s2 =	stileid.u32  }
0x8a9: {  	s1 =	rddreg [dreg:$0x1];
	p0 =	sne.s32 s2, $0x0  }
0x8aa: {  	s3 =	rddreg [dreg:$0x2];
	[bflag:$0x3] =	sbarrier.arrive $0xFFFF;
	s2 =	simm.s32 @!p0 $0x1C0A  }
0x8ab: {  	[timem:s3], [sflag:s2] =	dma.local @!p0 [hbm:s0], s1  }
0x8ac: {  	s0 =	simm.s32 @!p0 $0xA  }
0x8ad: {  	_ =	swait.ge @!p0 [sflag:s0], s1  }
0x8ae: {  	s1 =	ssub.s32 @!p0 $0x0, s1;
	[sflag:s0] =	ssyncset.done @!p0 $0x0  }
0x8af: {  	[sflag:s0] =	ssyncadd.s32 @!p0 s1  }
0x8b0: {  	[bflag:$0x3] =	sbarrier.arrive $0xFFFF  }
0x8b1: {  	_ =	shalt  }

// kernel: sparse-core-data-format-call.cloned.1.call-start
scs
called_computation_lowered:
.L_overlay_start_0:
0x0: {  	s2 =	sld [smem:$0x3FD9]  }
0x1: {  	s3 =	sld [smem:$0x3FFE];
	_ =	sdelay $0x1  }
0x2: {  	s1 =	srdreg.scid  }
0x3: {  	s0 =	sand.u32 $0x1, s1  }
0x4: {  	s18 =	sshll.u32 s0, $0xA;
	s2 =	sadd.s32 s3, s2  }
0x5: {  	s2 =	sadd.s32 s2, s18  }
0x6: {  	[smem:$0x3FC6] =	sst s2  }
0x7: {  	_ = 	snop  }
0x8: {  	s2 =	sld [smem:$0x3FD0];
	(tm) =	ssettm $0x1  }
0x9: {  	s19 =	sld [smem:$0x3FFB];
	_ =	sdelay $0x3  }
0xa: {  	_ =	strace s19  }
0xb: {  	s3 =	sld [smem:$0x3FFC];
	_ =	sdelay $0x3  }
0xc: {  	_ =	strace s3  }
0xd: {  	s3 =	sld [smem:$0x3FFD];
	_ =	sdelay $0x3  }
0xe: {  	_ =	strace s3  }
0xf: {  	_ =	strace $0x8FFFFFFF  }
0x10: {  	s20 =	sld [smem:$0x3FDB];
	_ =	sdelay $0x1  }
0x11: {  	s4 =	simm.s32 $_scs_section_size  }
0x12: {  	s5 =	simm.s32 $_size__tile_overlayer_lowered;
	s6 =	simm.s32 $_tile_overlayer_lowered  }
0x13: {  	s23 =	simm.s32 $0x1BFF;
	s22 =	sshll.u32 s6, $0x1;
	s3 =	sadd.s32 s4, s20  }
0x14: {  	s7 =	simm.s32 $0x0;
	s21 =	sshll.u32 s5, $0x1;
	s5 =	sadd.s32 s22, s3  }
0x15: {  	[timem:s7], [sflag:s23] =	dma.local [hbm:s5], s21  }
0x16: {  	_ =	swait.ge [sflag:s23], s21  }
0x17: {  	s4 =	ssub.s32 $0x0, s21;
	[sflag:s23] =	ssyncset.done $0x0  }
0x18: {  	[sflag:s23] =	ssyncadd.s32 s4;
	_ =	sdelay $0x1  }
0x19: {  	s24 =	simm.s32 $0x1B8B  }
0x1a: {  	_ =	swait.ge [sflag:s24], $0x1  }
0x1b: {  	[sflag:s24] =	ssyncset.done $0x0  }
0x1c: {  	s26 =	simm.s32 $0x1B8E;
	s25 =	sld [smem:$0x3FFE];
	[sflag:s24] =	ssyncadd.s32 $0xFFFFFFFF  }
0x1d: {  	s27 =	simm.s32 $execute0_lowered;
	[smem:$0x3FD2] =	sst s26  }
0x1e: {  	s5 =	sshll.u32 s27, $0x1;
	_ =	strace $0x80000049;
	[dreg:$0x1] =	wrdreg $0xFFFFFFFF  }
0x1f: {  	s28 =	simm.s32 $_size_execute0_lowered;
	s3 =	sadd.s32 s3, s5;
	[dreg:$0x0] =	wrdreg $0x0  }
0x20: {  	s5 =	sshll.u32 s28, $0x1;
	[dreg:$0x2] =	wrdreg s3  }
0x21: {  	[dreg:$0x3] =	wrdreg s5  }
0x22: {  	[dreg:$0x4] =	wrdreg $0xC0  }
0x23: {  	_ =	task [dreg:s7], $0x5FFFF  }
0x24: {  	[dreg:$0x1] =	wrdreg $0xFFFFFFFF  }
0x25: {  	[dreg:$0x0] =	wrdreg $0x60  }
0x26: {  	[dreg:$0x2] =	wrdreg s25  }
0x27: {  	[dreg:$0x3] =	wrdreg s2  }
0x28: {  	[dreg:$0x4] =	wrdreg $0x9  }
0x29: {  	_ =	task.clear_ibuf [dreg:s7], $0x5FFFF;
	_ =	strace $0x90000049  }
0x2a: {  	s29 =	simm.s32 $0x9;
	_ =	strace $0x8000004B  }
0x2b: {  	_ =	swait.ge [sflag:s29], $0x1  }
0x2c: {  	[sflag:s29] =	ssyncadd.s32 $0xFFFFFFFF  }
0x2d: {  	_ =	strace $0x9000004B  }
0x2e: {  	_ =	sfence  }
0x2f: {  	s30 =	sld [smem:$0x0];
	_ =	sdelay $0x2  }
0x30: {  	s31 =	sshll.u32 s1, $0xD;
	s1 =	sshrl.u32 s1, $0x2  }
0x31: {  	s3 =	sand.u32 $0x4000, s31;
	s1 =	sadd.s32 s1, s30  }
0x32: {  	s0 =	sor.u32 s3, s0;
	s1 =	sshll.u32 s1, $0x11  }
0x33: {  	s0 =	sor.u32 s1, s0  }
0x34: {  	s0 =	sadd.s32 $0x8F2B, s0  }
0x35: {  	[sflag:s0] =	ssyncadd.remote.s32 $0x1  }
0x36: {  	_ =	sfence.sel $0xFFFF  }
0x37: {  	[dreg:$0x0] =	wrdreg $0xFFFFFFFF;
	(pc) =	sbr.abs _section_cstart, $3  }
0x38: {  	[dreg:$0x1] =	wrdreg $0xFFFFFFFF  }
0x39: {  	_ =	task.clear_ibuf [dreg:s7], $0x2FFFF;
	_ =	strace $0x9FFFFFFF  }
0x3a: {  	(tm) =	ssettm $0x7FFFFFFF  }
0x3b: {  	_ =	shalt  }
tec
execute0_lowered:
.L_overlay_start_1:
0x0: {  	(tag) =	ssettag $0x1  }
0x1: {  	s0 =	srdreg.scid  }
0x2: {  	s1 =	sshll.u32 s0, $0x4  }
0x3: {  	s6 =	rddreg [dreg:$0x0];
	s0 =	stileid.u32;
	s1 =	sand.u32 $0x10, s1  }
0x4: {  	s3 =	rddreg [dreg:$0x1];
	s1 =	sor.u32 s0, s1  }
0x5: {  	s5 =	simm.s32 $0x1;
	s31 =	simm.s32 $0x2;
	s2 =	sshll.u32 s1, $0x7  }
0x6: {  	s15 =	simm.s32 $0x0;
	s8 =	simm.s32 $0x20000;
	s4 =	ssub.s32 $0x4000, s2  }
0x7: {  	s14 =	simm.s32 $0x0;
	s9 =	simm.s32 $0x0;
	s30 =	sand.u32 $0xF80, s4  }
0x8: {  	s10 =	simm.s32 $0x0;
	s11 =	simm.s32 $0x0;
	p0 =	sne.s32 s30, $0x0  }
.Ltmp0:
0x9: {  	s7 =	sshrl.u32 s4, $0xC;
	s5 =	simm.s32 @!p0 $0x0;
	(pc) =	sbr.rel .LBB1_1-.Ltmp0, $4  }
0xa: {  	s13 =	simm.s32 $0x0;
	s1 =	rddreg [dreg:$0x2];
	s5 =	sadd.s32 s5, s7  }
0xb: {  	_ =	strace $0x8000004A;
	s4 =	simm.s32 $0x1;
	s5 =	smul.u32 $0x7, s5  }
0xc: {  	s6 =	sadd.s32 $0xA00, s6;
	s12 =	smov.u32 s2;
	[sflag:s4] =	ssyncpa.u1 $0x0  }
0xd: {  	[sflag:s31] =	ssyncpa.u1 $0x0;
	p0 =	por $0x0, $0x0;
	s7 =	sadd.s32 $0x1, s5  }
.LBB1_4:
0xe: {  	s20 =	sshra.s32 s20, $0x2  }
0xf: {  	s28 =	sand.u32 $0x78, s10;
	s21 =	sshll.u32 s9, $0xE;
	s22 =	sshll.u32 s10, $0x3  }
0x10: {  	s24 =	sshll.u32 s9, $0x7;
	p1 =	sgt.s32 s9, $0x2A0;
	s30 =	sshra.s32 s9, $0x1F  }
0x11: {  	s26 =	sshra.s32 s10, $0x1F;
	s19 =	sadd.s32 s20, s19;
	s21 =	sand.u32 $0xFFFE0000, s21  }
0x12: {  	v5 =	vld [tilespmem:s17+$0xFFFFFFD0];
	[tilespmem:s18+$0x2040 ss:$0x81] =	vst.msk $0xffff, v4;
	s23 =	sand.u32 $0xFFFFFC00, s22;
	s29 =	sand.u32 $0x380, s24;
	s22 =	sand.u32 $0x3C00, s22  }
0x13: {  	v58 =	vld [tilespmem:s17+$0xFFFFFFE0];
	[tilespmem:s18+$0x2850 ss:$0x81] =	vst.msk $0xffff, v3;
	s21 =	sadd.s32 s23, s21;
	s20 =	sor.u32 s28, s22;
	s22 =	smov.u32 s9  }
0x14: {  	v59 =	vld [tilespmem:s17+$0xFFFFFFF0];
	[tilespmem:s18+$0x3060 ss:$0x81] =	vst.msk $0xffff, v2;
	s24 =	sand.u32 s30, s9;
	s21 =	sshrl.u32 s21, $0xE;
	s22 =	simm.s32 @!p1 $0x2A0  }
0x15: {  	v60 =	vld [tilespmem:s17+$0x0];
	[tilespmem:s18+$0x0 ss:$0x81] =	vst.msk $0xffff, v1;
	p1 =	sgt.s32 s10, $0x3F80;
	s31 =	ssub.s32 s22, s24;
	s22 =	smov.u32 s10  }
0x16: {  	v61 =	vld [tilespmem:s17+$0x10];
	[tilespmem:s19+$0x3870 ss:$0x81] =	vst.msk $0xffff, v0;
	s25 =	smulhi.u32 $0x51EB86, s21;
	s24 =	sand.u32 s26, s10;
	s22 =	simm.s32 @!p1 $0x3F80  }
0x17: {  	v62 =	vld [tilespmem:s17+$0x20];
	s20 =	sor.u32 s29, s20;
	[tilespmem:s19+$0x810 ss:$0x81] =	vst.msk $0xffff, v5;
	s27 =	sadd.s32 $0xFFFFFD60, s31;
	s22 =	ssub.s32 s22, s24  }
0x18: {  	v63 =	vld [tilespmem:s17+$0xFFFFFFC0];
	[tilespmem:s19+$0x1020 ss:$0x81] =	vst.msk $0xffff, v58;
	s18 =	ssub.s32 $0x320, s31;
	s28 =	smul.u32 $0x320, s25;
	s29 =	sadd.s32 $0xFFFFC080, s22  }
0x19: {  	[tilespmem:s19+$0x1830 ss:$0x81] =	vst.msk $0xffff, v59;
	p1 =	sgt.s32 s27, $0x7F;
	s22 =	ssub.s32 $0x4000, s22;
	p2 =	sgt.s32 s29, $0x7F  }
0x1a: {  	s30 =	sand.u32 $0x7, s10;
	[tilespmem:s19+$0x2040 ss:$0x81] =	vst.msk $0xffff, v60;
	s18 =	simm.s32 @p1 $0x0;
	s22 =	simm.s32 @p2 $0x0  }
0x1b: {  	s20 =	sshrl.u32 s20, $0x3;
	[tilespmem:s19+$0x2850 ss:$0x81] =	vst.msk $0xffff, v61;
	s17 =	ssub.s32 s21, s28;
	s18 =	smul.u32 s22, s18  }
0x1c: {  	[tilespmem:s19+$0x3060 ss:$0x81] =	vst.msk $0xffff, v62;
	s20 =	sadd.s32 s3, s20;
	s21 =	sshll.u32 s30, $0x12;
	s17 =	sshll.u32 s17, $0xB  }
0x1d: {  	[tilespmem:s19+$0x0 ss:$0x81] =	vst.msk $0xffff, v63;
	s31 =	sor.u32 $0x400, s21;
	s17 =	sadd.s32 s17, s20;
	s18 =	sand.u32 $0x3FFFFFFF, s18  }
0x1e: {  	[hbm4b:s17+s31] =	stream.strided.scatter [tilespmem:s16], [sflag:$0x2], s18, s8, s31, $0x20;
	[tilespmem:$0x10100] =	vst v63  }
.LBB1_5:
0x1f: {  	p1 =	slt.u32 s13, $0x2  }
0x20: {  	s17 =	smov.u32 s15;
	p2 =	sgt.s32 @!p1 s15, $0x2A0;
	s16 =	sshra.s32 @!p1 s15, $0x1F  }
0x21: {  	p3 =	sgt.s32 @!p1 s14, $0x3F80;
	s18 =	sshra.s32 @!p1 s14, $0x1F;
	p2 =	por !p2, p1  }
0x22: {  	s15 =	sand.u32 @!p1 s16, s15;
	p3 =	por !p3, p1;
	s16 =	smov.u32 s14  }
0x23: {  	s14 =	sand.u32 @!p1 s18, s14;
	s17 =	simm.s32 @p2 $0x2A0;
	s16 =	simm.s32 @p3 $0x3F80  }
0x24: {  	s15 =	ssub.s32 @!p1 s17, s15;
	s14 =	ssub.s32 @!p1 s16, s14  }
0x25: {  	s18 =	smov.u32 s12;
	s16 =	sadd.s32 @!p1 $0xFFFFFD60, s15;
	s17 =	sadd.s32 @!p1 $0xFFFFC080, s14  }
0x26: {  	s15 =	ssub.s32 @!p1 $0x320, s15;
	p2 =	sgt.s32 @!p1 s16, $0x7F;
	p3 =	sgt.s32 @!p1 s17, $0x7F  }
0x27: {  	s14 =	ssub.s32 @!p1 $0x4000, s14;
	p2 =	por !p2, p1;
	p3 =	por !p3, p1  }
0x28: {  	s16 =	sadd.s32 $0x80, s11;
	s15 =	simm.s32 @!p2 $0x0;
	s14 =	simm.s32 @!p3 $0x0  }
0x29: {  	p2 =	sgt.s32 s16, $0x31F;
	s14 =	smul.u32 @!p1 s14, s15;
	s15 =	sadd.s32 $0x1000, s12  }
0x2a: {  	s18 =	smov.u32 @p2 s15  }
0x2b: {  	s16 =	simm.s32 @p2 $0x0;
	p2 =	sgt.s32 s18, $0x3FFF  }
0x2c: {  	s18 =	smov.u32 @p2 s2;
	p2 =	sne.s32 s13, s7  }
.Ltmp1:
0x2d: {  	p0 =	por !p0, !p0;
	s17 =	simm.s32 @!p1 $0x2;
	(pc) =	sbr.rel @!p2 .LBB1_6-.Ltmp1, $4  }
0x2e: {  	s15 =	smov.u32 s9;
	s9 =	smov.u32 s11;
	s14 =	sand.u32 @!p1 $0x3FFFFFFF, s14  }
0x2f: {  	s11 =	smov.u32 s16;
	_ =	swait.ge @!p1 [sflag:s17], s14;
	s19 =	ssub.s32 @!p1 $0x0, s14  }
0x30: {  	s14 =	smov.u32 s10;
	s13 =	sadd.s32 $0x1, s13;
	[sflag:s17] =	ssyncset.done @!p1 $0x0  }
0x31: {  	s10 =	smov.u32 s12;
	s12 =	smov.u32 s18;
	[sflag:s17] =	ssyncadd.s32 @!p1 s19  }
.LBB1_1:
0x32: {  	p1 =	sge.u32 s13, s5  }
0x33: {  	s16 =	sshrl.u32 @!p1 s12, $0x3  }
0x34: {  	s17 =	sshll.u32 @!p1 s11, $0x3;
	s16 =	smul.u32 @!p1 $0x1C00, s16  }
0x35: {  	s18 =	sshll.u32 @!p1 s12, $0x7;
	s17 =	sand.u32 @!p1 $0xFFFFFC00, s17  }
0x36: {  	s16 =	sadd.s32 @!p1 s16, s17;
	s17 =	sand.u32 @!p1 $0x380, s18  }
0x37: {  	s16 =	sor.u32 @!p1 s17, s16  }
0x38: {  	s17 =	sshrl.u32 @!p1 s16, $0x7  }
0x39: {  	s17 =	smulhi.u32 @!p1 $0x24924925, s17;
	_ =	sdelay $0x1  }
0x3a: {  	s18 =	sand.u32 @!p1 $0x7F, s11;
	s19 =	smul.u32 @!p1 $0x380, s17  }
0x3b: {  	s31 =	sadd.s32 $0xFFFFFFFF, s13;
	s16 =	sor.u32 @!p1 s18, s16;
	s18 =	sxor.u32 @!p1 $0xFFFFFFFF, s13  }
0x3c: {  	s18 =	sshll.u32 @!p1 s18, $0xE;
	s17 =	sand.u32 @!p1 $0x3FFF, s17;
	s16 =	ssub.s32 @!p1 s16, s19  }
0x3d: {  	s17 =	smul.u32 @!p1 $0x70, s17;
	s19 =	sshrl.u32 @!p1 s16, $0x3;
	s16 =	sand.u32 @!p1 $0x7, s16  }
0x3e: {  	s18 =	sand.u32 @!p1 $0x4000, s18;
	s19 =	sadd.s32 @!p1 s6, s19;
	s16 =	sshll.u32 @!p1 s16, $0x12  }
0x3f: {  	s17 =	sadd.s32 @!p1 s17, s19;
	s16 =	sor.u32 @!p1 $0x400, s16;
	s19 =	simm.s32 @!p1 $0x1C00  }
0x40: {  	[tilespmem:s18], [sflag:$0x1] =	stream.strided.gather @!p1 [hbm4b:s17+s16], $0x4000, s19, s16, $0x38;
	[tilespmem:$0x10100] =	vst v63  }
0x41: {  	p1 =	sge.u32 s31, s5  }
.Ltmp2:
0x42: {  	_ = 	snop;
	(pc) =	sbr.rel @p1 .LBB1_5-.Ltmp2, $1  }
0x43: {  	_ =	sdelay $0x3  }
0x44: {  	s16 =	simm.s32 $0x1  }
0x45: {  	_ =	swait.ge [sflag:s4], $0x4000;
	s16 =	simm.s32 @!p0 $0x0  }
0x46: {  	[sflag:s4] =	ssyncset.done $0x0;
	s17 =	sshll.u32 s16, $0xE  }
0x47: {  	[sflag:s4] =	ssyncadd.s32 $0xFFFFC000;
	s17 =	sor.u32 $0x40, s17  }
0x48: {  	s16 =	smul.u32 $0x10200, s16;
	v0 =	vld [tilespmem:s17+$0x30]  }
0x49: {  	v1 =	vld [tilespmem:s17+$0xFFFFFFD0]  }
0x4a: {  	s16 =	sshrl.u32 s16, $0x2;
	v5 =	vld [tilespmem:s17+$0xFFFFFFE0]  }
0x4b: {  	v6 =	vld [tilespmem:s17+$0xFFFFFFF0];
	s19 =	sor.u32 $0x8000, s16  }
0x4c: {  	s31 =	sand.u32 $0x1, s13;
	v4 =	vld [tilespmem:s17+$0x0];
	s18 =	sadd.s32 $0x0, s19  }
0x4d: {  	v3 =	vld [tilespmem:s17+$0x10];
	s16 =	smul.u32 $0x10200, s31;
	[tilespmem:s18+$0x3870 ss:$0x81] =	vst.msk $0xffff, v0  }
0x4e: {  	v2 =	vld [tilespmem:s17+$0x20];
	[tilespmem:s18+$0x810 ss:$0x81] =	vst.msk $0xffff, v1  }
0x4f: {  	s16 =	sshrl.u32 s16, $0x2;
	v1 =	vld [tilespmem:s17+$0xFFFFFFC0];
	[tilespmem:s18+$0x1020 ss:$0x81] =	vst.msk $0xffff, v5;
	s17 =	sadd.s32 $0x80, s17  }
0x50: {  	s20 =	simm.s32 $0x4;
	s21 =	simm.s32 $0x8;
	s16 =	sor.u32 $0x8000, s16;
	[tilespmem:s18+$0x1830 ss:$0x81] =	vst.msk $0xffff, v6;
	v0 =	vld [tilespmem:s17+$0x30]  }
.LBB1_3:
0x51: {  	p1 =	sne.s32 s21, $0x1FC;
	v5 =	vld [tilespmem:s17+$0xFFFFFFD0];
	[tilespmem:s18+$0x2040 ss:$0x81] =	vst.msk $0xffff, v4  }
0x52: {  	v6 =	vld [tilespmem:s17+$0xFFFFFFE0];
	[tilespmem:s18+$0x2850 ss:$0x81] =	vst.msk $0xffff, v3  }
0x53: {  	s22 =	sshra.s32 s20, $0x2;
	s20 =	smov.u32 s21;
	v7 =	vld [tilespmem:s17+$0xFFFFFFF0];
	[tilespmem:s18+$0x3060 ss:$0x81] =	vst.msk $0xffff, v2  }
.Ltmp3:
0x54: {  	v4 =	vld [tilespmem:s17+$0x0];
	[tilespmem:s18+$0x0 ss:$0x81] =	vst.msk $0xffff, v1;
	s18 =	sadd.s32 s22, s19;
	(pc) =	sbr.rel @p1 .LBB1_3-.Ltmp3, $4  }
0x55: {  	v3 =	vld [tilespmem:s17+$0x10];
	[tilespmem:s18+$0x3870 ss:$0x81] =	vst.msk $0xffff, v0  }
0x56: {  	[tilespmem:s18+$0x810 ss:$0x81] =	vst.msk $0xffff, v5;
	v2 =	vld [tilespmem:s17+$0x20]  }
0x57: {  	v1 =	vld [tilespmem:s17+$0xFFFFFFC0];
	[tilespmem:s18+$0x1020 ss:$0x81] =	vst.msk $0xffff, v6;
	s17 =	sadd.s32 $0x80, s17  }
0x58: {  	s21 =	sadd.s32 $0x4, s21;
	v0 =	vld [tilespmem:s17+$0x30];
	[tilespmem:s18+$0x1830 ss:$0x81] =	vst.msk $0xffff, v7  }
.Ltmp4:
0x59: {  	_ = 	snop;
	(pc) =	sbr.rel .LBB1_4-.Ltmp4, $1  }
0x5a: {  	_ =	sdelay $0x3  }
.LBB1_6:
0x5b: {  	_ =	sfence.sel $0x180000  }
0x5c: {  	s2 =	simm.s32 $0x1;
	[bflag:$0x0] =	sbarrier.arrive $0xFFFF  }
0x5d: {  	s31 =	simm.s32 $0x2;
	[sflag:s2] =	ssyncpa.u1 $0x1  }
0x5e: {  	[sflag:s31] =	ssyncpa.u1 $0x1  }
0x5f: {  	p0 =	sne.s32 s0, $0x0;
	_ =	strace $0x9000004A  }
0x60: {  	s0 =	sadd.s32 @!p0 $0x100000, s1;
	[bflag:$0x2] =	sbarrier.arrive $0xFFFF  }
0x61: {  	[sflag:s0] =	ssyncadd.tile.s32 @!p0 $0x1;
	_ =	shalt  }
.Lfunc_end1:
_tile_overlayer_lowered:
.L_overlay_start_2:
0x62: {  	(tag) =	ssettag $0x2  }
0x63: {  	s0 =	rddreg [dreg:$0x0];
	s2 =	stileid.u32  }
0x64: {  	s1 =	rddreg [dreg:$0x1];
	p0 =	sne.s32 s2, $0x0  }
0x65: {  	s3 =	rddreg [dreg:$0x2];
	[bflag:$0x3] =	sbarrier.arrive $0xFFFF;
	s2 =	simm.s32 @!p0 $0x1C01  }
0x66: {  	[timem:s3], [sflag:s2] =	dma.local @!p0 [hbm:s0], s1  }
0x67: {  	s0 =	simm.s32 @!p0 $0x1  }
0x68: {  	_ =	swait.ge @!p0 [sflag:s0], s1  }
0x69: {  	s1 =	ssub.s32 @!p0 $0x0, s1;
	[sflag:s0] =	ssyncset.done @!p0 $0x0  }
0x6a: {  	[sflag:s0] =	ssyncadd.s32 @!p0 s1  }
0x6b: {  	[bflag:$0x3] =	sbarrier.arrive $0xFFFF  }
0x6c: {  	_ =	shalt  }

</sc_bundles>
